<compile_context>
chip_gen: v7x
topology: tpu7x:2x2x1
jax: 0.10.2.dev20260603
libtpu: 0.0.44.dev20260713+nightly
codegen_flags: <defaults>
</compile_context>

<pallas_src>
import functools

import numpy as np

import jax
import jax.numpy as jnp
from jax import lax
from jax.experimental import pallas as pl
from jax.experimental.pallas import tpu as pltpu
from jax.experimental.pallas import tpu_sc as plsc

N, E, D = 10000, 320000, 128
NC, NS = 2, 16
NW = NC * NS
CHUNK = 80
CHUNKS = 128
EPW = CHUNK * CHUNKS
E_PAD = EPW * NW
N_PAD = 10112
RPT = N_PAD // NS
_HIGH = lax.Precision.HIGHEST
_MESH = plsc.VectorSubcoreMesh(core_axis_name="c", subcore_axis_name="s")
_SLICES = tuple([CHUNK] * (RPT // CHUNK) +
                ([RPT % CHUNK] if RPT % CHUNK else []))


def _acc_slice_copy(src_at, dst_at, base):
  off = 0
  for sz in _SLICES:
    pltpu.sync_copy(src_at(base + off, sz), dst_at(base + off, sz))
    off += sz


@functools.partial(
    pl.kernel,
    out_type=(jax.ShapeDtypeStruct((NC, N_PAD, D), jnp.float32),),
    mesh=_MESH,
    scratch_types=[
        pltpu.VMEM((8, CHUNK), jnp.int32),
        pltpu.VMEM((8, CHUNK), jnp.int32),
        pltpu.VMEM((CHUNK, D), jnp.float32),
        pltpu.VMEM((CHUNK, D), jnp.float32),
        pltpu.VMEM_SHARED((N_PAD, D), jnp.float32),
        pltpu.SemaphoreType.DMA,
        pltpu.SemaphoreType.DMA,
    ])
def _sc_agg(xp_hbm, src_hbm, dst_hbm, zeros_hbm, acc_out,
            src_v, dst_v, rowbuf, rowbuf2, acc_sh, sem, sem2):
  c = lax.axis_index("c")
  s = lax.axis_index("s")
  wid = s * NC + c
  base = s * RPT
  rb = (rowbuf, rowbuf2)

  _acc_slice_copy(lambda r, sz: zeros_hbm.at[pl.ds(0, sz)],
                  lambda r, sz: acc_sh.at[pl.ds(r, sz)], base)
  plsc.subcore_barrier()

  def chunk_step(t, carry):
    pltpu.sync_copy(src_hbm.at[wid, pl.ds(t * 8, 8)], src_v)
    pltpu.sync_copy(dst_hbm.at[wid, pl.ds(t * 8, 8)], dst_v)
    pltpu.async_copy(xp_hbm.at[src_v.at[0]], rb[0], sem)
    for k in range(8):
      if k + 1 < 8:
        if k >= 1:
          pltpu.make_async_copy(rb[(k - 1) % 2], acc_sh.at[dst_v.at[k - 1]],
                                sem2).wait()
        pltpu.async_copy(xp_hbm.at[src_v.at[k + 1]], rb[(k + 1) % 2], sem)
      pltpu.make_async_copy(xp_hbm.at[src_v.at[k]], rb[k % 2], sem).wait()
      pltpu.async_copy(rb[k % 2], acc_sh.at[dst_v.at[k]], sem2, add=True)
    pltpu.make_async_copy(rb[0], acc_sh.at[dst_v.at[6]], sem2).wait()
    pltpu.make_async_copy(rb[1], acc_sh.at[dst_v.at[7]], sem2).wait()
    return carry
  lax.fori_loop(0, CHUNKS // 8, chunk_step, 0)

  plsc.subcore_barrier()

  _acc_slice_copy(lambda r, sz: acc_sh.at[pl.ds(r, sz)],
                  lambda r, sz: acc_out.at[c, pl.ds(r, sz)], base)


CHUNK_C = 128
CHUNKS_C = EPW // CHUNK_C


@functools.partial(
    pl.kernel,
    out_type=(jax.ShapeDtypeStruct((NC, N_PAD, D), jnp.float32),),
    mesh=_MESH,
    scratch_types=[
        pltpu.VMEM((8, CHUNK_C), jnp.int32),
        pltpu.VMEM((CHUNK_C, D), jnp.float32),
        pltpu.VMEM_SHARED((N_PAD, D), jnp.float32),
    ])
def _sc_cnt(dst_hbm, zeros_hbm, ones_hbm, cnt_out,
            dst_v, onesrows, acc_sh):
  c = lax.axis_index("c")
  s = lax.axis_index("s")
  wid = s * NC + c
  base = s * RPT

  pltpu.sync_copy(ones_hbm, onesrows)
  _acc_slice_copy(lambda r, sz: zeros_hbm.at[pl.ds(0, sz)],
                  lambda r, sz: acc_sh.at[pl.ds(r, sz)], base)
  plsc.subcore_barrier()

  def chunk_step(t, carry):
    pltpu.sync_copy(dst_hbm.at[wid, pl.ds(t * 8, 8)], dst_v)
    for k in range(8):
      pltpu.sync_copy(onesrows, acc_sh.at[dst_v.at[k]], add=True)
    return carry
  lax.fori_loop(0, CHUNKS_C // 8, chunk_step, 0)

  plsc.subcore_barrier()

  _acc_slice_copy(lambda r, sz: acc_sh.at[pl.ds(r, sz)],
                  lambda r, sz: cnt_out.at[c, pl.ds(r, sz)], base)


_BLK = 2528


def _dot(a, b):
  return jnp.dot(a, b, preferred_element_type=jnp.float32)


def _proj_body(x_ref, w_ref, b_ref, o_ref):
  o_ref[...] = jnp.maximum(_dot(x_ref[...], w_ref[...]) + b_ref[...], 0.0)


def _proj(x, W, b):
  return pl.pallas_call(
      _proj_body,
      grid=(N_PAD // _BLK,),
      in_specs=[
          pl.BlockSpec((_BLK, D), lambda i: (i, 0)),
          pl.BlockSpec((D, D), lambda i: (0, 0)),
          pl.BlockSpec((D,), lambda i: (0,)),
      ],
      out_specs=pl.BlockSpec((_BLK, D), lambda i: (i, 0)),
      out_shape=jax.ShapeDtypeStruct((N_PAD, D), jnp.float32),
  )(x, W, b)


def _mean_agg(acc_ref, cnt_ref):
  ssum = acc_ref[0] + acc_ref[1]
  cnt = cnt_ref[0][:, 0:1] + cnt_ref[1][:, 0:1]
  return ssum / jnp.clip(cnt, 1.0, None)


def _combine1_body(acc_ref, cnt_ref, x_ref, wl_ref, bl_ref, wr_ref,
                   wp2_ref, bp2_ref, h_ref, xp2_ref):
  agg = _mean_agg(acc_ref, cnt_ref)
  h = jnp.maximum(
      _dot(agg, wl_ref[...]) + bl_ref[...] + _dot(x_ref[...], wr_ref[...]),
      0.0)
  h_ref[...] = h
  xp2_ref[...] = jnp.maximum(_dot(h, wp2_ref[...]) + bp2_ref[...], 0.0)


def _combine1(acc, cnt, x, Wl, bl, Wr, Wp2, bp2):
  return pl.pallas_call(
      _combine1_body,
      grid=(N_PAD // _BLK,),
      in_specs=[
          pl.BlockSpec((NC, _BLK, D), lambda i: (0, i, 0)),
          pl.BlockSpec((NC, _BLK, D), lambda i: (0, i, 0)),
          pl.BlockSpec((_BLK, D), lambda i: (i, 0)),
          pl.BlockSpec((D, D), lambda i: (0, 0)),
          pl.BlockSpec((D,), lambda i: (0,)),
          pl.BlockSpec((D, D), lambda i: (0, 0)),
          pl.BlockSpec((D, D), lambda i: (0, 0)),
          pl.BlockSpec((D,), lambda i: (0,)),
      ],
      out_specs=[
          pl.BlockSpec((_BLK, D), lambda i: (i, 0)),
          pl.BlockSpec((_BLK, D), lambda i: (i, 0)),
      ],
      out_shape=[
          jax.ShapeDtypeStruct((N_PAD, D), jnp.float32),
          jax.ShapeDtypeStruct((N_PAD, D), jnp.float32),
      ],
  )(acc, cnt, x, Wl, bl, Wr, Wp2, bp2)


def _combine2_body(acc_ref, cnt_ref, h_ref, wl_ref, bl_ref, wr_ref, o_ref):
  agg = _mean_agg(acc_ref, cnt_ref)
  o = (_dot(agg, wl_ref[...]) + bl_ref[...] + _dot(h_ref[...], wr_ref[...]))
  norm = jnp.sqrt(jnp.sum(o * o, axis=-1, keepdims=True))
  o = o / jnp.clip(norm, 1e-12, None)
  o = jnp.maximum(o, 0.0)
  m = jnp.max(o, axis=-1, keepdims=True)
  lse = m + jnp.log(jnp.sum(jnp.exp(o - m), axis=-1, keepdims=True))
  o_ref[...] = o - lse


def _combine2(acc, cnt, h, Wl, bl, Wr):
  return pl.pallas_call(
      _combine2_body,
      grid=(N_PAD // _BLK,),
      in_specs=[
          pl.BlockSpec((NC, _BLK, D), lambda i: (0, i, 0)),
          pl.BlockSpec((NC, _BLK, D), lambda i: (0, i, 0)),
          pl.BlockSpec((_BLK, D), lambda i: (i, 0)),
          pl.BlockSpec((D, D), lambda i: (0, 0)),
          pl.BlockSpec((D,), lambda i: (0,)),
          pl.BlockSpec((D, D), lambda i: (0, 0)),
      ],
      out_specs=pl.BlockSpec((_BLK, D), lambda i: (i, 0)),
      out_shape=jax.ShapeDtypeStruct((N_PAD, D), jnp.float32),
  )(acc, cnt, h, Wl, bl, Wr)


def kernel(matrix_nodes_features, edge_index, Wp1, bp1, Wl1, bl1, Wr1,
           Wp2, bp2, Wl2, bl2, Wr2):
  x = jnp.pad(matrix_nodes_features, ((0, N_PAD - N), (0, 0)))
  pad_i = np.arange(E_PAD - E, dtype=np.int32)
  pad_src = jnp.asarray((pad_i * 131) % N)
  pad_dst = jnp.asarray(N + pad_i % (N_PAD - N))
  dst_flat = jnp.concatenate([edge_index[1], pad_dst])
  src = jnp.concatenate([edge_index[0], pad_src]).reshape(NW, CHUNKS, CHUNK)
  dst = dst_flat.reshape(NW, CHUNKS, CHUNK)
  dst_c = dst_flat.reshape(NW, CHUNKS_C, CHUNK_C)
  zeros = jnp.zeros((CHUNK, D), jnp.float32)
  ones = jnp.ones((CHUNK_C, D), jnp.float32)

  (cnt,) = _sc_cnt(dst_c, zeros, ones)
  xp1 = _proj(x, Wp1, bp1)
  (acc1,) = _sc_agg(xp1, src, dst, zeros)
  h, xp2 = _combine1(acc1, cnt, x, Wl1, bl1, Wr1, Wp2, bp2)
  (acc2,) = _sc_agg(xp2, src, dst, zeros)
  out = _combine2(acc2, cnt, h, Wl2, bl2, Wr2)
  return out[:N]

# --- scband reference (transcript-rebuilt; emitter-appended) ---
"""Pipeline reference for scband-graph-sage-local-94489281444 (READ-ONLY COPY).

The authoritative reference and input builder live on the scoring server;
editing this copy changes nothing except your own understanding.
"""

import jax, jax.numpy as jnp
import numpy as np

N, E, D_IN, D_HID, D_OUT = 10000, 320000, 128, 128, 128


def _init_linear(key, fan_in, fan_out):
    kw, kb = jax.random.split(key)
    bound = 1.0 / np.sqrt(fan_in)
    W = jax.random.uniform(kw, (fan_in, fan_out), minval=-bound, maxval=bound, dtype=jnp.float32)
    b = jax.random.uniform(kb, (fan_out,), minval=-bound, maxval=bound, dtype=jnp.float32)
    return W, b


def setup_inputs(seed: int = 0) -> dict:
    key = jax.random.key(seed)
    ks = jax.random.split(key, 10)
    x = jax.random.normal(ks[0], (N, D_IN), dtype=jnp.float32)
    edge_index = jax.random.randint(ks[1], (2, E), 0, N, dtype=jnp.int32)
    # conv1 params (project=True, bias=True, normalize=False)
    Wp1, bp1 = _init_linear(ks[2], D_IN, D_IN)
    Wl1, bl1 = _init_linear(ks[3], D_IN, D_HID)
    Wr1, _ = _init_linear(ks[4], D_IN, D_HID)
    # conv2 params (project=True, bias=True, normalize=True)
    Wp2, bp2 = _init_linear(ks[5], D_HID, D_HID)
    Wl2, bl2 = _init_linear(ks[6], D_HID, D_OUT)
    Wr2, _ = _init_linear(ks[7], D_HID, D_OUT)
    return {
        "matrix_nodes_features": x, "edge_index": edge_index,
        "Wp1": Wp1, "bp1": bp1, "Wl1": Wl1, "bl1": bl1, "Wr1": Wr1,
        "Wp2": Wp2, "bp2": bp2, "Wl2": Wl2, "bl2": bl2, "Wr2": Wr2,
    }


def _sage_conv(x, edge_index, Wp, bp, Wl, bl, Wr, normalize):
    n = x.shape[0]
    src = edge_index[0]
    dst = edge_index[1]
    # project=True: pre-transform source features with linear + relu
    xp = jax.nn.relu(x @ Wp + bp)
    msgs = jnp.take(xp, src, axis=0)
    agg_sum = jax.ops.segment_sum(msgs, dst, num_segments=n)
    cnt = jax.ops.segment_sum(jnp.ones((msgs.shape[0], 1), x.dtype), dst, num_segments=n)
    agg = agg_sum / jnp.clip(cnt, 1.0, None)
    out = agg @ Wl + bl + x @ Wr
    if normalize:
        norm = jnp.linalg.norm(out, ord=2, axis=-1, keepdims=True)
        out = out / jnp.clip(norm, 1e-12, None)
    return out


def reference(matrix_nodes_features, edge_index, Wp1, bp1, Wl1, bl1, Wr1, Wp2, bp2, Wl2, bl2, Wr2):
    h = _sage_conv(matrix_nodes_features, edge_index, Wp1, bp1, Wl1, bl1, Wr1, normalize=False)
    h = jax.nn.relu(h)
    # dropout p=0.0 -> identity
    h = _sage_conv(h, edge_index, Wp2, bp2, Wl2, bl2, Wr2, normalize=True)
    h = jax.nn.relu(h)
    h = jax.nn.log_softmax(h, axis=1)
    return h

if __name__ == "__main__":
    import jax
    _d = setup_inputs()
    print(jax.jit(kernel)(*tuple(_d.values())))

</pallas_src>

<mosaic_0001>
#map = affine_map<(d0, d1) -> (0, 0)>
#map1 = affine_map<(d0, d1) -> (0, 0, 0)>
module attributes {stable_mosaic.version = 14 : i64} {
  func.func @_sc_agg(%arg0: i32, %arg1: i32, %arg2: memref<10112x128xf32, #tpu.memory_space<hbm>>, %arg3: memref<32x128x80xi32, #tpu.memory_space<hbm>>, %arg4: memref<32x128x80xi32, #tpu.memory_space<hbm>>, %arg5: memref<80x128xf32, #tpu.memory_space<hbm>>, %arg6: memref<2x10112x128xf32, #tpu.memory_space<hbm>>, %arg7: memref<8x80xi32, #tpu.memory_space<vmem>>, %arg8: memref<8x80xi32, #tpu.memory_space<vmem>>, %arg9: memref<80x128xf32, #tpu.memory_space<vmem>>, %arg10: memref<80x128xf32, #tpu.memory_space<vmem>>, %arg11: memref<10112x128xf32, #tpu.memory_space<vmem_shared>>, %arg12: memref<!tpu.dma_semaphore, #tpu.memory_space<semaphore_mem>>, %arg13: memref<!tpu.dma_semaphore, #tpu.memory_space<semaphore_mem>>) attributes {dimension_semantics = [#tpu.dimension_semantics<core_parallel>, #tpu.dimension_semantics<subcore_parallel>], iteration_bounds = array<i64: 2, 16>, scalar_prefetch = 0 : i64, scratch_operands = 7 : i64, tpu.core_type = #tpu.core_type<sc_vector_subcore>, window_params = [{transform_indices = #map}, {transform_indices = #map1}, {transform_indices = #map1}, {transform_indices = #map}, {transform_indices = #map1}]} {
    %mul3A = arith.constant 2 : i32
    %mul3A_0 = arith.muli %arg1, %mul3A : i32
    %add3A = arith.addi %mul3A_0, %arg0 : i32
    %mul3A_1 = arith.constant 632 : i32
    %mul3A_2 = arith.muli %arg1, %mul3A_1 : i32
    %add3A_3 = arith.constant 0 : i32
    %add3A_4 = arith.addi %mul3A_2, %add3A_3 : i32
    %add3A_5 = arith.constant 0 : i32
    %add3A_6 = arith.addi %mul3A_2, %add3A_5 : i32
    "tpu.region"() ({
      %run_scoped3A = tpu.sem_alloc : memref<!tpu.dma_semaphore, #tpu.memory_space<semaphore_mem>>
      %dma_start3A = arith.constant 0 : i32
      %dma_start3A_73 = tpu.memref_slice %arg11[%add3A_6, %dma_start3A] : memref<10112x128xf32, #tpu.memory_space<vmem_shared>> -> memref<80x128xf32, #tpu.memory_space<vmem_shared>>
      %dma_start3A_74 = arith.constant 0 : i32
      %dma_start3A_75 = arith.constant 0 : i32
      %dma_start3A_76 = tpu.memref_slice %arg5[%dma_start3A_74, %dma_start3A_75] : memref<80x128xf32, #tpu.memory_space<hbm>> -> memref<80x128xf32, #tpu.memory_space<hbm>>
      tpu.enqueue_dma source(%dma_start3A_76 : memref<80x128xf32, #tpu.memory_space<hbm>>) target(%dma_start3A_73 : memref<80x128xf32, #tpu.memory_space<vmem_shared>>) target_semaphore(%run_scoped3A : memref<!tpu.dma_semaphore, #tpu.memory_space<semaphore_mem>>)
      %dma_wait3A = arith.constant 0 : i32
      %dma_wait3A_77 = tpu.memref_slice %arg11[%add3A_6, %dma_wait3A] : memref<10112x128xf32, #tpu.memory_space<vmem_shared>> -> memref<80x128xf32, #tpu.memory_space<vmem_shared>>
      %dma_wait3A_78 = arith.constant 0 : i32
      %dma_wait3A_79 = arith.constant 0 : i32
      %dma_wait3A_80 = tpu.memref_slice %arg5[%dma_wait3A_78, %dma_wait3A_79] : memref<80x128xf32, #tpu.memory_space<hbm>> -> memref<80x128xf32, #tpu.memory_space<hbm>>
      tpu.wait_dma2 semaphore(%run_scoped3A : memref<!tpu.dma_semaphore, #tpu.memory_space<semaphore_mem>>) src(%dma_wait3A_80 : memref<80x128xf32, #tpu.memory_space<hbm>>) dst(%dma_wait3A_77 : memref<80x128xf32, #tpu.memory_space<vmem_shared>>)
      tpu.yield
    }) : () -> ()
    %add3A_7 = arith.constant 80 : i32
    %add3A_8 = arith.addi %mul3A_2, %add3A_7 : i32
    %add3A_9 = arith.constant 80 : i32
    %add3A_10 = arith.addi %mul3A_2, %add3A_9 : i32
    "tpu.region"() ({
      %run_scoped3A = tpu.sem_alloc : memref<!tpu.dma_semaphore, #tpu.memory_space<semaphore_mem>>
      %dma_start3A = arith.constant 0 : i32
      %dma_start3A_73 = tpu.memref_slice %arg11[%add3A_10, %dma_start3A] : memref<10112x128xf32, #tpu.memory_space<vmem_shared>> -> memref<80x128xf32, #tpu.memory_space<vmem_shared>>
      %dma_start3A_74 = arith.constant 0 : i32
      %dma_start3A_75 = arith.constant 0 : i32
      %dma_start3A_76 = tpu.memref_slice %arg5[%dma_start3A_74, %dma_start3A_75] : memref<80x128xf32, #tpu.memory_space<hbm>> -> memref<80x128xf32, #tpu.memory_space<hbm>>
      tpu.enqueue_dma source(%dma_start3A_76 : memref<80x128xf32, #tpu.memory_space<hbm>>) target(%dma_start3A_73 : memref<80x128xf32, #tpu.memory_space<vmem_shared>>) target_semaphore(%run_scoped3A : memref<!tpu.dma_semaphore, #tpu.memory_space<semaphore_mem>>)
      %dma_wait3A = arith.constant 0 : i32
      %dma_wait3A_77 = tpu.memref_slice %arg11[%add3A_10, %dma_wait3A] : memref<10112x128xf32, #tpu.memory_space<vmem_shared>> -> memref<80x128xf32, #tpu.memory_space<vmem_shared>>
      %dma_wait3A_78 = arith.constant 0 : i32
      %dma_wait3A_79 = arith.constant 0 : i32
      %dma_wait3A_80 = tpu.memref_slice %arg5[%dma_wait3A_78, %dma_wait3A_79] : memref<80x128xf32, #tpu.memory_space<hbm>> -> memref<80x128xf32, #tpu.memory_space<hbm>>
      tpu.wait_dma2 semaphore(%run_scoped3A : memref<!tpu.dma_semaphore, #tpu.memory_space<semaphore_mem>>) src(%dma_wait3A_80 : memref<80x128xf32, #tpu.memory_space<hbm>>) dst(%dma_wait3A_77 : memref<80x128xf32, #tpu.memory_space<vmem_shared>>)
      tpu.yield
    }) : () -> ()
    %add3A_11 = arith.constant 160 : i32
    %add3A_12 = arith.addi %mul3A_2, %add3A_11 : i32
    %add3A_13 = arith.constant 160 : i32
    %add3A_14 = arith.addi %mul3A_2, %add3A_13 : i32
    "tpu.region"() ({
      %run_scoped3A = tpu.sem_alloc : memref<!tpu.dma_semaphore, #tpu.memory_space<semaphore_mem>>
      %dma_start3A = arith.constant 0 : i32
      %dma_start3A_73 = tpu.memref_slice %arg11[%add3A_14, %dma_start3A] : memref<10112x128xf32, #tpu.memory_space<vmem_shared>> -> memref<80x128xf32, #tpu.memory_space<vmem_shared>>
      %dma_start3A_74 = arith.constant 0 : i32
      %dma_start3A_75 = arith.constant 0 : i32
      %dma_start3A_76 = tpu.memref_slice %arg5[%dma_start3A_74, %dma_start3A_75] : memref<80x128xf32, #tpu.memory_space<hbm>> -> memref<80x128xf32, #tpu.memory_space<hbm>>
      tpu.enqueue_dma source(%dma_start3A_76 : memref<80x128xf32, #tpu.memory_space<hbm>>) target(%dma_start3A_73 : memref<80x128xf32, #tpu.memory_space<vmem_shared>>) target_semaphore(%run_scoped3A : memref<!tpu.dma_semaphore, #tpu.memory_space<semaphore_mem>>)
      %dma_wait3A = arith.constant 0 : i32
      %dma_wait3A_77 = tpu.memref_slice %arg11[%add3A_14, %dma_wait3A] : memref<10112x128xf32, #tpu.memory_space<vmem_shared>> -> memref<80x128xf32, #tpu.memory_space<vmem_shared>>
      %dma_wait3A_78 = arith.constant 0 : i32
      %dma_wait3A_79 = arith.constant 0 : i32
      %dma_wait3A_80 = tpu.memref_slice %arg5[%dma_wait3A_78, %dma_wait3A_79] : memref<80x128xf32, #tpu.memory_space<hbm>> -> memref<80x128xf32, #tpu.memory_space<hbm>>
      tpu.wait_dma2 semaphore(%run_scoped3A : memref<!tpu.dma_semaphore, #tpu.memory_space<semaphore_mem>>) src(%dma_wait3A_80 : memref<80x128xf32, #tpu.memory_space<hbm>>) dst(%dma_wait3A_77 : memref<80x128xf32, #tpu.memory_space<vmem_shared>>)
      tpu.yield
    }) : () -> ()
    %add3A_15 = arith.constant 240 : i32
    %add3A_16 = arith.addi %mul3A_2, %add3A_15 : i32
    %add3A_17 = arith.constant 240 : i32
    %add3A_18 = arith.addi %mul3A_2, %add3A_17 : i32
    "tpu.region"() ({
      %run_scoped3A = tpu.sem_alloc : memref<!tpu.dma_semaphore, #tpu.memory_space<semaphore_mem>>
      %dma_start3A = arith.constant 0 : i32
      %dma_start3A_73 = tpu.memref_slice %arg11[%add3A_18, %dma_start3A] : memref<10112x128xf32, #tpu.memory_space<vmem_shared>> -> memref<80x128xf32, #tpu.memory_space<vmem_shared>>
      %dma_start3A_74 = arith.constant 0 : i32
      %dma_start3A_75 = arith.constant 0 : i32
      %dma_start3A_76 = tpu.memref_slice %arg5[%dma_start3A_74, %dma_start3A_75] : memref<80x128xf32, #tpu.memory_space<hbm>> -> memref<80x128xf32, #tpu.memory_space<hbm>>
      tpu.enqueue_dma source(%dma_start3A_76 : memref<80x128xf32, #tpu.memory_space<hbm>>) target(%dma_start3A_73 : memref<80x128xf32, #tpu.memory_space<vmem_shared>>) target_semaphore(%run_scoped3A : memref<!tpu.dma_semaphore, #tpu.memory_space<semaphore_mem>>)
      %dma_wait3A = arith.constant 0 : i32
      %dma_wait3A_77 = tpu.memref_slice %arg11[%add3A_18, %dma_wait3A] : memref<10112x128xf32, #tpu.memory_space<vmem_shared>> -> memref<80x128xf32, #tpu.memory_space<vmem_shared>>
      %dma_wait3A_78 = arith.constant 0 : i32
      %dma_wait3A_79 = arith.constant 0 : i32
      %dma_wait3A_80 = tpu.memref_slice %arg5[%dma_wait3A_78, %dma_wait3A_79] : memref<80x128xf32, #tpu.memory_space<hbm>> -> memref<80x128xf32, #tpu.memory_space<hbm>>
      tpu.wait_dma2 semaphore(%run_scoped3A : memref<!tpu.dma_semaphore, #tpu.memory_space<semaphore_mem>>) src(%dma_wait3A_80 : memref<80x128xf32, #tpu.memory_space<hbm>>) dst(%dma_wait3A_77 : memref<80x128xf32, #tpu.memory_space<vmem_shared>>)
      tpu.yield
    }) : () -> ()
    %add3A_19 = arith.constant 320 : i32
    %add3A_20 = arith.addi %mul3A_2, %add3A_19 : i32
    %add3A_21 = arith.constant 320 : i32
    %add3A_22 = arith.addi %mul3A_2, %add3A_21 : i32
    "tpu.region"() ({
      %run_scoped3A = tpu.sem_alloc : memref<!tpu.dma_semaphore, #tpu.memory_space<semaphore_mem>>
      %dma_start3A = arith.constant 0 : i32
      %dma_start3A_73 = tpu.memref_slice %arg11[%add3A_22, %dma_start3A] : memref<10112x128xf32, #tpu.memory_space<vmem_shared>> -> memref<80x128xf32, #tpu.memory_space<vmem_shared>>
      %dma_start3A_74 = arith.constant 0 : i32
      %dma_start3A_75 = arith.constant 0 : i32
      %dma_start3A_76 = tpu.memref_slice %arg5[%dma_start3A_74, %dma_start3A_75] : memref<80x128xf32, #tpu.memory_space<hbm>> -> memref<80x128xf32, #tpu.memory_space<hbm>>
      tpu.enqueue_dma source(%dma_start3A_76 : memref<80x128xf32, #tpu.memory_space<hbm>>) target(%dma_start3A_73 : memref<80x128xf32, #tpu.memory_space<vmem_shared>>) target_semaphore(%run_scoped3A : memref<!tpu.dma_semaphore, #tpu.memory_space<semaphore_mem>>)
      %dma_wait3A = arith.constant 0 : i32
      %dma_wait3A_77 = tpu.memref_slice %arg11[%add3A_22, %dma_wait3A] : memref<10112x128xf32, #tpu.memory_space<vmem_shared>> -> memref<80x128xf32, #tpu.memory_space<vmem_shared>>
      %dma_wait3A_78 = arith.constant 0 : i32
      %dma_wait3A_79 = arith.constant 0 : i32
      %dma_wait3A_80 = tpu.memref_slice %arg5[%dma_wait3A_78, %dma_wait3A_79] : memref<80x128xf32, #tpu.memory_space<hbm>> -> memref<80x128xf32, #tpu.memory_space<hbm>>
      tpu.wait_dma2 semaphore(%run_scoped3A : memref<!tpu.dma_semaphore, #tpu.memory_space<semaphore_mem>>) src(%dma_wait3A_80 : memref<80x128xf32, #tpu.memory_space<hbm>>) dst(%dma_wait3A_77 : memref<80x128xf32, #tpu.memory_space<vmem_shared>>)
      tpu.yield
    }) : () -> ()
    %add3A_23 = arith.constant 400 : i32
    %add3A_24 = arith.addi %mul3A_2, %add3A_23 : i32
    %add3A_25 = arith.constant 400 : i32
    %add3A_26 = arith.addi %mul3A_2, %add3A_25 : i32
    "tpu.region"() ({
      %run_scoped3A = tpu.sem_alloc : memref<!tpu.dma_semaphore, #tpu.memory_space<semaphore_mem>>
      %dma_start3A = arith.constant 0 : i32
      %dma_start3A_73 = tpu.memref_slice %arg11[%add3A_26, %dma_start3A] : memref<10112x128xf32, #tpu.memory_space<vmem_shared>> -> memref<80x128xf32, #tpu.memory_space<vmem_shared>>
      %dma_start3A_74 = arith.constant 0 : i32
      %dma_start3A_75 = arith.constant 0 : i32
      %dma_start3A_76 = tpu.memref_slice %arg5[%dma_start3A_74, %dma_start3A_75] : memref<80x128xf32, #tpu.memory_space<hbm>> -> memref<80x128xf32, #tpu.memory_space<hbm>>
      tpu.enqueue_dma source(%dma_start3A_76 : memref<80x128xf32, #tpu.memory_space<hbm>>) target(%dma_start3A_73 : memref<80x128xf32, #tpu.memory_space<vmem_shared>>) target_semaphore(%run_scoped3A : memref<!tpu.dma_semaphore, #tpu.memory_space<semaphore_mem>>)
      %dma_wait3A = arith.constant 0 : i32
      %dma_wait3A_77 = tpu.memref_slice %arg11[%add3A_26, %dma_wait3A] : memref<10112x128xf32, #tpu.memory_space<vmem_shared>> -> memref<80x128xf32, #tpu.memory_space<vmem_shared>>
      %dma_wait3A_78 = arith.constant 0 : i32
      %dma_wait3A_79 = arith.constant 0 : i32
      %dma_wait3A_80 = tpu.memref_slice %arg5[%dma_wait3A_78, %dma_wait3A_79] : memref<80x128xf32, #tpu.memory_space<hbm>> -> memref<80x128xf32, #tpu.memory_space<hbm>>
      tpu.wait_dma2 semaphore(%run_scoped3A : memref<!tpu.dma_semaphore, #tpu.memory_space<semaphore_mem>>) src(%dma_wait3A_80 : memref<80x128xf32, #tpu.memory_space<hbm>>) dst(%dma_wait3A_77 : memref<80x128xf32, #tpu.memory_space<vmem_shared>>)
      tpu.yield
    }) : () -> ()
    %add3A_27 = arith.constant 480 : i32
    %add3A_28 = arith.addi %mul3A_2, %add3A_27 : i32
    %add3A_29 = arith.constant 480 : i32
    %add3A_30 = arith.addi %mul3A_2, %add3A_29 : i32
    "tpu.region"() ({
      %run_scoped3A = tpu.sem_alloc : memref<!tpu.dma_semaphore, #tpu.memory_space<semaphore_mem>>
      %dma_start3A = arith.constant 0 : i32
      %dma_start3A_73 = tpu.memref_slice %arg11[%add3A_30, %dma_start3A] : memref<10112x128xf32, #tpu.memory_space<vmem_shared>> -> memref<80x128xf32, #tpu.memory_space<vmem_shared>>
      %dma_start3A_74 = arith.constant 0 : i32
      %dma_start3A_75 = arith.constant 0 : i32
      %dma_start3A_76 = tpu.memref_slice %arg5[%dma_start3A_74, %dma_start3A_75] : memref<80x128xf32, #tpu.memory_space<hbm>> -> memref<80x128xf32, #tpu.memory_space<hbm>>
      tpu.enqueue_dma source(%dma_start3A_76 : memref<80x128xf32, #tpu.memory_space<hbm>>) target(%dma_start3A_73 : memref<80x128xf32, #tpu.memory_space<vmem_shared>>) target_semaphore(%run_scoped3A : memref<!tpu.dma_semaphore, #tpu.memory_space<semaphore_mem>>)
      %dma_wait3A = arith.constant 0 : i32
      %dma_wait3A_77 = tpu.memref_slice %arg11[%add3A_30, %dma_wait3A] : memref<10112x128xf32, #tpu.memory_space<vmem_shared>> -> memref<80x128xf32, #tpu.memory_space<vmem_shared>>
      %dma_wait3A_78 = arith.constant 0 : i32
      %dma_wait3A_79 = arith.constant 0 : i32
      %dma_wait3A_80 = tpu.memref_slice %arg5[%dma_wait3A_78, %dma_wait3A_79] : memref<80x128xf32, #tpu.memory_space<hbm>> -> memref<80x128xf32, #tpu.memory_space<hbm>>
      tpu.wait_dma2 semaphore(%run_scoped3A : memref<!tpu.dma_semaphore, #tpu.memory_space<semaphore_mem>>) src(%dma_wait3A_80 : memref<80x128xf32, #tpu.memory_space<hbm>>) dst(%dma_wait3A_77 : memref<80x128xf32, #tpu.memory_space<vmem_shared>>)
      tpu.yield
    }) : () -> ()
    %add3A_31 = arith.constant 560 : i32
    %add3A_32 = arith.addi %mul3A_2, %add3A_31 : i32
    %add3A_33 = arith.constant 560 : i32
    %add3A_34 = arith.addi %mul3A_2, %add3A_33 : i32
    "tpu.region"() ({
      %run_scoped3A = tpu.sem_alloc : memref<!tpu.dma_semaphore, #tpu.memory_space<semaphore_mem>>
      %dma_start3A = arith.constant 0 : i32
      %dma_start3A_73 = tpu.memref_slice %arg11[%add3A_34, %dma_start3A] : memref<10112x128xf32, #tpu.memory_space<vmem_shared>> -> memref<72x128xf32, #tpu.memory_space<vmem_shared>>
      %dma_start3A_74 = arith.constant 0 : i32
      %dma_start3A_75 = arith.constant 0 : i32
      %dma_start3A_76 = tpu.memref_slice %arg5[%dma_start3A_74, %dma_start3A_75] : memref<80x128xf32, #tpu.memory_space<hbm>> -> memref<72x128xf32, #tpu.memory_space<hbm>>
      tpu.enqueue_dma source(%dma_start3A_76 : memref<72x128xf32, #tpu.memory_space<hbm>>) target(%dma_start3A_73 : memref<72x128xf32, #tpu.memory_space<vmem_shared>>) target_semaphore(%run_scoped3A : memref<!tpu.dma_semaphore, #tpu.memory_space<semaphore_mem>>)
      %dma_wait3A = arith.constant 0 : i32
      %dma_wait3A_77 = tpu.memref_slice %arg11[%add3A_34, %dma_wait3A] : memref<10112x128xf32, #tpu.memory_space<vmem_shared>> -> memref<72x128xf32, #tpu.memory_space<vmem_shared>>
      %dma_wait3A_78 = arith.constant 0 : i32
      %dma_wait3A_79 = arith.constant 0 : i32
      %dma_wait3A_80 = tpu.memref_slice %arg5[%dma_wait3A_78, %dma_wait3A_79] : memref<80x128xf32, #tpu.memory_space<hbm>> -> memref<72x128xf32, #tpu.memory_space<hbm>>
      tpu.wait_dma2 semaphore(%run_scoped3A : memref<!tpu.dma_semaphore, #tpu.memory_space<semaphore_mem>>) src(%dma_wait3A_80 : memref<72x128xf32, #tpu.memory_space<hbm>>) dst(%dma_wait3A_77 : memref<72x128xf32, #tpu.memory_space<vmem_shared>>)
      tpu.yield
    }) : () -> ()
    %barrier3A = arith.constant 0 : index
    tpu.barrier barrier_id(%barrier3A)
    %scan3A = arith.constant 0 : i32
    %scan3A_35 = arith.constant 0 : i32
    %scan3A_36 = arith.constant 16 : i32
    %scan3A_37 = arith.addi %scan3A_35, %scan3A_36 : i32
    %scan3A_38 = arith.constant 1 : i32
    scf.for %scan3A_73 = %scan3A_35 to %scan3A_37 step %scan3A_38  : i32 {
      %mul3A_74 = arith.constant 8 : i32
      %mul3A_75 = arith.muli %scan3A_73, %mul3A_74 : i32
      "tpu.region"() ({
        %run_scoped3A = tpu.sem_alloc : memref<!tpu.dma_semaphore, #tpu.memory_space<semaphore_mem>>
        %dma_start3A_300 = arith.constant 0 : i32
        %dma_start3A_301 = tpu.memref_slice %arg3[%add3A, %mul3A_75, %dma_start3A_300] : memref<32x128x80xi32, #tpu.memory_space<hbm>> -> memref<1x8x80xi32, #tpu.memory_space<hbm>>
        %dma_start3A_302 = tpu.memref_squeeze %dma_start3A_301 : memref<1x8x80xi32, #tpu.memory_space<hbm>> -> memref<8x80xi32, #tpu.memory_space<hbm>>
        %dma_start3A_303 = arith.constant 0 : i32
        %dma_start3A_304 = tpu.memref_slice %arg3[%add3A, %mul3A_75, %dma_start3A_303] : memref<32x128x80xi32, #tpu.memory_space<hbm>> -> memref<1x8x80xi32, #tpu.memory_space<hbm>>
        %dma_start3A_305 = tpu.memref_squeeze %dma_start3A_304 : memref<1x8x80xi32, #tpu.memory_space<hbm>> -> memref<8x80xi32, #tpu.memory_space<hbm>>
        tpu.enqueue_dma source(%dma_start3A_305 : memref<8x80xi32, #tpu.memory_space<hbm>>) target(%arg7 : memref<8x80xi32, #tpu.memory_space<vmem>>) target_semaphore(%run_scoped3A : memref<!tpu.dma_semaphore, #tpu.memory_space<semaphore_mem>>)
        %dma_wait3A_306 = arith.constant 0 : i32
        %dma_wait3A_307 = tpu.memref_slice %arg3[%add3A, %mul3A_75, %dma_wait3A_306] : memref<32x128x80xi32, #tpu.memory_space<hbm>> -> memref<1x8x80xi32, #tpu.memory_space<hbm>>
        %dma_wait3A_308 = tpu.memref_squeeze %dma_wait3A_307 : memref<1x8x80xi32, #tpu.memory_space<hbm>> -> memref<8x80xi32, #tpu.memory_space<hbm>>
        %dma_wait3A_309 = arith.constant 0 : i32
        %dma_wait3A_310 = tpu.memref_slice %arg3[%add3A, %mul3A_75, %dma_wait3A_309] : memref<32x128x80xi32, #tpu.memory_space<hbm>> -> memref<1x8x80xi32, #tpu.memory_space<hbm>>
        %dma_wait3A_311 = tpu.memref_squeeze %dma_wait3A_310 : memref<1x8x80xi32, #tpu.memory_space<hbm>> -> memref<8x80xi32, #tpu.memory_space<hbm>>
        tpu.wait_dma2 semaphore(%run_scoped3A : memref<!tpu.dma_semaphore, #tpu.memory_space<semaphore_mem>>) src(%dma_wait3A_311 : memref<8x80xi32, #tpu.memory_space<hbm>>) dst(%arg7 : memref<8x80xi32, #tpu.memory_space<vmem>>)
        tpu.yield
      }) : () -> ()
      %mul3A_76 = arith.constant 8 : i32
      %mul3A_77 = arith.muli %scan3A_73, %mul3A_76 : i32
      "tpu.region"() ({
        %run_scoped3A = tpu.sem_alloc : memref<!tpu.dma_semaphore, #tpu.memory_space<semaphore_mem>>
        %dma_start3A_300 = arith.constant 0 : i32
        %dma_start3A_301 = tpu.memref_slice %arg4[%add3A, %mul3A_77, %dma_start3A_300] : memref<32x128x80xi32, #tpu.memory_space<hbm>> -> memref<1x8x80xi32, #tpu.memory_space<hbm>>
        %dma_start3A_302 = tpu.memref_squeeze %dma_start3A_301 : memref<1x8x80xi32, #tpu.memory_space<hbm>> -> memref<8x80xi32, #tpu.memory_space<hbm>>
        %dma_start3A_303 = arith.constant 0 : i32
        %dma_start3A_304 = tpu.memref_slice %arg4[%add3A, %mul3A_77, %dma_start3A_303] : memref<32x128x80xi32, #tpu.memory_space<hbm>> -> memref<1x8x80xi32, #tpu.memory_space<hbm>>
        %dma_start3A_305 = tpu.memref_squeeze %dma_start3A_304 : memref<1x8x80xi32, #tpu.memory_space<hbm>> -> memref<8x80xi32, #tpu.memory_space<hbm>>
        tpu.enqueue_dma source(%dma_start3A_305 : memref<8x80xi32, #tpu.memory_space<hbm>>) target(%arg8 : memref<8x80xi32, #tpu.memory_space<vmem>>) target_semaphore(%run_scoped3A : memref<!tpu.dma_semaphore, #tpu.memory_space<semaphore_mem>>)
        %dma_wait3A_306 = arith.constant 0 : i32
        %dma_wait3A_307 = tpu.memref_slice %arg4[%add3A, %mul3A_77, %dma_wait3A_306] : memref<32x128x80xi32, #tpu.memory_space<hbm>> -> memref<1x8x80xi32, #tpu.memory_space<hbm>>
        %dma_wait3A_308 = tpu.memref_squeeze %dma_wait3A_307 : memref<1x8x80xi32, #tpu.memory_space<hbm>> -> memref<8x80xi32, #tpu.memory_space<hbm>>
        %dma_wait3A_309 = arith.constant 0 : i32
        %dma_wait3A_310 = tpu.memref_slice %arg4[%add3A, %mul3A_77, %dma_wait3A_309] : memref<32x128x80xi32, #tpu.memory_space<hbm>> -> memref<1x8x80xi32, #tpu.memory_space<hbm>>
        %dma_wait3A_311 = tpu.memref_squeeze %dma_wait3A_310 : memref<1x8x80xi32, #tpu.memory_space<hbm>> -> memref<8x80xi32, #tpu.memory_space<hbm>>
        tpu.wait_dma2 semaphore(%run_scoped3A : memref<!tpu.dma_semaphore, #tpu.memory_space<semaphore_mem>>) src(%dma_wait3A_311 : memref<8x80xi32, #tpu.memory_space<hbm>>) dst(%arg8 : memref<8x80xi32, #tpu.memory_space<vmem>>)
        tpu.yield
      }) : () -> ()
      %dma_start3A = arith.constant 0 : i32
      %dma_start3A_78 = arith.constant 0 : i32
      %dma_start3A_79 = tpu.memref_slice %arg7[%dma_start3A, %dma_start3A_78] : memref<8x80xi32, #tpu.memory_space<vmem>> -> memref<1x80xi32, #tpu.memory_space<vmem>>
      %dma_start3A_80 = tpu.memref_squeeze %dma_start3A_79 : memref<1x80xi32, #tpu.memory_space<vmem>> -> memref<80xi32, #tpu.memory_space<vmem>>
      %dma_start3A_81 = arith.constant 0 : i32
      %dma_start3A_82 = arith.constant 0 : i32
      %dma_start3A_83 = tpu.memref_slice %arg2[%dma_start3A_81, %dma_start3A_82] : memref<10112x128xf32, #tpu.memory_space<hbm>> -> memref<10112x128xf32, #tpu.memory_space<hbm>>
      tpu.enqueue_indirect_dma source(%dma_start3A_83 : memref<10112x128xf32, #tpu.memory_space<hbm>>) target(%arg9 : memref<80x128xf32, #tpu.memory_space<vmem>>) offsets(%dma_start3A_80 : memref<80xi32, #tpu.memory_space<vmem>>) semaphore(%arg12 : memref<!tpu.dma_semaphore, #tpu.memory_space<semaphore_mem>>)
      %dma_start3A_84 = arith.constant 1 : i32
      %dma_start3A_85 = arith.constant 0 : i32
      %dma_start3A_86 = tpu.memref_slice %arg7[%dma_start3A_84, %dma_start3A_85] : memref<8x80xi32, #tpu.memory_space<vmem>> -> memref<1x80xi32, #tpu.memory_space<vmem>>
      %dma_start3A_87 = tpu.memref_squeeze %dma_start3A_86 : memref<1x80xi32, #tpu.memory_space<vmem>> -> memref<80xi32, #tpu.memory_space<vmem>>
      %dma_start3A_88 = arith.constant 0 : i32
      %dma_start3A_89 = arith.constant 0 : i32
      %dma_start3A_90 = tpu.memref_slice %arg2[%dma_start3A_88, %dma_start3A_89] : memref<10112x128xf32, #tpu.memory_space<hbm>> -> memref<10112x128xf32, #tpu.memory_space<hbm>>
      tpu.enqueue_indirect_dma source(%dma_start3A_90 : memref<10112x128xf32, #tpu.memory_space<hbm>>) target(%arg10 : memref<80x128xf32, #tpu.memory_space<vmem>>) offsets(%dma_start3A_87 : memref<80xi32, #tpu.memory_space<vmem>>) semaphore(%arg12 : memref<!tpu.dma_semaphore, #tpu.memory_space<semaphore_mem>>)
      %dma_wait3A = arith.constant 0 : i32
      %dma_wait3A_91 = arith.constant 0 : i32
      %dma_wait3A_92 = tpu.memref_slice %arg7[%dma_wait3A, %dma_wait3A_91] : memref<8x80xi32, #tpu.memory_space<vmem>> -> memref<1x80xi32, #tpu.memory_space<vmem>>
      %dma_wait3A_93 = tpu.memref_squeeze %dma_wait3A_92 : memref<1x80xi32, #tpu.memory_space<vmem>> -> memref<80xi32, #tpu.memory_space<vmem>>
      %dma_wait3A_94 = arith.constant 0 : i32
      %dma_wait3A_95 = arith.constant 0 : i32
      %dma_wait3A_96 = tpu.memref_slice %arg2[%dma_wait3A_94, %dma_wait3A_95] : memref<10112x128xf32, #tpu.memory_space<hbm>> -> memref<10112x128xf32, #tpu.memory_space<hbm>>
      tpu.wait_indirect_dma semaphore(%arg12 : memref<!tpu.dma_semaphore, #tpu.memory_space<semaphore_mem>>) src(%dma_wait3A_96 : memref<10112x128xf32, #tpu.memory_space<hbm>>) dst(%arg9 : memref<80x128xf32, #tpu.memory_space<vmem>>)
      %dma_start3A_97 = arith.constant 0 : i32
      %dma_start3A_98 = arith.constant 0 : i32
      %dma_start3A_99 = tpu.memref_slice %arg8[%dma_start3A_97, %dma_start3A_98] : memref<8x80xi32, #tpu.memory_space<vmem>> -> memref<1x80xi32, #tpu.memory_space<vmem>>
      %dma_start3A_100 = tpu.memref_squeeze %dma_start3A_99 : memref<1x80xi32, #tpu.memory_space<vmem>> -> memref<80xi32, #tpu.memory_space<vmem>>
      %dma_start3A_101 = arith.constant 0 : i32
      %dma_start3A_102 = arith.constant 0 : i32
      %dma_start3A_103 = tpu.memref_slice %arg11[%dma_start3A_101, %dma_start3A_102] : memref<10112x128xf32, #tpu.memory_space<vmem_shared>> -> memref<10112x128xf32, #tpu.memory_space<vmem_shared>>
      tpu.enqueue_indirect_dma source(%arg9 : memref<80x128xf32, #tpu.memory_space<vmem>>) target(%dma_start3A_103 : memref<10112x128xf32, #tpu.memory_space<vmem_shared>>) offsets(%dma_start3A_100 : memref<80xi32, #tpu.memory_space<vmem>>) semaphore(%arg13 : memref<!tpu.dma_semaphore, #tpu.memory_space<semaphore_mem>>) {add = true}
      %dma_wait3A_104 = arith.constant 0 : i32
      %dma_wait3A_105 = arith.constant 0 : i32
      %dma_wait3A_106 = tpu.memref_slice %arg8[%dma_wait3A_104, %dma_wait3A_105] : memref<8x80xi32, #tpu.memory_space<vmem>> -> memref<1x80xi32, #tpu.memory_space<vmem>>
      %dma_wait3A_107 = tpu.memref_squeeze %dma_wait3A_106 : memref<1x80xi32, #tpu.memory_space<vmem>> -> memref<80xi32, #tpu.memory_space<vmem>>
      %dma_wait3A_108 = arith.constant 0 : i32
      %dma_wait3A_109 = arith.constant 0 : i32
      %dma_wait3A_110 = tpu.memref_slice %arg11[%dma_wait3A_108, %dma_wait3A_109] : memref<10112x128xf32, #tpu.memory_space<vmem_shared>> -> memref<10112x128xf32, #tpu.memory_space<vmem_shared>>
      tpu.wait_indirect_dma semaphore(%arg13 : memref<!tpu.dma_semaphore, #tpu.memory_space<semaphore_mem>>) src(%arg9 : memref<80x128xf32, #tpu.memory_space<vmem>>) dst(%dma_wait3A_110 : memref<10112x128xf32, #tpu.memory_space<vmem_shared>>)
      %dma_start3A_111 = arith.constant 2 : i32
      %dma_start3A_112 = arith.constant 0 : i32
      %dma_start3A_113 = tpu.memref_slice %arg7[%dma_start3A_111, %dma_start3A_112] : memref<8x80xi32, #tpu.memory_space<vmem>> -> memref<1x80xi32, #tpu.memory_space<vmem>>
      %dma_start3A_114 = tpu.memref_squeeze %dma_start3A_113 : memref<1x80xi32, #tpu.memory_space<vmem>> -> memref<80xi32, #tpu.memory_space<vmem>>
      %dma_start3A_115 = arith.constant 0 : i32
      %dma_start3A_116 = arith.constant 0 : i32
      %dma_start3A_117 = tpu.memref_slice %arg2[%dma_start3A_115, %dma_start3A_116] : memref<10112x128xf32, #tpu.memory_space<hbm>> -> memref<10112x128xf32, #tpu.memory_space<hbm>>
      tpu.enqueue_indirect_dma source(%dma_start3A_117 : memref<10112x128xf32, #tpu.memory_space<hbm>>) target(%arg9 : memref<80x128xf32, #tpu.memory_space<vmem>>) offsets(%dma_start3A_114 : memref<80xi32, #tpu.memory_space<vmem>>) semaphore(%arg12 : memref<!tpu.dma_semaphore, #tpu.memory_space<semaphore_mem>>)
      %dma_wait3A_118 = arith.constant 1 : i32
      %dma_wait3A_119 = arith.constant 0 : i32
      %dma_wait3A_120 = tpu.memref_slice %arg7[%dma_wait3A_118, %dma_wait3A_119] : memref<8x80xi32, #tpu.memory_space<vmem>> -> memref<1x80xi32, #tpu.memory_space<vmem>>
      %dma_wait3A_121 = tpu.memref_squeeze %dma_wait3A_120 : memref<1x80xi32, #tpu.memory_space<vmem>> -> memref<80xi32, #tpu.memory_space<vmem>>
      %dma_wait3A_122 = arith.constant 0 : i32
      %dma_wait3A_123 = arith.constant 0 : i32
      %dma_wait3A_124 = tpu.memref_slice %arg2[%dma_wait3A_122, %dma_wait3A_123] : memref<10112x128xf32, #tpu.memory_space<hbm>> -> memref<10112x128xf32, #tpu.memory_space<hbm>>
      tpu.wait_indirect_dma semaphore(%arg12 : memref<!tpu.dma_semaphore, #tpu.memory_space<semaphore_mem>>) src(%dma_wait3A_124 : memref<10112x128xf32, #tpu.memory_space<hbm>>) dst(%arg10 : memref<80x128xf32, #tpu.memory_space<vmem>>)
      %dma_start3A_125 = arith.constant 1 : i32
      %dma_start3A_126 = arith.constant 0 : i32
      %dma_start3A_127 = tpu.memref_slice %arg8[%dma_start3A_125, %dma_start3A_126] : memref<8x80xi32, #tpu.memory_space<vmem>> -> memref<1x80xi32, #tpu.memory_space<vmem>>
      %dma_start3A_128 = tpu.memref_squeeze %dma_start3A_127 : memref<1x80xi32, #tpu.memory_space<vmem>> -> memref<80xi32, #tpu.memory_space<vmem>>
      %dma_start3A_129 = arith.constant 0 : i32
      %dma_start3A_130 = arith.constant 0 : i32
      %dma_start3A_131 = tpu.memref_slice %arg11[%dma_start3A_129, %dma_start3A_130] : memref<10112x128xf32, #tpu.memory_space<vmem_shared>> -> memref<10112x128xf32, #tpu.memory_space<vmem_shared>>
      tpu.enqueue_indirect_dma source(%arg10 : memref<80x128xf32, #tpu.memory_space<vmem>>) target(%dma_start3A_131 : memref<10112x128xf32, #tpu.memory_space<vmem_shared>>) offsets(%dma_start3A_128 : memref<80xi32, #tpu.memory_space<vmem>>) semaphore(%arg13 : memref<!tpu.dma_semaphore, #tpu.memory_space<semaphore_mem>>) {add = true}
      %dma_wait3A_132 = arith.constant 1 : i32
      %dma_wait3A_133 = arith.constant 0 : i32
      %dma_wait3A_134 = tpu.memref_slice %arg8[%dma_wait3A_132, %dma_wait3A_133] : memref<8x80xi32, #tpu.memory_space<vmem>> -> memref<1x80xi32, #tpu.memory_space<vmem>>
      %dma_wait3A_135 = tpu.memref_squeeze %dma_wait3A_134 : memref<1x80xi32, #tpu.memory_space<vmem>> -> memref<80xi32, #tpu.memory_space<vmem>>
      %dma_wait3A_136 = arith.constant 0 : i32
      %dma_wait3A_137 = arith.constant 0 : i32
      %dma_wait3A_138 = tpu.memref_slice %arg11[%dma_wait3A_136, %dma_wait3A_137] : memref<10112x128xf32, #tpu.memory_space<vmem_shared>> -> memref<10112x128xf32, #tpu.memory_space<vmem_shared>>
      tpu.wait_indirect_dma semaphore(%arg13 : memref<!tpu.dma_semaphore, #tpu.memory_space<semaphore_mem>>) src(%arg10 : memref<80x128xf32, #tpu.memory_space<vmem>>) dst(%dma_wait3A_138 : memref<10112x128xf32, #tpu.memory_space<vmem_shared>>)
      %dma_start3A_139 = arith.constant 3 : i32
      %dma_start3A_140 = arith.constant 0 : i32
      %dma_start3A_141 = tpu.memref_slice %arg7[%dma_start3A_139, %dma_start3A_140] : memref<8x80xi32, #tpu.memory_space<vmem>> -> memref<1x80xi32, #tpu.memory_space<vmem>>
      %dma_start3A_142 = tpu.memref_squeeze %dma_start3A_141 : memref<1x80xi32, #tpu.memory_space<vmem>> -> memref<80xi32, #tpu.memory_space<vmem>>
      %dma_start3A_143 = arith.constant 0 : i32
      %dma_start3A_144 = arith.constant 0 : i32
      %dma_start3A_145 = tpu.memref_slice %arg2[%dma_start3A_143, %dma_start3A_144] : memref<10112x128xf32, #tpu.memory_space<hbm>> -> memref<10112x128xf32, #tpu.memory_space<hbm>>
      tpu.enqueue_indirect_dma source(%dma_start3A_145 : memref<10112x128xf32, #tpu.memory_space<hbm>>) target(%arg10 : memref<80x128xf32, #tpu.memory_space<vmem>>) offsets(%dma_start3A_142 : memref<80xi32, #tpu.memory_space<vmem>>) semaphore(%arg12 : memref<!tpu.dma_semaphore, #tpu.memory_space<semaphore_mem>>)
      %dma_wait3A_146 = arith.constant 2 : i32
      %dma_wait3A_147 = arith.constant 0 : i32
      %dma_wait3A_148 = tpu.memref_slice %arg7[%dma_wait3A_146, %dma_wait3A_147] : memref<8x80xi32, #tpu.memory_space<vmem>> -> memref<1x80xi32, #tpu.memory_space<vmem>>
      %dma_wait3A_149 = tpu.memref_squeeze %dma_wait3A_148 : memref<1x80xi32, #tpu.memory_space<vmem>> -> memref<80xi32, #tpu.memory_space<vmem>>
      %dma_wait3A_150 = arith.constant 0 : i32
      %dma_wait3A_151 = arith.constant 0 : i32
      %dma_wait3A_152 = tpu.memref_slice %arg2[%dma_wait3A_150, %dma_wait3A_151] : memref<10112x128xf32, #tpu.memory_space<hbm>> -> memref<10112x128xf32, #tpu.memory_space<hbm>>
      tpu.wait_indirect_dma semaphore(%arg12 : memref<!tpu.dma_semaphore, #tpu.memory_space<semaphore_mem>>) src(%dma_wait3A_152 : memref<10112x128xf32, #tpu.memory_space<hbm>>) dst(%arg9 : memref<80x128xf32, #tpu.memory_space<vmem>>)
      %dma_start3A_153 = arith.constant 2 : i32
      %dma_start3A_154 = arith.constant 0 : i32
      %dma_start3A_155 = tpu.memref_slice %arg8[%dma_start3A_153, %dma_start3A_154] : memref<8x80xi32, #tpu.memory_space<vmem>> -> memref<1x80xi32, #tpu.memory_space<vmem>>
      %dma_start3A_156 = tpu.memref_squeeze %dma_start3A_155 : memref<1x80xi32, #tpu.memory_space<vmem>> -> memref<80xi32, #tpu.memory_space<vmem>>
      %dma_start3A_157 = arith.constant 0 : i32
      %dma_start3A_158 = arith.constant 0 : i32
      %dma_start3A_159 = tpu.memref_slice %arg11[%dma_start3A_157, %dma_start3A_158] : memref<10112x128xf32, #tpu.memory_space<vmem_shared>> -> memref<10112x128xf32, #tpu.memory_space<vmem_shared>>
      tpu.enqueue_indirect_dma source(%arg9 : memref<80x128xf32, #tpu.memory_space<vmem>>) target(%dma_start3A_159 : memref<10112x128xf32, #tpu.memory_space<vmem_shared>>) offsets(%dma_start3A_156 : memref<80xi32, #tpu.memory_space<vmem>>) semaphore(%arg13 : memref<!tpu.dma_semaphore, #tpu.memory_space<semaphore_mem>>) {add = true}
      %dma_wait3A_160 = arith.constant 2 : i32
      %dma_wait3A_161 = arith.constant 0 : i32
      %dma_wait3A_162 = tpu.memref_slice %arg8[%dma_wait3A_160, %dma_wait3A_161] : memref<8x80xi32, #tpu.memory_space<vmem>> -> memref<1x80xi32, #tpu.memory_space<vmem>>
      %dma_wait3A_163 = tpu.memref_squeeze %dma_wait3A_162 : memref<1x80xi32, #tpu.memory_space<vmem>> -> memref<80xi32, #tpu.memory_space<vmem>>
      %dma_wait3A_164 = arith.constant 0 : i32
      %dma_wait3A_165 = arith.constant 0 : i32
      %dma_wait3A_166 = tpu.memref_slice %arg11[%dma_wait3A_164, %dma_wait3A_165] : memref<10112x128xf32, #tpu.memory_space<vmem_shared>> -> memref<10112x128xf32, #tpu.memory_space<vmem_shared>>
      tpu.wait_indirect_dma semaphore(%arg13 : memref<!tpu.dma_semaphore, #tpu.memory_space<semaphore_mem>>) src(%arg9 : memref<80x128xf32, #tpu.memory_space<vmem>>) dst(%dma_wait3A_166 : memref<10112x128xf32, #tpu.memory_space<vmem_shared>>)
      %dma_start3A_167 = arith.constant 4 : i32
      %dma_start3A_168 = arith.constant 0 : i32
      %dma_start3A_169 = tpu.memref_slice %arg7[%dma_start3A_167, %dma_start3A_168] : memref<8x80xi32, #tpu.memory_space<vmem>> -> memref<1x80xi32, #tpu.memory_space<vmem>>
      %dma_start3A_170 = tpu.memref_squeeze %dma_start3A_169 : memref<1x80xi32, #tpu.memory_space<vmem>> -> memref<80xi32, #tpu.memory_space<vmem>>
      %dma_start3A_171 = arith.constant 0 : i32
      %dma_start3A_172 = arith.constant 0 : i32
      %dma_start3A_173 = tpu.memref_slice %arg2[%dma_start3A_171, %dma_start3A_172] : memref<10112x128xf32, #tpu.memory_space<hbm>> -> memref<10112x128xf32, #tpu.memory_space<hbm>>
      tpu.enqueue_indirect_dma source(%dma_start3A_173 : memref<10112x128xf32, #tpu.memory_space<hbm>>) target(%arg9 : memref<80x128xf32, #tpu.memory_space<vmem>>) offsets(%dma_start3A_170 : memref<80xi32, #tpu.memory_space<vmem>>) semaphore(%arg12 : memref<!tpu.dma_semaphore, #tpu.memory_space<semaphore_mem>>)
      %dma_wait3A_174 = arith.constant 3 : i32
      %dma_wait3A_175 = arith.constant 0 : i32
      %dma_wait3A_176 = tpu.memref_slice %arg7[%dma_wait3A_174, %dma_wait3A_175] : memref<8x80xi32, #tpu.memory_space<vmem>> -> memref<1x80xi32, #tpu.memory_space<vmem>>
      %dma_wait3A_177 = tpu.memref_squeeze %dma_wait3A_176 : memref<1x80xi32, #tpu.memory_space<vmem>> -> memref<80xi32, #tpu.memory_space<vmem>>
      %dma_wait3A_178 = arith.constant 0 : i32
      %dma_wait3A_179 = arith.constant 0 : i32
      %dma_wait3A_180 = tpu.memref_slice %arg2[%dma_wait3A_178, %dma_wait3A_179] : memref<10112x128xf32, #tpu.memory_space<hbm>> -> memref<10112x128xf32, #tpu.memory_space<hbm>>
      tpu.wait_indirect_dma semaphore(%arg12 : memref<!tpu.dma_semaphore, #tpu.memory_space<semaphore_mem>>) src(%dma_wait3A_180 : memref<10112x128xf32, #tpu.memory_space<hbm>>) dst(%arg10 : memref<80x128xf32, #tpu.memory_space<vmem>>)
      %dma_start3A_181 = arith.constant 3 : i32
      %dma_start3A_182 = arith.constant 0 : i32
      %dma_start3A_183 = tpu.memref_slice %arg8[%dma_start3A_181, %dma_start3A_182] : memref<8x80xi32, #tpu.memory_space<vmem>> -> memref<1x80xi32, #tpu.memory_space<vmem>>
      %dma_start3A_184 = tpu.memref_squeeze %dma_start3A_183 : memref<1x80xi32, #tpu.memory_space<vmem>> -> memref<80xi32, #tpu.memory_space<vmem>>
      %dma_start3A_185 = arith.constant 0 : i32
      %dma_start3A_186 = arith.constant 0 : i32
      %dma_start3A_187 = tpu.memref_slice %arg11[%dma_start3A_185, %dma_start3A_186] : memref<10112x128xf32, #tpu.memory_space<vmem_shared>> -> memref<10112x128xf32, #tpu.memory_space<vmem_shared>>
      tpu.enqueue_indirect_dma source(%arg10 : memref<80x128xf32, #tpu.memory_space<vmem>>) target(%dma_start3A_187 : memref<10112x128xf32, #tpu.memory_space<vmem_shared>>) offsets(%dma_start3A_184 : memref<80xi32, #tpu.memory_space<vmem>>) semaphore(%arg13 : memref<!tpu.dma_semaphore, #tpu.memory_space<semaphore_mem>>) {add = true}
      %dma_wait3A_188 = arith.constant 3 : i32
      %dma_wait3A_189 = arith.constant 0 : i32
      %dma_wait3A_190 = tpu.memref_slice %arg8[%dma_wait3A_188, %dma_wait3A_189] : memref<8x80xi32, #tpu.memory_space<vmem>> -> memref<1x80xi32, #tpu.memory_space<vmem>>
      %dma_wait3A_191 = tpu.memref_squeeze %dma_wait3A_190 : memref<1x80xi32, #tpu.memory_space<vmem>> -> memref<80xi32, #tpu.memory_space<vmem>>
      %dma_wait3A_192 = arith.constant 0 : i32
      %dma_wait3A_193 = arith.constant 0 : i32
      %dma_wait3A_194 = tpu.memref_slice %arg11[%dma_wait3A_192, %dma_wait3A_193] : memref<10112x128xf32, #tpu.memory_space<vmem_shared>> -> memref<10112x128xf32, #tpu.memory_space<vmem_shared>>
      tpu.wait_indirect_dma semaphore(%arg13 : memref<!tpu.dma_semaphore, #tpu.memory_space<semaphore_mem>>) src(%arg10 : memref<80x128xf32, #tpu.memory_space<vmem>>) dst(%dma_wait3A_194 : memref<10112x128xf32, #tpu.memory_space<vmem_shared>>)
      %dma_start3A_195 = arith.constant 5 : i32
      %dma_start3A_196 = arith.constant 0 : i32
      %dma_start3A_197 = tpu.memref_slice %arg7[%dma_start3A_195, %dma_start3A_196] : memref<8x80xi32, #tpu.memory_space<vmem>> -> memref<1x80xi32, #tpu.memory_space<vmem>>
      %dma_start3A_198 = tpu.memref_squeeze %dma_start3A_197 : memref<1x80xi32, #tpu.memory_space<vmem>> -> memref<80xi32, #tpu.memory_space<vmem>>
      %dma_start3A_199 = arith.constant 0 : i32
      %dma_start3A_200 = arith.constant 0 : i32
      %dma_start3A_201 = tpu.memref_slice %arg2[%dma_start3A_199, %dma_start3A_200] : memref<10112x128xf32, #tpu.memory_space<hbm>> -> memref<10112x128xf32, #tpu.memory_space<hbm>>
      tpu.enqueue_indirect_dma source(%dma_start3A_201 : memref<10112x128xf32, #tpu.memory_space<hbm>>) target(%arg10 : memref<80x128xf32, #tpu.memory_space<vmem>>) offsets(%dma_start3A_198 : memref<80xi32, #tpu.memory_space<vmem>>) semaphore(%arg12 : memref<!tpu.dma_semaphore, #tpu.memory_space<semaphore_mem>>)
      %dma_wait3A_202 = arith.constant 4 : i32
      %dma_wait3A_203 = arith.constant 0 : i32
      %dma_wait3A_204 = tpu.memref_slice %arg7[%dma_wait3A_202, %dma_wait3A_203] : memref<8x80xi32, #tpu.memory_space<vmem>> -> memref<1x80xi32, #tpu.memory_space<vmem>>
      %dma_wait3A_205 = tpu.memref_squeeze %dma_wait3A_204 : memref<1x80xi32, #tpu.memory_space<vmem>> -> memref<80xi32, #tpu.memory_space<vmem>>
      %dma_wait3A_206 = arith.constant 0 : i32
      %dma_wait3A_207 = arith.constant 0 : i32
      %dma_wait3A_208 = tpu.memref_slice %arg2[%dma_wait3A_206, %dma_wait3A_207] : memref<10112x128xf32, #tpu.memory_space<hbm>> -> memref<10112x128xf32, #tpu.memory_space<hbm>>
      tpu.wait_indirect_dma semaphore(%arg12 : memref<!tpu.dma_semaphore, #tpu.memory_space<semaphore_mem>>) src(%dma_wait3A_208 : memref<10112x128xf32, #tpu.memory_space<hbm>>) dst(%arg9 : memref<80x128xf32, #tpu.memory_space<vmem>>)
      %dma_start3A_209 = arith.constant 4 : i32
      %dma_start3A_210 = arith.constant 0 : i32
      %dma_start3A_211 = tpu.memref_slice %arg8[%dma_start3A_209, %dma_start3A_210] : memref<8x80xi32, #tpu.memory_space<vmem>> -> memref<1x80xi32, #tpu.memory_space<vmem>>
      %dma_start3A_212 = tpu.memref_squeeze %dma_start3A_211 : memref<1x80xi32, #tpu.memory_space<vmem>> -> memref<80xi32, #tpu.memory_space<vmem>>
      %dma_start3A_213 = arith.constant 0 : i32
      %dma_start3A_214 = arith.constant 0 : i32
      %dma_start3A_215 = tpu.memref_slice %arg11[%dma_start3A_213, %dma_start3A_214] : memref<10112x128xf32, #tpu.memory_space<vmem_shared>> -> memref<10112x128xf32, #tpu.memory_space<vmem_shared>>
      tpu.enqueue_indirect_dma source(%arg9 : memref<80x128xf32, #tpu.memory_space<vmem>>) target(%dma_start3A_215 : memref<10112x128xf32, #tpu.memory_space<vmem_shared>>) offsets(%dma_start3A_212 : memref<80xi32, #tpu.memory_space<vmem>>) semaphore(%arg13 : memref<!tpu.dma_semaphore, #tpu.memory_space<semaphore_mem>>) {add = true}
      %dma_wait3A_216 = arith.constant 4 : i32
      %dma_wait3A_217 = arith.constant 0 : i32
      %dma_wait3A_218 = tpu.memref_slice %arg8[%dma_wait3A_216, %dma_wait3A_217] : memref<8x80xi32, #tpu.memory_space<vmem>> -> memref<1x80xi32, #tpu.memory_space<vmem>>
      %dma_wait3A_219 = tpu.memref_squeeze %dma_wait3A_218 : memref<1x80xi32, #tpu.memory_space<vmem>> -> memref<80xi32, #tpu.memory_space<vmem>>
      %dma_wait3A_220 = arith.constant 0 : i32
      %dma_wait3A_221 = arith.constant 0 : i32
      %dma_wait3A_222 = tpu.memref_slice %arg11[%dma_wait3A_220, %dma_wait3A_221] : memref<10112x128xf32, #tpu.memory_space<vmem_shared>> -> memref<10112x128xf32, #tpu.memory_space<vmem_shared>>
      tpu.wait_indirect_dma semaphore(%arg13 : memref<!tpu.dma_semaphore, #tpu.memory_space<semaphore_mem>>) src(%arg9 : memref<80x128xf32, #tpu.memory_space<vmem>>) dst(%dma_wait3A_222 : memref<10112x128xf32, #tpu.memory_space<vmem_shared>>)
      %dma_start3A_223 = arith.constant 6 : i32
      %dma_start3A_224 = arith.constant 0 : i32
      %dma_start3A_225 = tpu.memref_slice %arg7[%dma_start3A_223, %dma_start3A_224] : memref<8x80xi32, #tpu.memory_space<vmem>> -> memref<1x80xi32, #tpu.memory_space<vmem>>
      %dma_start3A_226 = tpu.memref_squeeze %dma_start3A_225 : memref<1x80xi32, #tpu.memory_space<vmem>> -> memref<80xi32, #tpu.memory_space<vmem>>
      %dma_start3A_227 = arith.constant 0 : i32
      %dma_start3A_228 = arith.constant 0 : i32
      %dma_start3A_229 = tpu.memref_slice %arg2[%dma_start3A_227, %dma_start3A_228] : memref<10112x128xf32, #tpu.memory_space<hbm>> -> memref<10112x128xf32, #tpu.memory_space<hbm>>
      tpu.enqueue_indirect_dma source(%dma_start3A_229 : memref<10112x128xf32, #tpu.memory_space<hbm>>) target(%arg9 : memref<80x128xf32, #tpu.memory_space<vmem>>) offsets(%dma_start3A_226 : memref<80xi32, #tpu.memory_space<vmem>>) semaphore(%arg12 : memref<!tpu.dma_semaphore, #tpu.memory_space<semaphore_mem>>)
      %dma_wait3A_230 = arith.constant 5 : i32
      %dma_wait3A_231 = arith.constant 0 : i32
      %dma_wait3A_232 = tpu.memref_slice %arg7[%dma_wait3A_230, %dma_wait3A_231] : memref<8x80xi32, #tpu.memory_space<vmem>> -> memref<1x80xi32, #tpu.memory_space<vmem>>
      %dma_wait3A_233 = tpu.memref_squeeze %dma_wait3A_232 : memref<1x80xi32, #tpu.memory_space<vmem>> -> memref<80xi32, #tpu.memory_space<vmem>>
      %dma_wait3A_234 = arith.constant 0 : i32
      %dma_wait3A_235 = arith.constant 0 : i32
      %dma_wait3A_236 = tpu.memref_slice %arg2[%dma_wait3A_234, %dma_wait3A_235] : memref<10112x128xf32, #tpu.memory_space<hbm>> -> memref<10112x128xf32, #tpu.memory_space<hbm>>
      tpu.wait_indirect_dma semaphore(%arg12 : memref<!tpu.dma_semaphore, #tpu.memory_space<semaphore_mem>>) src(%dma_wait3A_236 : memref<10112x128xf32, #tpu.memory_space<hbm>>) dst(%arg10 : memref<80x128xf32, #tpu.memory_space<vmem>>)
      %dma_start3A_237 = arith.constant 5 : i32
      %dma_start3A_238 = arith.constant 0 : i32
      %dma_start3A_239 = tpu.memref_slice %arg8[%dma_start3A_237, %dma_start3A_238] : memref<8x80xi32, #tpu.memory_space<vmem>> -> memref<1x80xi32, #tpu.memory_space<vmem>>
      %dma_start3A_240 = tpu.memref_squeeze %dma_start3A_239 : memref<1x80xi32, #tpu.memory_space<vmem>> -> memref<80xi32, #tpu.memory_space<vmem>>
      %dma_start3A_241 = arith.constant 0 : i32
      %dma_start3A_242 = arith.constant 0 : i32
      %dma_start3A_243 = tpu.memref_slice %arg11[%dma_start3A_241, %dma_start3A_242] : memref<10112x128xf32, #tpu.memory_space<vmem_shared>> -> memref<10112x128xf32, #tpu.memory_space<vmem_shared>>
      tpu.enqueue_indirect_dma source(%arg10 : memref<80x128xf32, #tpu.memory_space<vmem>>) target(%dma_start3A_243 : memref<10112x128xf32, #tpu.memory_space<vmem_shared>>) offsets(%dma_start3A_240 : memref<80xi32, #tpu.memory_space<vmem>>) semaphore(%arg13 : memref<!tpu.dma_semaphore, #tpu.memory_space<semaphore_mem>>) {add = true}
      %dma_wait3A_244 = arith.constant 5 : i32
      %dma_wait3A_245 = arith.constant 0 : i32
      %dma_wait3A_246 = tpu.memref_slice %arg8[%dma_wait3A_244, %dma_wait3A_245] : memref<8x80xi32, #tpu.memory_space<vmem>> -> memref<1x80xi32, #tpu.memory_space<vmem>>
      %dma_wait3A_247 = tpu.memref_squeeze %dma_wait3A_246 : memref<1x80xi32, #tpu.memory_space<vmem>> -> memref<80xi32, #tpu.memory_space<vmem>>
      %dma_wait3A_248 = arith.constant 0 : i32
      %dma_wait3A_249 = arith.constant 0 : i32
      %dma_wait3A_250 = tpu.memref_slice %arg11[%dma_wait3A_248, %dma_wait3A_249] : memref<10112x128xf32, #tpu.memory_space<vmem_shared>> -> memref<10112x128xf32, #tpu.memory_space<vmem_shared>>
      tpu.wait_indirect_dma semaphore(%arg13 : memref<!tpu.dma_semaphore, #tpu.memory_space<semaphore_mem>>) src(%arg10 : memref<80x128xf32, #tpu.memory_space<vmem>>) dst(%dma_wait3A_250 : memref<10112x128xf32, #tpu.memory_space<vmem_shared>>)
      %dma_start3A_251 = arith.constant 7 : i32
      %dma_start3A_252 = arith.constant 0 : i32
      %dma_start3A_253 = tpu.memref_slice %arg7[%dma_start3A_251, %dma_start3A_252] : memref<8x80xi32, #tpu.memory_space<vmem>> -> memref<1x80xi32, #tpu.memory_space<vmem>>
      %dma_start3A_254 = tpu.memref_squeeze %dma_start3A_253 : memref<1x80xi32, #tpu.memory_space<vmem>> -> memref<80xi32, #tpu.memory_space<vmem>>
      %dma_start3A_255 = arith.constant 0 : i32
      %dma_start3A_256 = arith.constant 0 : i32
      %dma_start3A_257 = tpu.memref_slice %arg2[%dma_start3A_255, %dma_start3A_256] : memref<10112x128xf32, #tpu.memory_space<hbm>> -> memref<10112x128xf32, #tpu.memory_space<hbm>>
      tpu.enqueue_indirect_dma source(%dma_start3A_257 : memref<10112x128xf32, #tpu.memory_space<hbm>>) target(%arg10 : memref<80x128xf32, #tpu.memory_space<vmem>>) offsets(%dma_start3A_254 : memref<80xi32, #tpu.memory_space<vmem>>) semaphore(%arg12 : memref<!tpu.dma_semaphore, #tpu.memory_space<semaphore_mem>>)
      %dma_wait3A_258 = arith.constant 6 : i32
      %dma_wait3A_259 = arith.constant 0 : i32
      %dma_wait3A_260 = tpu.memref_slice %arg7[%dma_wait3A_258, %dma_wait3A_259] : memref<8x80xi32, #tpu.memory_space<vmem>> -> memref<1x80xi32, #tpu.memory_space<vmem>>
      %dma_wait3A_261 = tpu.memref_squeeze %dma_wait3A_260 : memref<1x80xi32, #tpu.memory_space<vmem>> -> memref<80xi32, #tpu.memory_space<vmem>>
      %dma_wait3A_262 = arith.constant 0 : i32
      %dma_wait3A_263 = arith.constant 0 : i32
      %dma_wait3A_264 = tpu.memref_slice %arg2[%dma_wait3A_262, %dma_wait3A_263] : memref<10112x128xf32, #tpu.memory_space<hbm>> -> memref<10112x128xf32, #tpu.memory_space<hbm>>
      tpu.wait_indirect_dma semaphore(%arg12 : memref<!tpu.dma_semaphore, #tpu.memory_space<semaphore_mem>>) src(%dma_wait3A_264 : memref<10112x128xf32, #tpu.memory_space<hbm>>) dst(%arg9 : memref<80x128xf32, #tpu.memory_space<vmem>>)
      %dma_start3A_265 = arith.constant 6 : i32
      %dma_start3A_266 = arith.constant 0 : i32
      %dma_start3A_267 = tpu.memref_slice %arg8[%dma_start3A_265, %dma_start3A_266] : memref<8x80xi32, #tpu.memory_space<vmem>> -> memref<1x80xi32, #tpu.memory_space<vmem>>
      %dma_start3A_268 = tpu.memref_squeeze %dma_start3A_267 : memref<1x80xi32, #tpu.memory_space<vmem>> -> memref<80xi32, #tpu.memory_space<vmem>>
      %dma_start3A_269 = arith.constant 0 : i32
      %dma_start3A_270 = arith.constant 0 : i32
      %dma_start3A_271 = tpu.memref_slice %arg11[%dma_start3A_269, %dma_start3A_270] : memref<10112x128xf32, #tpu.memory_space<vmem_shared>> -> memref<10112x128xf32, #tpu.memory_space<vmem_shared>>
      tpu.enqueue_indirect_dma source(%arg9 : memref<80x128xf32, #tpu.memory_space<vmem>>) target(%dma_start3A_271 : memref<10112x128xf32, #tpu.memory_space<vmem_shared>>) offsets(%dma_start3A_268 : memref<80xi32, #tpu.memory_space<vmem>>) semaphore(%arg13 : memref<!tpu.dma_semaphore, #tpu.memory_space<semaphore_mem>>) {add = true}
      %dma_wait3A_272 = arith.constant 7 : i32
      %dma_wait3A_273 = arith.constant 0 : i32
      %dma_wait3A_274 = tpu.memref_slice %arg7[%dma_wait3A_272, %dma_wait3A_273] : memref<8x80xi32, #tpu.memory_space<vmem>> -> memref<1x80xi32, #tpu.memory_space<vmem>>
      %dma_wait3A_275 = tpu.memref_squeeze %dma_wait3A_274 : memref<1x80xi32, #tpu.memory_space<vmem>> -> memref<80xi32, #tpu.memory_space<vmem>>
      %dma_wait3A_276 = arith.constant 0 : i32
      %dma_wait3A_277 = arith.constant 0 : i32
      %dma_wait3A_278 = tpu.memref_slice %arg2[%dma_wait3A_276, %dma_wait3A_277] : memref<10112x128xf32, #tpu.memory_space<hbm>> -> memref<10112x128xf32, #tpu.memory_space<hbm>>
      tpu.wait_indirect_dma semaphore(%arg12 : memref<!tpu.dma_semaphore, #tpu.memory_space<semaphore_mem>>) src(%dma_wait3A_278 : memref<10112x128xf32, #tpu.memory_space<hbm>>) dst(%arg10 : memref<80x128xf32, #tpu.memory_space<vmem>>)
      %dma_start3A_279 = arith.constant 7 : i32
      %dma_start3A_280 = arith.constant 0 : i32
      %dma_start3A_281 = tpu.memref_slice %arg8[%dma_start3A_279, %dma_start3A_280] : memref<8x80xi32, #tpu.memory_space<vmem>> -> memref<1x80xi32, #tpu.memory_space<vmem>>
      %dma_start3A_282 = tpu.memref_squeeze %dma_start3A_281 : memref<1x80xi32, #tpu.memory_space<vmem>> -> memref<80xi32, #tpu.memory_space<vmem>>
      %dma_start3A_283 = arith.constant 0 : i32
      %dma_start3A_284 = arith.constant 0 : i32
      %dma_start3A_285 = tpu.memref_slice %arg11[%dma_start3A_283, %dma_start3A_284] : memref<10112x128xf32, #tpu.memory_space<vmem_shared>> -> memref<10112x128xf32, #tpu.memory_space<vmem_shared>>
      tpu.enqueue_indirect_dma source(%arg10 : memref<80x128xf32, #tpu.memory_space<vmem>>) target(%dma_start3A_285 : memref<10112x128xf32, #tpu.memory_space<vmem_shared>>) offsets(%dma_start3A_282 : memref<80xi32, #tpu.memory_space<vmem>>) semaphore(%arg13 : memref<!tpu.dma_semaphore, #tpu.memory_space<semaphore_mem>>) {add = true}
      %dma_wait3A_286 = arith.constant 6 : i32
      %dma_wait3A_287 = arith.constant 0 : i32
      %dma_wait3A_288 = tpu.memref_slice %arg8[%dma_wait3A_286, %dma_wait3A_287] : memref<8x80xi32, #tpu.memory_space<vmem>> -> memref<1x80xi32, #tpu.memory_space<vmem>>
      %dma_wait3A_289 = tpu.memref_squeeze %dma_wait3A_288 : memref<1x80xi32, #tpu.memory_space<vmem>> -> memref<80xi32, #tpu.memory_space<vmem>>
      %dma_wait3A_290 = arith.constant 0 : i32
      %dma_wait3A_291 = arith.constant 0 : i32
      %dma_wait3A_292 = tpu.memref_slice %arg11[%dma_wait3A_290, %dma_wait3A_291] : memref<10112x128xf32, #tpu.memory_space<vmem_shared>> -> memref<10112x128xf32, #tpu.memory_space<vmem_shared>>
      tpu.wait_indirect_dma semaphore(%arg13 : memref<!tpu.dma_semaphore, #tpu.memory_space<semaphore_mem>>) src(%arg9 : memref<80x128xf32, #tpu.memory_space<vmem>>) dst(%dma_wait3A_292 : memref<10112x128xf32, #tpu.memory_space<vmem_shared>>)
      %dma_wait3A_293 = arith.constant 7 : i32
      %dma_wait3A_294 = arith.constant 0 : i32
      %dma_wait3A_295 = tpu.memref_slice %arg8[%dma_wait3A_293, %dma_wait3A_294] : memref<8x80xi32, #tpu.memory_space<vmem>> -> memref<1x80xi32, #tpu.memory_space<vmem>>
      %dma_wait3A_296 = tpu.memref_squeeze %dma_wait3A_295 : memref<1x80xi32, #tpu.memory_space<vmem>> -> memref<80xi32, #tpu.memory_space<vmem>>
      %dma_wait3A_297 = arith.constant 0 : i32
      %dma_wait3A_298 = arith.constant 0 : i32
      %dma_wait3A_299 = tpu.memref_slice %arg11[%dma_wait3A_297, %dma_wait3A_298] : memref<10112x128xf32, #tpu.memory_space<vmem_shared>> -> memref<10112x128xf32, #tpu.memory_space<vmem_shared>>
      tpu.wait_indirect_dma semaphore(%arg13 : memref<!tpu.dma_semaphore, #tpu.memory_space<semaphore_mem>>) src(%arg10 : memref<80x128xf32, #tpu.memory_space<vmem>>) dst(%dma_wait3A_299 : memref<10112x128xf32, #tpu.memory_space<vmem_shared>>)
    }
    %scan3A_39 = arith.constant 16 : i32
    %barrier3A_40 = arith.constant 0 : index
    tpu.barrier barrier_id(%barrier3A_40)
    %add3A_41 = arith.constant 0 : i32
    %add3A_42 = arith.addi %mul3A_2, %add3A_41 : i32
    %add3A_43 = arith.constant 0 : i32
    %add3A_44 = arith.addi %mul3A_2, %add3A_43 : i32
    "tpu.region"() ({
      %run_scoped3A = tpu.sem_alloc : memref<!tpu.dma_semaphore, #tpu.memory_space<semaphore_mem>>
      %dma_start3A = arith.constant 0 : i32
      %dma_start3A_73 = tpu.memref_slice %arg6[%arg0, %add3A_44, %dma_start3A] : memref<2x10112x128xf32, #tpu.memory_space<hbm>> -> memref<1x80x128xf32, #tpu.memory_space<hbm>>
      %dma_start3A_74 = tpu.memref_squeeze %dma_start3A_73 : memref<1x80x128xf32, #tpu.memory_space<hbm>> -> memref<80x128xf32, #tpu.memory_space<hbm>>
      %dma_start3A_75 = arith.constant 0 : i32
      %dma_start3A_76 = tpu.memref_slice %arg11[%add3A_42, %dma_start3A_75] : memref<10112x128xf32, #tpu.memory_space<vmem_shared>> -> memref<80x128xf32, #tpu.memory_space<vmem_shared>>
      tpu.enqueue_dma source(%dma_start3A_76 : memref<80x128xf32, #tpu.memory_space<vmem_shared>>) target(%dma_start3A_74 : memref<80x128xf32, #tpu.memory_space<hbm>>) target_semaphore(%run_scoped3A : memref<!tpu.dma_semaphore, #tpu.memory_space<semaphore_mem>>)
      %dma_wait3A = arith.constant 0 : i32
      %dma_wait3A_77 = tpu.memref_slice %arg6[%arg0, %add3A_44, %dma_wait3A] : memref<2x10112x128xf32, #tpu.memory_space<hbm>> -> memref<1x80x128xf32, #tpu.memory_space<hbm>>
      %dma_wait3A_78 = tpu.memref_squeeze %dma_wait3A_77 : memref<1x80x128xf32, #tpu.memory_space<hbm>> -> memref<80x128xf32, #tpu.memory_space<hbm>>
      %dma_wait3A_79 = arith.constant 0 : i32
      %dma_wait3A_80 = tpu.memref_slice %arg11[%add3A_42, %dma_wait3A_79] : memref<10112x128xf32, #tpu.memory_space<vmem_shared>> -> memref<80x128xf32, #tpu.memory_space<vmem_shared>>
      tpu.wait_dma2 semaphore(%run_scoped3A : memref<!tpu.dma_semaphore, #tpu.memory_space<semaphore_mem>>) src(%dma_wait3A_80 : memref<80x128xf32, #tpu.memory_space<vmem_shared>>) dst(%dma_wait3A_78 : memref<80x128xf32, #tpu.memory_space<hbm>>)
      tpu.yield
    }) : () -> ()
    %add3A_45 = arith.constant 80 : i32
    %add3A_46 = arith.addi %mul3A_2, %add3A_45 : i32
    %add3A_47 = arith.constant 80 : i32
    %add3A_48 = arith.addi %mul3A_2, %add3A_47 : i32
    "tpu.region"() ({
      %run_scoped3A = tpu.sem_alloc : memref<!tpu.dma_semaphore, #tpu.memory_space<semaphore_mem>>
      %dma_start3A = arith.constant 0 : i32
      %dma_start3A_73 = tpu.memref_slice %arg6[%arg0, %add3A_48, %dma_start3A] : memref<2x10112x128xf32, #tpu.memory_space<hbm>> -> memref<1x80x128xf32, #tpu.memory_space<hbm>>
      %dma_start3A_74 = tpu.memref_squeeze %dma_start3A_73 : memref<1x80x128xf32, #tpu.memory_space<hbm>> -> memref<80x128xf32, #tpu.memory_space<hbm>>
      %dma_start3A_75 = arith.constant 0 : i32
      %dma_start3A_76 = tpu.memref_slice %arg11[%add3A_46, %dma_start3A_75] : memref<10112x128xf32, #tpu.memory_space<vmem_shared>> -> memref<80x128xf32, #tpu.memory_space<vmem_shared>>
      tpu.enqueue_dma source(%dma_start3A_76 : memref<80x128xf32, #tpu.memory_space<vmem_shared>>) target(%dma_start3A_74 : memref<80x128xf32, #tpu.memory_space<hbm>>) target_semaphore(%run_scoped3A : memref<!tpu.dma_semaphore, #tpu.memory_space<semaphore_mem>>)
      %dma_wait3A = arith.constant 0 : i32
      %dma_wait3A_77 = tpu.memref_slice %arg6[%arg0, %add3A_48, %dma_wait3A] : memref<2x10112x128xf32, #tpu.memory_space<hbm>> -> memref<1x80x128xf32, #tpu.memory_space<hbm>>
      %dma_wait3A_78 = tpu.memref_squeeze %dma_wait3A_77 : memref<1x80x128xf32, #tpu.memory_space<hbm>> -> memref<80x128xf32, #tpu.memory_space<hbm>>
      %dma_wait3A_79 = arith.constant 0 : i32
      %dma_wait3A_80 = tpu.memref_slice %arg11[%add3A_46, %dma_wait3A_79] : memref<10112x128xf32, #tpu.memory_space<vmem_shared>> -> memref<80x128xf32, #tpu.memory_space<vmem_shared>>
      tpu.wait_dma2 semaphore(%run_scoped3A : memref<!tpu.dma_semaphore, #tpu.memory_space<semaphore_mem>>) src(%dma_wait3A_80 : memref<80x128xf32, #tpu.memory_space<vmem_shared>>) dst(%dma_wait3A_78 : memref<80x128xf32, #tpu.memory_space<hbm>>)
      tpu.yield
    }) : () -> ()
    %add3A_49 = arith.constant 160 : i32
    %add3A_50 = arith.addi %mul3A_2, %add3A_49 : i32
    %add3A_51 = arith.constant 160 : i32
    %add3A_52 = arith.addi %mul3A_2, %add3A_51 : i32
    "tpu.region"() ({
      %run_scoped3A = tpu.sem_alloc : memref<!tpu.dma_semaphore, #tpu.memory_space<semaphore_mem>>
      %dma_start3A = arith.constant 0 : i32
      %dma_start3A_73 = tpu.memref_slice %arg6[%arg0, %add3A_52, %dma_start3A] : memref<2x10112x128xf32, #tpu.memory_space<hbm>> -> memref<1x80x128xf32, #tpu.memory_space<hbm>>
      %dma_start3A_74 = tpu.memref_squeeze %dma_start3A_73 : memref<1x80x128xf32, #tpu.memory_space<hbm>> -> memref<80x128xf32, #tpu.memory_space<hbm>>
      %dma_start3A_75 = arith.constant 0 : i32
      %dma_start3A_76 = tpu.memref_slice %arg11[%add3A_50, %dma_start3A_75] : memref<10112x128xf32, #tpu.memory_space<vmem_shared>> -> memref<80x128xf32, #tpu.memory_space<vmem_shared>>
      tpu.enqueue_dma source(%dma_start3A_76 : memref<80x128xf32, #tpu.memory_space<vmem_shared>>) target(%dma_start3A_74 : memref<80x128xf32, #tpu.memory_space<hbm>>) target_semaphore(%run_scoped3A : memref<!tpu.dma_semaphore, #tpu.memory_space<semaphore_mem>>)
      %dma_wait3A = arith.constant 0 : i32
      %dma_wait3A_77 = tpu.memref_slice %arg6[%arg0, %add3A_52, %dma_wait3A] : memref<2x10112x128xf32, #tpu.memory_space<hbm>> -> memref<1x80x128xf32, #tpu.memory_space<hbm>>
      %dma_wait3A_78 = tpu.memref_squeeze %dma_wait3A_77 : memref<1x80x128xf32, #tpu.memory_space<hbm>> -> memref<80x128xf32, #tpu.memory_space<hbm>>
      %dma_wait3A_79 = arith.constant 0 : i32
      %dma_wait3A_80 = tpu.memref_slice %arg11[%add3A_50, %dma_wait3A_79] : memref<10112x128xf32, #tpu.memory_space<vmem_shared>> -> memref<80x128xf32, #tpu.memory_space<vmem_shared>>
      tpu.wait_dma2 semaphore(%run_scoped3A : memref<!tpu.dma_semaphore, #tpu.memory_space<semaphore_mem>>) src(%dma_wait3A_80 : memref<80x128xf32, #tpu.memory_space<vmem_shared>>) dst(%dma_wait3A_78 : memref<80x128xf32, #tpu.memory_space<hbm>>)
      tpu.yield
    }) : () -> ()
    %add3A_53 = arith.constant 240 : i32
    %add3A_54 = arith.addi %mul3A_2, %add3A_53 : i32
    %add3A_55 = arith.constant 240 : i32
    %add3A_56 = arith.addi %mul3A_2, %add3A_55 : i32
    "tpu.region"() ({
      %run_scoped3A = tpu.sem_alloc : memref<!tpu.dma_semaphore, #tpu.memory_space<semaphore_mem>>
      %dma_start3A = arith.constant 0 : i32
      %dma_start3A_73 = tpu.memref_slice %arg6[%arg0, %add3A_56, %dma_start3A] : memref<2x10112x128xf32, #tpu.memory_space<hbm>> -> memref<1x80x128xf32, #tpu.memory_space<hbm>>
      %dma_start3A_74 = tpu.memref_squeeze %dma_start3A_73 : memref<1x80x128xf32, #tpu.memory_space<hbm>> -> memref<80x128xf32, #tpu.memory_space<hbm>>
      %dma_start3A_75 = arith.constant 0 : i32
      %dma_start3A_76 = tpu.memref_slice %arg11[%add3A_54, %dma_start3A_75] : memref<10112x128xf32, #tpu.memory_space<vmem_shared>> -> memref<80x128xf32, #tpu.memory_space<vmem_shared>>
      tpu.enqueue_dma source(%dma_start3A_76 : memref<80x128xf32, #tpu.memory_space<vmem_shared>>) target(%dma_start3A_74 : memref<80x128xf32, #tpu.memory_space<hbm>>) target_semaphore(%run_scoped3A : memref<!tpu.dma_semaphore, #tpu.memory_space<semaphore_mem>>)
      %dma_wait3A = arith.constant 0 : i32
      %dma_wait3A_77 = tpu.memref_slice %arg6[%arg0, %add3A_56, %dma_wait3A] : memref<2x10112x128xf32, #tpu.memory_space<hbm>> -> memref<1x80x128xf32, #tpu.memory_space<hbm>>
      %dma_wait3A_78 = tpu.memref_squeeze %dma_wait3A_77 : memref<1x80x128xf32, #tpu.memory_space<hbm>> -> memref<80x128xf32, #tpu.memory_space<hbm>>
      %dma_wait3A_79 = arith.constant 0 : i32
      %dma_wait3A_80 = tpu.memref_slice %arg11[%add3A_54, %dma_wait3A_79] : memref<10112x128xf32, #tpu.memory_space<vmem_shared>> -> memref<80x128xf32, #tpu.memory_space<vmem_shared>>
      tpu.wait_dma2 semaphore(%run_scoped3A : memref<!tpu.dma_semaphore, #tpu.memory_space<semaphore_mem>>) src(%dma_wait3A_80 : memref<80x128xf32, #tpu.memory_space<vmem_shared>>) dst(%dma_wait3A_78 : memref<80x128xf32, #tpu.memory_space<hbm>>)
      tpu.yield
    }) : () -> ()
    %add3A_57 = arith.constant 320 : i32
    %add3A_58 = arith.addi %mul3A_2, %add3A_57 : i32
    %add3A_59 = arith.constant 320 : i32
    %add3A_60 = arith.addi %mul3A_2, %add3A_59 : i32
    "tpu.region"() ({
      %run_scoped3A = tpu.sem_alloc : memref<!tpu.dma_semaphore, #tpu.memory_space<semaphore_mem>>
      %dma_start3A = arith.constant 0 : i32
      %dma_start3A_73 = tpu.memref_slice %arg6[%arg0, %add3A_60, %dma_start3A] : memref<2x10112x128xf32, #tpu.memory_space<hbm>> -> memref<1x80x128xf32, #tpu.memory_space<hbm>>
      %dma_start3A_74 = tpu.memref_squeeze %dma_start3A_73 : memref<1x80x128xf32, #tpu.memory_space<hbm>> -> memref<80x128xf32, #tpu.memory_space<hbm>>
      %dma_start3A_75 = arith.constant 0 : i32
      %dma_start3A_76 = tpu.memref_slice %arg11[%add3A_58, %dma_start3A_75] : memref<10112x128xf32, #tpu.memory_space<vmem_shared>> -> memref<80x128xf32, #tpu.memory_space<vmem_shared>>
      tpu.enqueue_dma source(%dma_start3A_76 : memref<80x128xf32, #tpu.memory_space<vmem_shared>>) target(%dma_start3A_74 : memref<80x128xf32, #tpu.memory_space<hbm>>) target_semaphore(%run_scoped3A : memref<!tpu.dma_semaphore, #tpu.memory_space<semaphore_mem>>)
      %dma_wait3A = arith.constant 0 : i32
      %dma_wait3A_77 = tpu.memref_slice %arg6[%arg0, %add3A_60, %dma_wait3A] : memref<2x10112x128xf32, #tpu.memory_space<hbm>> -> memref<1x80x128xf32, #tpu.memory_space<hbm>>
      %dma_wait3A_78 = tpu.memref_squeeze %dma_wait3A_77 : memref<1x80x128xf32, #tpu.memory_space<hbm>> -> memref<80x128xf32, #tpu.memory_space<hbm>>
      %dma_wait3A_79 = arith.constant 0 : i32
      %dma_wait3A_80 = tpu.memref_slice %arg11[%add3A_58, %dma_wait3A_79] : memref<10112x128xf32, #tpu.memory_space<vmem_shared>> -> memref<80x128xf32, #tpu.memory_space<vmem_shared>>
      tpu.wait_dma2 semaphore(%run_scoped3A : memref<!tpu.dma_semaphore, #tpu.memory_space<semaphore_mem>>) src(%dma_wait3A_80 : memref<80x128xf32, #tpu.memory_space<vmem_shared>>) dst(%dma_wait3A_78 : memref<80x128xf32, #tpu.memory_space<hbm>>)
      tpu.yield
    }) : () -> ()
    %add3A_61 = arith.constant 400 : i32
    %add3A_62 = arith.addi %mul3A_2, %add3A_61 : i32
    %add3A_63 = arith.constant 400 : i32
    %add3A_64 = arith.addi %mul3A_2, %add3A_63 : i32
    "tpu.region"() ({
      %run_scoped3A = tpu.sem_alloc : memref<!tpu.dma_semaphore, #tpu.memory_space<semaphore_mem>>
      %dma_start3A = arith.constant 0 : i32
      %dma_start3A_73 = tpu.memref_slice %arg6[%arg0, %add3A_64, %dma_start3A] : memref<2x10112x128xf32, #tpu.memory_space<hbm>> -> memref<1x80x128xf32, #tpu.memory_space<hbm>>
      %dma_start3A_74 = tpu.memref_squeeze %dma_start3A_73 : memref<1x80x128xf32, #tpu.memory_space<hbm>> -> memref<80x128xf32, #tpu.memory_space<hbm>>
      %dma_start3A_75 = arith.constant 0 : i32
      %dma_start3A_76 = tpu.memref_slice %arg11[%add3A_62, %dma_start3A_75] : memref<10112x128xf32, #tpu.memory_space<vmem_shared>> -> memref<80x128xf32, #tpu.memory_space<vmem_shared>>
      tpu.enqueue_dma source(%dma_start3A_76 : memref<80x128xf32, #tpu.memory_space<vmem_shared>>) target(%dma_start3A_74 : memref<80x128xf32, #tpu.memory_space<hbm>>) target_semaphore(%run_scoped3A : memref<!tpu.dma_semaphore, #tpu.memory_space<semaphore_mem>>)
      %dma_wait3A = arith.constant 0 : i32
      %dma_wait3A_77 = tpu.memref_slice %arg6[%arg0, %add3A_64, %dma_wait3A] : memref<2x10112x128xf32, #tpu.memory_space<hbm>> -> memref<1x80x128xf32, #tpu.memory_space<hbm>>
      %dma_wait3A_78 = tpu.memref_squeeze %dma_wait3A_77 : memref<1x80x128xf32, #tpu.memory_space<hbm>> -> memref<80x128xf32, #tpu.memory_space<hbm>>
      %dma_wait3A_79 = arith.constant 0 : i32
      %dma_wait3A_80 = tpu.memref_slice %arg11[%add3A_62, %dma_wait3A_79] : memref<10112x128xf32, #tpu.memory_space<vmem_shared>> -> memref<80x128xf32, #tpu.memory_space<vmem_shared>>
      tpu.wait_dma2 semaphore(%run_scoped3A : memref<!tpu.dma_semaphore, #tpu.memory_space<semaphore_mem>>) src(%dma_wait3A_80 : memref<80x128xf32, #tpu.memory_space<vmem_shared>>) dst(%dma_wait3A_78 : memref<80x128xf32, #tpu.memory_space<hbm>>)
      tpu.yield
    }) : () -> ()
    %add3A_65 = arith.constant 480 : i32
    %add3A_66 = arith.addi %mul3A_2, %add3A_65 : i32
    %add3A_67 = arith.constant 480 : i32
    %add3A_68 = arith.addi %mul3A_2, %add3A_67 : i32
    "tpu.region"() ({
      %run_scoped3A = tpu.sem_alloc : memref<!tpu.dma_semaphore, #tpu.memory_space<semaphore_mem>>
      %dma_start3A = arith.constant 0 : i32
      %dma_start3A_73 = tpu.memref_slice %arg6[%arg0, %add3A_68, %dma_start3A] : memref<2x10112x128xf32, #tpu.memory_space<hbm>> -> memref<1x80x128xf32, #tpu.memory_space<hbm>>
      %dma_start3A_74 = tpu.memref_squeeze %dma_start3A_73 : memref<1x80x128xf32, #tpu.memory_space<hbm>> -> memref<80x128xf32, #tpu.memory_space<hbm>>
      %dma_start3A_75 = arith.constant 0 : i32
      %dma_start3A_76 = tpu.memref_slice %arg11[%add3A_66, %dma_start3A_75] : memref<10112x128xf32, #tpu.memory_space<vmem_shared>> -> memref<80x128xf32, #tpu.memory_space<vmem_shared>>
      tpu.enqueue_dma source(%dma_start3A_76 : memref<80x128xf32, #tpu.memory_space<vmem_shared>>) target(%dma_start3A_74 : memref<80x128xf32, #tpu.memory_space<hbm>>) target_semaphore(%run_scoped3A : memref<!tpu.dma_semaphore, #tpu.memory_space<semaphore_mem>>)
      %dma_wait3A = arith.constant 0 : i32
      %dma_wait3A_77 = tpu.memref_slice %arg6[%arg0, %add3A_68, %dma_wait3A] : memref<2x10112x128xf32, #tpu.memory_space<hbm>> -> memref<1x80x128xf32, #tpu.memory_space<hbm>>
      %dma_wait3A_78 = tpu.memref_squeeze %dma_wait3A_77 : memref<1x80x128xf32, #tpu.memory_space<hbm>> -> memref<80x128xf32, #tpu.memory_space<hbm>>
      %dma_wait3A_79 = arith.constant 0 : i32
      %dma_wait3A_80 = tpu.memref_slice %arg11[%add3A_66, %dma_wait3A_79] : memref<10112x128xf32, #tpu.memory_space<vmem_shared>> -> memref<80x128xf32, #tpu.memory_space<vmem_shared>>
      tpu.wait_dma2 semaphore(%run_scoped3A : memref<!tpu.dma_semaphore, #tpu.memory_space<semaphore_mem>>) src(%dma_wait3A_80 : memref<80x128xf32, #tpu.memory_space<vmem_shared>>) dst(%dma_wait3A_78 : memref<80x128xf32, #tpu.memory_space<hbm>>)
      tpu.yield
    }) : () -> ()
    %add3A_69 = arith.constant 560 : i32
    %add3A_70 = arith.addi %mul3A_2, %add3A_69 : i32
    %add3A_71 = arith.constant 560 : i32
    %add3A_72 = arith.addi %mul3A_2, %add3A_71 : i32
    "tpu.region"() ({
      %run_scoped3A = tpu.sem_alloc : memref<!tpu.dma_semaphore, #tpu.memory_space<semaphore_mem>>
      %dma_start3A = arith.constant 0 : i32
      %dma_start3A_73 = tpu.memref_slice %arg6[%arg0, %add3A_72, %dma_start3A] : memref<2x10112x128xf32, #tpu.memory_space<hbm>> -> memref<1x72x128xf32, #tpu.memory_space<hbm>>
      %dma_start3A_74 = tpu.memref_squeeze %dma_start3A_73 : memref<1x72x128xf32, #tpu.memory_space<hbm>> -> memref<72x128xf32, #tpu.memory_space<hbm>>
      %dma_start3A_75 = arith.constant 0 : i32
      %dma_start3A_76 = tpu.memref_slice %arg11[%add3A_70, %dma_start3A_75] : memref<10112x128xf32, #tpu.memory_space<vmem_shared>> -> memref<72x128xf32, #tpu.memory_space<vmem_shared>>
      tpu.enqueue_dma source(%dma_start3A_76 : memref<72x128xf32, #tpu.memory_space<vmem_shared>>) target(%dma_start3A_74 : memref<72x128xf32, #tpu.memory_space<hbm>>) target_semaphore(%run_scoped3A : memref<!tpu.dma_semaphore, #tpu.memory_space<semaphore_mem>>)
      %dma_wait3A = arith.constant 0 : i32
      %dma_wait3A_77 = tpu.memref_slice %arg6[%arg0, %add3A_72, %dma_wait3A] : memref<2x10112x128xf32, #tpu.memory_space<hbm>> -> memref<1x72x128xf32, #tpu.memory_space<hbm>>
      %dma_wait3A_78 = tpu.memref_squeeze %dma_wait3A_77 : memref<1x72x128xf32, #tpu.memory_space<hbm>> -> memref<72x128xf32, #tpu.memory_space<hbm>>
      %dma_wait3A_79 = arith.constant 0 : i32
      %dma_wait3A_80 = tpu.memref_slice %arg11[%add3A_70, %dma_wait3A_79] : memref<10112x128xf32, #tpu.memory_space<vmem_shared>> -> memref<72x128xf32, #tpu.memory_space<vmem_shared>>
      tpu.wait_dma2 semaphore(%run_scoped3A : memref<!tpu.dma_semaphore, #tpu.memory_space<semaphore_mem>>) src(%dma_wait3A_80 : memref<72x128xf32, #tpu.memory_space<vmem_shared>>) dst(%dma_wait3A_78 : memref<72x128xf32, #tpu.memory_space<hbm>>)
      tpu.yield
    }) : () -> ()
    return
  }
}

#map = affine_map<(d0, d1) -> (0, 0)>
#map1 = affine_map<(d0, d1) -> (0, 0, 0)>
module attributes {stable_mosaic.version = 14 : i64} {
  func.func @_sc_agg(%arg0: i32, %arg1: i32, %arg2: memref<10112x128xf32, #tpu.memory_space<hbm>>, %arg3: memref<32x128x80xi32, #tpu.memory_space<hbm>>, %arg4: memref<32x128x80xi32, #tpu.memory_space<hbm>>, %arg5: memref<80x128xf32, #tpu.memory_space<hbm>>, %arg6: memref<2x10112x128xf32, #tpu.memory_space<hbm>>, %arg7: memref<8x80xi32, #tpu.memory_space<vmem>>, %arg8: memref<8x80xi32, #tpu.memory_space<vmem>>, %arg9: memref<80x128xf32, #tpu.memory_space<vmem>>, %arg10: memref<80x128xf32, #tpu.memory_space<vmem>>, %arg11: memref<10112x128xf32, #tpu.memory_space<vmem_shared>>, %arg12: memref<!tpu.dma_semaphore, #tpu.memory_space<semaphore_mem>>, %arg13: memref<!tpu.dma_semaphore, #tpu.memory_space<semaphore_mem>>) attributes {dimension_semantics = [#tpu.dimension_semantics<core_parallel>, #tpu.dimension_semantics<subcore_parallel>], iteration_bounds = array<i64: 2, 16>, scalar_prefetch = 0 : i64, scratch_operands = 7 : i64, tpu.core_type = #tpu.core_type<sc_vector_subcore>, window_params = [{transform_indices = #map}, {transform_indices = #map1}, {transform_indices = #map1}, {transform_indices = #map}, {transform_indices = #map1}]} {
    %mul3A = arith.constant 2 : i32
    %mul3A_0 = arith.muli %arg1, %mul3A : i32
    %add3A = arith.addi %mul3A_0, %arg0 : i32
    %mul3A_1 = arith.constant 632 : i32
    %mul3A_2 = arith.muli %arg1, %mul3A_1 : i32
    %add3A_3 = arith.constant 0 : i32
    %add3A_4 = arith.addi %mul3A_2, %add3A_3 : i32
    %add3A_5 = arith.constant 0 : i32
    %add3A_6 = arith.addi %mul3A_2, %add3A_5 : i32
    "tpu.region"() ({
      %run_scoped3A = tpu.sem_alloc : memref<!tpu.dma_semaphore, #tpu.memory_space<semaphore_mem>>
      %dma_start3A = arith.constant 0 : i32
      %dma_start3A_73 = tpu.memref_slice %arg11[%add3A_6, %dma_start3A] : memref<10112x128xf32, #tpu.memory_space<vmem_shared>> -> memref<80x128xf32, #tpu.memory_space<vmem_shared>>
      %dma_start3A_74 = arith.constant 0 : i32
      %dma_start3A_75 = arith.constant 0 : i32
      %dma_start3A_76 = tpu.memref_slice %arg5[%dma_start3A_74, %dma_start3A_75] : memref<80x128xf32, #tpu.memory_space<hbm>> -> memref<80x128xf32, #tpu.memory_space<hbm>>
      tpu.enqueue_dma source(%dma_start3A_76 : memref<80x128xf32, #tpu.memory_space<hbm>>) target(%dma_start3A_73 : memref<80x128xf32, #tpu.memory_space<vmem_shared>>) target_semaphore(%run_scoped3A : memref<!tpu.dma_semaphore, #tpu.memory_space<semaphore_mem>>)
      %dma_wait3A = arith.constant 0 : i32
      %dma_wait3A_77 = tpu.memref_slice %arg11[%add3A_6, %dma_wait3A] : memref<10112x128xf32, #tpu.memory_space<vmem_shared>> -> memref<80x128xf32, #tpu.memory_space<vmem_shared>>
      %dma_wait3A_78 = arith.constant 0 : i32
      %dma_wait3A_79 = arith.constant 0 : i32
      %dma_wait3A_80 = tpu.memref_slice %arg5[%dma_wait3A_78, %dma_wait3A_79] : memref<80x128xf32, #tpu.memory_space<hbm>> -> memref<80x128xf32, #tpu.memory_space<hbm>>
      tpu.wait_dma2 semaphore(%run_scoped3A : memref<!tpu.dma_semaphore, #tpu.memory_space<semaphore_mem>>) src(%dma_wait3A_80 : memref<80x128xf32, #tpu.memory_space<hbm>>) dst(%dma_wait3A_77 : memref<80x128xf32, #tpu.memory_space<vmem_shared>>)
      tpu.yield
    }) : () -> ()
    %add3A_7 = arith.constant 80 : i32
    %add3A_8 = arith.addi %mul3A_2, %add3A_7 : i32
    %add3A_9 = arith.constant 80 : i32
    %add3A_10 = arith.addi %mul3A_2, %add3A_9 : i32
    "tpu.region"() ({
      %run_scoped3A = tpu.sem_alloc : memref<!tpu.dma_semaphore, #tpu.memory_space<semaphore_mem>>
      %dma_start3A = arith.constant 0 : i32
      %dma_start3A_73 = tpu.memref_slice %arg11[%add3A_10, %dma_start3A] : memref<10112x128xf32, #tpu.memory_space<vmem_shared>> -> memref<80x128xf32, #tpu.memory_space<vmem_shared>>
      %dma_start3A_74 = arith.constant 0 : i32
      %dma_start3A_75 = arith.constant 0 : i32
      %dma_start3A_76 = tpu.memref_slice %arg5[%dma_start3A_74, %dma_start3A_75] : memref<80x128xf32, #tpu.memory_space<hbm>> -> memref<80x128xf32, #tpu.memory_space<hbm>>
      tpu.enqueue_dma source(%dma_start3A_76 : memref<80x128xf32, #tpu.memory_space<hbm>>) target(%dma_start3A_73 : memref<80x128xf32, #tpu.memory_space<vmem_shared>>) target_semaphore(%run_scoped3A : memref<!tpu.dma_semaphore, #tpu.memory_space<semaphore_mem>>)
      %dma_wait3A = arith.constant 0 : i32
      %dma_wait3A_77 = tpu.memref_slice %arg11[%add3A_10, %dma_wait3A] : memref<10112x128xf32, #tpu.memory_space<vmem_shared>> -> memref<80x128xf32, #tpu.memory_space<vmem_shared>>
      %dma_wait3A_78 = arith.constant 0 : i32
      %dma_wait3A_79 = arith.constant 0 : i32
      %dma_wait3A_80 = tpu.memref_slice %arg5[%dma_wait3A_78, %dma_wait3A_79] : memref<80x128xf32, #tpu.memory_space<hbm>> -> memref<80x128xf32, #tpu.memory_space<hbm>>
      tpu.wait_dma2 semaphore(%run_scoped3A : memref<!tpu.dma_semaphore, #tpu.memory_space<semaphore_mem>>) src(%dma_wait3A_80 : memref<80x128xf32, #tpu.memory_space<hbm>>) dst(%dma_wait3A_77 : memref<80x128xf32, #tpu.memory_space<vmem_shared>>)
      tpu.yield
    }) : () -> ()
    %add3A_11 = arith.constant 160 : i32
    %add3A_12 = arith.addi %mul3A_2, %add3A_11 : i32
    %add3A_13 = arith.constant 160 : i32
    %add3A_14 = arith.addi %mul3A_2, %add3A_13 : i32
    "tpu.region"() ({
      %run_scoped3A = tpu.sem_alloc : memref<!tpu.dma_semaphore, #tpu.memory_space<semaphore_mem>>
      %dma_start3A = arith.constant 0 : i32
      %dma_start3A_73 = tpu.memref_slice %arg11[%add3A_14, %dma_start3A] : memref<10112x128xf32, #tpu.memory_space<vmem_shared>> -> memref<80x128xf32, #tpu.memory_space<vmem_shared>>
      %dma_start3A_74 = arith.constant 0 : i32
      %dma_start3A_75 = arith.constant 0 : i32
      %dma_start3A_76 = tpu.memref_slice %arg5[%dma_start3A_74, %dma_start3A_75] : memref<80x128xf32, #tpu.memory_space<hbm>> -> memref<80x128xf32, #tpu.memory_space<hbm>>
      tpu.enqueue_dma source(%dma_start3A_76 : memref<80x128xf32, #tpu.memory_space<hbm>>) target(%dma_start3A_73 : memref<80x128xf32, #tpu.memory_space<vmem_shared>>) target_semaphore(%run_scoped3A : memref<!tpu.dma_semaphore, #tpu.memory_space<semaphore_mem>>)
      %dma_wait3A = arith.constant 0 : i32
      %dma_wait3A_77 = tpu.memref_slice %arg11[%add3A_14, %dma_wait3A] : memref<10112x128xf32, #tpu.memory_space<vmem_shared>> -> memref<80x128xf32, #tpu.memory_space<vmem_shared>>
      %dma_wait3A_78 = arith.constant 0 : i32
      %dma_wait3A_79 = arith.constant 0 : i32
      %dma_wait3A_80 = tpu.memref_slice %arg5[%dma_wait3A_78, %dma_wait3A_79] : memref<80x128xf32, #tpu.memory_space<hbm>> -> memref<80x128xf32, #tpu.memory_space<hbm>>
      tpu.wait_dma2 semaphore(%run_scoped3A : memref<!tpu.dma_semaphore, #tpu.memory_space<semaphore_mem>>) src(%dma_wait3A_80 : memref<80x128xf32, #tpu.memory_space<hbm>>) dst(%dma_wait3A_77 : memref<80x128xf32, #tpu.memory_space<vmem_shared>>)
      tpu.yield
    }) : () -> ()
    %add3A_15 = arith.constant 240 : i32
    %add3A_16 = arith.addi %mul3A_2, %add3A_15 : i32
    %add3A_17 = arith.constant 240 : i32
    %add3A_18 = arith.addi %mul3A_2, %add3A_17 : i32
    "tpu.region"() ({
      %run_scoped3A = tpu.sem_alloc : memref<!tpu.dma_semaphore, #tpu.memory_space<semaphore_mem>>
      %dma_start3A = arith.constant 0 : i32
      %dma_start3A_73 = tpu.memref_slice %arg11[%add3A_18, %dma_start3A] : memref<10112x128xf32, #tpu.memory_space<vmem_shared>> -> memref<80x128xf32, #tpu.memory_space<vmem_shared>>
      %dma_start3A_74 = arith.constant 0 : i32
      %dma_start3A_75 = arith.constant 0 : i32
      %dma_start3A_76 = tpu.memref_slice %arg5[%dma_start3A_74, %dma_start3A_75] : memref<80x128xf32, #tpu.memory_space<hbm>> -> memref<80x128xf32, #tpu.memory_space<hbm>>
      tpu.enqueue_dma source(%dma_start3A_76 : memref<80x128xf32, #tpu.memory_space<hbm>>) target(%dma_start3A_73 : memref<80x128xf32, #tpu.memory_space<vmem_shared>>) target_semaphore(%run_scoped3A : memref<!tpu.dma_semaphore, #tpu.memory_space<semaphore_mem>>)
      %dma_wait3A = arith.constant 0 : i32
      %dma_wait3A_77 = tpu.memref_slice %arg11[%add3A_18, %dma_wait3A] : memref<10112x128xf32, #tpu.memory_space<vmem_shared>> -> memref<80x128xf32, #tpu.memory_space<vmem_shared>>
      %dma_wait3A_78 = arith.constant 0 : i32
      %dma_wait3A_79 = arith.constant 0 : i32
      %dma_wait3A_80 = tpu.memref_slice %arg5[%dma_wait3A_78, %dma_wait3A_79] : memref<80x128xf32, #tpu.memory_space<hbm>> -> memref<80x128xf32, #tpu.memory_space<hbm>>
      tpu.wait_dma2 semaphore(%run_scoped3A : memref<!tpu.dma_semaphore, #tpu.memory_space<semaphore_mem>>) src(%dma_wait3A_80 : memref<80x128xf32, #tpu.memory_space<hbm>>) dst(%dma_wait3A_77 : memref<80x128xf32, #tpu.memory_space<vmem_shared>>)
      tpu.yield
    }) : () -> ()
    %add3A_19 = arith.constant 320 : i32
    %add3A_20 = arith.addi %mul3A_2, %add3A_19 : i32
    %add3A_21 = arith.constant 320 : i32
    %add3A_22 = arith.addi %mul3A_2, %add3A_21 : i32
    "tpu.region"() ({
      %run_scoped3A = tpu.sem_alloc : memref<!tpu.dma_semaphore, #tpu.memory_space<semaphore_mem>>
      %dma_start3A = arith.constant 0 : i32
      %dma_start3A_73 = tpu.memref_slice %arg11[%add3A_22, %dma_start3A] : memref<10112x128xf32, #tpu.memory_space<vmem_shared>> -> memref<80x128xf32, #tpu.memory_space<vmem_shared>>
      %dma_start3A_74 = arith.constant 0 : i32
      %dma_start3A_75 = arith.constant 0 : i32
      %dma_start3A_76 = tpu.memref_slice %arg5[%dma_start3A_74, %dma_start3A_75] : memref<80x128xf32, #tpu.memory_space<hbm>> -> memref<80x128xf32, #tpu.memory_space<hbm>>
      tpu.enqueue_dma source(%dma_start3A_76 : memref<80x128xf32, #tpu.memory_space<hbm>>) target(%dma_start3A_73 : memref<80x128xf32, #tpu.memory_space<vmem_shared>>) target_semaphore(%run_scoped3A : memref<!tpu.dma_semaphore, #tpu.memory_space<semaphore_mem>>)
      %dma_wait3A = arith.constant 0 : i32
      %dma_wait3A_77 = tpu.memref_slice %arg11[%add3A_22, %dma_wait3A] : memref<10112x128xf32, #tpu.memory_space<vmem_shared>> -> memref<80x128xf32, #tpu.memory_space<vmem_shared>>
      %dma_wait3A_78 = arith.constant 0 : i32
      %dma_wait3A_79 = arith.constant 0 : i32
      %dma_wait3A_80 = tpu.memref_slice %arg5[%dma_wait3A_78, %dma_wait3A_79] : memref<80x128xf32, #tpu.memory_space<hbm>> -> memref<80x128xf32, #tpu.memory_space<hbm>>
      tpu.wait_dma2 semaphore(%run_scoped3A : memref<!tpu.dma_semaphore, #tpu.memory_space<semaphore_mem>>) src(%dma_wait3A_80 : memref<80x128xf32, #tpu.memory_space<hbm>>) dst(%dma_wait3A_77 : memref<80x128xf32, #tpu.memory_space<vmem_shared>>)
      tpu.yield
    }) : () -> ()
    %add3A_23 = arith.constant 400 : i32
    %add3A_24 = arith.addi %mul3A_2, %add3A_23 : i32
    %add3A_25 = arith.constant 400 : i32
    %add3A_26 = arith.addi %mul3A_2, %add3A_25 : i32
    "tpu.region"() ({
      %run_scoped3A = tpu.sem_alloc : memref<!tpu.dma_semaphore, #tpu.memory_space<semaphore_mem>>
      %dma_start3A = arith.constant 0 : i32
      %dma_start3A_73 = tpu.memref_slice %arg11[%add3A_26, %dma_start3A] : memref<10112x128xf32, #tpu.memory_space<vmem_shared>> -> memref<80x128xf32, #tpu.memory_space<vmem_shared>>
      %dma_start3A_74 = arith.constant 0 : i32
      %dma_start3A_75 = arith.constant 0 : i32
      %dma_start3A_76 = tpu.memref_slice %arg5[%dma_start3A_74, %dma_start3A_75] : memref<80x128xf32, #tpu.memory_space<hbm>> -> memref<80x128xf32, #tpu.memory_space<hbm>>
      tpu.enqueue_dma source(%dma_start3A_76 : memref<80x128xf32, #tpu.memory_space<hbm>>) target(%dma_start3A_73 : memref<80x128xf32, #tpu.memory_space<vmem_shared>>) target_semaphore(%run_scoped3A : memref<!tpu.dma_semaphore, #tpu.memory_space<semaphore_mem>>)
      %dma_wait3A = arith.constant 0 : i32
      %dma_wait3A_77 = tpu.memref_slice %arg11[%add3A_26, %dma_wait3A] : memref<10112x128xf32, #tpu.memory_space<vmem_shared>> -> memref<80x128xf32, #tpu.memory_space<vmem_shared>>
      %dma_wait3A_78 = arith.constant 0 : i32
      %dma_wait3A_79 = arith.constant 0 : i32
      %dma_wait3A_80 = tpu.memref_slice %arg5[%dma_wait3A_78, %dma_wait3A_79] : memref<80x128xf32, #tpu.memory_space<hbm>> -> memref<80x128xf32, #tpu.memory_space<hbm>>
      tpu.wait_dma2 semaphore(%run_scoped3A : memref<!tpu.dma_semaphore, #tpu.memory_space<semaphore_mem>>) src(%dma_wait3A_80 : memref<80x128xf32, #tpu.memory_space<hbm>>) dst(%dma_wait3A_77 : memref<80x128xf32, #tpu.memory_space<vmem_shared>>)
      tpu.yield
    }) : () -> ()
    %add3A_27 = arith.constant 480 : i32
    %add3A_28 = arith.addi %mul3A_2, %add3A_27 : i32
    %add3A_29 = arith.constant 480 : i32
    %add3A_30 = arith.addi %mul3A_2, %add3A_29 : i32
    "tpu.region"() ({
      %run_scoped3A = tpu.sem_alloc : memref<!tpu.dma_semaphore, #tpu.memory_space<semaphore_mem>>
      %dma_start3A = arith.constant 0 : i32
      %dma_start3A_73 = tpu.memref_slice %arg11[%add3A_30, %dma_start3A] : memref<10112x128xf32, #tpu.memory_space<vmem_shared>> -> memref<80x128xf32, #tpu.memory_space<vmem_shared>>
      %dma_start3A_74 = arith.constant 0 : i32
      %dma_start3A_75 = arith.constant 0 : i32
      %dma_start3A_76 = tpu.memref_slice %arg5[%dma_start3A_74, %dma_start3A_75] : memref<80x128xf32, #tpu.memory_space<hbm>> -> memref<80x128xf32, #tpu.memory_space<hbm>>
      tpu.enqueue_dma source(%dma_start3A_76 : memref<80x128xf32, #tpu.memory_space<hbm>>) target(%dma_start3A_73 : memref<80x128xf32, #tpu.memory_space<vmem_shared>>) target_semaphore(%run_scoped3A : memref<!tpu.dma_semaphore, #tpu.memory_space<semaphore_mem>>)
      %dma_wait3A = arith.constant 0 : i32
      %dma_wait3A_77 = tpu.memref_slice %arg11[%add3A_30, %dma_wait3A] : memref<10112x128xf32, #tpu.memory_space<vmem_shared>> -> memref<80x128xf32, #tpu.memory_space<vmem_shared>>
      %dma_wait3A_78 = arith.constant 0 : i32
      %dma_wait3A_79 = arith.constant 0 : i32
      %dma_wait3A_80 = tpu.memref_slice %arg5[%dma_wait3A_78, %dma_wait3A_79] : memref<80x128xf32, #tpu.memory_space<hbm>> -> memref<80x128xf32, #tpu.memory_space<hbm>>
      tpu.wait_dma2 semaphore(%run_scoped3A : memref<!tpu.dma_semaphore, #tpu.memory_space<semaphore_mem>>) src(%dma_wait3A_80 : memref<80x128xf32, #tpu.memory_space<hbm>>) dst(%dma_wait3A_77 : memref<80x128xf32, #tpu.memory_space<vmem_shared>>)
      tpu.yield
    }) : () -> ()
    %add3A_31 = arith.constant 560 : i32
    %add3A_32 = arith.addi %mul3A_2, %add3A_31 : i32
    %add3A_33 = arith.constant 560 : i32
    %add3A_34 = arith.addi %mul3A_2, %add3A_33 : i32
    "tpu.region"() ({
      %run_scoped3A = tpu.sem_alloc : memref<!tpu.dma_semaphore, #tpu.memory_space<semaphore_mem>>
      %dma_start3A = arith.constant 0 : i32
      %dma_start3A_73 = tpu.memref_slice %arg11[%add3A_34, %dma_start3A] : memref<10112x128xf32, #tpu.memory_space<vmem_shared>> -> memref<72x128xf32, #tpu.memory_space<vmem_shared>>
      %dma_start3A_74 = arith.constant 0 : i32
      %dma_start3A_75 = arith.constant 0 : i32
      %dma_start3A_76 = tpu.memref_slice %arg5[%dma_start3A_74, %dma_start3A_75] : memref<80x128xf32, #tpu.memory_space<hbm>> -> memref<72x128xf32, #tpu.memory_space<hbm>>
      tpu.enqueue_dma source(%dma_start3A_76 : memref<72x128xf32, #tpu.memory_space<hbm>>) target(%dma_start3A_73 : memref<72x128xf32, #tpu.memory_space<vmem_shared>>) target_semaphore(%run_scoped3A : memref<!tpu.dma_semaphore, #tpu.memory_space<semaphore_mem>>)
      %dma_wait3A = arith.constant 0 : i32
      %dma_wait3A_77 = tpu.memref_slice %arg11[%add3A_34, %dma_wait3A] : memref<10112x128xf32, #tpu.memory_space<vmem_shared>> -> memref<72x128xf32, #tpu.memory_space<vmem_shared>>
      %dma_wait3A_78 = arith.constant 0 : i32
      %dma_wait3A_79 = arith.constant 0 : i32
      %dma_wait3A_80 = tpu.memref_slice %arg5[%dma_wait3A_78, %dma_wait3A_79] : memref<80x128xf32, #tpu.memory_space<hbm>> -> memref<72x128xf32, #tpu.memory_space<hbm>>
      tpu.wait_dma2 semaphore(%run_scoped3A : memref<!tpu.dma_semaphore, #tpu.memory_space<semaphore_mem>>) src(%dma_wait3A_80 : memref<72x128xf32, #tpu.memory_space<hbm>>) dst(%dma_wait3A_77 : memref<72x128xf32, #tpu.memory_space<vmem_shared>>)
      tpu.yield
    }) : () -> ()
    %barrier3A = arith.constant 0 : index
    tpu.barrier barrier_id(%barrier3A)
    %scan3A = arith.constant 0 : i32
    %scan3A_35 = arith.constant 0 : i32
    %scan3A_36 = arith.constant 16 : i32
    %scan3A_37 = arith.addi %scan3A_35, %scan3A_36 : i32
    %scan3A_38 = arith.constant 1 : i32
    scf.for %scan3A_73 = %scan3A_35 to %scan3A_37 step %scan3A_38  : i32 {
      %mul3A_74 = arith.constant 8 : i32
      %mul3A_75 = arith.muli %scan3A_73, %mul3A_74 : i32
      "tpu.region"() ({
        %run_scoped3A = tpu.sem_alloc : memref<!tpu.dma_semaphore, #tpu.memory_space<semaphore_mem>>
        %dma_start3A_300 = arith.constant 0 : i32
        %dma_start3A_301 = tpu.memref_slice %arg3[%add3A, %mul3A_75, %dma_start3A_300] : memref<32x128x80xi32, #tpu.memory_space<hbm>> -> memref<1x8x80xi32, #tpu.memory_space<hbm>>
        %dma_start3A_302 = tpu.memref_squeeze %dma_start3A_301 : memref<1x8x80xi32, #tpu.memory_space<hbm>> -> memref<8x80xi32, #tpu.memory_space<hbm>>
        %dma_start3A_303 = arith.constant 0 : i32
        %dma_start3A_304 = tpu.memref_slice %arg3[%add3A, %mul3A_75, %dma_start3A_303] : memref<32x128x80xi32, #tpu.memory_space<hbm>> -> memref<1x8x80xi32, #tpu.memory_space<hbm>>
        %dma_start3A_305 = tpu.memref_squeeze %dma_start3A_304 : memref<1x8x80xi32, #tpu.memory_space<hbm>> -> memref<8x80xi32, #tpu.memory_space<hbm>>
        tpu.enqueue_dma source(%dma_start3A_305 : memref<8x80xi32, #tpu.memory_space<hbm>>) target(%arg7 : memref<8x80xi32, #tpu.memory_space<vmem>>) target_semaphore(%run_scoped3A : memref<!tpu.dma_semaphore, #tpu.memory_space<semaphore_mem>>)
        %dma_wait3A_306 = arith.constant 0 : i32
        %dma_wait3A_307 = tpu.memref_slice %arg3[%add3A, %mul3A_75, %dma_wait3A_306] : memref<32x128x80xi32, #tpu.memory_space<hbm>> -> memref<1x8x80xi32, #tpu.memory_space<hbm>>
        %dma_wait3A_308 = tpu.memref_squeeze %dma_wait3A_307 : memref<1x8x80xi32, #tpu.memory_space<hbm>> -> memref<8x80xi32, #tpu.memory_space<hbm>>
        %dma_wait3A_309 = arith.constant 0 : i32
        %dma_wait3A_310 = tpu.memref_slice %arg3[%add3A, %mul3A_75, %dma_wait3A_309] : memref<32x128x80xi32, #tpu.memory_space<hbm>> -> memref<1x8x80xi32, #tpu.memory_space<hbm>>
        %dma_wait3A_311 = tpu.memref_squeeze %dma_wait3A_310 : memref<1x8x80xi32, #tpu.memory_space<hbm>> -> memref<8x80xi32, #tpu.memory_space<hbm>>
        tpu.wait_dma2 semaphore(%run_scoped3A : memref<!tpu.dma_semaphore, #tpu.memory_space<semaphore_mem>>) src(%dma_wait3A_311 : memref<8x80xi32, #tpu.memory_space<hbm>>) dst(%arg7 : memref<8x80xi32, #tpu.memory_space<vmem>>)
        tpu.yield
      }) : () -> ()
      %mul3A_76 = arith.constant 8 : i32
      %mul3A_77 = arith.muli %scan3A_73, %mul3A_76 : i32
      "tpu.region"() ({
        %run_scoped3A = tpu.sem_alloc : memref<!tpu.dma_semaphore, #tpu.memory_space<semaphore_mem>>
        %dma_start3A_300 = arith.constant 0 : i32
        %dma_start3A_301 = tpu.memref_slice %arg4[%add3A, %mul3A_77, %dma_start3A_300] : memref<32x128x80xi32, #tpu.memory_space<hbm>> -> memref<1x8x80xi32, #tpu.memory_space<hbm>>
        %dma_start3A_302 = tpu.memref_squeeze %dma_start3A_301 : memref<1x8x80xi32, #tpu.memory_space<hbm>> -> memref<8x80xi32, #tpu.memory_space<hbm>>
        %dma_start3A_303 = arith.constant 0 : i32
        %dma_start3A_304 = tpu.memref_slice %arg4[%add3A, %mul3A_77, %dma_start3A_303] : memref<32x128x80xi32, #tpu.memory_space<hbm>> -> memref<1x8x80xi32, #tpu.memory_space<hbm>>
        %dma_start3A_305 = tpu.memref_squeeze %dma_start3A_304 : memref<1x8x80xi32, #tpu.memory_space<hbm>> -> memref<8x80xi32, #tpu.memory_space<hbm>>
        tpu.enqueue_dma source(%dma_start3A_305 : memref<8x80xi32, #tpu.memory_space<hbm>>) target(%arg8 : memref<8x80xi32, #tpu.memory_space<vmem>>) target_semaphore(%run_scoped3A : memref<!tpu.dma_semaphore, #tpu.memory_space<semaphore_mem>>)
        %dma_wait3A_306 = arith.constant 0 : i32
        %dma_wait3A_307 = tpu.memref_slice %arg4[%add3A, %mul3A_77, %dma_wait3A_306] : memref<32x128x80xi32, #tpu.memory_space<hbm>> -> memref<1x8x80xi32, #tpu.memory_space<hbm>>
        %dma_wait3A_308 = tpu.memref_squeeze %dma_wait3A_307 : memref<1x8x80xi32, #tpu.memory_space<hbm>> -> memref<8x80xi32, #tpu.memory_space<hbm>>
        %dma_wait3A_309 = arith.constant 0 : i32
        %dma_wait3A_310 = tpu.memref_slice %arg4[%add3A, %mul3A_77, %dma_wait3A_309] : memref<32x128x80xi32, #tpu.memory_space<hbm>> -> memref<1x8x80xi32, #tpu.memory_space<hbm>>
        %dma_wait3A_311 = tpu.memref_squeeze %dma_wait3A_310 : memref<1x8x80xi32, #tpu.memory_space<hbm>> -> memref<8x80xi32, #tpu.memory_space<hbm>>
        tpu.wait_dma2 semaphore(%run_scoped3A : memref<!tpu.dma_semaphore, #tpu.memory_space<semaphore_mem>>) src(%dma_wait3A_311 : memref<8x80xi32, #tpu.memory_space<hbm>>) dst(%arg8 : memref<8x80xi32, #tpu.memory_space<vmem>>)
        tpu.yield
      }) : () -> ()
      %dma_start3A = arith.constant 0 : i32
      %dma_start3A_78 = arith.constant 0 : i32
      %dma_start3A_79 = tpu.memref_slice %arg7[%dma_start3A, %dma_start3A_78] : memref<8x80xi32, #tpu.memory_space<vmem>> -> memref<1x80xi32, #tpu.memory_space<vmem>>
      %dma_start3A_80 = tpu.memref_squeeze %dma_start3A_79 : memref<1x80xi32, #tpu.memory_space<vmem>> -> memref<80xi32, #tpu.memory_space<vmem>>
      %dma_start3A_81 = arith.constant 0 : i32
      %dma_start3A_82 = arith.constant 0 : i32
      %dma_start3A_83 = tpu.memref_slice %arg2[%dma_start3A_81, %dma_start3A_82] : memref<10112x128xf32, #tpu.memory_space<hbm>> -> memref<10112x128xf32, #tpu.memory_space<hbm>>
      tpu.enqueue_indirect_dma source(%dma_start3A_83 : memref<10112x128xf32, #tpu.memory_space<hbm>>) target(%arg9 : memref<80x128xf32, #tpu.memory_space<vmem>>) offsets(%dma_start3A_80 : memref<80xi32, #tpu.memory_space<vmem>>) semaphore(%arg12 : memref<!tpu.dma_semaphore, #tpu.memory_space<semaphore_mem>>)
      %dma_start3A_84 = arith.constant 1 : i32
      %dma_start3A_85 = arith.constant 0 : i32
      %dma_start3A_86 = tpu.memref_slice %arg7[%dma_start3A_84, %dma_start3A_85] : memref<8x80xi32, #tpu.memory_space<vmem>> -> memref<1x80xi32, #tpu.memory_space<vmem>>
      %dma_start3A_87 = tpu.memref_squeeze %dma_start3A_86 : memref<1x80xi32, #tpu.memory_space<vmem>> -> memref<80xi32, #tpu.memory_space<vmem>>
      %dma_start3A_88 = arith.constant 0 : i32
      %dma_start3A_89 = arith.constant 0 : i32
      %dma_start3A_90 = tpu.memref_slice %arg2[%dma_start3A_88, %dma_start3A_89] : memref<10112x128xf32, #tpu.memory_space<hbm>> -> memref<10112x128xf32, #tpu.memory_space<hbm>>
      tpu.enqueue_indirect_dma source(%dma_start3A_90 : memref<10112x128xf32, #tpu.memory_space<hbm>>) target(%arg10 : memref<80x128xf32, #tpu.memory_space<vmem>>) offsets(%dma_start3A_87 : memref<80xi32, #tpu.memory_space<vmem>>) semaphore(%arg12 : memref<!tpu.dma_semaphore, #tpu.memory_space<semaphore_mem>>)
      %dma_wait3A = arith.constant 0 : i32
      %dma_wait3A_91 = arith.constant 0 : i32
      %dma_wait3A_92 = tpu.memref_slice %arg7[%dma_wait3A, %dma_wait3A_91] : memref<8x80xi32, #tpu.memory_space<vmem>> -> memref<1x80xi32, #tpu.memory_space<vmem>>
      %dma_wait3A_93 = tpu.memref_squeeze %dma_wait3A_92 : memref<1x80xi32, #tpu.memory_space<vmem>> -> memref<80xi32, #tpu.memory_space<vmem>>
      %dma_wait3A_94 = arith.constant 0 : i32
      %dma_wait3A_95 = arith.constant 0 : i32
      %dma_wait3A_96 = tpu.memref_slice %arg2[%dma_wait3A_94, %dma_wait3A_95] : memref<10112x128xf32, #tpu.memory_space<hbm>> -> memref<10112x128xf32, #tpu.memory_space<hbm>>
      tpu.wait_indirect_dma semaphore(%arg12 : memref<!tpu.dma_semaphore, #tpu.memory_space<semaphore_mem>>) src(%dma_wait3A_96 : memref<10112x128xf32, #tpu.memory_space<hbm>>) dst(%arg9 : memref<80x128xf32, #tpu.memory_space<vmem>>)
      %dma_start3A_97 = arith.constant 0 : i32
      %dma_start3A_98 = arith.constant 0 : i32
      %dma_start3A_99 = tpu.memref_slice %arg8[%dma_start3A_97, %dma_start3A_98] : memref<8x80xi32, #tpu.memory_space<vmem>> -> memref<1x80xi32, #tpu.memory_space<vmem>>
      %dma_start3A_100 = tpu.memref_squeeze %dma_start3A_99 : memref<1x80xi32, #tpu.memory_space<vmem>> -> memref<80xi32, #tpu.memory_space<vmem>>
      %dma_start3A_101 = arith.constant 0 : i32
      %dma_start3A_102 = arith.constant 0 : i32
      %dma_start3A_103 = tpu.memref_slice %arg11[%dma_start3A_101, %dma_start3A_102] : memref<10112x128xf32, #tpu.memory_space<vmem_shared>> -> memref<10112x128xf32, #tpu.memory_space<vmem_shared>>
      tpu.enqueue_indirect_dma source(%arg9 : memref<80x128xf32, #tpu.memory_space<vmem>>) target(%dma_start3A_103 : memref<10112x128xf32, #tpu.memory_space<vmem_shared>>) offsets(%dma_start3A_100 : memref<80xi32, #tpu.memory_space<vmem>>) semaphore(%arg13 : memref<!tpu.dma_semaphore, #tpu.memory_space<semaphore_mem>>) {add = true}
      %dma_wait3A_104 = arith.constant 0 : i32
      %dma_wait3A_105 = arith.constant 0 : i32
      %dma_wait3A_106 = tpu.memref_slice %arg8[%dma_wait3A_104, %dma_wait3A_105] : memref<8x80xi32, #tpu.memory_space<vmem>> -> memref<1x80xi32, #tpu.memory_space<vmem>>
      %dma_wait3A_107 = tpu.memref_squeeze %dma_wait3A_106 : memref<1x80xi32, #tpu.memory_space<vmem>> -> memref<80xi32, #tpu.memory_space<vmem>>
      %dma_wait3A_108 = arith.constant 0 : i32
      %dma_wait3A_109 = arith.constant 0 : i32
      %dma_wait3A_110 = tpu.memref_slice %arg11[%dma_wait3A_108, %dma_wait3A_109] : memref<10112x128xf32, #tpu.memory_space<vmem_shared>> -> memref<10112x128xf32, #tpu.memory_space<vmem_shared>>
      tpu.wait_indirect_dma semaphore(%arg13 : memref<!tpu.dma_semaphore, #tpu.memory_space<semaphore_mem>>) src(%arg9 : memref<80x128xf32, #tpu.memory_space<vmem>>) dst(%dma_wait3A_110 : memref<10112x128xf32, #tpu.memory_space<vmem_shared>>)
      %dma_start3A_111 = arith.constant 2 : i32
      %dma_start3A_112 = arith.constant 0 : i32
      %dma_start3A_113 = tpu.memref_slice %arg7[%dma_start3A_111, %dma_start3A_112] : memref<8x80xi32, #tpu.memory_space<vmem>> -> memref<1x80xi32, #tpu.memory_space<vmem>>
      %dma_start3A_114 = tpu.memref_squeeze %dma_start3A_113 : memref<1x80xi32, #tpu.memory_space<vmem>> -> memref<80xi32, #tpu.memory_space<vmem>>
      %dma_start3A_115 = arith.constant 0 : i32
      %dma_start3A_116 = arith.constant 0 : i32
      %dma_start3A_117 = tpu.memref_slice %arg2[%dma_start3A_115, %dma_start3A_116] : memref<10112x128xf32, #tpu.memory_space<hbm>> -> memref<10112x128xf32, #tpu.memory_space<hbm>>
      tpu.enqueue_indirect_dma source(%dma_start3A_117 : memref<10112x128xf32, #tpu.memory_space<hbm>>) target(%arg9 : memref<80x128xf32, #tpu.memory_space<vmem>>) offsets(%dma_start3A_114 : memref<80xi32, #tpu.memory_space<vmem>>) semaphore(%arg12 : memref<!tpu.dma_semaphore, #tpu.memory_space<semaphore_mem>>)
      %dma_wait3A_118 = arith.constant 1 : i32
      %dma_wait3A_119 = arith.constant 0 : i32
      %dma_wait3A_120 = tpu.memref_slice %arg7[%dma_wait3A_118, %dma_wait3A_119] : memref<8x80xi32, #tpu.memory_space<vmem>> -> memref<1x80xi32, #tpu.memory_space<vmem>>
      %dma_wait3A_121 = tpu.memref_squeeze %dma_wait3A_120 : memref<1x80xi32, #tpu.memory_space<vmem>> -> memref<80xi32, #tpu.memory_space<vmem>>
      %dma_wait3A_122 = arith.constant 0 : i32
      %dma_wait3A_123 = arith.constant 0 : i32
      %dma_wait3A_124 = tpu.memref_slice %arg2[%dma_wait3A_122, %dma_wait3A_123] : memref<10112x128xf32, #tpu.memory_space<hbm>> -> memref<10112x128xf32, #tpu.memory_space<hbm>>
      tpu.wait_indirect_dma semaphore(%arg12 : memref<!tpu.dma_semaphore, #tpu.memory_space<semaphore_mem>>) src(%dma_wait3A_124 : memref<10112x128xf32, #tpu.memory_space<hbm>>) dst(%arg10 : memref<80x128xf32, #tpu.memory_space<vmem>>)
      %dma_start3A_125 = arith.constant 1 : i32
      %dma_start3A_126 = arith.constant 0 : i32
      %dma_start3A_127 = tpu.memref_slice %arg8[%dma_start3A_125, %dma_start3A_126] : memref<8x80xi32, #tpu.memory_space<vmem>> -> memref<1x80xi32, #tpu.memory_space<vmem>>
      %dma_start3A_128 = tpu.memref_squeeze %dma_start3A_127 : memref<1x80xi32, #tpu.memory_space<vmem>> -> memref<80xi32, #tpu.memory_space<vmem>>
      %dma_start3A_129 = arith.constant 0 : i32
      %dma_start3A_130 = arith.constant 0 : i32
      %dma_start3A_131 = tpu.memref_slice %arg11[%dma_start3A_129, %dma_start3A_130] : memref<10112x128xf32, #tpu.memory_space<vmem_shared>> -> memref<10112x128xf32, #tpu.memory_space<vmem_shared>>
      tpu.enqueue_indirect_dma source(%arg10 : memref<80x128xf32, #tpu.memory_space<vmem>>) target(%dma_start3A_131 : memref<10112x128xf32, #tpu.memory_space<vmem_shared>>) offsets(%dma_start3A_128 : memref<80xi32, #tpu.memory_space<vmem>>) semaphore(%arg13 : memref<!tpu.dma_semaphore, #tpu.memory_space<semaphore_mem>>) {add = true}
      %dma_wait3A_132 = arith.constant 1 : i32
      %dma_wait3A_133 = arith.constant 0 : i32
      %dma_wait3A_134 = tpu.memref_slice %arg8[%dma_wait3A_132, %dma_wait3A_133] : memref<8x80xi32, #tpu.memory_space<vmem>> -> memref<1x80xi32, #tpu.memory_space<vmem>>
      %dma_wait3A_135 = tpu.memref_squeeze %dma_wait3A_134 : memref<1x80xi32, #tpu.memory_space<vmem>> -> memref<80xi32, #tpu.memory_space<vmem>>
      %dma_wait3A_136 = arith.constant 0 : i32
      %dma_wait3A_137 = arith.constant 0 : i32
      %dma_wait3A_138 = tpu.memref_slice %arg11[%dma_wait3A_136, %dma_wait3A_137] : memref<10112x128xf32, #tpu.memory_space<vmem_shared>> -> memref<10112x128xf32, #tpu.memory_space<vmem_shared>>
      tpu.wait_indirect_dma semaphore(%arg13 : memref<!tpu.dma_semaphore, #tpu.memory_space<semaphore_mem>>) src(%arg10 : memref<80x128xf32, #tpu.memory_space<vmem>>) dst(%dma_wait3A_138 : memref<10112x128xf32, #tpu.memory_space<vmem_shared>>)
      %dma_start3A_139 = arith.constant 3 : i32
      %dma_start3A_140 = arith.constant 0 : i32
      %dma_start3A_141 = tpu.memref_slice %arg7[%dma_start3A_139, %dma_start3A_140] : memref<8x80xi32, #tpu.memory_space<vmem>> -> memref<1x80xi32, #tpu.memory_space<vmem>>
      %dma_start3A_142 = tpu.memref_squeeze %dma_start3A_141 : memref<1x80xi32, #tpu.memory_space<vmem>> -> memref<80xi32, #tpu.memory_space<vmem>>
      %dma_start3A_143 = arith.constant 0 : i32
      %dma_start3A_144 = arith.constant 0 : i32
      %dma_start3A_145 = tpu.memref_slice %arg2[%dma_start3A_143, %dma_start3A_144] : memref<10112x128xf32, #tpu.memory_space<hbm>> -> memref<10112x128xf32, #tpu.memory_space<hbm>>
      tpu.enqueue_indirect_dma source(%dma_start3A_145 : memref<10112x128xf32, #tpu.memory_space<hbm>>) target(%arg10 : memref<80x128xf32, #tpu.memory_space<vmem>>) offsets(%dma_start3A_142 : memref<80xi32, #tpu.memory_space<vmem>>) semaphore(%arg12 : memref<!tpu.dma_semaphore, #tpu.memory_space<semaphore_mem>>)
      %dma_wait3A_146 = arith.constant 2 : i32
      %dma_wait3A_147 = arith.constant 0 : i32
      %dma_wait3A_148 = tpu.memref_slice %arg7[%dma_wait3A_146, %dma_wait3A_147] : memref<8x80xi32, #tpu.memory_space<vmem>> -> memref<1x80xi32, #tpu.memory_space<vmem>>
      %dma_wait3A_149 = tpu.memref_squeeze %dma_wait3A_148 : memref<1x80xi32, #tpu.memory_space<vmem>> -> memref<80xi32, #tpu.memory_space<vmem>>
      %dma_wait3A_150 = arith.constant 0 : i32
      %dma_wait3A_151 = arith.constant 0 : i32
      %dma_wait3A_152 = tpu.memref_slice %arg2[%dma_wait3A_150, %dma_wait3A_151] : memref<10112x128xf32, #tpu.memory_space<hbm>> -> memref<10112x128xf32, #tpu.memory_space<hbm>>
      tpu.wait_indirect_dma semaphore(%arg12 : memref<!tpu.dma_semaphore, #tpu.memory_space<semaphore_mem>>) src(%dma_wait3A_152 : memref<10112x128xf32, #tpu.memory_space<hbm>>) dst(%arg9 : memref<80x128xf32, #tpu.memory_space<vmem>>)
      %dma_start3A_153 = arith.constant 2 : i32
      %dma_start3A_154 = arith.constant 0 : i32
      %dma_start3A_155 = tpu.memref_slice %arg8[%dma_start3A_153, %dma_start3A_154] : memref<8x80xi32, #tpu.memory_space<vmem>> -> memref<1x80xi32, #tpu.memory_space<vmem>>
      %dma_start3A_156 = tpu.memref_squeeze %dma_start3A_155 : memref<1x80xi32, #tpu.memory_space<vmem>> -> memref<80xi32, #tpu.memory_space<vmem>>
      %dma_start3A_157 = arith.constant 0 : i32
      %dma_start3A_158 = arith.constant 0 : i32
      %dma_start3A_159 = tpu.memref_slice %arg11[%dma_start3A_157, %dma_start3A_158] : memref<10112x128xf32, #tpu.memory_space<vmem_shared>> -> memref<10112x128xf32, #tpu.memory_space<vmem_shared>>
      tpu.enqueue_indirect_dma source(%arg9 : memref<80x128xf32, #tpu.memory_space<vmem>>) target(%dma_start3A_159 : memref<10112x128xf32, #tpu.memory_space<vmem_shared>>) offsets(%dma_start3A_156 : memref<80xi32, #tpu.memory_space<vmem>>) semaphore(%arg13 : memref<!tpu.dma_semaphore, #tpu.memory_space<semaphore_mem>>) {add = true}
      %dma_wait3A_160 = arith.constant 2 : i32
      %dma_wait3A_161 = arith.constant 0 : i32
      %dma_wait3A_162 = tpu.memref_slice %arg8[%dma_wait3A_160, %dma_wait3A_161] : memref<8x80xi32, #tpu.memory_space<vmem>> -> memref<1x80xi32, #tpu.memory_space<vmem>>
      %dma_wait3A_163 = tpu.memref_squeeze %dma_wait3A_162 : memref<1x80xi32, #tpu.memory_space<vmem>> -> memref<80xi32, #tpu.memory_space<vmem>>
      %dma_wait3A_164 = arith.constant 0 : i32
      %dma_wait3A_165 = arith.constant 0 : i32
      %dma_wait3A_166 = tpu.memref_slice %arg11[%dma_wait3A_164, %dma_wait3A_165] : memref<10112x128xf32, #tpu.memory_space<vmem_shared>> -> memref<10112x128xf32, #tpu.memory_space<vmem_shared>>
      tpu.wait_indirect_dma semaphore(%arg13 : memref<!tpu.dma_semaphore, #tpu.memory_space<semaphore_mem>>) src(%arg9 : memref<80x128xf32, #tpu.memory_space<vmem>>) dst(%dma_wait3A_166 : memref<10112x128xf32, #tpu.memory_space<vmem_shared>>)
      %dma_start3A_167 = arith.constant 4 : i32
      %dma_start3A_168 = arith.constant 0 : i32
      %dma_start3A_169 = tpu.memref_slice %arg7[%dma_start3A_167, %dma_start3A_168] : memref<8x80xi32, #tpu.memory_space<vmem>> -> memref<1x80xi32, #tpu.memory_space<vmem>>
      %dma_start3A_170 = tpu.memref_squeeze %dma_start3A_169 : memref<1x80xi32, #tpu.memory_space<vmem>> -> memref<80xi32, #tpu.memory_space<vmem>>
      %dma_start3A_171 = arith.constant 0 : i32
      %dma_start3A_172 = arith.constant 0 : i32
      %dma_start3A_173 = tpu.memref_slice %arg2[%dma_start3A_171, %dma_start3A_172] : memref<10112x128xf32, #tpu.memory_space<hbm>> -> memref<10112x128xf32, #tpu.memory_space<hbm>>
      tpu.enqueue_indirect_dma source(%dma_start3A_173 : memref<10112x128xf32, #tpu.memory_space<hbm>>) target(%arg9 : memref<80x128xf32, #tpu.memory_space<vmem>>) offsets(%dma_start3A_170 : memref<80xi32, #tpu.memory_space<vmem>>) semaphore(%arg12 : memref<!tpu.dma_semaphore, #tpu.memory_space<semaphore_mem>>)
      %dma_wait3A_174 = arith.constant 3 : i32
      %dma_wait3A_175 = arith.constant 0 : i32
      %dma_wait3A_176 = tpu.memref_slice %arg7[%dma_wait3A_174, %dma_wait3A_175] : memref<8x80xi32, #tpu.memory_space<vmem>> -> memref<1x80xi32, #tpu.memory_space<vmem>>
      %dma_wait3A_177 = tpu.memref_squeeze %dma_wait3A_176 : memref<1x80xi32, #tpu.memory_space<vmem>> -> memref<80xi32, #tpu.memory_space<vmem>>
      %dma_wait3A_178 = arith.constant 0 : i32
      %dma_wait3A_179 = arith.constant 0 : i32
      %dma_wait3A_180 = tpu.memref_slice %arg2[%dma_wait3A_178, %dma_wait3A_179] : memref<10112x128xf32, #tpu.memory_space<hbm>> -> memref<10112x128xf32, #tpu.memory_space<hbm>>
      tpu.wait_indirect_dma semaphore(%arg12 : memref<!tpu.dma_semaphore, #tpu.memory_space<semaphore_mem>>) src(%dma_wait3A_180 : memref<10112x128xf32, #tpu.memory_space<hbm>>) dst(%arg10 : memref<80x128xf32, #tpu.memory_space<vmem>>)
      %dma_start3A_181 = arith.constant 3 : i32
      %dma_start3A_182 = arith.constant 0 : i32
      %dma_start3A_183 = tpu.memref_slice %arg8[%dma_start3A_181, %dma_start3A_182] : memref<8x80xi32, #tpu.memory_space<vmem>> -> memref<1x80xi32, #tpu.memory_space<vmem>>
      %dma_start3A_184 = tpu.memref_squeeze %dma_start3A_183 : memref<1x80xi32, #tpu.memory_space<vmem>> -> memref<80xi32, #tpu.memory_space<vmem>>
      %dma_start3A_185 = arith.constant 0 : i32
      %dma_start3A_186 = arith.constant 0 : i32
      %dma_start3A_187 = tpu.memref_slice %arg11[%dma_start3A_185, %dma_start3A_186] : memref<10112x128xf32, #tpu.memory_space<vmem_shared>> -> memref<10112x128xf32, #tpu.memory_space<vmem_shared>>
      tpu.enqueue_indirect_dma source(%arg10 : memref<80x128xf32, #tpu.memory_space<vmem>>) target(%dma_start3A_187 : memref<10112x128xf32, #tpu.memory_space<vmem_shared>>) offsets(%dma_start3A_184 : memref<80xi32, #tpu.memory_space<vmem>>) semaphore(%arg13 : memref<!tpu.dma_semaphore, #tpu.memory_space<semaphore_mem>>) {add = true}
      %dma_wait3A_188 = arith.constant 3 : i32
      %dma_wait3A_189 = arith.constant 0 : i32
      %dma_wait3A_190 = tpu.memref_slice %arg8[%dma_wait3A_188, %dma_wait3A_189] : memref<8x80xi32, #tpu.memory_space<vmem>> -> memref<1x80xi32, #tpu.memory_space<vmem>>
      %dma_wait3A_191 = tpu.memref_squeeze %dma_wait3A_190 : memref<1x80xi32, #tpu.memory_space<vmem>> -> memref<80xi32, #tpu.memory_space<vmem>>
      %dma_wait3A_192 = arith.constant 0 : i32
      %dma_wait3A_193 = arith.constant 0 : i32
      %dma_wait3A_194 = tpu.memref_slice %arg11[%dma_wait3A_192, %dma_wait3A_193] : memref<10112x128xf32, #tpu.memory_space<vmem_shared>> -> memref<10112x128xf32, #tpu.memory_space<vmem_shared>>
      tpu.wait_indirect_dma semaphore(%arg13 : memref<!tpu.dma_semaphore, #tpu.memory_space<semaphore_mem>>) src(%arg10 : memref<80x128xf32, #tpu.memory_space<vmem>>) dst(%dma_wait3A_194 : memref<10112x128xf32, #tpu.memory_space<vmem_shared>>)
      %dma_start3A_195 = arith.constant 5 : i32
      %dma_start3A_196 = arith.constant 0 : i32
      %dma_start3A_197 = tpu.memref_slice %arg7[%dma_start3A_195, %dma_start3A_196] : memref<8x80xi32, #tpu.memory_space<vmem>> -> memref<1x80xi32, #tpu.memory_space<vmem>>
      %dma_start3A_198 = tpu.memref_squeeze %dma_start3A_197 : memref<1x80xi32, #tpu.memory_space<vmem>> -> memref<80xi32, #tpu.memory_space<vmem>>
      %dma_start3A_199 = arith.constant 0 : i32
      %dma_start3A_200 = arith.constant 0 : i32
      %dma_start3A_201 = tpu.memref_slice %arg2[%dma_start3A_199, %dma_start3A_200] : memref<10112x128xf32, #tpu.memory_space<hbm>> -> memref<10112x128xf32, #tpu.memory_space<hbm>>
      tpu.enqueue_indirect_dma source(%dma_start3A_201 : memref<10112x128xf32, #tpu.memory_space<hbm>>) target(%arg10 : memref<80x128xf32, #tpu.memory_space<vmem>>) offsets(%dma_start3A_198 : memref<80xi32, #tpu.memory_space<vmem>>) semaphore(%arg12 : memref<!tpu.dma_semaphore, #tpu.memory_space<semaphore_mem>>)
      %dma_wait3A_202 = arith.constant 4 : i32
      %dma_wait3A_203 = arith.constant 0 : i32
      %dma_wait3A_204 = tpu.memref_slice %arg7[%dma_wait3A_202, %dma_wait3A_203] : memref<8x80xi32, #tpu.memory_space<vmem>> -> memref<1x80xi32, #tpu.memory_space<vmem>>
      %dma_wait3A_205 = tpu.memref_squeeze %dma_wait3A_204 : memref<1x80xi32, #tpu.memory_space<vmem>> -> memref<80xi32, #tpu.memory_space<vmem>>
      %dma_wait3A_206 = arith.constant 0 : i32
      %dma_wait3A_207 = arith.constant 0 : i32
      %dma_wait3A_208 = tpu.memref_slice %arg2[%dma_wait3A_206, %dma_wait3A_207] : memref<10112x128xf32, #tpu.memory_space<hbm>> -> memref<10112x128xf32, #tpu.memory_space<hbm>>
      tpu.wait_indirect_dma semaphore(%arg12 : memref<!tpu.dma_semaphore, #tpu.memory_space<semaphore_mem>>) src(%dma_wait3A_208 : memref<10112x128xf32, #tpu.memory_space<hbm>>) dst(%arg9 : memref<80x128xf32, #tpu.memory_space<vmem>>)
      %dma_start3A_209 = arith.constant 4 : i32
      %dma_start3A_210 = arith.constant 0 : i32
      %dma_start3A_211 = tpu.memref_slice %arg8[%dma_start3A_209, %dma_start3A_210] : memref<8x80xi32, #tpu.memory_space<vmem>> -> memref<1x80xi32, #tpu.memory_space<vmem>>
      %dma_start3A_212 = tpu.memref_squeeze %dma_start3A_211 : memref<1x80xi32, #tpu.memory_space<vmem>> -> memref<80xi32, #tpu.memory_space<vmem>>
      %dma_start3A_213 = arith.constant 0 : i32
      %dma_start3A_214 = arith.constant 0 : i32
      %dma_start3A_215 = tpu.memref_slice %arg11[%dma_start3A_213, %dma_start3A_214] : memref<10112x128xf32, #tpu.memory_space<vmem_shared>> -> memref<10112x128xf32, #tpu.memory_space<vmem_shared>>
      tpu.enqueue_indirect_dma source(%arg9 : memref<80x128xf32, #tpu.memory_space<vmem>>) target(%dma_start3A_215 : memref<10112x128xf32, #tpu.memory_space<vmem_shared>>) offsets(%dma_start3A_212 : memref<80xi32, #tpu.memory_space<vmem>>) semaphore(%arg13 : memref<!tpu.dma_semaphore, #tpu.memory_space<semaphore_mem>>) {add = true}
      %dma_wait3A_216 = arith.constant 4 : i32
      %dma_wait3A_217 = arith.constant 0 : i32
      %dma_wait3A_218 = tpu.memref_slice %arg8[%dma_wait3A_216, %dma_wait3A_217] : memref<8x80xi32, #tpu.memory_space<vmem>> -> memref<1x80xi32, #tpu.memory_space<vmem>>
      %dma_wait3A_219 = tpu.memref_squeeze %dma_wait3A_218 : memref<1x80xi32, #tpu.memory_space<vmem>> -> memref<80xi32, #tpu.memory_space<vmem>>
      %dma_wait3A_220 = arith.constant 0 : i32
      %dma_wait3A_221 = arith.constant 0 : i32
      %dma_wait3A_222 = tpu.memref_slice %arg11[%dma_wait3A_220, %dma_wait3A_221] : memref<10112x128xf32, #tpu.memory_space<vmem_shared>> -> memref<10112x128xf32, #tpu.memory_space<vmem_shared>>
      tpu.wait_indirect_dma semaphore(%arg13 : memref<!tpu.dma_semaphore, #tpu.memory_space<semaphore_mem>>) src(%arg9 : memref<80x128xf32, #tpu.memory_space<vmem>>) dst(%dma_wait3A_222 : memref<10112x128xf32, #tpu.memory_space<vmem_shared>>)
      %dma_start3A_223 = arith.constant 6 : i32
      %dma_start3A_224 = arith.constant 0 : i32
      %dma_start3A_225 = tpu.memref_slice %arg7[%dma_start3A_223, %dma_start3A_224] : memref<8x80xi32, #tpu.memory_space<vmem>> -> memref<1x80xi32, #tpu.memory_space<vmem>>
      %dma_start3A_226 = tpu.memref_squeeze %dma_start3A_225 : memref<1x80xi32, #tpu.memory_space<vmem>> -> memref<80xi32, #tpu.memory_space<vmem>>
      %dma_start3A_227 = arith.constant 0 : i32
      %dma_start3A_228 = arith.constant 0 : i32
      %dma_start3A_229 = tpu.memref_slice %arg2[%dma_start3A_227, %dma_start3A_228] : memref<10112x128xf32, #tpu.memory_space<hbm>> -> memref<10112x128xf32, #tpu.memory_space<hbm>>
      tpu.enqueue_indirect_dma source(%dma_start3A_229 : memref<10112x128xf32, #tpu.memory_space<hbm>>) target(%arg9 : memref<80x128xf32, #tpu.memory_space<vmem>>) offsets(%dma_start3A_226 : memref<80xi32, #tpu.memory_space<vmem>>) semaphore(%arg12 : memref<!tpu.dma_semaphore, #tpu.memory_space<semaphore_mem>>)
      %dma_wait3A_230 = arith.constant 5 : i32
      %dma_wait3A_231 = arith.constant 0 : i32
      %dma_wait3A_232 = tpu.memref_slice %arg7[%dma_wait3A_230, %dma_wait3A_231] : memref<8x80xi32, #tpu.memory_space<vmem>> -> memref<1x80xi32, #tpu.memory_space<vmem>>
      %dma_wait3A_233 = tpu.memref_squeeze %dma_wait3A_232 : memref<1x80xi32, #tpu.memory_space<vmem>> -> memref<80xi32, #tpu.memory_space<vmem>>
      %dma_wait3A_234 = arith.constant 0 : i32
      %dma_wait3A_235 = arith.constant 0 : i32
      %dma_wait3A_236 = tpu.memref_slice %arg2[%dma_wait3A_234, %dma_wait3A_235] : memref<10112x128xf32, #tpu.memory_space<hbm>> -> memref<10112x128xf32, #tpu.memory_space<hbm>>
      tpu.wait_indirect_dma semaphore(%arg12 : memref<!tpu.dma_semaphore, #tpu.memory_space<semaphore_mem>>) src(%dma_wait3A_236 : memref<10112x128xf32, #tpu.memory_space<hbm>>) dst(%arg10 : memref<80x128xf32, #tpu.memory_space<vmem>>)
      %dma_start3A_237 = arith.constant 5 : i32
      %dma_start3A_238 = arith.constant 0 : i32
      %dma_start3A_239 = tpu.memref_slice %arg8[%dma_start3A_237, %dma_start3A_238] : memref<8x80xi32, #tpu.memory_space<vmem>> -> memref<1x80xi32, #tpu.memory_space<vmem>>
      %dma_start3A_240 = tpu.memref_squeeze %dma_start3A_239 : memref<1x80xi32, #tpu.memory_space<vmem>> -> memref<80xi32, #tpu.memory_space<vmem>>
      %dma_start3A_241 = arith.constant 0 : i32
      %dma_start3A_242 = arith.constant 0 : i32
      %dma_start3A_243 = tpu.memref_slice %arg11[%dma_start3A_241, %dma_start3A_242] : memref<10112x128xf32, #tpu.memory_space<vmem_shared>> -> memref<10112x128xf32, #tpu.memory_space<vmem_shared>>
      tpu.enqueue_indirect_dma source(%arg10 : memref<80x128xf32, #tpu.memory_space<vmem>>) target(%dma_start3A_243 : memref<10112x128xf32, #tpu.memory_space<vmem_shared>>) offsets(%dma_start3A_240 : memref<80xi32, #tpu.memory_space<vmem>>) semaphore(%arg13 : memref<!tpu.dma_semaphore, #tpu.memory_space<semaphore_mem>>) {add = true}
      %dma_wait3A_244 = arith.constant 5 : i32
      %dma_wait3A_245 = arith.constant 0 : i32
      %dma_wait3A_246 = tpu.memref_slice %arg8[%dma_wait3A_244, %dma_wait3A_245] : memref<8x80xi32, #tpu.memory_space<vmem>> -> memref<1x80xi32, #tpu.memory_space<vmem>>
      %dma_wait3A_247 = tpu.memref_squeeze %dma_wait3A_246 : memref<1x80xi32, #tpu.memory_space<vmem>> -> memref<80xi32, #tpu.memory_space<vmem>>
      %dma_wait3A_248 = arith.constant 0 : i32
      %dma_wait3A_249 = arith.constant 0 : i32
      %dma_wait3A_250 = tpu.memref_slice %arg11[%dma_wait3A_248, %dma_wait3A_249] : memref<10112x128xf32, #tpu.memory_space<vmem_shared>> -> memref<10112x128xf32, #tpu.memory_space<vmem_shared>>
      tpu.wait_indirect_dma semaphore(%arg13 : memref<!tpu.dma_semaphore, #tpu.memory_space<semaphore_mem>>) src(%arg10 : memref<80x128xf32, #tpu.memory_space<vmem>>) dst(%dma_wait3A_250 : memref<10112x128xf32, #tpu.memory_space<vmem_shared>>)
      %dma_start3A_251 = arith.constant 7 : i32
      %dma_start3A_252 = arith.constant 0 : i32
      %dma_start3A_253 = tpu.memref_slice %arg7[%dma_start3A_251, %dma_start3A_252] : memref<8x80xi32, #tpu.memory_space<vmem>> -> memref<1x80xi32, #tpu.memory_space<vmem>>
      %dma_start3A_254 = tpu.memref_squeeze %dma_start3A_253 : memref<1x80xi32, #tpu.memory_space<vmem>> -> memref<80xi32, #tpu.memory_space<vmem>>
      %dma_start3A_255 = arith.constant 0 : i32
      %dma_start3A_256 = arith.constant 0 : i32
      %dma_start3A_257 = tpu.memref_slice %arg2[%dma_start3A_255, %dma_start3A_256] : memref<10112x128xf32, #tpu.memory_space<hbm>> -> memref<10112x128xf32, #tpu.memory_space<hbm>>
      tpu.enqueue_indirect_dma source(%dma_start3A_257 : memref<10112x128xf32, #tpu.memory_space<hbm>>) target(%arg10 : memref<80x128xf32, #tpu.memory_space<vmem>>) offsets(%dma_start3A_254 : memref<80xi32, #tpu.memory_space<vmem>>) semaphore(%arg12 : memref<!tpu.dma_semaphore, #tpu.memory_space<semaphore_mem>>)
      %dma_wait3A_258 = arith.constant 6 : i32
      %dma_wait3A_259 = arith.constant 0 : i32
      %dma_wait3A_260 = tpu.memref_slice %arg7[%dma_wait3A_258, %dma_wait3A_259] : memref<8x80xi32, #tpu.memory_space<vmem>> -> memref<1x80xi32, #tpu.memory_space<vmem>>
      %dma_wait3A_261 = tpu.memref_squeeze %dma_wait3A_260 : memref<1x80xi32, #tpu.memory_space<vmem>> -> memref<80xi32, #tpu.memory_space<vmem>>
      %dma_wait3A_262 = arith.constant 0 : i32
      %dma_wait3A_263 = arith.constant 0 : i32
      %dma_wait3A_264 = tpu.memref_slice %arg2[%dma_wait3A_262, %dma_wait3A_263] : memref<10112x128xf32, #tpu.memory_space<hbm>> -> memref<10112x128xf32, #tpu.memory_space<hbm>>
      tpu.wait_indirect_dma semaphore(%arg12 : memref<!tpu.dma_semaphore, #tpu.memory_space<semaphore_mem>>) src(%dma_wait3A_264 : memref<10112x128xf32, #tpu.memory_space<hbm>>) dst(%arg9 : memref<80x128xf32, #tpu.memory_space<vmem>>)
      %dma_start3A_265 = arith.constant 6 : i32
      %dma_start3A_266 = arith.constant 0 : i32
      %dma_start3A_267 = tpu.memref_slice %arg8[%dma_start3A_265, %dma_start3A_266] : memref<8x80xi32, #tpu.memory_space<vmem>> -> memref<1x80xi32, #tpu.memory_space<vmem>>
      %dma_start3A_268 = tpu.memref_squeeze %dma_start3A_267 : memref<1x80xi32, #tpu.memory_space<vmem>> -> memref<80xi32, #tpu.memory_space<vmem>>
      %dma_start3A_269 = arith.constant 0 : i32
      %dma_start3A_270 = arith.constant 0 : i32
      %dma_start3A_271 = tpu.memref_slice %arg11[%dma_start3A_269, %dma_start3A_270] : memref<10112x128xf32, #tpu.memory_space<vmem_shared>> -> memref<10112x128xf32, #tpu.memory_space<vmem_shared>>
      tpu.enqueue_indirect_dma source(%arg9 : memref<80x128xf32, #tpu.memory_space<vmem>>) target(%dma_start3A_271 : memref<10112x128xf32, #tpu.memory_space<vmem_shared>>) offsets(%dma_start3A_268 : memref<80xi32, #tpu.memory_space<vmem>>) semaphore(%arg13 : memref<!tpu.dma_semaphore, #tpu.memory_space<semaphore_mem>>) {add = true}
      %dma_wait3A_272 = arith.constant 7 : i32
      %dma_wait3A_273 = arith.constant 0 : i32
      %dma_wait3A_274 = tpu.memref_slice %arg7[%dma_wait3A_272, %dma_wait3A_273] : memref<8x80xi32, #tpu.memory_space<vmem>> -> memref<1x80xi32, #tpu.memory_space<vmem>>
      %dma_wait3A_275 = tpu.memref_squeeze %dma_wait3A_274 : memref<1x80xi32, #tpu.memory_space<vmem>> -> memref<80xi32, #tpu.memory_space<vmem>>
      %dma_wait3A_276 = arith.constant 0 : i32
      %dma_wait3A_277 = arith.constant 0 : i32
      %dma_wait3A_278 = tpu.memref_slice %arg2[%dma_wait3A_276, %dma_wait3A_277] : memref<10112x128xf32, #tpu.memory_space<hbm>> -> memref<10112x128xf32, #tpu.memory_space<hbm>>
      tpu.wait_indirect_dma semaphore(%arg12 : memref<!tpu.dma_semaphore, #tpu.memory_space<semaphore_mem>>) src(%dma_wait3A_278 : memref<10112x128xf32, #tpu.memory_space<hbm>>) dst(%arg10 : memref<80x128xf32, #tpu.memory_space<vmem>>)
      %dma_start3A_279 = arith.constant 7 : i32
      %dma_start3A_280 = arith.constant 0 : i32
      %dma_start3A_281 = tpu.memref_slice %arg8[%dma_start3A_279, %dma_start3A_280] : memref<8x80xi32, #tpu.memory_space<vmem>> -> memref<1x80xi32, #tpu.memory_space<vmem>>
      %dma_start3A_282 = tpu.memref_squeeze %dma_start3A_281 : memref<1x80xi32, #tpu.memory_space<vmem>> -> memref<80xi32, #tpu.memory_space<vmem>>
      %dma_start3A_283 = arith.constant 0 : i32
      %dma_start3A_284 = arith.constant 0 : i32
      %dma_start3A_285 = tpu.memref_slice %arg11[%dma_start3A_283, %dma_start3A_284] : memref<10112x128xf32, #tpu.memory_space<vmem_shared>> -> memref<10112x128xf32, #tpu.memory_space<vmem_shared>>
      tpu.enqueue_indirect_dma source(%arg10 : memref<80x128xf32, #tpu.memory_space<vmem>>) target(%dma_start3A_285 : memref<10112x128xf32, #tpu.memory_space<vmem_shared>>) offsets(%dma_start3A_282 : memref<80xi32, #tpu.memory_space<vmem>>) semaphore(%arg13 : memref<!tpu.dma_semaphore, #tpu.memory_space<semaphore_mem>>) {add = true}
      %dma_wait3A_286 = arith.constant 6 : i32
      %dma_wait3A_287 = arith.constant 0 : i32
      %dma_wait3A_288 = tpu.memref_slice %arg8[%dma_wait3A_286, %dma_wait3A_287] : memref<8x80xi32, #tpu.memory_space<vmem>> -> memref<1x80xi32, #tpu.memory_space<vmem>>
      %dma_wait3A_289 = tpu.memref_squeeze %dma_wait3A_288 : memref<1x80xi32, #tpu.memory_space<vmem>> -> memref<80xi32, #tpu.memory_space<vmem>>
      %dma_wait3A_290 = arith.constant 0 : i32
      %dma_wait3A_291 = arith.constant 0 : i32
      %dma_wait3A_292 = tpu.memref_slice %arg11[%dma_wait3A_290, %dma_wait3A_291] : memref<10112x128xf32, #tpu.memory_space<vmem_shared>> -> memref<10112x128xf32, #tpu.memory_space<vmem_shared>>
      tpu.wait_indirect_dma semaphore(%arg13 : memref<!tpu.dma_semaphore, #tpu.memory_space<semaphore_mem>>) src(%arg9 : memref<80x128xf32, #tpu.memory_space<vmem>>) dst(%dma_wait3A_292 : memref<10112x128xf32, #tpu.memory_space<vmem_shared>>)
      %dma_wait3A_293 = arith.constant 7 : i32
      %dma_wait3A_294 = arith.constant 0 : i32
      %dma_wait3A_295 = tpu.memref_slice %arg8[%dma_wait3A_293, %dma_wait3A_294] : memref<8x80xi32, #tpu.memory_space<vmem>> -> memref<1x80xi32, #tpu.memory_space<vmem>>
      %dma_wait3A_296 = tpu.memref_squeeze %dma_wait3A_295 : memref<1x80xi32, #tpu.memory_space<vmem>> -> memref<80xi32, #tpu.memory_space<vmem>>
      %dma_wait3A_297 = arith.constant 0 : i32
      %dma_wait3A_298 = arith.constant 0 : i32
      %dma_wait3A_299 = tpu.memref_slice %arg11[%dma_wait3A_297, %dma_wait3A_298] : memref<10112x128xf32, #tpu.memory_space<vmem_shared>> -> memref<10112x128xf32, #tpu.memory_space<vmem_shared>>
      tpu.wait_indirect_dma semaphore(%arg13 : memref<!tpu.dma_semaphore, #tpu.memory_space<semaphore_mem>>) src(%arg10 : memref<80x128xf32, #tpu.memory_space<vmem>>) dst(%dma_wait3A_299 : memref<10112x128xf32, #tpu.memory_space<vmem_shared>>)
    }
    %scan3A_39 = arith.constant 16 : i32
    %barrier3A_40 = arith.constant 0 : index
    tpu.barrier barrier_id(%barrier3A_40)
    %add3A_41 = arith.constant 0 : i32
    %add3A_42 = arith.addi %mul3A_2, %add3A_41 : i32
    %add3A_43 = arith.constant 0 : i32
    %add3A_44 = arith.addi %mul3A_2, %add3A_43 : i32
    "tpu.region"() ({
      %run_scoped3A = tpu.sem_alloc : memref<!tpu.dma_semaphore, #tpu.memory_space<semaphore_mem>>
      %dma_start3A = arith.constant 0 : i32
      %dma_start3A_73 = tpu.memref_slice %arg6[%arg0, %add3A_44, %dma_start3A] : memref<2x10112x128xf32, #tpu.memory_space<hbm>> -> memref<1x80x128xf32, #tpu.memory_space<hbm>>
      %dma_start3A_74 = tpu.memref_squeeze %dma_start3A_73 : memref<1x80x128xf32, #tpu.memory_space<hbm>> -> memref<80x128xf32, #tpu.memory_space<hbm>>
      %dma_start3A_75 = arith.constant 0 : i32
      %dma_start3A_76 = tpu.memref_slice %arg11[%add3A_42, %dma_start3A_75] : memref<10112x128xf32, #tpu.memory_space<vmem_shared>> -> memref<80x128xf32, #tpu.memory_space<vmem_shared>>
      tpu.enqueue_dma source(%dma_start3A_76 : memref<80x128xf32, #tpu.memory_space<vmem_shared>>) target(%dma_start3A_74 : memref<80x128xf32, #tpu.memory_space<hbm>>) target_semaphore(%run_scoped3A : memref<!tpu.dma_semaphore, #tpu.memory_space<semaphore_mem>>)
      %dma_wait3A = arith.constant 0 : i32
      %dma_wait3A_77 = tpu.memref_slice %arg6[%arg0, %add3A_44, %dma_wait3A] : memref<2x10112x128xf32, #tpu.memory_space<hbm>> -> memref<1x80x128xf32, #tpu.memory_space<hbm>>
      %dma_wait3A_78 = tpu.memref_squeeze %dma_wait3A_77 : memref<1x80x128xf32, #tpu.memory_space<hbm>> -> memref<80x128xf32, #tpu.memory_space<hbm>>
      %dma_wait3A_79 = arith.constant 0 : i32
      %dma_wait3A_80 = tpu.memref_slice %arg11[%add3A_42, %dma_wait3A_79] : memref<10112x128xf32, #tpu.memory_space<vmem_shared>> -> memref<80x128xf32, #tpu.memory_space<vmem_shared>>
      tpu.wait_dma2 semaphore(%run_scoped3A : memref<!tpu.dma_semaphore, #tpu.memory_space<semaphore_mem>>) src(%dma_wait3A_80 : memref<80x128xf32, #tpu.memory_space<vmem_shared>>) dst(%dma_wait3A_78 : memref<80x128xf32, #tpu.memory_space<hbm>>)
      tpu.yield
    }) : () -> ()
    %add3A_45 = arith.constant 80 : i32
    %add3A_46 = arith.addi %mul3A_2, %add3A_45 : i32
    %add3A_47 = arith.constant 80 : i32
    %add3A_48 = arith.addi %mul3A_2, %add3A_47 : i32
    "tpu.region"() ({
      %run_scoped3A = tpu.sem_alloc : memref<!tpu.dma_semaphore, #tpu.memory_space<semaphore_mem>>
      %dma_start3A = arith.constant 0 : i32
      %dma_start3A_73 = tpu.memref_slice %arg6[%arg0, %add3A_48, %dma_start3A] : memref<2x10112x128xf32, #tpu.memory_space<hbm>> -> memref<1x80x128xf32, #tpu.memory_space<hbm>>
      %dma_start3A_74 = tpu.memref_squeeze %dma_start3A_73 : memref<1x80x128xf32, #tpu.memory_space<hbm>> -> memref<80x128xf32, #tpu.memory_space<hbm>>
      %dma_start3A_75 = arith.constant 0 : i32
      %dma_start3A_76 = tpu.memref_slice %arg11[%add3A_46, %dma_start3A_75] : memref<10112x128xf32, #tpu.memory_space<vmem_shared>> -> memref<80x128xf32, #tpu.memory_space<vmem_shared>>
      tpu.enqueue_dma source(%dma_start3A_76 : memref<80x128xf32, #tpu.memory_space<vmem_shared>>) target(%dma_start3A_74 : memref<80x128xf32, #tpu.memory_space<hbm>>) target_semaphore(%run_scoped3A : memref<!tpu.dma_semaphore, #tpu.memory_space<semaphore_mem>>)
      %dma_wait3A = arith.constant 0 : i32
      %dma_wait3A_77 = tpu.memref_slice %arg6[%arg0, %add3A_48, %dma_wait3A] : memref<2x10112x128xf32, #tpu.memory_space<hbm>> -> memref<1x80x128xf32, #tpu.memory_space<hbm>>
      %dma_wait3A_78 = tpu.memref_squeeze %dma_wait3A_77 : memref<1x80x128xf32, #tpu.memory_space<hbm>> -> memref<80x128xf32, #tpu.memory_space<hbm>>
      %dma_wait3A_79 = arith.constant 0 : i32
      %dma_wait3A_80 = tpu.memref_slice %arg11[%add3A_46, %dma_wait3A_79] : memref<10112x128xf32, #tpu.memory_space<vmem_shared>> -> memref<80x128xf32, #tpu.memory_space<vmem_shared>>
      tpu.wait_dma2 semaphore(%run_scoped3A : memref<!tpu.dma_semaphore, #tpu.memory_space<semaphore_mem>>) src(%dma_wait3A_80 : memref<80x128xf32, #tpu.memory_space<vmem_shared>>) dst(%dma_wait3A_78 : memref<80x128xf32, #tpu.memory_space<hbm>>)
      tpu.yield
    }) : () -> ()
    %add3A_49 = arith.constant 160 : i32
    %add3A_50 = arith.addi %mul3A_2, %add3A_49 : i32
    %add3A_51 = arith.constant 160 : i32
    %add3A_52 = arith.addi %mul3A_2, %add3A_51 : i32
    "tpu.region"() ({
      %run_scoped3A = tpu.sem_alloc : memref<!tpu.dma_semaphore, #tpu.memory_space<semaphore_mem>>
      %dma_start3A = arith.constant 0 : i32
      %dma_start3A_73 = tpu.memref_slice %arg6[%arg0, %add3A_52, %dma_start3A] : memref<2x10112x128xf32, #tpu.memory_space<hbm>> -> memref<1x80x128xf32, #tpu.memory_space<hbm>>
      %dma_start3A_74 = tpu.memref_squeeze %dma_start3A_73 : memref<1x80x128xf32, #tpu.memory_space<hbm>> -> memref<80x128xf32, #tpu.memory_space<hbm>>
      %dma_start3A_75 = arith.constant 0 : i32
      %dma_start3A_76 = tpu.memref_slice %arg11[%add3A_50, %dma_start3A_75] : memref<10112x128xf32, #tpu.memory_space<vmem_shared>> -> memref<80x128xf32, #tpu.memory_space<vmem_shared>>
      tpu.enqueue_dma source(%dma_start3A_76 : memref<80x128xf32, #tpu.memory_space<vmem_shared>>) target(%dma_start3A_74 : memref<80x128xf32, #tpu.memory_space<hbm>>) target_semaphore(%run_scoped3A : memref<!tpu.dma_semaphore, #tpu.memory_space<semaphore_mem>>)
      %dma_wait3A = arith.constant 0 : i32
      %dma_wait3A_77 = tpu.memref_slice %arg6[%arg0, %add3A_52, %dma_wait3A] : memref<2x10112x128xf32, #tpu.memory_space<hbm>> -> memref<1x80x128xf32, #tpu.memory_space<hbm>>
      %dma_wait3A_78 = tpu.memref_squeeze %dma_wait3A_77 : memref<1x80x128xf32, #tpu.memory_space<hbm>> -> memref<80x128xf32, #tpu.memory_space<hbm>>
      %dma_wait3A_79 = arith.constant 0 : i32
      %dma_wait3A_80 = tpu.memref_slice %arg11[%add3A_50, %dma_wait3A_79] : memref<10112x128xf32, #tpu.memory_space<vmem_shared>> -> memref<80x128xf32, #tpu.memory_space<vmem_shared>>
      tpu.wait_dma2 semaphore(%run_scoped3A : memref<!tpu.dma_semaphore, #tpu.memory_space<semaphore_mem>>) src(%dma_wait3A_80 : memref<80x128xf32, #tpu.memory_space<vmem_shared>>) dst(%dma_wait3A_78 : memref<80x128xf32, #tpu.memory_space<hbm>>)
      tpu.yield
    }) : () -> ()
    %add3A_53 = arith.constant 240 : i32
    %add3A_54 = arith.addi %mul3A_2, %add3A_53 : i32
    %add3A_55 = arith.constant 240 : i32
    %add3A_56 = arith.addi %mul3A_2, %add3A_55 : i32
    "tpu.region"() ({
      %run_scoped3A = tpu.sem_alloc : memref<!tpu.dma_semaphore, #tpu.memory_space<semaphore_mem>>
      %dma_start3A = arith.constant 0 : i32
      %dma_start3A_73 = tpu.memref_slice %arg6[%arg0, %add3A_56, %dma_start3A] : memref<2x10112x128xf32, #tpu.memory_space<hbm>> -> memref<1x80x128xf32, #tpu.memory_space<hbm>>
      %dma_start3A_74 = tpu.memref_squeeze %dma_start3A_73 : memref<1x80x128xf32, #tpu.memory_space<hbm>> -> memref<80x128xf32, #tpu.memory_space<hbm>>
      %dma_start3A_75 = arith.constant 0 : i32
      %dma_start3A_76 = tpu.memref_slice %arg11[%add3A_54, %dma_start3A_75] : memref<10112x128xf32, #tpu.memory_space<vmem_shared>> -> memref<80x128xf32, #tpu.memory_space<vmem_shared>>
      tpu.enqueue_dma source(%dma_start3A_76 : memref<80x128xf32, #tpu.memory_space<vmem_shared>>) target(%dma_start3A_74 : memref<80x128xf32, #tpu.memory_space<hbm>>) target_semaphore(%run_scoped3A : memref<!tpu.dma_semaphore, #tpu.memory_space<semaphore_mem>>)
      %dma_wait3A = arith.constant 0 : i32
      %dma_wait3A_77 = tpu.memref_slice %arg6[%arg0, %add3A_56, %dma_wait3A] : memref<2x10112x128xf32, #tpu.memory_space<hbm>> -> memref<1x80x128xf32, #tpu.memory_space<hbm>>
      %dma_wait3A_78 = tpu.memref_squeeze %dma_wait3A_77 : memref<1x80x128xf32, #tpu.memory_space<hbm>> -> memref<80x128xf32, #tpu.memory_space<hbm>>
      %dma_wait3A_79 = arith.constant 0 : i32
      %dma_wait3A_80 = tpu.memref_slice %arg11[%add3A_54, %dma_wait3A_79] : memref<10112x128xf32, #tpu.memory_space<vmem_shared>> -> memref<80x128xf32, #tpu.memory_space<vmem_shared>>
      tpu.wait_dma2 semaphore(%run_scoped3A : memref<!tpu.dma_semaphore, #tpu.memory_space<semaphore_mem>>) src(%dma_wait3A_80 : memref<80x128xf32, #tpu.memory_space<vmem_shared>>) dst(%dma_wait3A_78 : memref<80x128xf32, #tpu.memory_space<hbm>>)
      tpu.yield
    }) : () -> ()
    %add3A_57 = arith.constant 320 : i32
    %add3A_58 = arith.addi %mul3A_2, %add3A_57 : i32
    %add3A_59 = arith.constant 320 : i32
    %add3A_60 = arith.addi %mul3A_2, %add3A_59 : i32
    "tpu.region"() ({
      %run_scoped3A = tpu.sem_alloc : memref<!tpu.dma_semaphore, #tpu.memory_space<semaphore_mem>>
      %dma_start3A = arith.constant 0 : i32
      %dma_start3A_73 = tpu.memref_slice %arg6[%arg0, %add3A_60, %dma_start3A] : memref<2x10112x128xf32, #tpu.memory_space<hbm>> -> memref<1x80x128xf32, #tpu.memory_space<hbm>>
      %dma_start3A_74 = tpu.memref_squeeze %dma_start3A_73 : memref<1x80x128xf32, #tpu.memory_space<hbm>> -> memref<80x128xf32, #tpu.memory_space<hbm>>
      %dma_start3A_75 = arith.constant 0 : i32
      %dma_start3A_76 = tpu.memref_slice %arg11[%add3A_58, %dma_start3A_75] : memref<10112x128xf32, #tpu.memory_space<vmem_shared>> -> memref<80x128xf32, #tpu.memory_space<vmem_shared>>
      tpu.enqueue_dma source(%dma_start3A_76 : memref<80x128xf32, #tpu.memory_space<vmem_shared>>) target(%dma_start3A_74 : memref<80x128xf32, #tpu.memory_space<hbm>>) target_semaphore(%run_scoped3A : memref<!tpu.dma_semaphore, #tpu.memory_space<semaphore_mem>>)
      %dma_wait3A = arith.constant 0 : i32
      %dma_wait3A_77 = tpu.memref_slice %arg6[%arg0, %add3A_60, %dma_wait3A] : memref<2x10112x128xf32, #tpu.memory_space<hbm>> -> memref<1x80x128xf32, #tpu.memory_space<hbm>>
      %dma_wait3A_78 = tpu.memref_squeeze %dma_wait3A_77 : memref<1x80x128xf32, #tpu.memory_space<hbm>> -> memref<80x128xf32, #tpu.memory_space<hbm>>
      %dma_wait3A_79 = arith.constant 0 : i32
      %dma_wait3A_80 = tpu.memref_slice %arg11[%add3A_58, %dma_wait3A_79] : memref<10112x128xf32, #tpu.memory_space<vmem_shared>> -> memref<80x128xf32, #tpu.memory_space<vmem_shared>>
      tpu.wait_dma2 semaphore(%run_scoped3A : memref<!tpu.dma_semaphore, #tpu.memory_space<semaphore_mem>>) src(%dma_wait3A_80 : memref<80x128xf32, #tpu.memory_space<vmem_shared>>) dst(%dma_wait3A_78 : memref<80x128xf32, #tpu.memory_space<hbm>>)
      tpu.yield
    }) : () -> ()
    %add3A_61 = arith.constant 400 : i32
    %add3A_62 = arith.addi %mul3A_2, %add3A_61 : i32
    %add3A_63 = arith.constant 400 : i32
    %add3A_64 = arith.addi %mul3A_2, %add3A_63 : i32
    "tpu.region"() ({
      %run_scoped3A = tpu.sem_alloc : memref<!tpu.dma_semaphore, #tpu.memory_space<semaphore_mem>>
      %dma_start3A = arith.constant 0 : i32
      %dma_start3A_73 = tpu.memref_slice %arg6[%arg0, %add3A_64, %dma_start3A] : memref<2x10112x128xf32, #tpu.memory_space<hbm>> -> memref<1x80x128xf32, #tpu.memory_space<hbm>>
      %dma_start3A_74 = tpu.memref_squeeze %dma_start3A_73 : memref<1x80x128xf32, #tpu.memory_space<hbm>> -> memref<80x128xf32, #tpu.memory_space<hbm>>
      %dma_start3A_75 = arith.constant 0 : i32
      %dma_start3A_76 = tpu.memref_slice %arg11[%add3A_62, %dma_start3A_75] : memref<10112x128xf32, #tpu.memory_space<vmem_shared>> -> memref<80x128xf32, #tpu.memory_space<vmem_shared>>
      tpu.enqueue_dma source(%dma_start3A_76 : memref<80x128xf32, #tpu.memory_space<vmem_shared>>) target(%dma_start3A_74 : memref<80x128xf32, #tpu.memory_space<hbm>>) target_semaphore(%run_scoped3A : memref<!tpu.dma_semaphore, #tpu.memory_space<semaphore_mem>>)
      %dma_wait3A = arith.constant 0 : i32
      %dma_wait3A_77 = tpu.memref_slice %arg6[%arg0, %add3A_64, %dma_wait3A] : memref<2x10112x128xf32, #tpu.memory_space<hbm>> -> memref<1x80x128xf32, #tpu.memory_space<hbm>>
      %dma_wait3A_78 = tpu.memref_squeeze %dma_wait3A_77 : memref<1x80x128xf32, #tpu.memory_space<hbm>> -> memref<80x128xf32, #tpu.memory_space<hbm>>
      %dma_wait3A_79 = arith.constant 0 : i32
      %dma_wait3A_80 = tpu.memref_slice %arg11[%add3A_62, %dma_wait3A_79] : memref<10112x128xf32, #tpu.memory_space<vmem_shared>> -> memref<80x128xf32, #tpu.memory_space<vmem_shared>>
      tpu.wait_dma2 semaphore(%run_scoped3A : memref<!tpu.dma_semaphore, #tpu.memory_space<semaphore_mem>>) src(%dma_wait3A_80 : memref<80x128xf32, #tpu.memory_space<vmem_shared>>) dst(%dma_wait3A_78 : memref<80x128xf32, #tpu.memory_space<hbm>>)
      tpu.yield
    }) : () -> ()
    %add3A_65 = arith.constant 480 : i32
    %add3A_66 = arith.addi %mul3A_2, %add3A_65 : i32
    %add3A_67 = arith.constant 480 : i32
    %add3A_68 = arith.addi %mul3A_2, %add3A_67 : i32
    "tpu.region"() ({
      %run_scoped3A = tpu.sem_alloc : memref<!tpu.dma_semaphore, #tpu.memory_space<semaphore_mem>>
      %dma_start3A = arith.constant 0 : i32
      %dma_start3A_73 = tpu.memref_slice %arg6[%arg0, %add3A_68, %dma_start3A] : memref<2x10112x128xf32, #tpu.memory_space<hbm>> -> memref<1x80x128xf32, #tpu.memory_space<hbm>>
      %dma_start3A_74 = tpu.memref_squeeze %dma_start3A_73 : memref<1x80x128xf32, #tpu.memory_space<hbm>> -> memref<80x128xf32, #tpu.memory_space<hbm>>
      %dma_start3A_75 = arith.constant 0 : i32
      %dma_start3A_76 = tpu.memref_slice %arg11[%add3A_66, %dma_start3A_75] : memref<10112x128xf32, #tpu.memory_space<vmem_shared>> -> memref<80x128xf32, #tpu.memory_space<vmem_shared>>
      tpu.enqueue_dma source(%dma_start3A_76 : memref<80x128xf32, #tpu.memory_space<vmem_shared>>) target(%dma_start3A_74 : memref<80x128xf32, #tpu.memory_space<hbm>>) target_semaphore(%run_scoped3A : memref<!tpu.dma_semaphore, #tpu.memory_space<semaphore_mem>>)
      %dma_wait3A = arith.constant 0 : i32
      %dma_wait3A_77 = tpu.memref_slice %arg6[%arg0, %add3A_68, %dma_wait3A] : memref<2x10112x128xf32, #tpu.memory_space<hbm>> -> memref<1x80x128xf32, #tpu.memory_space<hbm>>
      %dma_wait3A_78 = tpu.memref_squeeze %dma_wait3A_77 : memref<1x80x128xf32, #tpu.memory_space<hbm>> -> memref<80x128xf32, #tpu.memory_space<hbm>>
      %dma_wait3A_79 = arith.constant 0 : i32
      %dma_wait3A_80 = tpu.memref_slice %arg11[%add3A_66, %dma_wait3A_79] : memref<10112x128xf32, #tpu.memory_space<vmem_shared>> -> memref<80x128xf32, #tpu.memory_space<vmem_shared>>
      tpu.wait_dma2 semaphore(%run_scoped3A : memref<!tpu.dma_semaphore, #tpu.memory_space<semaphore_mem>>) src(%dma_wait3A_80 : memref<80x128xf32, #tpu.memory_space<vmem_shared>>) dst(%dma_wait3A_78 : memref<80x128xf32, #tpu.memory_space<hbm>>)
      tpu.yield
    }) : () -> ()
    %add3A_69 = arith.constant 560 : i32
    %add3A_70 = arith.addi %mul3A_2, %add3A_69 : i32
    %add3A_71 = arith.constant 560 : i32
    %add3A_72 = arith.addi %mul3A_2, %add3A_71 : i32
    "tpu.region"() ({
      %run_scoped3A = tpu.sem_alloc : memref<!tpu.dma_semaphore, #tpu.memory_space<semaphore_mem>>
      %dma_start3A = arith.constant 0 : i32
      %dma_start3A_73 = tpu.memref_slice %arg6[%arg0, %add3A_72, %dma_start3A] : memref<2x10112x128xf32, #tpu.memory_space<hbm>> -> memref<1x72x128xf32, #tpu.memory_space<hbm>>
      %dma_start3A_74 = tpu.memref_squeeze %dma_start3A_73 : memref<1x72x128xf32, #tpu.memory_space<hbm>> -> memref<72x128xf32, #tpu.memory_space<hbm>>
      %dma_start3A_75 = arith.constant 0 : i32
      %dma_start3A_76 = tpu.memref_slice %arg11[%add3A_70, %dma_start3A_75] : memref<10112x128xf32, #tpu.memory_space<vmem_shared>> -> memref<72x128xf32, #tpu.memory_space<vmem_shared>>
      tpu.enqueue_dma source(%dma_start3A_76 : memref<72x128xf32, #tpu.memory_space<vmem_shared>>) target(%dma_start3A_74 : memref<72x128xf32, #tpu.memory_space<hbm>>) target_semaphore(%run_scoped3A : memref<!tpu.dma_semaphore, #tpu.memory_space<semaphore_mem>>)
      %dma_wait3A = arith.constant 0 : i32
      %dma_wait3A_77 = tpu.memref_slice %arg6[%arg0, %add3A_72, %dma_wait3A] : memref<2x10112x128xf32, #tpu.memory_space<hbm>> -> memref<1x72x128xf32, #tpu.memory_space<hbm>>
      %dma_wait3A_78 = tpu.memref_squeeze %dma_wait3A_77 : memref<1x72x128xf32, #tpu.memory_space<hbm>> -> memref<72x128xf32, #tpu.memory_space<hbm>>
      %dma_wait3A_79 = arith.constant 0 : i32
      %dma_wait3A_80 = tpu.memref_slice %arg11[%add3A_70, %dma_wait3A_79] : memref<10112x128xf32, #tpu.memory_space<vmem_shared>> -> memref<72x128xf32, #tpu.memory_space<vmem_shared>>
      tpu.wait_dma2 semaphore(%run_scoped3A : memref<!tpu.dma_semaphore, #tpu.memory_space<semaphore_mem>>) src(%dma_wait3A_80 : memref<72x128xf32, #tpu.memory_space<vmem_shared>>) dst(%dma_wait3A_78 : memref<72x128xf32, #tpu.memory_space<hbm>>)
      tpu.yield
    }) : () -> ()
    return
  }
}

#map = affine_map<(d0, d1) -> (0, 0, 0)>
#map1 = affine_map<(d0, d1) -> (0, 0)>
module attributes {stable_mosaic.version = 14 : i64} {
  func.func @_sc_cnt(%arg0: i32, %arg1: i32, %arg2: memref<32x80x128xi32, #tpu.memory_space<hbm>>, %arg3: memref<80x128xf32, #tpu.memory_space<hbm>>, %arg4: memref<128x128xf32, #tpu.memory_space<hbm>>, %arg5: memref<2x10112x128xf32, #tpu.memory_space<hbm>>, %arg6: memref<8x128xi32, #tpu.memory_space<vmem>>, %arg7: memref<128x128xf32, #tpu.memory_space<vmem>>, %arg8: memref<10112x128xf32, #tpu.memory_space<vmem_shared>>) attributes {dimension_semantics = [#tpu.dimension_semantics<core_parallel>, #tpu.dimension_semantics<subcore_parallel>], iteration_bounds = array<i64: 2, 16>, scalar_prefetch = 0 : i64, scratch_operands = 3 : i64, tpu.core_type = #tpu.core_type<sc_vector_subcore>, window_params = [{transform_indices = #map}, {transform_indices = #map1}, {transform_indices = #map1}, {transform_indices = #map}]} {
    %mul3A = arith.constant 2 : i32
    %mul3A_0 = arith.muli %arg1, %mul3A : i32
    %add3A = arith.addi %mul3A_0, %arg0 : i32
    %mul3A_1 = arith.constant 632 : i32
    %mul3A_2 = arith.muli %arg1, %mul3A_1 : i32
    "tpu.region"() ({
      %run_scoped3A = tpu.sem_alloc : memref<!tpu.dma_semaphore, #tpu.memory_space<semaphore_mem>>
      tpu.enqueue_dma source(%arg4 : memref<128x128xf32, #tpu.memory_space<hbm>>) target(%arg7 : memref<128x128xf32, #tpu.memory_space<vmem>>) target_semaphore(%run_scoped3A : memref<!tpu.dma_semaphore, #tpu.memory_space<semaphore_mem>>)
      tpu.wait_dma2 semaphore(%run_scoped3A : memref<!tpu.dma_semaphore, #tpu.memory_space<semaphore_mem>>) src(%arg4 : memref<128x128xf32, #tpu.memory_space<hbm>>) dst(%arg7 : memref<128x128xf32, #tpu.memory_space<vmem>>)
      tpu.yield
    }) : () -> ()
    %add3A_3 = arith.constant 0 : i32
    %add3A_4 = arith.addi %mul3A_2, %add3A_3 : i32
    %add3A_5 = arith.constant 0 : i32
    %add3A_6 = arith.addi %mul3A_2, %add3A_5 : i32
    "tpu.region"() ({
      %run_scoped3A = tpu.sem_alloc : memref<!tpu.dma_semaphore, #tpu.memory_space<semaphore_mem>>
      %dma_start3A = arith.constant 0 : i32
      %dma_start3A_73 = tpu.memref_slice %arg8[%add3A_6, %dma_start3A] : memref<10112x128xf32, #tpu.memory_space<vmem_shared>> -> memref<80x128xf32, #tpu.memory_space<vmem_shared>>
      %dma_start3A_74 = arith.constant 0 : i32
      %dma_start3A_75 = arith.constant 0 : i32
      %dma_start3A_76 = tpu.memref_slice %arg3[%dma_start3A_74, %dma_start3A_75] : memref<80x128xf32, #tpu.memory_space<hbm>> -> memref<80x128xf32, #tpu.memory_space<hbm>>
      tpu.enqueue_dma source(%dma_start3A_76 : memref<80x128xf32, #tpu.memory_space<hbm>>) target(%dma_start3A_73 : memref<80x128xf32, #tpu.memory_space<vmem_shared>>) target_semaphore(%run_scoped3A : memref<!tpu.dma_semaphore, #tpu.memory_space<semaphore_mem>>)
      %dma_wait3A = arith.constant 0 : i32
      %dma_wait3A_77 = tpu.memref_slice %arg8[%add3A_6, %dma_wait3A] : memref<10112x128xf32, #tpu.memory_space<vmem_shared>> -> memref<80x128xf32, #tpu.memory_space<vmem_shared>>
      %dma_wait3A_78 = arith.constant 0 : i32
      %dma_wait3A_79 = arith.constant 0 : i32
      %dma_wait3A_80 = tpu.memref_slice %arg3[%dma_wait3A_78, %dma_wait3A_79] : memref<80x128xf32, #tpu.memory_space<hbm>> -> memref<80x128xf32, #tpu.memory_space<hbm>>
      tpu.wait_dma2 semaphore(%run_scoped3A : memref<!tpu.dma_semaphore, #tpu.memory_space<semaphore_mem>>) src(%dma_wait3A_80 : memref<80x128xf32, #tpu.memory_space<hbm>>) dst(%dma_wait3A_77 : memref<80x128xf32, #tpu.memory_space<vmem_shared>>)
      tpu.yield
    }) : () -> ()
    %add3A_7 = arith.constant 80 : i32
    %add3A_8 = arith.addi %mul3A_2, %add3A_7 : i32
    %add3A_9 = arith.constant 80 : i32
    %add3A_10 = arith.addi %mul3A_2, %add3A_9 : i32
    "tpu.region"() ({
      %run_scoped3A = tpu.sem_alloc : memref<!tpu.dma_semaphore, #tpu.memory_space<semaphore_mem>>
      %dma_start3A = arith.constant 0 : i32
      %dma_start3A_73 = tpu.memref_slice %arg8[%add3A_10, %dma_start3A] : memref<10112x128xf32, #tpu.memory_space<vmem_shared>> -> memref<80x128xf32, #tpu.memory_space<vmem_shared>>
      %dma_start3A_74 = arith.constant 0 : i32
      %dma_start3A_75 = arith.constant 0 : i32
      %dma_start3A_76 = tpu.memref_slice %arg3[%dma_start3A_74, %dma_start3A_75] : memref<80x128xf32, #tpu.memory_space<hbm>> -> memref<80x128xf32, #tpu.memory_space<hbm>>
      tpu.enqueue_dma source(%dma_start3A_76 : memref<80x128xf32, #tpu.memory_space<hbm>>) target(%dma_start3A_73 : memref<80x128xf32, #tpu.memory_space<vmem_shared>>) target_semaphore(%run_scoped3A : memref<!tpu.dma_semaphore, #tpu.memory_space<semaphore_mem>>)
      %dma_wait3A = arith.constant 0 : i32
      %dma_wait3A_77 = tpu.memref_slice %arg8[%add3A_10, %dma_wait3A] : memref<10112x128xf32, #tpu.memory_space<vmem_shared>> -> memref<80x128xf32, #tpu.memory_space<vmem_shared>>
      %dma_wait3A_78 = arith.constant 0 : i32
      %dma_wait3A_79 = arith.constant 0 : i32
      %dma_wait3A_80 = tpu.memref_slice %arg3[%dma_wait3A_78, %dma_wait3A_79] : memref<80x128xf32, #tpu.memory_space<hbm>> -> memref<80x128xf32, #tpu.memory_space<hbm>>
      tpu.wait_dma2 semaphore(%run_scoped3A : memref<!tpu.dma_semaphore, #tpu.memory_space<semaphore_mem>>) src(%dma_wait3A_80 : memref<80x128xf32, #tpu.memory_space<hbm>>) dst(%dma_wait3A_77 : memref<80x128xf32, #tpu.memory_space<vmem_shared>>)
      tpu.yield
    }) : () -> ()
    %add3A_11 = arith.constant 160 : i32
    %add3A_12 = arith.addi %mul3A_2, %add3A_11 : i32
    %add3A_13 = arith.constant 160 : i32
    %add3A_14 = arith.addi %mul3A_2, %add3A_13 : i32
    "tpu.region"() ({
      %run_scoped3A = tpu.sem_alloc : memref<!tpu.dma_semaphore, #tpu.memory_space<semaphore_mem>>
      %dma_start3A = arith.constant 0 : i32
      %dma_start3A_73 = tpu.memref_slice %arg8[%add3A_14, %dma_start3A] : memref<10112x128xf32, #tpu.memory_space<vmem_shared>> -> memref<80x128xf32, #tpu.memory_space<vmem_shared>>
      %dma_start3A_74 = arith.constant 0 : i32
      %dma_start3A_75 = arith.constant 0 : i32
      %dma_start3A_76 = tpu.memref_slice %arg3[%dma_start3A_74, %dma_start3A_75] : memref<80x128xf32, #tpu.memory_space<hbm>> -> memref<80x128xf32, #tpu.memory_space<hbm>>
      tpu.enqueue_dma source(%dma_start3A_76 : memref<80x128xf32, #tpu.memory_space<hbm>>) target(%dma_start3A_73 : memref<80x128xf32, #tpu.memory_space<vmem_shared>>) target_semaphore(%run_scoped3A : memref<!tpu.dma_semaphore, #tpu.memory_space<semaphore_mem>>)
      %dma_wait3A = arith.constant 0 : i32
      %dma_wait3A_77 = tpu.memref_slice %arg8[%add3A_14, %dma_wait3A] : memref<10112x128xf32, #tpu.memory_space<vmem_shared>> -> memref<80x128xf32, #tpu.memory_space<vmem_shared>>
      %dma_wait3A_78 = arith.constant 0 : i32
      %dma_wait3A_79 = arith.constant 0 : i32
      %dma_wait3A_80 = tpu.memref_slice %arg3[%dma_wait3A_78, %dma_wait3A_79] : memref<80x128xf32, #tpu.memory_space<hbm>> -> memref<80x128xf32, #tpu.memory_space<hbm>>
      tpu.wait_dma2 semaphore(%run_scoped3A : memref<!tpu.dma_semaphore, #tpu.memory_space<semaphore_mem>>) src(%dma_wait3A_80 : memref<80x128xf32, #tpu.memory_space<hbm>>) dst(%dma_wait3A_77 : memref<80x128xf32, #tpu.memory_space<vmem_shared>>)
      tpu.yield
    }) : () -> ()
    %add3A_15 = arith.constant 240 : i32
    %add3A_16 = arith.addi %mul3A_2, %add3A_15 : i32
    %add3A_17 = arith.constant 240 : i32
    %add3A_18 = arith.addi %mul3A_2, %add3A_17 : i32
    "tpu.region"() ({
      %run_scoped3A = tpu.sem_alloc : memref<!tpu.dma_semaphore, #tpu.memory_space<semaphore_mem>>
      %dma_start3A = arith.constant 0 : i32
      %dma_start3A_73 = tpu.memref_slice %arg8[%add3A_18, %dma_start3A] : memref<10112x128xf32, #tpu.memory_space<vmem_shared>> -> memref<80x128xf32, #tpu.memory_space<vmem_shared>>
      %dma_start3A_74 = arith.constant 0 : i32
      %dma_start3A_75 = arith.constant 0 : i32
      %dma_start3A_76 = tpu.memref_slice %arg3[%dma_start3A_74, %dma_start3A_75] : memref<80x128xf32, #tpu.memory_space<hbm>> -> memref<80x128xf32, #tpu.memory_space<hbm>>
      tpu.enqueue_dma source(%dma_start3A_76 : memref<80x128xf32, #tpu.memory_space<hbm>>) target(%dma_start3A_73 : memref<80x128xf32, #tpu.memory_space<vmem_shared>>) target_semaphore(%run_scoped3A : memref<!tpu.dma_semaphore, #tpu.memory_space<semaphore_mem>>)
      %dma_wait3A = arith.constant 0 : i32
      %dma_wait3A_77 = tpu.memref_slice %arg8[%add3A_18, %dma_wait3A] : memref<10112x128xf32, #tpu.memory_space<vmem_shared>> -> memref<80x128xf32, #tpu.memory_space<vmem_shared>>
      %dma_wait3A_78 = arith.constant 0 : i32
      %dma_wait3A_79 = arith.constant 0 : i32
      %dma_wait3A_80 = tpu.memref_slice %arg3[%dma_wait3A_78, %dma_wait3A_79] : memref<80x128xf32, #tpu.memory_space<hbm>> -> memref<80x128xf32, #tpu.memory_space<hbm>>
      tpu.wait_dma2 semaphore(%run_scoped3A : memref<!tpu.dma_semaphore, #tpu.memory_space<semaphore_mem>>) src(%dma_wait3A_80 : memref<80x128xf32, #tpu.memory_space<hbm>>) dst(%dma_wait3A_77 : memref<80x128xf32, #tpu.memory_space<vmem_shared>>)
      tpu.yield
    }) : () -> ()
    %add3A_19 = arith.constant 320 : i32
    %add3A_20 = arith.addi %mul3A_2, %add3A_19 : i32
    %add3A_21 = arith.constant 320 : i32
    %add3A_22 = arith.addi %mul3A_2, %add3A_21 : i32
    "tpu.region"() ({
      %run_scoped3A = tpu.sem_alloc : memref<!tpu.dma_semaphore, #tpu.memory_space<semaphore_mem>>
      %dma_start3A = arith.constant 0 : i32
      %dma_start3A_73 = tpu.memref_slice %arg8[%add3A_22, %dma_start3A] : memref<10112x128xf32, #tpu.memory_space<vmem_shared>> -> memref<80x128xf32, #tpu.memory_space<vmem_shared>>
      %dma_start3A_74 = arith.constant 0 : i32
      %dma_start3A_75 = arith.constant 0 : i32
      %dma_start3A_76 = tpu.memref_slice %arg3[%dma_start3A_74, %dma_start3A_75] : memref<80x128xf32, #tpu.memory_space<hbm>> -> memref<80x128xf32, #tpu.memory_space<hbm>>
      tpu.enqueue_dma source(%dma_start3A_76 : memref<80x128xf32, #tpu.memory_space<hbm>>) target(%dma_start3A_73 : memref<80x128xf32, #tpu.memory_space<vmem_shared>>) target_semaphore(%run_scoped3A : memref<!tpu.dma_semaphore, #tpu.memory_space<semaphore_mem>>)
      %dma_wait3A = arith.constant 0 : i32
      %dma_wait3A_77 = tpu.memref_slice %arg8[%add3A_22, %dma_wait3A] : memref<10112x128xf32, #tpu.memory_space<vmem_shared>> -> memref<80x128xf32, #tpu.memory_space<vmem_shared>>
      %dma_wait3A_78 = arith.constant 0 : i32
      %dma_wait3A_79 = arith.constant 0 : i32
      %dma_wait3A_80 = tpu.memref_slice %arg3[%dma_wait3A_78, %dma_wait3A_79] : memref<80x128xf32, #tpu.memory_space<hbm>> -> memref<80x128xf32, #tpu.memory_space<hbm>>
      tpu.wait_dma2 semaphore(%run_scoped3A : memref<!tpu.dma_semaphore, #tpu.memory_space<semaphore_mem>>) src(%dma_wait3A_80 : memref<80x128xf32, #tpu.memory_space<hbm>>) dst(%dma_wait3A_77 : memref<80x128xf32, #tpu.memory_space<vmem_shared>>)
      tpu.yield
    }) : () -> ()
    %add3A_23 = arith.constant 400 : i32
    %add3A_24 = arith.addi %mul3A_2, %add3A_23 : i32
    %add3A_25 = arith.constant 400 : i32
    %add3A_26 = arith.addi %mul3A_2, %add3A_25 : i32
    "tpu.region"() ({
      %run_scoped3A = tpu.sem_alloc : memref<!tpu.dma_semaphore, #tpu.memory_space<semaphore_mem>>
      %dma_start3A = arith.constant 0 : i32
      %dma_start3A_73 = tpu.memref_slice %arg8[%add3A_26, %dma_start3A] : memref<10112x128xf32, #tpu.memory_space<vmem_shared>> -> memref<80x128xf32, #tpu.memory_space<vmem_shared>>
      %dma_start3A_74 = arith.constant 0 : i32
      %dma_start3A_75 = arith.constant 0 : i32
      %dma_start3A_76 = tpu.memref_slice %arg3[%dma_start3A_74, %dma_start3A_75] : memref<80x128xf32, #tpu.memory_space<hbm>> -> memref<80x128xf32, #tpu.memory_space<hbm>>
      tpu.enqueue_dma source(%dma_start3A_76 : memref<80x128xf32, #tpu.memory_space<hbm>>) target(%dma_start3A_73 : memref<80x128xf32, #tpu.memory_space<vmem_shared>>) target_semaphore(%run_scoped3A : memref<!tpu.dma_semaphore, #tpu.memory_space<semaphore_mem>>)
      %dma_wait3A = arith.constant 0 : i32
      %dma_wait3A_77 = tpu.memref_slice %arg8[%add3A_26, %dma_wait3A] : memref<10112x128xf32, #tpu.memory_space<vmem_shared>> -> memref<80x128xf32, #tpu.memory_space<vmem_shared>>
      %dma_wait3A_78 = arith.constant 0 : i32
      %dma_wait3A_79 = arith.constant 0 : i32
      %dma_wait3A_80 = tpu.memref_slice %arg3[%dma_wait3A_78, %dma_wait3A_79] : memref<80x128xf32, #tpu.memory_space<hbm>> -> memref<80x128xf32, #tpu.memory_space<hbm>>
      tpu.wait_dma2 semaphore(%run_scoped3A : memref<!tpu.dma_semaphore, #tpu.memory_space<semaphore_mem>>) src(%dma_wait3A_80 : memref<80x128xf32, #tpu.memory_space<hbm>>) dst(%dma_wait3A_77 : memref<80x128xf32, #tpu.memory_space<vmem_shared>>)
      tpu.yield
    }) : () -> ()
    %add3A_27 = arith.constant 480 : i32
    %add3A_28 = arith.addi %mul3A_2, %add3A_27 : i32
    %add3A_29 = arith.constant 480 : i32
    %add3A_30 = arith.addi %mul3A_2, %add3A_29 : i32
    "tpu.region"() ({
      %run_scoped3A = tpu.sem_alloc : memref<!tpu.dma_semaphore, #tpu.memory_space<semaphore_mem>>
      %dma_start3A = arith.constant 0 : i32
      %dma_start3A_73 = tpu.memref_slice %arg8[%add3A_30, %dma_start3A] : memref<10112x128xf32, #tpu.memory_space<vmem_shared>> -> memref<80x128xf32, #tpu.memory_space<vmem_shared>>
      %dma_start3A_74 = arith.constant 0 : i32
      %dma_start3A_75 = arith.constant 0 : i32
      %dma_start3A_76 = tpu.memref_slice %arg3[%dma_start3A_74, %dma_start3A_75] : memref<80x128xf32, #tpu.memory_space<hbm>> -> memref<80x128xf32, #tpu.memory_space<hbm>>
      tpu.enqueue_dma source(%dma_start3A_76 : memref<80x128xf32, #tpu.memory_space<hbm>>) target(%dma_start3A_73 : memref<80x128xf32, #tpu.memory_space<vmem_shared>>) target_semaphore(%run_scoped3A : memref<!tpu.dma_semaphore, #tpu.memory_space<semaphore_mem>>)
      %dma_wait3A = arith.constant 0 : i32
      %dma_wait3A_77 = tpu.memref_slice %arg8[%add3A_30, %dma_wait3A] : memref<10112x128xf32, #tpu.memory_space<vmem_shared>> -> memref<80x128xf32, #tpu.memory_space<vmem_shared>>
      %dma_wait3A_78 = arith.constant 0 : i32
      %dma_wait3A_79 = arith.constant 0 : i32
      %dma_wait3A_80 = tpu.memref_slice %arg3[%dma_wait3A_78, %dma_wait3A_79] : memref<80x128xf32, #tpu.memory_space<hbm>> -> memref<80x128xf32, #tpu.memory_space<hbm>>
      tpu.wait_dma2 semaphore(%run_scoped3A : memref<!tpu.dma_semaphore, #tpu.memory_space<semaphore_mem>>) src(%dma_wait3A_80 : memref<80x128xf32, #tpu.memory_space<hbm>>) dst(%dma_wait3A_77 : memref<80x128xf32, #tpu.memory_space<vmem_shared>>)
      tpu.yield
    }) : () -> ()
    %add3A_31 = arith.constant 560 : i32
    %add3A_32 = arith.addi %mul3A_2, %add3A_31 : i32
    %add3A_33 = arith.constant 560 : i32
    %add3A_34 = arith.addi %mul3A_2, %add3A_33 : i32
    "tpu.region"() ({
      %run_scoped3A = tpu.sem_alloc : memref<!tpu.dma_semaphore, #tpu.memory_space<semaphore_mem>>
      %dma_start3A = arith.constant 0 : i32
      %dma_start3A_73 = tpu.memref_slice %arg8[%add3A_34, %dma_start3A] : memref<10112x128xf32, #tpu.memory_space<vmem_shared>> -> memref<72x128xf32, #tpu.memory_space<vmem_shared>>
      %dma_start3A_74 = arith.constant 0 : i32
      %dma_start3A_75 = arith.constant 0 : i32
      %dma_start3A_76 = tpu.memref_slice %arg3[%dma_start3A_74, %dma_start3A_75] : memref<80x128xf32, #tpu.memory_space<hbm>> -> memref<72x128xf32, #tpu.memory_space<hbm>>
      tpu.enqueue_dma source(%dma_start3A_76 : memref<72x128xf32, #tpu.memory_space<hbm>>) target(%dma_start3A_73 : memref<72x128xf32, #tpu.memory_space<vmem_shared>>) target_semaphore(%run_scoped3A : memref<!tpu.dma_semaphore, #tpu.memory_space<semaphore_mem>>)
      %dma_wait3A = arith.constant 0 : i32
      %dma_wait3A_77 = tpu.memref_slice %arg8[%add3A_34, %dma_wait3A] : memref<10112x128xf32, #tpu.memory_space<vmem_shared>> -> memref<72x128xf32, #tpu.memory_space<vmem_shared>>
      %dma_wait3A_78 = arith.constant 0 : i32
      %dma_wait3A_79 = arith.constant 0 : i32
      %dma_wait3A_80 = tpu.memref_slice %arg3[%dma_wait3A_78, %dma_wait3A_79] : memref<80x128xf32, #tpu.memory_space<hbm>> -> memref<72x128xf32, #tpu.memory_space<hbm>>
      tpu.wait_dma2 semaphore(%run_scoped3A : memref<!tpu.dma_semaphore, #tpu.memory_space<semaphore_mem>>) src(%dma_wait3A_80 : memref<72x128xf32, #tpu.memory_space<hbm>>) dst(%dma_wait3A_77 : memref<72x128xf32, #tpu.memory_space<vmem_shared>>)
      tpu.yield
    }) : () -> ()
    %barrier3A = arith.constant 0 : index
    tpu.barrier barrier_id(%barrier3A)
    %scan3A = arith.constant 0 : i32
    %scan3A_35 = arith.constant 0 : i32
    %scan3A_36 = arith.constant 10 : i32
    %scan3A_37 = arith.addi %scan3A_35, %scan3A_36 : i32
    %scan3A_38 = arith.constant 1 : i32
    scf.for %scan3A_73 = %scan3A_35 to %scan3A_37 step %scan3A_38  : i32 {
      %mul3A_74 = arith.constant 8 : i32
      %mul3A_75 = arith.muli %scan3A_73, %mul3A_74 : i32
      "tpu.region"() ({
        %run_scoped3A_83 = tpu.sem_alloc : memref<!tpu.dma_semaphore, #tpu.memory_space<semaphore_mem>>
        %dma_start3A = arith.constant 0 : i32
        %dma_start3A_84 = tpu.memref_slice %arg2[%add3A, %mul3A_75, %dma_start3A] : memref<32x80x128xi32, #tpu.memory_space<hbm>> -> memref<1x8x128xi32, #tpu.memory_space<hbm>>
        %dma_start3A_85 = tpu.memref_squeeze %dma_start3A_84 : memref<1x8x128xi32, #tpu.memory_space<hbm>> -> memref<8x128xi32, #tpu.memory_space<hbm>>
        %dma_start3A_86 = arith.constant 0 : i32
        %dma_start3A_87 = tpu.memref_slice %arg2[%add3A, %mul3A_75, %dma_start3A_86] : memref<32x80x128xi32, #tpu.memory_space<hbm>> -> memref<1x8x128xi32, #tpu.memory_space<hbm>>
        %dma_start3A_88 = tpu.memref_squeeze %dma_start3A_87 : memref<1x8x128xi32, #tpu.memory_space<hbm>> -> memref<8x128xi32, #tpu.memory_space<hbm>>
        tpu.enqueue_dma source(%dma_start3A_88 : memref<8x128xi32, #tpu.memory_space<hbm>>) target(%arg6 : memref<8x128xi32, #tpu.memory_space<vmem>>) target_semaphore(%run_scoped3A_83 : memref<!tpu.dma_semaphore, #tpu.memory_space<semaphore_mem>>)
        %dma_wait3A = arith.constant 0 : i32
        %dma_wait3A_89 = tpu.memref_slice %arg2[%add3A, %mul3A_75, %dma_wait3A] : memref<32x80x128xi32, #tpu.memory_space<hbm>> -> memref<1x8x128xi32, #tpu.memory_space<hbm>>
        %dma_wait3A_90 = tpu.memref_squeeze %dma_wait3A_89 : memref<1x8x128xi32, #tpu.memory_space<hbm>> -> memref<8x128xi32, #tpu.memory_space<hbm>>
        %dma_wait3A_91 = arith.constant 0 : i32
        %dma_wait3A_92 = tpu.memref_slice %arg2[%add3A, %mul3A_75, %dma_wait3A_91] : memref<32x80x128xi32, #tpu.memory_space<hbm>> -> memref<1x8x128xi32, #tpu.memory_space<hbm>>
        %dma_wait3A_93 = tpu.memref_squeeze %dma_wait3A_92 : memref<1x8x128xi32, #tpu.memory_space<hbm>> -> memref<8x128xi32, #tpu.memory_space<hbm>>
        tpu.wait_dma2 semaphore(%run_scoped3A_83 : memref<!tpu.dma_semaphore, #tpu.memory_space<semaphore_mem>>) src(%dma_wait3A_93 : memref<8x128xi32, #tpu.memory_space<hbm>>) dst(%arg6 : memref<8x128xi32, #tpu.memory_space<vmem>>)
        tpu.yield
      }) : () -> ()
      %run_scoped3A = arith.constant 0 : i32
      "tpu.region"() ({
        %run_scoped3A_83 = tpu.sem_alloc : memref<!tpu.dma_semaphore, #tpu.memory_space<semaphore_mem>>
        %dma_start3A = arith.constant 0 : i32
        %dma_start3A_84 = tpu.memref_slice %arg6[%run_scoped3A, %dma_start3A] : memref<8x128xi32, #tpu.memory_space<vmem>> -> memref<1x128xi32, #tpu.memory_space<vmem>>
        %dma_start3A_85 = tpu.memref_squeeze %dma_start3A_84 : memref<1x128xi32, #tpu.memory_space<vmem>> -> memref<128xi32, #tpu.memory_space<vmem>>
        %dma_start3A_86 = arith.constant 0 : i32
        %dma_start3A_87 = arith.constant 0 : i32
        %dma_start3A_88 = tpu.memref_slice %arg8[%dma_start3A_86, %dma_start3A_87] : memref<10112x128xf32, #tpu.memory_space<vmem_shared>> -> memref<10112x128xf32, #tpu.memory_space<vmem_shared>>
        tpu.enqueue_indirect_dma source(%arg7 : memref<128x128xf32, #tpu.memory_space<vmem>>) target(%dma_start3A_88 : memref<10112x128xf32, #tpu.memory_space<vmem_shared>>) offsets(%dma_start3A_85 : memref<128xi32, #tpu.memory_space<vmem>>) semaphore(%run_scoped3A_83 : memref<!tpu.dma_semaphore, #tpu.memory_space<semaphore_mem>>) {add = true}
        %dma_wait3A = arith.constant 0 : i32
        %dma_wait3A_89 = tpu.memref_slice %arg6[%run_scoped3A, %dma_wait3A] : memref<8x128xi32, #tpu.memory_space<vmem>> -> memref<1x128xi32, #tpu.memory_space<vmem>>
        %dma_wait3A_90 = tpu.memref_squeeze %dma_wait3A_89 : memref<1x128xi32, #tpu.memory_space<vmem>> -> memref<128xi32, #tpu.memory_space<vmem>>
        %dma_wait3A_91 = arith.constant 0 : i32
        %dma_wait3A_92 = arith.constant 0 : i32
        %dma_wait3A_93 = tpu.memref_slice %arg8[%dma_wait3A_91, %dma_wait3A_92] : memref<10112x128xf32, #tpu.memory_space<vmem_shared>> -> memref<10112x128xf32, #tpu.memory_space<vmem_shared>>
        tpu.wait_indirect_dma semaphore(%run_scoped3A_83 : memref<!tpu.dma_semaphore, #tpu.memory_space<semaphore_mem>>) src(%arg7 : memref<128x128xf32, #tpu.memory_space<vmem>>) dst(%dma_wait3A_93 : memref<10112x128xf32, #tpu.memory_space<vmem_shared>>)
        tpu.yield
      }) : () -> ()
      %run_scoped3A_76 = arith.constant 1 : i32
      "tpu.region"() ({
        %run_scoped3A_83 = tpu.sem_alloc : memref<!tpu.dma_semaphore, #tpu.memory_space<semaphore_mem>>
        %dma_start3A = arith.constant 0 : i32
        %dma_start3A_84 = tpu.memref_slice %arg6[%run_scoped3A_76, %dma_start3A] : memref<8x128xi32, #tpu.memory_space<vmem>> -> memref<1x128xi32, #tpu.memory_space<vmem>>
        %dma_start3A_85 = tpu.memref_squeeze %dma_start3A_84 : memref<1x128xi32, #tpu.memory_space<vmem>> -> memref<128xi32, #tpu.memory_space<vmem>>
        %dma_start3A_86 = arith.constant 0 : i32
        %dma_start3A_87 = arith.constant 0 : i32
        %dma_start3A_88 = tpu.memref_slice %arg8[%dma_start3A_86, %dma_start3A_87] : memref<10112x128xf32, #tpu.memory_space<vmem_shared>> -> memref<10112x128xf32, #tpu.memory_space<vmem_shared>>
        tpu.enqueue_indirect_dma source(%arg7 : memref<128x128xf32, #tpu.memory_space<vmem>>) target(%dma_start3A_88 : memref<10112x128xf32, #tpu.memory_space<vmem_shared>>) offsets(%dma_start3A_85 : memref<128xi32, #tpu.memory_space<vmem>>) semaphore(%run_scoped3A_83 : memref<!tpu.dma_semaphore, #tpu.memory_space<semaphore_mem>>) {add = true}
        %dma_wait3A = arith.constant 0 : i32
        %dma_wait3A_89 = tpu.memref_slice %arg6[%run_scoped3A_76, %dma_wait3A] : memref<8x128xi32, #tpu.memory_space<vmem>> -> memref<1x128xi32, #tpu.memory_space<vmem>>
        %dma_wait3A_90 = tpu.memref_squeeze %dma_wait3A_89 : memref<1x128xi32, #tpu.memory_space<vmem>> -> memref<128xi32, #tpu.memory_space<vmem>>
        %dma_wait3A_91 = arith.constant 0 : i32
        %dma_wait3A_92 = arith.constant 0 : i32
        %dma_wait3A_93 = tpu.memref_slice %arg8[%dma_wait3A_91, %dma_wait3A_92] : memref<10112x128xf32, #tpu.memory_space<vmem_shared>> -> memref<10112x128xf32, #tpu.memory_space<vmem_shared>>
        tpu.wait_indirect_dma semaphore(%run_scoped3A_83 : memref<!tpu.dma_semaphore, #tpu.memory_space<semaphore_mem>>) src(%arg7 : memref<128x128xf32, #tpu.memory_space<vmem>>) dst(%dma_wait3A_93 : memref<10112x128xf32, #tpu.memory_space<vmem_shared>>)
        tpu.yield
      }) : () -> ()
      %run_scoped3A_77 = arith.constant 2 : i32
      "tpu.region"() ({
        %run_scoped3A_83 = tpu.sem_alloc : memref<!tpu.dma_semaphore, #tpu.memory_space<semaphore_mem>>
        %dma_start3A = arith.constant 0 : i32
        %dma_start3A_84 = tpu.memref_slice %arg6[%run_scoped3A_77, %dma_start3A] : memref<8x128xi32, #tpu.memory_space<vmem>> -> memref<1x128xi32, #tpu.memory_space<vmem>>
        %dma_start3A_85 = tpu.memref_squeeze %dma_start3A_84 : memref<1x128xi32, #tpu.memory_space<vmem>> -> memref<128xi32, #tpu.memory_space<vmem>>
        %dma_start3A_86 = arith.constant 0 : i32
        %dma_start3A_87 = arith.constant 0 : i32
        %dma_start3A_88 = tpu.memref_slice %arg8[%dma_start3A_86, %dma_start3A_87] : memref<10112x128xf32, #tpu.memory_space<vmem_shared>> -> memref<10112x128xf32, #tpu.memory_space<vmem_shared>>
        tpu.enqueue_indirect_dma source(%arg7 : memref<128x128xf32, #tpu.memory_space<vmem>>) target(%dma_start3A_88 : memref<10112x128xf32, #tpu.memory_space<vmem_shared>>) offsets(%dma_start3A_85 : memref<128xi32, #tpu.memory_space<vmem>>) semaphore(%run_scoped3A_83 : memref<!tpu.dma_semaphore, #tpu.memory_space<semaphore_mem>>) {add = true}
        %dma_wait3A = arith.constant 0 : i32
        %dma_wait3A_89 = tpu.memref_slice %arg6[%run_scoped3A_77, %dma_wait3A] : memref<8x128xi32, #tpu.memory_space<vmem>> -> memref<1x128xi32, #tpu.memory_space<vmem>>
        %dma_wait3A_90 = tpu.memref_squeeze %dma_wait3A_89 : memref<1x128xi32, #tpu.memory_space<vmem>> -> memref<128xi32, #tpu.memory_space<vmem>>
        %dma_wait3A_91 = arith.constant 0 : i32
        %dma_wait3A_92 = arith.constant 0 : i32
        %dma_wait3A_93 = tpu.memref_slice %arg8[%dma_wait3A_91, %dma_wait3A_92] : memref<10112x128xf32, #tpu.memory_space<vmem_shared>> -> memref<10112x128xf32, #tpu.memory_space<vmem_shared>>
        tpu.wait_indirect_dma semaphore(%run_scoped3A_83 : memref<!tpu.dma_semaphore, #tpu.memory_space<semaphore_mem>>) src(%arg7 : memref<128x128xf32, #tpu.memory_space<vmem>>) dst(%dma_wait3A_93 : memref<10112x128xf32, #tpu.memory_space<vmem_shared>>)
        tpu.yield
      }) : () -> ()
      %run_scoped3A_78 = arith.constant 3 : i32
      "tpu.region"() ({
        %run_scoped3A_83 = tpu.sem_alloc : memref<!tpu.dma_semaphore, #tpu.memory_space<semaphore_mem>>
        %dma_start3A = arith.constant 0 : i32
        %dma_start3A_84 = tpu.memref_slice %arg6[%run_scoped3A_78, %dma_start3A] : memref<8x128xi32, #tpu.memory_space<vmem>> -> memref<1x128xi32, #tpu.memory_space<vmem>>
        %dma_start3A_85 = tpu.memref_squeeze %dma_start3A_84 : memref<1x128xi32, #tpu.memory_space<vmem>> -> memref<128xi32, #tpu.memory_space<vmem>>
        %dma_start3A_86 = arith.constant 0 : i32
        %dma_start3A_87 = arith.constant 0 : i32
        %dma_start3A_88 = tpu.memref_slice %arg8[%dma_start3A_86, %dma_start3A_87] : memref<10112x128xf32, #tpu.memory_space<vmem_shared>> -> memref<10112x128xf32, #tpu.memory_space<vmem_shared>>
        tpu.enqueue_indirect_dma source(%arg7 : memref<128x128xf32, #tpu.memory_space<vmem>>) target(%dma_start3A_88 : memref<10112x128xf32, #tpu.memory_space<vmem_shared>>) offsets(%dma_start3A_85 : memref<128xi32, #tpu.memory_space<vmem>>) semaphore(%run_scoped3A_83 : memref<!tpu.dma_semaphore, #tpu.memory_space<semaphore_mem>>) {add = true}
        %dma_wait3A = arith.constant 0 : i32
        %dma_wait3A_89 = tpu.memref_slice %arg6[%run_scoped3A_78, %dma_wait3A] : memref<8x128xi32, #tpu.memory_space<vmem>> -> memref<1x128xi32, #tpu.memory_space<vmem>>
        %dma_wait3A_90 = tpu.memref_squeeze %dma_wait3A_89 : memref<1x128xi32, #tpu.memory_space<vmem>> -> memref<128xi32, #tpu.memory_space<vmem>>
        %dma_wait3A_91 = arith.constant 0 : i32
        %dma_wait3A_92 = arith.constant 0 : i32
        %dma_wait3A_93 = tpu.memref_slice %arg8[%dma_wait3A_91, %dma_wait3A_92] : memref<10112x128xf32, #tpu.memory_space<vmem_shared>> -> memref<10112x128xf32, #tpu.memory_space<vmem_shared>>
        tpu.wait_indirect_dma semaphore(%run_scoped3A_83 : memref<!tpu.dma_semaphore, #tpu.memory_space<semaphore_mem>>) src(%arg7 : memref<128x128xf32, #tpu.memory_space<vmem>>) dst(%dma_wait3A_93 : memref<10112x128xf32, #tpu.memory_space<vmem_shared>>)
        tpu.yield
      }) : () -> ()
      %run_scoped3A_79 = arith.constant 4 : i32
      "tpu.region"() ({
        %run_scoped3A_83 = tpu.sem_alloc : memref<!tpu.dma_semaphore, #tpu.memory_space<semaphore_mem>>
        %dma_start3A = arith.constant 0 : i32
        %dma_start3A_84 = tpu.memref_slice %arg6[%run_scoped3A_79, %dma_start3A] : memref<8x128xi32, #tpu.memory_space<vmem>> -> memref<1x128xi32, #tpu.memory_space<vmem>>
        %dma_start3A_85 = tpu.memref_squeeze %dma_start3A_84 : memref<1x128xi32, #tpu.memory_space<vmem>> -> memref<128xi32, #tpu.memory_space<vmem>>
        %dma_start3A_86 = arith.constant 0 : i32
        %dma_start3A_87 = arith.constant 0 : i32
        %dma_start3A_88 = tpu.memref_slice %arg8[%dma_start3A_86, %dma_start3A_87] : memref<10112x128xf32, #tpu.memory_space<vmem_shared>> -> memref<10112x128xf32, #tpu.memory_space<vmem_shared>>
        tpu.enqueue_indirect_dma source(%arg7 : memref<128x128xf32, #tpu.memory_space<vmem>>) target(%dma_start3A_88 : memref<10112x128xf32, #tpu.memory_space<vmem_shared>>) offsets(%dma_start3A_85 : memref<128xi32, #tpu.memory_space<vmem>>) semaphore(%run_scoped3A_83 : memref<!tpu.dma_semaphore, #tpu.memory_space<semaphore_mem>>) {add = true}
        %dma_wait3A = arith.constant 0 : i32
        %dma_wait3A_89 = tpu.memref_slice %arg6[%run_scoped3A_79, %dma_wait3A] : memref<8x128xi32, #tpu.memory_space<vmem>> -> memref<1x128xi32, #tpu.memory_space<vmem>>
        %dma_wait3A_90 = tpu.memref_squeeze %dma_wait3A_89 : memref<1x128xi32, #tpu.memory_space<vmem>> -> memref<128xi32, #tpu.memory_space<vmem>>
        %dma_wait3A_91 = arith.constant 0 : i32
        %dma_wait3A_92 = arith.constant 0 : i32
        %dma_wait3A_93 = tpu.memref_slice %arg8[%dma_wait3A_91, %dma_wait3A_92] : memref<10112x128xf32, #tpu.memory_space<vmem_shared>> -> memref<10112x128xf32, #tpu.memory_space<vmem_shared>>
        tpu.wait_indirect_dma semaphore(%run_scoped3A_83 : memref<!tpu.dma_semaphore, #tpu.memory_space<semaphore_mem>>) src(%arg7 : memref<128x128xf32, #tpu.memory_space<vmem>>) dst(%dma_wait3A_93 : memref<10112x128xf32, #tpu.memory_space<vmem_shared>>)
        tpu.yield
      }) : () -> ()
      %run_scoped3A_80 = arith.constant 5 : i32
      "tpu.region"() ({
        %run_scoped3A_83 = tpu.sem_alloc : memref<!tpu.dma_semaphore, #tpu.memory_space<semaphore_mem>>
        %dma_start3A = arith.constant 0 : i32
        %dma_start3A_84 = tpu.memref_slice %arg6[%run_scoped3A_80, %dma_start3A] : memref<8x128xi32, #tpu.memory_space<vmem>> -> memref<1x128xi32, #tpu.memory_space<vmem>>
        %dma_start3A_85 = tpu.memref_squeeze %dma_start3A_84 : memref<1x128xi32, #tpu.memory_space<vmem>> -> memref<128xi32, #tpu.memory_space<vmem>>
        %dma_start3A_86 = arith.constant 0 : i32
        %dma_start3A_87 = arith.constant 0 : i32
        %dma_start3A_88 = tpu.memref_slice %arg8[%dma_start3A_86, %dma_start3A_87] : memref<10112x128xf32, #tpu.memory_space<vmem_shared>> -> memref<10112x128xf32, #tpu.memory_space<vmem_shared>>
        tpu.enqueue_indirect_dma source(%arg7 : memref<128x128xf32, #tpu.memory_space<vmem>>) target(%dma_start3A_88 : memref<10112x128xf32, #tpu.memory_space<vmem_shared>>) offsets(%dma_start3A_85 : memref<128xi32, #tpu.memory_space<vmem>>) semaphore(%run_scoped3A_83 : memref<!tpu.dma_semaphore, #tpu.memory_space<semaphore_mem>>) {add = true}
        %dma_wait3A = arith.constant 0 : i32
        %dma_wait3A_89 = tpu.memref_slice %arg6[%run_scoped3A_80, %dma_wait3A] : memref<8x128xi32, #tpu.memory_space<vmem>> -> memref<1x128xi32, #tpu.memory_space<vmem>>
        %dma_wait3A_90 = tpu.memref_squeeze %dma_wait3A_89 : memref<1x128xi32, #tpu.memory_space<vmem>> -> memref<128xi32, #tpu.memory_space<vmem>>
        %dma_wait3A_91 = arith.constant 0 : i32
        %dma_wait3A_92 = arith.constant 0 : i32
        %dma_wait3A_93 = tpu.memref_slice %arg8[%dma_wait3A_91, %dma_wait3A_92] : memref<10112x128xf32, #tpu.memory_space<vmem_shared>> -> memref<10112x128xf32, #tpu.memory_space<vmem_shared>>
        tpu.wait_indirect_dma semaphore(%run_scoped3A_83 : memref<!tpu.dma_semaphore, #tpu.memory_space<semaphore_mem>>) src(%arg7 : memref<128x128xf32, #tpu.memory_space<vmem>>) dst(%dma_wait3A_93 : memref<10112x128xf32, #tpu.memory_space<vmem_shared>>)
        tpu.yield
      }) : () -> ()
      %run_scoped3A_81 = arith.constant 6 : i32
      "tpu.region"() ({
        %run_scoped3A_83 = tpu.sem_alloc : memref<!tpu.dma_semaphore, #tpu.memory_space<semaphore_mem>>
        %dma_start3A = arith.constant 0 : i32
        %dma_start3A_84 = tpu.memref_slice %arg6[%run_scoped3A_81, %dma_start3A] : memref<8x128xi32, #tpu.memory_space<vmem>> -> memref<1x128xi32, #tpu.memory_space<vmem>>
        %dma_start3A_85 = tpu.memref_squeeze %dma_start3A_84 : memref<1x128xi32, #tpu.memory_space<vmem>> -> memref<128xi32, #tpu.memory_space<vmem>>
        %dma_start3A_86 = arith.constant 0 : i32
        %dma_start3A_87 = arith.constant 0 : i32
        %dma_start3A_88 = tpu.memref_slice %arg8[%dma_start3A_86, %dma_start3A_87] : memref<10112x128xf32, #tpu.memory_space<vmem_shared>> -> memref<10112x128xf32, #tpu.memory_space<vmem_shared>>
        tpu.enqueue_indirect_dma source(%arg7 : memref<128x128xf32, #tpu.memory_space<vmem>>) target(%dma_start3A_88 : memref<10112x128xf32, #tpu.memory_space<vmem_shared>>) offsets(%dma_start3A_85 : memref<128xi32, #tpu.memory_space<vmem>>) semaphore(%run_scoped3A_83 : memref<!tpu.dma_semaphore, #tpu.memory_space<semaphore_mem>>) {add = true}
        %dma_wait3A = arith.constant 0 : i32
        %dma_wait3A_89 = tpu.memref_slice %arg6[%run_scoped3A_81, %dma_wait3A] : memref<8x128xi32, #tpu.memory_space<vmem>> -> memref<1x128xi32, #tpu.memory_space<vmem>>
        %dma_wait3A_90 = tpu.memref_squeeze %dma_wait3A_89 : memref<1x128xi32, #tpu.memory_space<vmem>> -> memref<128xi32, #tpu.memory_space<vmem>>
        %dma_wait3A_91 = arith.constant 0 : i32
        %dma_wait3A_92 = arith.constant 0 : i32
        %dma_wait3A_93 = tpu.memref_slice %arg8[%dma_wait3A_91, %dma_wait3A_92] : memref<10112x128xf32, #tpu.memory_space<vmem_shared>> -> memref<10112x128xf32, #tpu.memory_space<vmem_shared>>
        tpu.wait_indirect_dma semaphore(%run_scoped3A_83 : memref<!tpu.dma_semaphore, #tpu.memory_space<semaphore_mem>>) src(%arg7 : memref<128x128xf32, #tpu.memory_space<vmem>>) dst(%dma_wait3A_93 : memref<10112x128xf32, #tpu.memory_space<vmem_shared>>)
        tpu.yield
      }) : () -> ()
      %run_scoped3A_82 = arith.constant 7 : i32
      "tpu.region"() ({
        %run_scoped3A_83 = tpu.sem_alloc : memref<!tpu.dma_semaphore, #tpu.memory_space<semaphore_mem>>
        %dma_start3A = arith.constant 0 : i32
        %dma_start3A_84 = tpu.memref_slice %arg6[%run_scoped3A_82, %dma_start3A] : memref<8x128xi32, #tpu.memory_space<vmem>> -> memref<1x128xi32, #tpu.memory_space<vmem>>
        %dma_start3A_85 = tpu.memref_squeeze %dma_start3A_84 : memref<1x128xi32, #tpu.memory_space<vmem>> -> memref<128xi32, #tpu.memory_space<vmem>>
        %dma_start3A_86 = arith.constant 0 : i32
        %dma_start3A_87 = arith.constant 0 : i32
        %dma_start3A_88 = tpu.memref_slice %arg8[%dma_start3A_86, %dma_start3A_87] : memref<10112x128xf32, #tpu.memory_space<vmem_shared>> -> memref<10112x128xf32, #tpu.memory_space<vmem_shared>>
        tpu.enqueue_indirect_dma source(%arg7 : memref<128x128xf32, #tpu.memory_space<vmem>>) target(%dma_start3A_88 : memref<10112x128xf32, #tpu.memory_space<vmem_shared>>) offsets(%dma_start3A_85 : memref<128xi32, #tpu.memory_space<vmem>>) semaphore(%run_scoped3A_83 : memref<!tpu.dma_semaphore, #tpu.memory_space<semaphore_mem>>) {add = true}
        %dma_wait3A = arith.constant 0 : i32
        %dma_wait3A_89 = tpu.memref_slice %arg6[%run_scoped3A_82, %dma_wait3A] : memref<8x128xi32, #tpu.memory_space<vmem>> -> memref<1x128xi32, #tpu.memory_space<vmem>>
        %dma_wait3A_90 = tpu.memref_squeeze %dma_wait3A_89 : memref<1x128xi32, #tpu.memory_space<vmem>> -> memref<128xi32, #tpu.memory_space<vmem>>
        %dma_wait3A_91 = arith.constant 0 : i32
        %dma_wait3A_92 = arith.constant 0 : i32
        %dma_wait3A_93 = tpu.memref_slice %arg8[%dma_wait3A_91, %dma_wait3A_92] : memref<10112x128xf32, #tpu.memory_space<vmem_shared>> -> memref<10112x128xf32, #tpu.memory_space<vmem_shared>>
        tpu.wait_indirect_dma semaphore(%run_scoped3A_83 : memref<!tpu.dma_semaphore, #tpu.memory_space<semaphore_mem>>) src(%arg7 : memref<128x128xf32, #tpu.memory_space<vmem>>) dst(%dma_wait3A_93 : memref<10112x128xf32, #tpu.memory_space<vmem_shared>>)
        tpu.yield
      }) : () -> ()
    }
    %scan3A_39 = arith.constant 10 : i32
    %barrier3A_40 = arith.constant 0 : index
    tpu.barrier barrier_id(%barrier3A_40)
    %add3A_41 = arith.constant 0 : i32
    %add3A_42 = arith.addi %mul3A_2, %add3A_41 : i32
    %add3A_43 = arith.constant 0 : i32
    %add3A_44 = arith.addi %mul3A_2, %add3A_43 : i32
    "tpu.region"() ({
      %run_scoped3A = tpu.sem_alloc : memref<!tpu.dma_semaphore, #tpu.memory_space<semaphore_mem>>
      %dma_start3A = arith.constant 0 : i32
      %dma_start3A_73 = tpu.memref_slice %arg5[%arg0, %add3A_44, %dma_start3A] : memref<2x10112x128xf32, #tpu.memory_space<hbm>> -> memref<1x80x128xf32, #tpu.memory_space<hbm>>
      %dma_start3A_74 = tpu.memref_squeeze %dma_start3A_73 : memref<1x80x128xf32, #tpu.memory_space<hbm>> -> memref<80x128xf32, #tpu.memory_space<hbm>>
      %dma_start3A_75 = arith.constant 0 : i32
      %dma_start3A_76 = tpu.memref_slice %arg8[%add3A_42, %dma_start3A_75] : memref<10112x128xf32, #tpu.memory_space<vmem_shared>> -> memref<80x128xf32, #tpu.memory_space<vmem_shared>>
      tpu.enqueue_dma source(%dma_start3A_76 : memref<80x128xf32, #tpu.memory_space<vmem_shared>>) target(%dma_start3A_74 : memref<80x128xf32, #tpu.memory_space<hbm>>) target_semaphore(%run_scoped3A : memref<!tpu.dma_semaphore, #tpu.memory_space<semaphore_mem>>)
      %dma_wait3A = arith.constant 0 : i32
      %dma_wait3A_77 = tpu.memref_slice %arg5[%arg0, %add3A_44, %dma_wait3A] : memref<2x10112x128xf32, #tpu.memory_space<hbm>> -> memref<1x80x128xf32, #tpu.memory_space<hbm>>
      %dma_wait3A_78 = tpu.memref_squeeze %dma_wait3A_77 : memref<1x80x128xf32, #tpu.memory_space<hbm>> -> memref<80x128xf32, #tpu.memory_space<hbm>>
      %dma_wait3A_79 = arith.constant 0 : i32
      %dma_wait3A_80 = tpu.memref_slice %arg8[%add3A_42, %dma_wait3A_79] : memref<10112x128xf32, #tpu.memory_space<vmem_shared>> -> memref<80x128xf32, #tpu.memory_space<vmem_shared>>
      tpu.wait_dma2 semaphore(%run_scoped3A : memref<!tpu.dma_semaphore, #tpu.memory_space<semaphore_mem>>) src(%dma_wait3A_80 : memref<80x128xf32, #tpu.memory_space<vmem_shared>>) dst(%dma_wait3A_78 : memref<80x128xf32, #tpu.memory_space<hbm>>)
      tpu.yield
    }) : () -> ()
    %add3A_45 = arith.constant 80 : i32
    %add3A_46 = arith.addi %mul3A_2, %add3A_45 : i32
    %add3A_47 = arith.constant 80 : i32
    %add3A_48 = arith.addi %mul3A_2, %add3A_47 : i32
    "tpu.region"() ({
      %run_scoped3A = tpu.sem_alloc : memref<!tpu.dma_semaphore, #tpu.memory_space<semaphore_mem>>
      %dma_start3A = arith.constant 0 : i32
      %dma_start3A_73 = tpu.memref_slice %arg5[%arg0, %add3A_48, %dma_start3A] : memref<2x10112x128xf32, #tpu.memory_space<hbm>> -> memref<1x80x128xf32, #tpu.memory_space<hbm>>
      %dma_start3A_74 = tpu.memref_squeeze %dma_start3A_73 : memref<1x80x128xf32, #tpu.memory_space<hbm>> -> memref<80x128xf32, #tpu.memory_space<hbm>>
      %dma_start3A_75 = arith.constant 0 : i32
      %dma_start3A_76 = tpu.memref_slice %arg8[%add3A_46, %dma_start3A_75] : memref<10112x128xf32, #tpu.memory_space<vmem_shared>> -> memref<80x128xf32, #tpu.memory_space<vmem_shared>>
      tpu.enqueue_dma source(%dma_start3A_76 : memref<80x128xf32, #tpu.memory_space<vmem_shared>>) target(%dma_start3A_74 : memref<80x128xf32, #tpu.memory_space<hbm>>) target_semaphore(%run_scoped3A : memref<!tpu.dma_semaphore, #tpu.memory_space<semaphore_mem>>)
      %dma_wait3A = arith.constant 0 : i32
      %dma_wait3A_77 = tpu.memref_slice %arg5[%arg0, %add3A_48, %dma_wait3A] : memref<2x10112x128xf32, #tpu.memory_space<hbm>> -> memref<1x80x128xf32, #tpu.memory_space<hbm>>
      %dma_wait3A_78 = tpu.memref_squeeze %dma_wait3A_77 : memref<1x80x128xf32, #tpu.memory_space<hbm>> -> memref<80x128xf32, #tpu.memory_space<hbm>>
      %dma_wait3A_79 = arith.constant 0 : i32
      %dma_wait3A_80 = tpu.memref_slice %arg8[%add3A_46, %dma_wait3A_79] : memref<10112x128xf32, #tpu.memory_space<vmem_shared>> -> memref<80x128xf32, #tpu.memory_space<vmem_shared>>
      tpu.wait_dma2 semaphore(%run_scoped3A : memref<!tpu.dma_semaphore, #tpu.memory_space<semaphore_mem>>) src(%dma_wait3A_80 : memref<80x128xf32, #tpu.memory_space<vmem_shared>>) dst(%dma_wait3A_78 : memref<80x128xf32, #tpu.memory_space<hbm>>)
      tpu.yield
    }) : () -> ()
    %add3A_49 = arith.constant 160 : i32
    %add3A_50 = arith.addi %mul3A_2, %add3A_49 : i32
    %add3A_51 = arith.constant 160 : i32
    %add3A_52 = arith.addi %mul3A_2, %add3A_51 : i32
    "tpu.region"() ({
      %run_scoped3A = tpu.sem_alloc : memref<!tpu.dma_semaphore, #tpu.memory_space<semaphore_mem>>
      %dma_start3A = arith.constant 0 : i32
      %dma_start3A_73 = tpu.memref_slice %arg5[%arg0, %add3A_52, %dma_start3A] : memref<2x10112x128xf32, #tpu.memory_space<hbm>> -> memref<1x80x128xf32, #tpu.memory_space<hbm>>
      %dma_start3A_74 = tpu.memref_squeeze %dma_start3A_73 : memref<1x80x128xf32, #tpu.memory_space<hbm>> -> memref<80x128xf32, #tpu.memory_space<hbm>>
      %dma_start3A_75 = arith.constant 0 : i32
      %dma_start3A_76 = tpu.memref_slice %arg8[%add3A_50, %dma_start3A_75] : memref<10112x128xf32, #tpu.memory_space<vmem_shared>> -> memref<80x128xf32, #tpu.memory_space<vmem_shared>>
      tpu.enqueue_dma source(%dma_start3A_76 : memref<80x128xf32, #tpu.memory_space<vmem_shared>>) target(%dma_start3A_74 : memref<80x128xf32, #tpu.memory_space<hbm>>) target_semaphore(%run_scoped3A : memref<!tpu.dma_semaphore, #tpu.memory_space<semaphore_mem>>)
      %dma_wait3A = arith.constant 0 : i32
      %dma_wait3A_77 = tpu.memref_slice %arg5[%arg0, %add3A_52, %dma_wait3A] : memref<2x10112x128xf32, #tpu.memory_space<hbm>> -> memref<1x80x128xf32, #tpu.memory_space<hbm>>
      %dma_wait3A_78 = tpu.memref_squeeze %dma_wait3A_77 : memref<1x80x128xf32, #tpu.memory_space<hbm>> -> memref<80x128xf32, #tpu.memory_space<hbm>>
      %dma_wait3A_79 = arith.constant 0 : i32
      %dma_wait3A_80 = tpu.memref_slice %arg8[%add3A_50, %dma_wait3A_79] : memref<10112x128xf32, #tpu.memory_space<vmem_shared>> -> memref<80x128xf32, #tpu.memory_space<vmem_shared>>
      tpu.wait_dma2 semaphore(%run_scoped3A : memref<!tpu.dma_semaphore, #tpu.memory_space<semaphore_mem>>) src(%dma_wait3A_80 : memref<80x128xf32, #tpu.memory_space<vmem_shared>>) dst(%dma_wait3A_78 : memref<80x128xf32, #tpu.memory_space<hbm>>)
      tpu.yield
    }) : () -> ()
    %add3A_53 = arith.constant 240 : i32
    %add3A_54 = arith.addi %mul3A_2, %add3A_53 : i32
    %add3A_55 = arith.constant 240 : i32
    %add3A_56 = arith.addi %mul3A_2, %add3A_55 : i32
    "tpu.region"() ({
      %run_scoped3A = tpu.sem_alloc : memref<!tpu.dma_semaphore, #tpu.memory_space<semaphore_mem>>
      %dma_start3A = arith.constant 0 : i32
      %dma_start3A_73 = tpu.memref_slice %arg5[%arg0, %add3A_56, %dma_start3A] : memref<2x10112x128xf32, #tpu.memory_space<hbm>> -> memref<1x80x128xf32, #tpu.memory_space<hbm>>
      %dma_start3A_74 = tpu.memref_squeeze %dma_start3A_73 : memref<1x80x128xf32, #tpu.memory_space<hbm>> -> memref<80x128xf32, #tpu.memory_space<hbm>>
      %dma_start3A_75 = arith.constant 0 : i32
      %dma_start3A_76 = tpu.memref_slice %arg8[%add3A_54, %dma_start3A_75] : memref<10112x128xf32, #tpu.memory_space<vmem_shared>> -> memref<80x128xf32, #tpu.memory_space<vmem_shared>>
      tpu.enqueue_dma source(%dma_start3A_76 : memref<80x128xf32, #tpu.memory_space<vmem_shared>>) target(%dma_start3A_74 : memref<80x128xf32, #tpu.memory_space<hbm>>) target_semaphore(%run_scoped3A : memref<!tpu.dma_semaphore, #tpu.memory_space<semaphore_mem>>)
      %dma_wait3A = arith.constant 0 : i32
      %dma_wait3A_77 = tpu.memref_slice %arg5[%arg0, %add3A_56, %dma_wait3A] : memref<2x10112x128xf32, #tpu.memory_space<hbm>> -> memref<1x80x128xf32, #tpu.memory_space<hbm>>
      %dma_wait3A_78 = tpu.memref_squeeze %dma_wait3A_77 : memref<1x80x128xf32, #tpu.memory_space<hbm>> -> memref<80x128xf32, #tpu.memory_space<hbm>>
      %dma_wait3A_79 = arith.constant 0 : i32
      %dma_wait3A_80 = tpu.memref_slice %arg8[%add3A_54, %dma_wait3A_79] : memref<10112x128xf32, #tpu.memory_space<vmem_shared>> -> memref<80x128xf32, #tpu.memory_space<vmem_shared>>
      tpu.wait_dma2 semaphore(%run_scoped3A : memref<!tpu.dma_semaphore, #tpu.memory_space<semaphore_mem>>) src(%dma_wait3A_80 : memref<80x128xf32, #tpu.memory_space<vmem_shared>>) dst(%dma_wait3A_78 : memref<80x128xf32, #tpu.memory_space<hbm>>)
      tpu.yield
    }) : () -> ()
    %add3A_57 = arith.constant 320 : i32
    %add3A_58 = arith.addi %mul3A_2, %add3A_57 : i32
    %add3A_59 = arith.constant 320 : i32
    %add3A_60 = arith.addi %mul3A_2, %add3A_59 : i32
    "tpu.region"() ({
      %run_scoped3A = tpu.sem_alloc : memref<!tpu.dma_semaphore, #tpu.memory_space<semaphore_mem>>
      %dma_start3A = arith.constant 0 : i32
      %dma_start3A_73 = tpu.memref_slice %arg5[%arg0, %add3A_60, %dma_start3A] : memref<2x10112x128xf32, #tpu.memory_space<hbm>> -> memref<1x80x128xf32, #tpu.memory_space<hbm>>
      %dma_start3A_74 = tpu.memref_squeeze %dma_start3A_73 : memref<1x80x128xf32, #tpu.memory_space<hbm>> -> memref<80x128xf32, #tpu.memory_space<hbm>>
      %dma_start3A_75 = arith.constant 0 : i32
      %dma_start3A_76 = tpu.memref_slice %arg8[%add3A_58, %dma_start3A_75] : memref<10112x128xf32, #tpu.memory_space<vmem_shared>> -> memref<80x128xf32, #tpu.memory_space<vmem_shared>>
      tpu.enqueue_dma source(%dma_start3A_76 : memref<80x128xf32, #tpu.memory_space<vmem_shared>>) target(%dma_start3A_74 : memref<80x128xf32, #tpu.memory_space<hbm>>) target_semaphore(%run_scoped3A : memref<!tpu.dma_semaphore, #tpu.memory_space<semaphore_mem>>)
      %dma_wait3A = arith.constant 0 : i32
      %dma_wait3A_77 = tpu.memref_slice %arg5[%arg0, %add3A_60, %dma_wait3A] : memref<2x10112x128xf32, #tpu.memory_space<hbm>> -> memref<1x80x128xf32, #tpu.memory_space<hbm>>
      %dma_wait3A_78 = tpu.memref_squeeze %dma_wait3A_77 : memref<1x80x128xf32, #tpu.memory_space<hbm>> -> memref<80x128xf32, #tpu.memory_space<hbm>>
      %dma_wait3A_79 = arith.constant 0 : i32
      %dma_wait3A_80 = tpu.memref_slice %arg8[%add3A_58, %dma_wait3A_79] : memref<10112x128xf32, #tpu.memory_space<vmem_shared>> -> memref<80x128xf32, #tpu.memory_space<vmem_shared>>
      tpu.wait_dma2 semaphore(%run_scoped3A : memref<!tpu.dma_semaphore, #tpu.memory_space<semaphore_mem>>) src(%dma_wait3A_80 : memref<80x128xf32, #tpu.memory_space<vmem_shared>>) dst(%dma_wait3A_78 : memref<80x128xf32, #tpu.memory_space<hbm>>)
      tpu.yield
    }) : () -> ()
    %add3A_61 = arith.constant 400 : i32
    %add3A_62 = arith.addi %mul3A_2, %add3A_61 : i32
    %add3A_63 = arith.constant 400 : i32
    %add3A_64 = arith.addi %mul3A_2, %add3A_63 : i32
    "tpu.region"() ({
      %run_scoped3A = tpu.sem_alloc : memref<!tpu.dma_semaphore, #tpu.memory_space<semaphore_mem>>
      %dma_start3A = arith.constant 0 : i32
      %dma_start3A_73 = tpu.memref_slice %arg5[%arg0, %add3A_64, %dma_start3A] : memref<2x10112x128xf32, #tpu.memory_space<hbm>> -> memref<1x80x128xf32, #tpu.memory_space<hbm>>
      %dma_start3A_74 = tpu.memref_squeeze %dma_start3A_73 : memref<1x80x128xf32, #tpu.memory_space<hbm>> -> memref<80x128xf32, #tpu.memory_space<hbm>>
      %dma_start3A_75 = arith.constant 0 : i32
      %dma_start3A_76 = tpu.memref_slice %arg8[%add3A_62, %dma_start3A_75] : memref<10112x128xf32, #tpu.memory_space<vmem_shared>> -> memref<80x128xf32, #tpu.memory_space<vmem_shared>>
      tpu.enqueue_dma source(%dma_start3A_76 : memref<80x128xf32, #tpu.memory_space<vmem_shared>>) target(%dma_start3A_74 : memref<80x128xf32, #tpu.memory_space<hbm>>) target_semaphore(%run_scoped3A : memref<!tpu.dma_semaphore, #tpu.memory_space<semaphore_mem>>)
      %dma_wait3A = arith.constant 0 : i32
      %dma_wait3A_77 = tpu.memref_slice %arg5[%arg0, %add3A_64, %dma_wait3A] : memref<2x10112x128xf32, #tpu.memory_space<hbm>> -> memref<1x80x128xf32, #tpu.memory_space<hbm>>
      %dma_wait3A_78 = tpu.memref_squeeze %dma_wait3A_77 : memref<1x80x128xf32, #tpu.memory_space<hbm>> -> memref<80x128xf32, #tpu.memory_space<hbm>>
      %dma_wait3A_79 = arith.constant 0 : i32
      %dma_wait3A_80 = tpu.memref_slice %arg8[%add3A_62, %dma_wait3A_79] : memref<10112x128xf32, #tpu.memory_space<vmem_shared>> -> memref<80x128xf32, #tpu.memory_space<vmem_shared>>
      tpu.wait_dma2 semaphore(%run_scoped3A : memref<!tpu.dma_semaphore, #tpu.memory_space<semaphore_mem>>) src(%dma_wait3A_80 : memref<80x128xf32, #tpu.memory_space<vmem_shared>>) dst(%dma_wait3A_78 : memref<80x128xf32, #tpu.memory_space<hbm>>)
      tpu.yield
    }) : () -> ()
    %add3A_65 = arith.constant 480 : i32
    %add3A_66 = arith.addi %mul3A_2, %add3A_65 : i32
    %add3A_67 = arith.constant 480 : i32
    %add3A_68 = arith.addi %mul3A_2, %add3A_67 : i32
    "tpu.region"() ({
      %run_scoped3A = tpu.sem_alloc : memref<!tpu.dma_semaphore, #tpu.memory_space<semaphore_mem>>
      %dma_start3A = arith.constant 0 : i32
      %dma_start3A_73 = tpu.memref_slice %arg5[%arg0, %add3A_68, %dma_start3A] : memref<2x10112x128xf32, #tpu.memory_space<hbm>> -> memref<1x80x128xf32, #tpu.memory_space<hbm>>
      %dma_start3A_74 = tpu.memref_squeeze %dma_start3A_73 : memref<1x80x128xf32, #tpu.memory_space<hbm>> -> memref<80x128xf32, #tpu.memory_space<hbm>>
      %dma_start3A_75 = arith.constant 0 : i32
      %dma_start3A_76 = tpu.memref_slice %arg8[%add3A_66, %dma_start3A_75] : memref<10112x128xf32, #tpu.memory_space<vmem_shared>> -> memref<80x128xf32, #tpu.memory_space<vmem_shared>>
      tpu.enqueue_dma source(%dma_start3A_76 : memref<80x128xf32, #tpu.memory_space<vmem_shared>>) target(%dma_start3A_74 : memref<80x128xf32, #tpu.memory_space<hbm>>) target_semaphore(%run_scoped3A : memref<!tpu.dma_semaphore, #tpu.memory_space<semaphore_mem>>)
      %dma_wait3A = arith.constant 0 : i32
      %dma_wait3A_77 = tpu.memref_slice %arg5[%arg0, %add3A_68, %dma_wait3A] : memref<2x10112x128xf32, #tpu.memory_space<hbm>> -> memref<1x80x128xf32, #tpu.memory_space<hbm>>
      %dma_wait3A_78 = tpu.memref_squeeze %dma_wait3A_77 : memref<1x80x128xf32, #tpu.memory_space<hbm>> -> memref<80x128xf32, #tpu.memory_space<hbm>>
      %dma_wait3A_79 = arith.constant 0 : i32
      %dma_wait3A_80 = tpu.memref_slice %arg8[%add3A_66, %dma_wait3A_79] : memref<10112x128xf32, #tpu.memory_space<vmem_shared>> -> memref<80x128xf32, #tpu.memory_space<vmem_shared>>
      tpu.wait_dma2 semaphore(%run_scoped3A : memref<!tpu.dma_semaphore, #tpu.memory_space<semaphore_mem>>) src(%dma_wait3A_80 : memref<80x128xf32, #tpu.memory_space<vmem_shared>>) dst(%dma_wait3A_78 : memref<80x128xf32, #tpu.memory_space<hbm>>)
      tpu.yield
    }) : () -> ()
    %add3A_69 = arith.constant 560 : i32
    %add3A_70 = arith.addi %mul3A_2, %add3A_69 : i32
    %add3A_71 = arith.constant 560 : i32
    %add3A_72 = arith.addi %mul3A_2, %add3A_71 : i32
    "tpu.region"() ({
      %run_scoped3A = tpu.sem_alloc : memref<!tpu.dma_semaphore, #tpu.memory_space<semaphore_mem>>
      %dma_start3A = arith.constant 0 : i32
      %dma_start3A_73 = tpu.memref_slice %arg5[%arg0, %add3A_72, %dma_start3A] : memref<2x10112x128xf32, #tpu.memory_space<hbm>> -> memref<1x72x128xf32, #tpu.memory_space<hbm>>
      %dma_start3A_74 = tpu.memref_squeeze %dma_start3A_73 : memref<1x72x128xf32, #tpu.memory_space<hbm>> -> memref<72x128xf32, #tpu.memory_space<hbm>>
      %dma_start3A_75 = arith.constant 0 : i32
      %dma_start3A_76 = tpu.memref_slice %arg8[%add3A_70, %dma_start3A_75] : memref<10112x128xf32, #tpu.memory_space<vmem_shared>> -> memref<72x128xf32, #tpu.memory_space<vmem_shared>>
      tpu.enqueue_dma source(%dma_start3A_76 : memref<72x128xf32, #tpu.memory_space<vmem_shared>>) target(%dma_start3A_74 : memref<72x128xf32, #tpu.memory_space<hbm>>) target_semaphore(%run_scoped3A : memref<!tpu.dma_semaphore, #tpu.memory_space<semaphore_mem>>)
      %dma_wait3A = arith.constant 0 : i32
      %dma_wait3A_77 = tpu.memref_slice %arg5[%arg0, %add3A_72, %dma_wait3A] : memref<2x10112x128xf32, #tpu.memory_space<hbm>> -> memref<1x72x128xf32, #tpu.memory_space<hbm>>
      %dma_wait3A_78 = tpu.memref_squeeze %dma_wait3A_77 : memref<1x72x128xf32, #tpu.memory_space<hbm>> -> memref<72x128xf32, #tpu.memory_space<hbm>>
      %dma_wait3A_79 = arith.constant 0 : i32
      %dma_wait3A_80 = tpu.memref_slice %arg8[%add3A_70, %dma_wait3A_79] : memref<10112x128xf32, #tpu.memory_space<vmem_shared>> -> memref<72x128xf32, #tpu.memory_space<vmem_shared>>
      tpu.wait_dma2 semaphore(%run_scoped3A : memref<!tpu.dma_semaphore, #tpu.memory_space<semaphore_mem>>) src(%dma_wait3A_80 : memref<72x128xf32, #tpu.memory_space<vmem_shared>>) dst(%dma_wait3A_78 : memref<72x128xf32, #tpu.memory_space<hbm>>)
      tpu.yield
    }) : () -> ()
    return
  }
}

module attributes {stable_mosaic.version = 14 : i64} {
  func.func @_proj_body(%arg0: i32, %arg1: memref<2528x128xf32, #tpu.memory_space<vmem>>, %arg2: memref<128x128xf32, #tpu.memory_space<vmem>>, %arg3: memref<128xf32, #tpu.memory_space<vmem>>, %arg4: memref<2528x128xf32, #tpu.memory_space<vmem>>) attributes {dimension_semantics = [#tpu.dimension_semantics<arbitrary>], iteration_bounds = array<i64: 4>, scalar_prefetch = 0 : i64, scratch_operands = 0 : i64, tpu.core_type = #tpu.core_type<tc>, window_params = [{transform_indices = @transform_0, window_bounds = array<i64: 2528, 128>}, {pipeline_mode = #tpu.pipeline_mode<synchronous>, transform_indices = @transform_1, window_bounds = array<i64: 128, 128>}, {pipeline_mode = #tpu.pipeline_mode<synchronous>, transform_indices = @transform_2, window_bounds = array<i64: 128>}, {transform_indices = @transform_3, window_bounds = array<i64: 2528, 128>}]} {
    %get3A = arith.constant 0 : index
    %get3A_0 = arith.constant 0 : index
    %get3A_1 = vector.load %arg1[%get3A, %get3A_0] : memref<2528x128xf32, #tpu.memory_space<vmem>>, vector<2528x128xf32>
    %get3A_2 = arith.constant 0 : index
    %get3A_3 = arith.constant 0 : index
    %get3A_4 = vector.load %arg2[%get3A_2, %get3A_3] : memref<128x128xf32, #tpu.memory_space<vmem>>, vector<128x128xf32>
    %dot_general3A = arith.constant dense<0.000000e+00> : vector<2528x128xf32>
    %dot_general3A_5 = tpu.matmul %get3A_1, %get3A_4, %dot_general3A {dimension_numbers = #tpu.dot_dimension_numbers<[1], [0], [0], [1], [0, 0, 1, 1], [], []>, transpose_lhs_hint = false} : vector<2528x128xf32>, vector<128x128xf32>, vector<2528x128xf32> -> vector<2528x128xf32>
    %get3A_6 = arith.constant 0 : index
    %get3A_7 = vector.load %arg3[%get3A_6] : memref<128xf32, #tpu.memory_space<vmem>>, vector<128xf32>
    %broadcast_in_dim3A = vector.shape_cast %get3A_7 : vector<128xf32> to vector<1x128xf32>
    %add3A = vector.broadcast %broadcast_in_dim3A : vector<1x128xf32> to vector<2528x128xf32>
    %add3A_8 = arith.addf %dot_general3A_5, %add3A : vector<2528x128xf32>
    %max3A = arith.constant 0.000000e+00 : f32
    %max3A_9 = vector.broadcast %max3A : f32 to vector<2528x128xf32>
    %max3A_10 = arith.maximumf %add3A_8, %max3A_9 : vector<2528x128xf32>
    %swap3A = arith.constant 0 : index
    %swap3A_11 = arith.constant 0 : index
    %swap3A_12 = vector.load %arg4[%swap3A, %swap3A_11] : memref<2528x128xf32, #tpu.memory_space<vmem>>, vector<2528x128xf32>
    tpu.vector_store %arg4[%swap3A, %swap3A_11], %max3A_10 {strides = array<i32>} : memref<2528x128xf32, #tpu.memory_space<vmem>>, vector<2528x128xf32>,
    return
  }
  func.func @transform_0(%arg0: i32) -> (i32, i32) {
    %c0_i32 = arith.constant 0 : i32
    %c0_i32_0 = arith.constant 0 : i32
    return %arg0, %c0_i32 : i32, i32
  }
  func.func @transform_1(%arg0: i32) -> (i32, i32) {
    %c0_i32 = arith.constant 0 : i32
    %c0_i32_0 = arith.constant 0 : i32
    %c0_i32_1 = arith.constant 0 : i32
    return %c0_i32, %c0_i32_0 : i32, i32
  }
  func.func @transform_2(%arg0: i32) -> i32 {
    %c0_i32 = arith.constant 0 : i32
    %c0_i32_0 = arith.constant 0 : i32
    return %c0_i32 : i32
  }
  func.func @transform_3(%arg0: i32) -> (i32, i32) {
    %c0_i32 = arith.constant 0 : i32
    %c0_i32_0 = arith.constant 0 : i32
    return %arg0, %c0_i32 : i32, i32
  }
}

module attributes {stable_mosaic.version = 14 : i64} {
  func.func @_combine1_body(%arg0: i32, %arg1: memref<2x2528x128xf32, #tpu.memory_space<vmem>>, %arg2: memref<2x2528x128xf32, #tpu.memory_space<vmem>>, %arg3: memref<2528x128xf32, #tpu.memory_space<vmem>>, %arg4: memref<128x128xf32, #tpu.memory_space<vmem>>, %arg5: memref<128xf32, #tpu.memory_space<vmem>>, %arg6: memref<128x128xf32, #tpu.memory_space<vmem>>, %arg7: memref<128x128xf32, #tpu.memory_space<vmem>>, %arg8: memref<128xf32, #tpu.memory_space<vmem>>, %arg9: memref<2528x128xf32, #tpu.memory_space<vmem>>, %arg10: memref<2528x128xf32, #tpu.memory_space<vmem>>) attributes {dimension_semantics = [#tpu.dimension_semantics<arbitrary>], iteration_bounds = array<i64: 4>, scalar_prefetch = 0 : i64, scratch_operands = 0 : i64, tpu.core_type = #tpu.core_type<tc>, window_params = [{transform_indices = @transform_0, window_bounds = array<i64: 2, 2528, 128>}, {transform_indices = @transform_1, window_bounds = array<i64: 2, 2528, 128>}, {transform_indices = @transform_2, window_bounds = array<i64: 2528, 128>}, {pipeline_mode = #tpu.pipeline_mode<synchronous>, transform_indices = @transform_3, window_bounds = array<i64: 128, 128>}, {pipeline_mode = #tpu.pipeline_mode<synchronous>, transform_indices = @transform_4, window_bounds = array<i64: 128>}, {pipeline_mode = #tpu.pipeline_mode<synchronous>, transform_indices = @transform_5, window_bounds = array<i64: 128, 128>}, {pipeline_mode = #tpu.pipeline_mode<synchronous>, transform_indices = @transform_6, window_bounds = array<i64: 128, 128>}, {pipeline_mode = #tpu.pipeline_mode<synchronous>, transform_indices = @transform_7, window_bounds = array<i64: 128>}, {transform_indices = @transform_8, window_bounds = array<i64: 2528, 128>}, {transform_indices = @transform_9, window_bounds = array<i64: 2528, 128>}]} {
    %get3A = arith.constant 0 : index
    %get3A_0 = arith.constant 0 : index
    %get3A_1 = arith.constant 0 : index
    %get3A_2 = vector.load %arg1[%get3A, %get3A_0, %get3A_1] : memref<2x2528x128xf32, #tpu.memory_space<vmem>>, vector<1x2528x128xf32>
    %get3A_3 = vector.shape_cast %get3A_2 : vector<1x2528x128xf32> to vector<2528x128xf32>
    %get3A_4 = arith.constant 1 : index
    %get3A_5 = arith.constant 0 : index
    %get3A_6 = arith.constant 0 : index
    %get3A_7 = vector.load %arg1[%get3A_4, %get3A_5, %get3A_6] : memref<2x2528x128xf32, #tpu.memory_space<vmem>>, vector<1x2528x128xf32>
    %get3A_8 = vector.shape_cast %get3A_7 : vector<1x2528x128xf32> to vector<2528x128xf32>
    %add3A = arith.addf %get3A_3, %get3A_8 : vector<2528x128xf32>
    %get3A_9 = arith.constant 0 : index
    %get3A_10 = arith.constant 0 : index
    %get3A_11 = arith.constant 0 : index
    %get3A_12 = vector.load %arg2[%get3A_9, %get3A_10, %get3A_11] : memref<2x2528x128xf32, #tpu.memory_space<vmem>>, vector<1x2528x128xf32>
    %get3A_13 = vector.shape_cast %get3A_12 : vector<1x2528x128xf32> to vector<2528x128xf32>
    %slice3A = vector.extract_strided_slice %get3A_13 {offsets = [0, 0], sizes = [2528, 1], strides = [1, 1]} : vector<2528x128xf32> to vector<2528x1xf32>
    %get3A_14 = arith.constant 1 : index
    %get3A_15 = arith.constant 0 : index
    %get3A_16 = arith.constant 0 : index
    %get3A_17 = vector.load %arg2[%get3A_14, %get3A_15, %get3A_16] : memref<2x2528x128xf32, #tpu.memory_space<vmem>>, vector<1x2528x128xf32>
    %get3A_18 = vector.shape_cast %get3A_17 : vector<1x2528x128xf32> to vector<2528x128xf32>
    %slice3A_19 = vector.extract_strided_slice %get3A_18 {offsets = [0, 0], sizes = [2528, 1], strides = [1, 1]} : vector<2528x128xf32> to vector<2528x1xf32>
    %add3A_20 = arith.addf %slice3A, %slice3A_19 : vector<2528x1xf32>
    %jit3A = arith.constant 1.000000e+00 : f32
    %max3A = vector.broadcast %jit3A : f32 to vector<2528x1xf32>
    %max3A_21 = arith.maximumf %max3A, %add3A_20 : vector<2528x1xf32>
    %div3A = vector.broadcast %max3A_21 : vector<2528x1xf32> to vector<2528x128xf32>
    %div3A_22 = arith.divf %add3A, %div3A : vector<2528x128xf32>
    %get3A_23 = arith.constant 0 : index
    %get3A_24 = arith.constant 0 : index
    %get3A_25 = vector.load %arg4[%get3A_23, %get3A_24] : memref<128x128xf32, #tpu.memory_space<vmem>>, vector<128x128xf32>
    %dot_general3A = arith.constant dense<0.000000e+00> : vector<2528x128xf32>
    %dot_general3A_26 = tpu.matmul %div3A_22, %get3A_25, %dot_general3A {dimension_numbers = #tpu.dot_dimension_numbers<[1], [0], [0], [1], [0, 0, 1, 1], [], []>, transpose_lhs_hint = false} : vector<2528x128xf32>, vector<128x128xf32>, vector<2528x128xf32> -> vector<2528x128xf32>
    %get3A_27 = arith.constant 0 : index
    %get3A_28 = vector.load %arg5[%get3A_27] : memref<128xf32, #tpu.memory_space<vmem>>, vector<128xf32>
    %broadcast_in_dim3A = vector.shape_cast %get3A_28 : vector<128xf32> to vector<1x128xf32>
    %add3A_29 = vector.broadcast %broadcast_in_dim3A : vector<1x128xf32> to vector<2528x128xf32>
    %add3A_30 = arith.addf %dot_general3A_26, %add3A_29 : vector<2528x128xf32>
    %get3A_31 = arith.constant 0 : index
    %get3A_32 = arith.constant 0 : index
    %get3A_33 = vector.load %arg3[%get3A_31, %get3A_32] : memref<2528x128xf32, #tpu.memory_space<vmem>>, vector<2528x128xf32>
    %get3A_34 = arith.constant 0 : index
    %get3A_35 = arith.constant 0 : index
    %get3A_36 = vector.load %arg6[%get3A_34, %get3A_35] : memref<128x128xf32, #tpu.memory_space<vmem>>, vector<128x128xf32>
    %dot_general3A_37 = arith.constant dense<0.000000e+00> : vector<2528x128xf32>
    %dot_general3A_38 = tpu.matmul %get3A_33, %get3A_36, %dot_general3A_37 {dimension_numbers = #tpu.dot_dimension_numbers<[1], [0], [0], [1], [0, 0, 1, 1], [], []>, transpose_lhs_hint = false} : vector<2528x128xf32>, vector<128x128xf32>, vector<2528x128xf32> -> vector<2528x128xf32>
    %add3A_39 = arith.addf %add3A_30, %dot_general3A_38 : vector<2528x128xf32>
    %max3A_40 = arith.constant 0.000000e+00 : f32
    %max3A_41 = vector.broadcast %max3A_40 : f32 to vector<2528x128xf32>
    %max3A_42 = arith.maximumf %add3A_39, %max3A_41 : vector<2528x128xf32>
    %swap3A = arith.constant 0 : index
    %swap3A_43 = arith.constant 0 : index
    %swap3A_44 = vector.load %arg9[%swap3A, %swap3A_43] : memref<2528x128xf32, #tpu.memory_space<vmem>>, vector<2528x128xf32>
    tpu.vector_store %arg9[%swap3A, %swap3A_43], %max3A_42 {strides = array<i32>} : memref<2528x128xf32, #tpu.memory_space<vmem>>, vector<2528x128xf32>,
    %get3A_45 = arith.constant 0 : index
    %get3A_46 = arith.constant 0 : index
    %get3A_47 = vector.load %arg7[%get3A_45, %get3A_46] : memref<128x128xf32, #tpu.memory_space<vmem>>, vector<128x128xf32>
    %dot_general3A_48 = arith.constant dense<0.000000e+00> : vector<2528x128xf32>
    %dot_general3A_49 = tpu.matmul %max3A_42, %get3A_47, %dot_general3A_48 {dimension_numbers = #tpu.dot_dimension_numbers<[1], [0], [0], [1], [0, 0, 1, 1], [], []>, transpose_lhs_hint = false} : vector<2528x128xf32>, vector<128x128xf32>, vector<2528x128xf32> -> vector<2528x128xf32>
    %get3A_50 = arith.constant 0 : index
    %get3A_51 = vector.load %arg8[%get3A_50] : memref<128xf32, #tpu.memory_space<vmem>>, vector<128xf32>
    %broadcast_in_dim3A_52 = vector.shape_cast %get3A_51 : vector<128xf32> to vector<1x128xf32>
    %add3A_53 = vector.broadcast %broadcast_in_dim3A_52 : vector<1x128xf32> to vector<2528x128xf32>
    %add3A_54 = arith.addf %dot_general3A_49, %add3A_53 : vector<2528x128xf32>
    %max3A_55 = arith.constant 0.000000e+00 : f32
    %max3A_56 = vector.broadcast %max3A_55 : f32 to vector<2528x128xf32>
    %max3A_57 = arith.maximumf %add3A_54, %max3A_56 : vector<2528x128xf32>
    %swap3A_58 = arith.constant 0 : index
    %swap3A_59 = arith.constant 0 : index
    %swap3A_60 = vector.load %arg10[%swap3A_58, %swap3A_59] : memref<2528x128xf32, #tpu.memory_space<vmem>>, vector<2528x128xf32>
    tpu.vector_store %arg10[%swap3A_58, %swap3A_59], %max3A_57 {strides = array<i32>} : memref<2528x128xf32, #tpu.memory_space<vmem>>, vector<2528x128xf32>,
    return
  }
  func.func @transform_0(%arg0: i32) -> (i32, i32, i32) {
    %c0_i32 = arith.constant 0 : i32
    %c0_i32_0 = arith.constant 0 : i32
    %c0_i32_1 = arith.constant 0 : i32
    return %c0_i32, %arg0, %c0_i32_0 : i32, i32, i32
  }
  func.func @transform_1(%arg0: i32) -> (i32, i32, i32) {
    %c0_i32 = arith.constant 0 : i32
    %c0_i32_0 = arith.constant 0 : i32
    %c0_i32_1 = arith.constant 0 : i32
    return %c0_i32, %arg0, %c0_i32_0 : i32, i32, i32
  }
  func.func @transform_2(%arg0: i32) -> (i32, i32) {
    %c0_i32 = arith.constant 0 : i32
    %c0_i32_0 = arith.constant 0 : i32
    return %arg0, %c0_i32 : i32, i32
  }
  func.func @transform_3(%arg0: i32) -> (i32, i32) {
    %c0_i32 = arith.constant 0 : i32
    %c0_i32_0 = arith.constant 0 : i32
    %c0_i32_1 = arith.constant 0 : i32
    return %c0_i32, %c0_i32_0 : i32, i32
  }
  func.func @transform_4(%arg0: i32) -> i32 {
    %c0_i32 = arith.constant 0 : i32
    %c0_i32_0 = arith.constant 0 : i32
    return %c0_i32 : i32
  }
  func.func @transform_5(%arg0: i32) -> (i32, i32) {
    %c0_i32 = arith.constant 0 : i32
    %c0_i32_0 = arith.constant 0 : i32
    %c0_i32_1 = arith.constant 0 : i32
    return %c0_i32, %c0_i32_0 : i32, i32
  }
  func.func @transform_6(%arg0: i32) -> (i32, i32) {
    %c0_i32 = arith.constant 0 : i32
    %c0_i32_0 = arith.constant 0 : i32
    %c0_i32_1 = arith.constant 0 : i32
    return %c0_i32, %c0_i32_0 : i32, i32
  }
  func.func @transform_7(%arg0: i32) -> i32 {
    %c0_i32 = arith.constant 0 : i32
    %c0_i32_0 = arith.constant 0 : i32
    return %c0_i32 : i32
  }
  func.func @transform_8(%arg0: i32) -> (i32, i32) {
    %c0_i32 = arith.constant 0 : i32
    %c0_i32_0 = arith.constant 0 : i32
    return %arg0, %c0_i32 : i32, i32
  }
  func.func @transform_9(%arg0: i32) -> (i32, i32) {
    %c0_i32 = arith.constant 0 : i32
    %c0_i32_0 = arith.constant 0 : i32
    return %arg0, %c0_i32 : i32, i32
  }
}

module attributes {stable_mosaic.version = 14 : i64} {
  func.func @_combine2_body(%arg0: i32, %arg1: memref<2x2528x128xf32, #tpu.memory_space<vmem>>, %arg2: memref<2x2528x128xf32, #tpu.memory_space<vmem>>, %arg3: memref<2528x128xf32, #tpu.memory_space<vmem>>, %arg4: memref<128x128xf32, #tpu.memory_space<vmem>>, %arg5: memref<128xf32, #tpu.memory_space<vmem>>, %arg6: memref<128x128xf32, #tpu.memory_space<vmem>>, %arg7: memref<2528x128xf32, #tpu.memory_space<vmem>>) attributes {dimension_semantics = [#tpu.dimension_semantics<arbitrary>], iteration_bounds = array<i64: 4>, scalar_prefetch = 0 : i64, scratch_operands = 0 : i64, tpu.core_type = #tpu.core_type<tc>, window_params = [{transform_indices = @transform_0, window_bounds = array<i64: 2, 2528, 128>}, {transform_indices = @transform_1, window_bounds = array<i64: 2, 2528, 128>}, {transform_indices = @transform_2, window_bounds = array<i64: 2528, 128>}, {pipeline_mode = #tpu.pipeline_mode<synchronous>, transform_indices = @transform_3, window_bounds = array<i64: 128, 128>}, {pipeline_mode = #tpu.pipeline_mode<synchronous>, transform_indices = @transform_4, window_bounds = array<i64: 128>}, {pipeline_mode = #tpu.pipeline_mode<synchronous>, transform_indices = @transform_5, window_bounds = array<i64: 128, 128>}, {transform_indices = @transform_6, window_bounds = array<i64: 2528, 128>}]} {
    %get3A = arith.constant 0 : index
    %get3A_0 = arith.constant 0 : index
    %get3A_1 = arith.constant 0 : index
    %get3A_2 = vector.load %arg1[%get3A, %get3A_0, %get3A_1] : memref<2x2528x128xf32, #tpu.memory_space<vmem>>, vector<1x2528x128xf32>
    %get3A_3 = vector.shape_cast %get3A_2 : vector<1x2528x128xf32> to vector<2528x128xf32>
    %get3A_4 = arith.constant 1 : index
    %get3A_5 = arith.constant 0 : index
    %get3A_6 = arith.constant 0 : index
    %get3A_7 = vector.load %arg1[%get3A_4, %get3A_5, %get3A_6] : memref<2x2528x128xf32, #tpu.memory_space<vmem>>, vector<1x2528x128xf32>
    %get3A_8 = vector.shape_cast %get3A_7 : vector<1x2528x128xf32> to vector<2528x128xf32>
    %add3A = arith.addf %get3A_3, %get3A_8 : vector<2528x128xf32>
    %get3A_9 = arith.constant 0 : index
    %get3A_10 = arith.constant 0 : index
    %get3A_11 = arith.constant 0 : index
    %get3A_12 = vector.load %arg2[%get3A_9, %get3A_10, %get3A_11] : memref<2x2528x128xf32, #tpu.memory_space<vmem>>, vector<1x2528x128xf32>
    %get3A_13 = vector.shape_cast %get3A_12 : vector<1x2528x128xf32> to vector<2528x128xf32>
    %slice3A = vector.extract_strided_slice %get3A_13 {offsets = [0, 0], sizes = [2528, 1], strides = [1, 1]} : vector<2528x128xf32> to vector<2528x1xf32>
    %get3A_14 = arith.constant 1 : index
    %get3A_15 = arith.constant 0 : index
    %get3A_16 = arith.constant 0 : index
    %get3A_17 = vector.load %arg2[%get3A_14, %get3A_15, %get3A_16] : memref<2x2528x128xf32, #tpu.memory_space<vmem>>, vector<1x2528x128xf32>
    %get3A_18 = vector.shape_cast %get3A_17 : vector<1x2528x128xf32> to vector<2528x128xf32>
    %slice3A_19 = vector.extract_strided_slice %get3A_18 {offsets = [0, 0], sizes = [2528, 1], strides = [1, 1]} : vector<2528x128xf32> to vector<2528x1xf32>
    %add3A_20 = arith.addf %slice3A, %slice3A_19 : vector<2528x1xf32>
    %jit3A = arith.constant 1.000000e+00 : f32
    %max3A = vector.broadcast %jit3A : f32 to vector<2528x1xf32>
    %max3A_21 = arith.maximumf %max3A, %add3A_20 : vector<2528x1xf32>
    %div3A = vector.broadcast %max3A_21 : vector<2528x1xf32> to vector<2528x128xf32>
    %div3A_22 = arith.divf %add3A, %div3A : vector<2528x128xf32>
    %get3A_23 = arith.constant 0 : index
    %get3A_24 = arith.constant 0 : index
    %get3A_25 = vector.load %arg4[%get3A_23, %get3A_24] : memref<128x128xf32, #tpu.memory_space<vmem>>, vector<128x128xf32>
    %dot_general3A = arith.constant dense<0.000000e+00> : vector<2528x128xf32>
    %dot_general3A_26 = tpu.matmul %div3A_22, %get3A_25, %dot_general3A {dimension_numbers = #tpu.dot_dimension_numbers<[1], [0], [0], [1], [0, 0, 1, 1], [], []>, transpose_lhs_hint = false} : vector<2528x128xf32>, vector<128x128xf32>, vector<2528x128xf32> -> vector<2528x128xf32>
    %get3A_27 = arith.constant 0 : index
    %get3A_28 = vector.load %arg5[%get3A_27] : memref<128xf32, #tpu.memory_space<vmem>>, vector<128xf32>
    %broadcast_in_dim3A = vector.shape_cast %get3A_28 : vector<128xf32> to vector<1x128xf32>
    %add3A_29 = vector.broadcast %broadcast_in_dim3A : vector<1x128xf32> to vector<2528x128xf32>
    %add3A_30 = arith.addf %dot_general3A_26, %add3A_29 : vector<2528x128xf32>
    %get3A_31 = arith.constant 0 : index
    %get3A_32 = arith.constant 0 : index
    %get3A_33 = vector.load %arg3[%get3A_31, %get3A_32] : memref<2528x128xf32, #tpu.memory_space<vmem>>, vector<2528x128xf32>
    %get3A_34 = arith.constant 0 : index
    %get3A_35 = arith.constant 0 : index
    %get3A_36 = vector.load %arg6[%get3A_34, %get3A_35] : memref<128x128xf32, #tpu.memory_space<vmem>>, vector<128x128xf32>
    %dot_general3A_37 = arith.constant dense<0.000000e+00> : vector<2528x128xf32>
    %dot_general3A_38 = tpu.matmul %get3A_33, %get3A_36, %dot_general3A_37 {dimension_numbers = #tpu.dot_dimension_numbers<[1], [0], [0], [1], [0, 0, 1, 1], [], []>, transpose_lhs_hint = false} : vector<2528x128xf32>, vector<128x128xf32>, vector<2528x128xf32> -> vector<2528x128xf32>
    %add3A_39 = arith.addf %add3A_30, %dot_general3A_38 : vector<2528x128xf32>
    %mul3A = arith.mulf %add3A_39, %add3A_39 : vector<2528x128xf32>
    %reduce_sum3A = arith.constant dense<0.000000e+00> : vector<2528xf32>
    %reduce_sum3A_40 = vector.multi_reduction <add>, %mul3A, %reduce_sum3A [1] : vector<2528x128xf32> to vector<2528xf32>
    %broadcast_in_dim3A_41 = vector.shape_cast %reduce_sum3A_40 : vector<2528xf32> to vector<2528x1xf32>
    %sqrt3A = math.sqrt %broadcast_in_dim3A_41 : vector<2528x1xf32>
    %jit3A_42 = arith.constant 9.99999996E-13 : f32
    %max3A_43 = vector.broadcast %jit3A_42 : f32 to vector<2528x1xf32>
    %max3A_44 = arith.maximumf %max3A_43, %sqrt3A : vector<2528x1xf32>
    %div3A_45 = vector.broadcast %max3A_44 : vector<2528x1xf32> to vector<2528x128xf32>
    %div3A_46 = arith.divf %add3A_39, %div3A_45 : vector<2528x128xf32>
    %max3A_47 = arith.constant 0.000000e+00 : f32
    %max3A_48 = vector.broadcast %max3A_47 : f32 to vector<2528x128xf32>
    %max3A_49 = arith.maximumf %div3A_46, %max3A_48 : vector<2528x128xf32>
    %reduce_max3A = arith.constant dense<0xFF800000> : vector<2528xf32>
    %reduce_max3A_50 = vector.multi_reduction <maximumf>, %max3A_49, %reduce_max3A [1] : vector<2528x128xf32> to vector<2528xf32>
    %broadcast_in_dim3A_51 = vector.shape_cast %reduce_max3A_50 : vector<2528xf32> to vector<2528x1xf32>
    %sub3A = vector.broadcast %broadcast_in_dim3A_51 : vector<2528x1xf32> to vector<2528x128xf32>
    %sub3A_52 = arith.subf %max3A_49, %sub3A : vector<2528x128xf32>
    %exp3A = math.exp %sub3A_52 : vector<2528x128xf32>
    %reduce_sum3A_53 = arith.constant dense<0.000000e+00> : vector<2528xf32>
    %reduce_sum3A_54 = vector.multi_reduction <add>, %exp3A, %reduce_sum3A_53 [1] : vector<2528x128xf32> to vector<2528xf32>
    %broadcast_in_dim3A_55 = vector.shape_cast %reduce_sum3A_54 : vector<2528xf32> to vector<2528x1xf32>
    %log3A = math.log %broadcast_in_dim3A_55 : vector<2528x1xf32>
    %add3A_56 = arith.addf %broadcast_in_dim3A_51, %log3A : vector<2528x1xf32>
    %sub3A_57 = vector.broadcast %add3A_56 : vector<2528x1xf32> to vector<2528x128xf32>
    %sub3A_58 = arith.subf %max3A_49, %sub3A_57 : vector<2528x128xf32>
    %swap3A = arith.constant 0 : index
    %swap3A_59 = arith.constant 0 : index
    %swap3A_60 = vector.load %arg7[%swap3A, %swap3A_59] : memref<2528x128xf32, #tpu.memory_space<vmem>>, vector<2528x128xf32>
    tpu.vector_store %arg7[%swap3A, %swap3A_59], %sub3A_58 {strides = array<i32>} : memref<2528x128xf32, #tpu.memory_space<vmem>>, vector<2528x128xf32>,
    return
  }
  func.func @transform_0(%arg0: i32) -> (i32, i32, i32) {
    %c0_i32 = arith.constant 0 : i32
    %c0_i32_0 = arith.constant 0 : i32
    %c0_i32_1 = arith.constant 0 : i32
    return %c0_i32, %arg0, %c0_i32_0 : i32, i32, i32
  }
  func.func @transform_1(%arg0: i32) -> (i32, i32, i32) {
    %c0_i32 = arith.constant 0 : i32
    %c0_i32_0 = arith.constant 0 : i32
    %c0_i32_1 = arith.constant 0 : i32
    return %c0_i32, %arg0, %c0_i32_0 : i32, i32, i32
  }
  func.func @transform_2(%arg0: i32) -> (i32, i32) {
    %c0_i32 = arith.constant 0 : i32
    %c0_i32_0 = arith.constant 0 : i32
    return %arg0, %c0_i32 : i32, i32
  }
  func.func @transform_3(%arg0: i32) -> (i32, i32) {
    %c0_i32 = arith.constant 0 : i32
    %c0_i32_0 = arith.constant 0 : i32
    %c0_i32_1 = arith.constant 0 : i32
    return %c0_i32, %c0_i32_0 : i32, i32
  }
  func.func @transform_4(%arg0: i32) -> i32 {
    %c0_i32 = arith.constant 0 : i32
    %c0_i32_0 = arith.constant 0 : i32
    return %c0_i32 : i32
  }
  func.func @transform_5(%arg0: i32) -> (i32, i32) {
    %c0_i32 = arith.constant 0 : i32
    %c0_i32_0 = arith.constant 0 : i32
    %c0_i32_1 = arith.constant 0 : i32
    return %c0_i32, %c0_i32_0 : i32, i32
  }
  func.func @transform_6(%arg0: i32) -> (i32, i32) {
    %c0_i32 = arith.constant 0 : i32
    %c0_i32_0 = arith.constant 0 : i32
    return %arg0, %c0_i32 : i32, i32
  }
}

</mosaic_0001>

<sc_bundles>
// kernel: kernel.11.cloned.1.call-start
scs
__scs_entry_jumppad:
0x0: {  	(pc) =	sbr.rel $0x88, $3  }
0x1: {  	(tag) =	ssettag $0x0;
	lr =	simm.s32 $0x1  }
0x2: {  	[smem:$0x3F95] =	sst lr;
	_ =	strace $0xD0000000  }
0x3: {  	_ = 	snop  }
0x4: {  	_ = 	snop  }
0x5: {  	_ = 	snop  }
0x6: {  	_ = 	snop  }
0x7: {  	_ = 	snop  }
__scs_overlays_trampoline_lowered:
0x8: {  	[smem:$0x3FA4] =	sst s0  }
0x9: {  	[smem:$0x3FA5] =	sst s1  }
0xa: {  	[smem:$0x3FA6] =	sst s2  }
0xb: {  	[smem:$0x3FA7] =	sst s3  }
0xc: {  	[smem:$0x3FA8] =	sst s4  }
0xd: {  	[smem:$0x3FA9] =	sst s5  }
0xe: {  	[smem:$0x3FAA] =	sst s6  }
0xf: {  	[smem:$0x3FAB] =	sst s7  }
0x10: {  	[smem:$0x3FAC] =	sst s8  }
0x11: {  	[smem:$0x3FAD] =	sst s9;
	s0 =	simm.s32 @!p0 $0x0  }
0x12: {  	s1 =	sld [smem:$0x3F93];
	s0 =	simm.s32 @p0 $0x1  }
0x13: {  	[smem:$0x3FAE] =	sst s0;
	s0 =	simm.s32 @!p1 $0x0  }
0x14: {  	s2 =	sld [smem:$0x3F92];
	s0 =	simm.s32 @p1 $0x1  }
0x15: {  	[smem:$0x3FAF] =	sst s0;
	s0 =	simm.s32 @!p2 $0x0  }
0x16: {  	s3 =	sld [smem:$0x3FDB];
	s0 =	simm.s32 @p2 $0x1  }
0x17: {  	s4 =	simm.s32 $0x1BF5;
	[smem:$0x3FB1] =	sst s0  }
0x18: {  	s0 =	sld [smem:$0x3F94];
	_ =	swait.ge [sflag:s4], $0x0  }
0x19: {  	s7 =	sld [smem:$0x3F95]  }
0x1a: {  	s8 =	sadd.s32 $0xFFFFE003, lr  }
0x1b: {  	s9 =	sadd.s32 $0xFFFFFEF7, lr;
	s5 =	simm.s32 $0xFFFFFFFF;
	p2 =	slt.u32 s8, $0xFFFFF086  }
0x1c: {  	p1 =	slt.u32 s9, $0xF7A;
	s5 =	simm.s32 @!p2 $0x0  }
0x1d: {  	s5 =	simm.s32 @p1 $0x1;
	p0 =	seq.s32 s7, s2  }
0x1e: {  	s7 =	smul.u32 @!p0 $0xF7A, s2;
	p2 =	seq.s32 @!p0 s5, $0x0  }
0x1f: {  	s9 =	smul.u32 $0xF7A, s1;
	s8 =	simm.s32 @!p0 $0x1BF5;
	p2 =	por !p2, p0  }
0x20: {  	[sflag:s8] =	ssyncset.s32 @!p0 $0xFFFFF086;
	s6 =	sadd.s32 @!p0 s3, s7;
	s7 =	simm.s32 @!p0 $0x108  }
0x21: {  	s3 =	sadd.s32 s3, s9;
	s6 =	sadd.s32 @!p0 $0x88, s6;
	s7 =	simm.s32 @p2 $0x1082  }
0x22: {  	[simem:s7], [sflag:s8] =	dma.local @!p0 [hbm:s6], $0xF7A  }
0x23: {  	s9 =	sor.u32 $0xD0000000, s2;
	s6 =	simm.s32 $0x108;
	_ =	swait.ge @!p0 [sflag:s8], $0x0  }
0x24: {  	s3 =	sadd.s32 $0x88, s3;
	s6 =	simm.s32 @!p1 $0x1082;
	[sflag:s4] =	ssyncset.s32 $0xFFFFF086  }
0x25: {  	[simem:s6], [sflag:s4] =	dma.local [hbm:s3], $0xF7A  }
0x26: {  	[smem:$0x3F95] =	sst s1;
	(tag) =	ssettag s2;
	_ =	strace s9  }
0x27: {  	s1 =	sld [smem:$0x3FA5]  }
0x28: {  	s2 =	sld [smem:$0x3FA6]  }
0x29: {  	s4 =	sld [smem:$0x3FA8]  }
0x2a: {  	p0 =	seq.s32 s5, $0x0;
	s5 =	sld [smem:$0x3FA9]  }
0x2b: {  	s6 =	sld [smem:$0x3FAA]  }
0x2c: {  	s7 =	sld [smem:$0x3FAB]  }
0x2d: {  	s3 =	simm.s32 $0x108;
	s8 =	sld [smem:$0x3FAC]  }
0x2e: {  	s3 =	simm.s32 @!p0 $0x1082;
	s9 =	sld [smem:$0x3FAD]  }
0x2f: {  	lr =	sadd.s32 s0, s3;
	s0 =	sld [smem:$0x3FA4]  }
0x30: {  	s3 =	sld [smem:$0x3FA7]  }
0x31: {  	[smem:$0x3FB0] =	sst s10  }
0x32: {  	s10 =	sld [smem:$0x3FAE];
	_ =	sdelay $0x3  }
0x33: {  	p0 =	seq.s32 s10, $0x1;
	s10 =	sld [smem:$0x3FB0];
	_ =	sdelay $0x3  }
0x34: {  	[smem:$0x3FB0] =	sst s10  }
0x35: {  	s10 =	sld [smem:$0x3FAF];
	_ =	sdelay $0x3  }
0x36: {  	p1 =	seq.s32 s10, $0x1;
	s10 =	sld [smem:$0x3FB0];
	_ =	sdelay $0x3  }
0x37: {  	[smem:$0x3FB0] =	sst s10  }
0x38: {  	s10 =	sld [smem:$0x3FB1]  }
0x39: {  	_ = 	snop;
	(pc) =	sbr.ind lr, $3  }
0x3a: {  	_ = 	snop  }
0x3b: {  	_ = 	snop  }
0x3c: {  	p2 =	seq.s32 s10, $0x1;
	s10 =	sld [smem:$0x3FB0]  }
0x3d: {  	_ =	shalt  }
0x3e: {  	_ =	shalt  }
0x3f: {  	_ =	shalt  }
0x40: {  	_ =	shalt  }
0x41: {  	_ =	shalt  }
0x42: {  	_ =	shalt  }
0x43: {  	_ =	shalt  }
0x44: {  	_ =	shalt  }
0x45: {  	_ =	shalt  }
0x46: {  	_ =	shalt  }
0x47: {  	_ =	shalt  }
0x48: {  	_ =	shalt  }
0x49: {  	_ =	shalt  }
0x4a: {  	_ =	shalt  }
0x4b: {  	_ =	shalt  }
0x4c: {  	_ =	shalt  }
0x4d: {  	_ =	shalt  }
0x4e: {  	_ =	shalt  }
0x4f: {  	_ =	shalt  }
0x50: {  	_ =	shalt  }
0x51: {  	_ =	shalt  }
0x52: {  	_ =	shalt  }
0x53: {  	_ =	shalt  }
0x54: {  	_ =	shalt  }
0x55: {  	_ =	shalt  }
0x56: {  	_ =	shalt  }
0x57: {  	_ =	shalt  }
0x58: {  	_ =	shalt  }
0x59: {  	_ =	shalt  }
0x5a: {  	_ =	shalt  }
0x5b: {  	_ =	shalt  }
0x5c: {  	_ =	shalt  }
0x5d: {  	_ =	shalt  }
0x5e: {  	_ =	shalt  }
0x5f: {  	_ =	shalt  }
0x60: {  	_ =	shalt  }
0x61: {  	_ =	shalt  }
0x62: {  	_ =	shalt  }
0x63: {  	_ =	shalt  }
0x64: {  	_ =	shalt  }
0x65: {  	_ =	shalt  }
0x66: {  	_ =	shalt  }
0x67: {  	_ =	shalt  }
0x68: {  	_ =	shalt  }
0x69: {  	_ =	shalt  }
0x6a: {  	_ =	shalt  }
0x6b: {  	_ =	shalt  }
0x6c: {  	_ =	shalt  }
0x6d: {  	_ =	shalt  }
0x6e: {  	_ =	shalt  }
0x6f: {  	_ =	shalt  }
0x70: {  	_ =	shalt  }
0x71: {  	_ =	shalt  }
0x72: {  	_ =	shalt  }
0x73: {  	_ =	shalt  }
0x74: {  	_ =	shalt  }
0x75: {  	_ =	shalt  }
0x76: {  	_ =	shalt  }
0x77: {  	_ =	shalt  }
0x78: {  	_ =	shalt  }
0x79: {  	_ =	shalt  }
0x7a: {  	_ =	shalt  }
0x7b: {  	_ =	shalt  }
0x7c: {  	_ =	shalt  }
0x7d: {  	_ =	shalt  }
0x7e: {  	_ =	shalt  }
0x7f: {  	_ =	shalt  }
0x80: {  	_ =	shalt  }
0x81: {  	_ =	shalt  }
0x82: {  	_ =	shalt  }
0x83: {  	_ =	shalt  }
0x84: {  	_ =	shalt  }
0x85: {  	_ =	shalt  }
0x86: {  	_ =	shalt  }
0x87: {  	_ =	shalt  }
.Lfunc_end0:
.L_simem_size_0:
called_computation.1_lowered:
.L_overlay_start_0:
0x88: {  	s2 =	sld [smem:$0x3FD9]  }
0x89: {  	s3 =	sld [smem:$0x3FFE];
	_ =	sdelay $0x1  }
0x8a: {  	s1 =	srdreg.scid  }
0x8b: {  	s0 =	sand.u32 $0x1, s1  }
0x8c: {  	s17 =	sshll.u32 s0, $0xA;
	s2 =	sadd.s32 s3, s2  }
0x8d: {  	s2 =	sadd.s32 s2, s17  }
0x8e: {  	[smem:$0x3FBC] =	sst s2  }
0x8f: {  	_ = 	snop  }
0x90: {  	s2 =	sld [smem:$0x3FD0];
	(tm) =	ssettm $0x1  }
0x91: {  	s18 =	sld [smem:$0x3FFB];
	_ =	sdelay $0x3  }
0x92: {  	_ =	strace s18  }
0x93: {  	s3 =	sld [smem:$0x3FFC];
	_ =	sdelay $0x3  }
0x94: {  	_ =	strace s3  }
0x95: {  	s3 =	sld [smem:$0x3FFD];
	_ =	sdelay $0x3  }
0x96: {  	_ =	strace s3  }
0x97: {  	_ =	strace $0x8FFFFFFF  }
0x98: {  	s19 =	sld [smem:$0x3FDB];
	_ =	sdelay $0x1  }
0x99: {  	s4 =	simm.s32 $_scs_section_size  }
0x9a: {  	s5 =	simm.s32 $_size__tile_overlayer_lowered;
	s6 =	simm.s32 $_tile_overlayer_lowered  }
0x9b: {  	s22 =	simm.s32 $0x1BFF;
	s21 =	sshll.u32 s6, $0x1;
	s3 =	sadd.s32 s4, s19  }
0x9c: {  	s7 =	simm.s32 $0x0;
	s20 =	sshll.u32 s5, $0x1;
	s5 =	sadd.s32 s21, s3  }
0x9d: {  	[timem:s7], [sflag:s22] =	dma.local [hbm:s5], s20  }
0x9e: {  	_ =	swait.ge [sflag:s22], s20  }
0x9f: {  	s4 =	ssub.s32 $0x0, s20;
	[sflag:s22] =	ssyncset.done $0x0  }
0xa0: {  	[sflag:s22] =	ssyncadd.s32 s4;
	_ =	sdelay $0x1  }
0xa1: {  	s23 =	simm.s32 $0x1B8B  }
0xa2: {  	_ =	swait.ge [sflag:s23], $0x1  }
0xa3: {  	[sflag:s23] =	ssyncset.done $0x0  }
0xa4: {  	s25 =	simm.s32 $0x1B8E;
	s24 =	sld [smem:$0x3FFE];
	[sflag:s23] =	ssyncadd.s32 $0xFFFFFFFF  }
0xa5: {  	s26 =	simm.s32 $execute0_lowered;
	[smem:$0x3FD2] =	sst s25  }
0xa6: {  	s5 =	sshll.u32 s26, $0x1;
	_ =	strace $0x80000046;
	[dreg:$0x1] =	wrdreg $0xFFFFFFFF  }
0xa7: {  	s28 =	simm.s32 $_size_execute0_lowered;
	s3 =	sadd.s32 s3, s5;
	[dreg:$0x0] =	wrdreg $0x0  }
0xa8: {  	s5 =	sshll.u32 s28, $0x1;
	[dreg:$0x2] =	wrdreg s3  }
0xa9: {  	[dreg:$0x3] =	wrdreg s5  }
0xaa: {  	[dreg:$0x4] =	wrdreg $0xC0  }
0xab: {  	_ =	task [dreg:s7], $0x5FFFF  }
0xac: {  	[dreg:$0x1] =	wrdreg $0xFFFFFFFF  }
0xad: {  	[dreg:$0x0] =	wrdreg $0x60  }
0xae: {  	[dreg:$0x2] =	wrdreg s24  }
0xaf: {  	[dreg:$0x3] =	wrdreg s2  }
0xb0: {  	[dreg:$0x4] =	wrdreg $0x58000  }
0xb1: {  	[dreg:$0x5] =	wrdreg $0xA  }
0xb2: {  	_ =	task.clear_ibuf [dreg:s7], $0x6FFFF;
	_ =	strace $0x90000046  }
0xb3: {  	s29 =	simm.s32 $0xA;
	_ =	strace $0x80000048  }
0xb4: {  	_ =	swait.ge [sflag:s29], $0x1  }
0xb5: {  	[sflag:s29] =	ssyncadd.s32 $0xFFFFFFFF  }
0xb6: {  	_ =	strace $0x90000048  }
0xb7: {  	_ =	sfence  }
0xb8: {  	s30 =	sld [smem:$0x0];
	_ =	sdelay $0x2  }
0xb9: {  	s31 =	sshll.u32 s1, $0xD;
	s1 =	sshrl.u32 s1, $0x2  }
0xba: {  	s3 =	sand.u32 $0x4000, s31;
	s1 =	sadd.s32 s1, s30  }
0xbb: {  	s0 =	sor.u32 s3, s0;
	s1 =	sshll.u32 s1, $0x11  }
0xbc: {  	s0 =	sor.u32 s1, s0  }
0xbd: {  	s0 =	sadd.s32 $0x8F2B, s0  }
0xbe: {  	[sflag:s0] =	ssyncadd.remote.s32 $0x1  }
0xbf: {  	_ =	sfence.sel $0xFFFF  }
0xc0: {  	[dreg:$0x0] =	wrdreg $0xFFFFFFFF;
	(pc) =	sbr.abs _section_cstart, $3  }
0xc1: {  	[dreg:$0x1] =	wrdreg $0xFFFFFFFF  }
0xc2: {  	_ =	task.clear_ibuf [dreg:s7], $0x2FFFF;
	_ =	strace $0x9FFFFFFF  }
0xc3: {  	(tm) =	ssettm $0x7FFFFFFF  }
tec
execute0_lowered:
.L_overlay_start_1:
0x0: {  	(tag) =	ssettag $0x1  }
0x1: {  	s0 =	rddreg [dreg:$0x0]  }
0x2: {  	s2 =	rddreg [dreg:$0x1]  }
0x3: {  	s1 =	rddreg [dreg:$0x2];
	s3 =	simm.s32 $0x0  }
0x4: {  	s4 =	srdreg.scid;
	s16 =	stileid.u32;
	s28 =	simm.s32 $0x400  }
0x5: {  	s29 =	simm.s32 $0x50;
	s30 =	simm.s32 $0x800;
	s31 =	simm.s32 $0x80  }
0x6: {  	[smem:$0x7FF] =	sst s3;
	s4 =	sand.u32 $0x1, s4;
	s7 =	smul.u32 $0x13C00, s16  }
0x7: {  	s5 =	sshll.u32 s16, $0xC;
	s8 =	sadd.s32 $0x44E00, s0;
	s10 =	smul.u32 $0x4F000, s16  }
0x8: {  	_ =	strace $0x80000047;
	s6 =	ssub.s32 $0x2, s4;
	s11 =	smul.u32 $0x13C000, s4  }
0x9: {  	s2 =	sadd.s32 s5, s2;
	s5 =	sadd.s32 s5, s0;
	s4 =	sshll.u32 s4, $0xB  }
0xa: {  	s9 =	sshrl.u32 s6, $0x1;
	s15 =	sadd.s32 $0x5000, s7;
	s17 =	sadd.s32 $0x7800, s7  }
0xb: {  	s18 =	sadd.s32 $0xA000, s7;
	s19 =	sadd.s32 $0xC800, s7;
	s20 =	sadd.s32 $0xF000, s7  }
0xc: {  	s10 =	sshrl.u32 s10, $0x2;
	s5 =	sadd.s32 s4, s5;
	s6 =	ssub.s32 s6, s9  }
0xd: {  	s9 =	sadd.s32 $0x2800, s7;
	s12 =	sadd.s32 s7, s11;
	s7 =	sadd.s32 $0x11800, s7  }
0xe: {  	s21 =	sadd.s32 s11, s17;
	s14 =	sadd.s32 s11, s18;
	s24 =	sadd.s32 s11, s19  }
0xf: {  	s25 =	sadd.s32 s11, s20;
	s13 =	sadd.s32 s11, s9;
	s12 =	sshrl.u32 s12, $0x3  }
0x10: {  	s14 =	sshrl.u32 s14, $0x3;
	s13 =	sshrl.u32 s13, $0x3;
	s12 =	sadd.s32 s8, s12  }
0x11: {  	s23 =	sadd.s32 s8, s14;
	s14 =	sadd.s32 s4, s2;
	s2 =	simm.s32 $0x1  }
0x12: {  	s4 =	simm.s32 $0x2;
	[dreg:$0x4] =	wrdreg s12;
	s26 =	sadd.s32 s8, s13  }
0x13: {  	s13 =	sadd.s32 s11, s15;
	[dreg:$0x8] =	wrdreg s23;
	s11 =	sadd.s32 s11, s7  }
0x14: {  	s15 =	sadd.s32 s15, s1;
	s23 =	sadd.s32 s19, s1;
	s19 =	simm.s32 $0x380  }
0x15: {  	[dreg:$0x5] =	wrdreg s26;
	s12 =	sshrl.u32 s13, $0x3;
	s13 =	sshrl.u32 s21, $0x3  }
0x16: {  	s11 =	sshrl.u32 s11, $0x3;
	[dreg:$0x10] =	wrdreg s15;
	s21 =	sadd.s32 s17, s1  }
0x17: {  	[dreg:$0x13] =	wrdreg s23;
	s15 =	simm.s32 $0x600;
	s17 =	simm.s32 $0x300  }
0x18: {  	s12 =	sadd.s32 s8, s12;
	s22 =	sadd.s32 s8, s13;
	[dreg:$0x11] =	wrdreg s21  }
0x19: {  	s13 =	sshrl.u32 s25, $0x3;
	s25 =	sadd.s32 s7, s1;
	[dreg:$0x6] =	wrdreg s12  }
0x1a: {  	s7 =	simm.s32 $0x180;
	s21 =	simm.s32 $0x780;
	[dreg:$0x7] =	wrdreg s22  }
0x1b: {  	s12 =	sshrl.u32 s24, $0x3;
	s26 =	sadd.s32 s8, s13;
	s13 =	sadd.s32 s9, s1  }
0x1c: {  	s22 =	sadd.s32 s18, s1;
	s24 =	sadd.s32 s20, s1;
	[dreg:$0x15] =	wrdreg s25  }
0x1d: {  	s25 =	sadd.s32 $0xD000, s5;
	s5 =	simm.s32 $0x100;
	[dreg:$0xa] =	wrdreg s26  }
0x1e: {  	s9 =	simm.s32 $0x200;
	s18 =	simm.s32 $0x680;
	[dreg:$0xf] =	wrdreg s13  }
0x1f: {  	s20 =	simm.s32 $0x700;
	s12 =	sadd.s32 s8, s12;
	[dreg:$0x12] =	wrdreg s22  }
0x20: {  	s8 =	sadd.s32 s8, s11;
	s11 =	sshll.u32 s16, $0x6;
	[dreg:$0x14] =	wrdreg s24  }
0x21: {  	s26 =	smax.u32 s6, $0x1;
	s6 =	simm.s32 $0x480;
	[dreg:$0x9] =	wrdreg s12  }
0x22: {  	s22 =	simm.s32 $0x0;
	[dreg:$0xb] =	wrdreg s8;
	s12 =	sadd.s32 $0x1D000, s0  }
0x23: {  	s0 =	sadd.s32 $0x44800, s0;
	s16 =	sor.u32 $0x1C03, s11;
	[dreg:$0x16] =	wrdreg s26  }
0x24: {  	s26 =	simm.s32 $0x3;
	s8 =	simm.s32 $0x500;
	[dreg:$0xc] =	wrdreg s0  }
0x25: {  	s11 =	simm.s32 $0x280;
	s0 =	sadd.s32 s10, s1;
	[dreg:$0xe] =	wrdreg s16  }
0x26: {  	s10 =	simm.s32 $0x580;
	[dreg:$0xd] =	wrdreg s0;
	s0 =	simm.s32 $0x3000  }
.LBB2_1:
0x27: {  	[dreg:$0x17] =	wrdreg s22  }
0x28: {  	s13 =	rddreg [dreg:$0xd]  }
0x29: {  	s23 =	sshrl.u32 s13, $0x3;
	s13 =	rddreg [dreg:$0xc]  }
0x2a: {  	[dreg:$0x18] =	wrdreg s23  }
0x2b: {  	[spmem:s23], [sflag:s16] =	dma.local [hbm:s13], $0x500  }
0x2c: {  	_ =	swait.ge [sflag:s26], $0x500  }
0x2d: {  	s24 =	rddreg [dreg:$0xf]  }
0x2e: {  	[sflag:s26] =	ssyncset.done $0x0;
	s22 =	sshrl.u32 s24, $0x3  }
0x2f: {  	[sflag:s26] =	ssyncadd.s32 $0xFFFFFB00;
	[dreg:$0x19] =	wrdreg s22  }
0x30: {  	[spmem:s22], [sflag:s16] =	dma.local [hbm:s13], $0x500  }
0x31: {  	_ =	swait.ge [sflag:s26], $0x500  }
0x32: {  	s23 =	rddreg [dreg:$0x10]  }
0x33: {  	[sflag:s26] =	ssyncset.done $0x0;
	s22 =	sshrl.u32 s23, $0x3  }
0x34: {  	[sflag:s26] =	ssyncadd.s32 $0xFFFFFB00;
	[dreg:$0x1a] =	wrdreg s22  }
0x35: {  	[spmem:s22], [sflag:s16] =	dma.local [hbm:s13], $0x500  }
0x36: {  	_ =	swait.ge [sflag:s26], $0x500  }
0x37: {  	s24 =	rddreg [dreg:$0x11]  }
0x38: {  	[sflag:s26] =	ssyncset.done $0x0;
	s22 =	sshrl.u32 s24, $0x3  }
0x39: {  	[sflag:s26] =	ssyncadd.s32 $0xFFFFFB00;
	[dreg:$0x1b] =	wrdreg s22  }
0x3a: {  	[spmem:s22], [sflag:s16] =	dma.local [hbm:s13], $0x500  }
0x3b: {  	_ =	swait.ge [sflag:s26], $0x500  }
0x3c: {  	s23 =	rddreg [dreg:$0x12]  }
0x3d: {  	[sflag:s26] =	ssyncset.done $0x0;
	s22 =	sshrl.u32 s23, $0x3  }
0x3e: {  	[sflag:s26] =	ssyncadd.s32 $0xFFFFFB00;
	[dreg:$0x1c] =	wrdreg s22  }
0x3f: {  	[spmem:s22], [sflag:s16] =	dma.local [hbm:s13], $0x500  }
0x40: {  	_ =	swait.ge [sflag:s26], $0x500  }
0x41: {  	s24 =	rddreg [dreg:$0x13]  }
0x42: {  	[sflag:s26] =	ssyncset.done $0x0;
	s22 =	sshrl.u32 s24, $0x3  }
0x43: {  	[sflag:s26] =	ssyncadd.s32 $0xFFFFFB00;
	[dreg:$0x1d] =	wrdreg s22  }
0x44: {  	[spmem:s22], [sflag:s16] =	dma.local [hbm:s13], $0x500  }
0x45: {  	_ =	swait.ge [sflag:s26], $0x500  }
0x46: {  	s23 =	rddreg [dreg:$0x14]  }
0x47: {  	[sflag:s26] =	ssyncset.done $0x0;
	s22 =	sshrl.u32 s23, $0x3  }
0x48: {  	[sflag:s26] =	ssyncadd.s32 $0xFFFFFB00;
	[dreg:$0x1e] =	wrdreg s22  }
0x49: {  	[spmem:s22], [sflag:s16] =	dma.local [hbm:s13], $0x500  }
0x4a: {  	_ =	swait.ge [sflag:s26], $0x500  }
0x4b: {  	s24 =	rddreg [dreg:$0x15]  }
0x4c: {  	[sflag:s26] =	ssyncset.done $0x0;
	s22 =	sshrl.u32 s24, $0x3  }
0x4d: {  	[sflag:s26] =	ssyncadd.s32 $0xFFFFFB00;
	[dreg:$0x1f] =	wrdreg s22  }
0x4e: {  	[spmem:s22], [sflag:s16] =	dma.local [hbm:s13], $0x480  }
0x4f: {  	_ =	swait.ge [sflag:s26], $0x480  }
0x50: {  	[sflag:s26] =	ssyncset.done $0x0  }
0x51: {  	[sflag:s26] =	ssyncadd.s32 $0xFFFFFB80  }
0x52: {  	s23 =	sadd.s32 $0x0, s14;
	[bflag:$0x0] =	sbarrier.arrive $0xFFFF  }
0x53: {  	[tilespmem:s3], [sflag:$0x3] =	stream.linear.gather [hbm4b:s23+s3], $0x400, $0x38;
	[tilespmem:$0x19400] =	vst v63  }
0x54: {  	_ =	swait.ge [sflag:s26], $0x400  }
0x55: {  	[sflag:s26] =	ssyncset.done $0x0  }
0x56: {  	s24 =	sadd.s32 $0x0, s25;
	[sflag:s26] =	ssyncadd.s32 $0xFFFFFC00  }
0x57: {  	[tilespmem:s28], [sflag:$0x3] =	stream.linear.gather [hbm4b:s24+s3], $0x400, $0x38;
	[tilespmem:$0x19400] =	vst v63  }
0x58: {  	_ =	swait.ge [sflag:s26], $0x400  }
0x59: {  	[sflag:s26] =	ssyncset.done $0x0  }
0x5a: {  	[sflag:s26] =	ssyncadd.s32 $0xFFFFFC00  }
0x5b: {  	[tilespmem:s30], [sflag:$0x1] =	stream.indirect.gather [hbm4b:s12+s29], $0x80, s3, s29, $0xb8;
	[tilespmem:$0x19400] =	vst v63  }
0x5c: {  	_ = 	snop  }
0x5d: {  	[tilespmem:s0], [sflag:$0x1] =	stream.indirect.gather [hbm4b:s12+s29], $0x80, s31, s29, $0xb8;
	[tilespmem:$0x19400] =	vst v63  }
0x5e: {  	_ =	swait.ge [sflag:s2], $0x2800  }
0x5f: {  	[sflag:s2] =	ssyncset.done $0x0  }
0x60: {  	[sflag:s2] =	ssyncadd.s32 $0xFFFFD800  }
0x61: {  	[spmem:s1] =	stream.indirect.scatter.add.f32 [tilespmem:s30], [sflag:$0x2], $0x80, s28, s29, $0xb8;
	[tilespmem:$0x19400] =	vst v63  }
0x62: {  	_ =	swait.ge [sflag:s4], $0x2800  }
0x63: {  	[sflag:s4] =	ssyncset.done $0x0  }
0x64: {  	[sflag:s4] =	ssyncadd.s32 $0xFFFFD800  }
0x65: {  	[tilespmem:s30], [sflag:$0x1] =	stream.indirect.gather [hbm4b:s12+s29], $0x80, s5, s29, $0xb8;
	[tilespmem:$0x19400] =	vst v63  }
0x66: {  	_ =	swait.ge [sflag:s2], $0x2800  }
0x67: {  	[sflag:s2] =	ssyncset.done $0x0  }
0x68: {  	[sflag:s2] =	ssyncadd.s32 $0xFFFFD800  }
0x69: {  	[spmem:s1] =	stream.indirect.scatter.add.f32 [tilespmem:s0], [sflag:$0x2], $0x80, s6, s29, $0xb8;
	[tilespmem:$0x19400] =	vst v63  }
0x6a: {  	_ =	swait.ge [sflag:s4], $0x2800  }
0x6b: {  	[sflag:s4] =	ssyncset.done $0x0  }
0x6c: {  	[sflag:s4] =	ssyncadd.s32 $0xFFFFD800  }
0x6d: {  	[tilespmem:s0], [sflag:$0x1] =	stream.indirect.gather [hbm4b:s12+s29], $0x80, s7, s29, $0xb8;
	[tilespmem:$0x19400] =	vst v63  }
0x6e: {  	_ =	swait.ge [sflag:s2], $0x2800  }
0x6f: {  	[sflag:s2] =	ssyncset.done $0x0  }
0x70: {  	[sflag:s2] =	ssyncadd.s32 $0xFFFFD800  }
0x71: {  	[spmem:s1] =	stream.indirect.scatter.add.f32 [tilespmem:s30], [sflag:$0x2], $0x80, s8, s29, $0xb8;
	[tilespmem:$0x19400] =	vst v63  }
0x72: {  	_ =	swait.ge [sflag:s4], $0x2800  }
0x73: {  	[sflag:s4] =	ssyncset.done $0x0  }
0x74: {  	[sflag:s4] =	ssyncadd.s32 $0xFFFFD800  }
0x75: {  	[tilespmem:s30], [sflag:$0x1] =	stream.indirect.gather [hbm4b:s12+s29], $0x80, s9, s29, $0xb8;
	[tilespmem:$0x19400] =	vst v63  }
0x76: {  	_ =	swait.ge [sflag:s2], $0x2800  }
0x77: {  	[sflag:s2] =	ssyncset.done $0x0  }
0x78: {  	[sflag:s2] =	ssyncadd.s32 $0xFFFFD800  }
0x79: {  	[spmem:s1] =	stream.indirect.scatter.add.f32 [tilespmem:s0], [sflag:$0x2], $0x80, s10, s29, $0xb8;
	[tilespmem:$0x19400] =	vst v63  }
0x7a: {  	_ =	swait.ge [sflag:s4], $0x2800  }
0x7b: {  	[sflag:s4] =	ssyncset.done $0x0  }
0x7c: {  	[sflag:s4] =	ssyncadd.s32 $0xFFFFD800  }
0x7d: {  	[tilespmem:s0], [sflag:$0x1] =	stream.indirect.gather [hbm4b:s12+s29], $0x80, s11, s29, $0xb8;
	[tilespmem:$0x19400] =	vst v63  }
0x7e: {  	_ =	swait.ge [sflag:s2], $0x2800  }
0x7f: {  	[sflag:s2] =	ssyncset.done $0x0  }
0x80: {  	[sflag:s2] =	ssyncadd.s32 $0xFFFFD800  }
0x81: {  	[spmem:s1] =	stream.indirect.scatter.add.f32 [tilespmem:s30], [sflag:$0x2], $0x80, s15, s29, $0xb8;
	[tilespmem:$0x19400] =	vst v63  }
0x82: {  	_ =	swait.ge [sflag:s4], $0x2800  }
0x83: {  	[sflag:s4] =	ssyncset.done $0x0  }
0x84: {  	[sflag:s4] =	ssyncadd.s32 $0xFFFFD800  }
0x85: {  	[tilespmem:s30], [sflag:$0x1] =	stream.indirect.gather [hbm4b:s12+s29], $0x80, s17, s29, $0xb8;
	[tilespmem:$0x19400] =	vst v63  }
0x86: {  	_ =	swait.ge [sflag:s2], $0x2800  }
0x87: {  	[sflag:s2] =	ssyncset.done $0x0  }
0x88: {  	[sflag:s2] =	ssyncadd.s32 $0xFFFFD800  }
0x89: {  	[spmem:s1] =	stream.indirect.scatter.add.f32 [tilespmem:s0], [sflag:$0x2], $0x80, s18, s29, $0xb8;
	[tilespmem:$0x19400] =	vst v63  }
0x8a: {  	_ =	swait.ge [sflag:s4], $0x2800  }
0x8b: {  	[sflag:s4] =	ssyncset.done $0x0  }
0x8c: {  	[sflag:s4] =	ssyncadd.s32 $0xFFFFD800  }
0x8d: {  	[tilespmem:s0], [sflag:$0x1] =	stream.indirect.gather [hbm4b:s12+s29], $0x80, s19, s29, $0xb8;
	[tilespmem:$0x19400] =	vst v63  }
0x8e: {  	_ =	swait.ge [sflag:s2], $0x2800  }
0x8f: {  	[sflag:s2] =	ssyncset.done $0x0  }
0x90: {  	[sflag:s2] =	ssyncadd.s32 $0xFFFFD800  }
0x91: {  	[spmem:s1] =	stream.indirect.scatter.add.f32 [tilespmem:s30], [sflag:$0x2], $0x80, s20, s29, $0xb8;
	[tilespmem:$0x19400] =	vst v63  }
0x92: {  	_ =	swait.ge [sflag:s2], $0x2800  }
0x93: {  	[sflag:s2] =	ssyncset.done $0x0  }
0x94: {  	[sflag:s2] =	ssyncadd.s32 $0xFFFFD800  }
0x95: {  	[spmem:s1] =	stream.indirect.scatter.add.f32 [tilespmem:s0], [sflag:$0x2], $0x80, s21, s29, $0xb8;
	[tilespmem:$0x19400] =	vst v63  }
0x96: {  	_ =	swait.ge [sflag:s4], $0x2800  }
0x97: {  	[sflag:s4] =	ssyncset.done $0x0  }
0x98: {  	[sflag:s4] =	ssyncadd.s32 $0xFFFFD800  }
0x99: {  	_ =	swait.ge [sflag:s4], $0x2800  }
0x9a: {  	s23 =	simm.s32 $0x80;
	s24 =	simm.s32 $0x100;
	[sflag:s4] =	ssyncset.done $0x0  }
.LBB2_2:
0x9b: {  	s13 =	sadd.s32 s23, s14  }
0x9c: {  	[sflag:s4] =	ssyncadd.s32 $0xFFFFD800;
	s16 =	smov.u32 s24;
	s22 =	sadd.s32 $0x80, s24  }
0x9d: {  	[tilespmem:s3], [sflag:$0x3] =	stream.linear.gather [hbm4b:s13+s3], $0x400, $0x38;
	[tilespmem:$0x19400] =	vst v63  }
0x9e: {  	p0 =	sne.s32 s24, $0x780;
	_ =	swait.ge [sflag:s26], $0x400  }
0x9f: {  	[sflag:s26] =	ssyncset.done $0x0  }
0xa0: {  	s13 =	sadd.s32 s23, s25;
	s23 =	smov.u32 s16;
	[sflag:s26] =	ssyncadd.s32 $0xFFFFFC00  }
0xa1: {  	[tilespmem:s28], [sflag:$0x3] =	stream.linear.gather [hbm4b:s13+s3], $0x400, $0x38;
	[tilespmem:$0x19400] =	vst v63  }
0xa2: {  	_ =	swait.ge [sflag:s26], $0x400  }
0xa3: {  	[sflag:s26] =	ssyncset.done $0x0  }
0xa4: {  	[sflag:s26] =	ssyncadd.s32 $0xFFFFFC00  }
0xa5: {  	[tilespmem:s30], [sflag:$0x1] =	stream.indirect.gather [hbm4b:s12+s29], $0x80, s3, s29, $0xb8;
	[tilespmem:$0x19400] =	vst v63  }
0xa6: {  	_ = 	snop  }
0xa7: {  	[tilespmem:s0], [sflag:$0x1] =	stream.indirect.gather [hbm4b:s12+s29], $0x80, s31, s29, $0xb8;
	[tilespmem:$0x19400] =	vst v63  }
0xa8: {  	_ =	swait.ge [sflag:s2], $0x2800  }
0xa9: {  	[sflag:s2] =	ssyncset.done $0x0  }
0xaa: {  	[sflag:s2] =	ssyncadd.s32 $0xFFFFD800  }
0xab: {  	[spmem:s1] =	stream.indirect.scatter.add.f32 [tilespmem:s30], [sflag:$0x2], $0x80, s28, s29, $0xb8;
	[tilespmem:$0x19400] =	vst v63  }
0xac: {  	_ =	swait.ge [sflag:s4], $0x2800  }
0xad: {  	[sflag:s4] =	ssyncset.done $0x0  }
0xae: {  	[sflag:s4] =	ssyncadd.s32 $0xFFFFD800  }
0xaf: {  	[tilespmem:s30], [sflag:$0x1] =	stream.indirect.gather [hbm4b:s12+s29], $0x80, s5, s29, $0xb8;
	[tilespmem:$0x19400] =	vst v63  }
0xb0: {  	_ =	swait.ge [sflag:s2], $0x2800  }
0xb1: {  	[sflag:s2] =	ssyncset.done $0x0  }
0xb2: {  	[sflag:s2] =	ssyncadd.s32 $0xFFFFD800  }
0xb3: {  	[spmem:s1] =	stream.indirect.scatter.add.f32 [tilespmem:s0], [sflag:$0x2], $0x80, s6, s29, $0xb8;
	[tilespmem:$0x19400] =	vst v63  }
0xb4: {  	_ =	swait.ge [sflag:s4], $0x2800  }
0xb5: {  	[sflag:s4] =	ssyncset.done $0x0  }
0xb6: {  	[sflag:s4] =	ssyncadd.s32 $0xFFFFD800  }
0xb7: {  	[tilespmem:s0], [sflag:$0x1] =	stream.indirect.gather [hbm4b:s12+s29], $0x80, s7, s29, $0xb8;
	[tilespmem:$0x19400] =	vst v63  }
0xb8: {  	_ =	swait.ge [sflag:s2], $0x2800  }
0xb9: {  	[sflag:s2] =	ssyncset.done $0x0  }
0xba: {  	[sflag:s2] =	ssyncadd.s32 $0xFFFFD800  }
0xbb: {  	[spmem:s1] =	stream.indirect.scatter.add.f32 [tilespmem:s30], [sflag:$0x2], $0x80, s8, s29, $0xb8;
	[tilespmem:$0x19400] =	vst v63  }
0xbc: {  	_ =	swait.ge [sflag:s4], $0x2800  }
0xbd: {  	[sflag:s4] =	ssyncset.done $0x0  }
0xbe: {  	[sflag:s4] =	ssyncadd.s32 $0xFFFFD800  }
0xbf: {  	[tilespmem:s30], [sflag:$0x1] =	stream.indirect.gather [hbm4b:s12+s29], $0x80, s9, s29, $0xb8;
	[tilespmem:$0x19400] =	vst v63  }
0xc0: {  	_ =	swait.ge [sflag:s2], $0x2800  }
0xc1: {  	[sflag:s2] =	ssyncset.done $0x0  }
0xc2: {  	[sflag:s2] =	ssyncadd.s32 $0xFFFFD800  }
0xc3: {  	[spmem:s1] =	stream.indirect.scatter.add.f32 [tilespmem:s0], [sflag:$0x2], $0x80, s10, s29, $0xb8;
	[tilespmem:$0x19400] =	vst v63  }
0xc4: {  	_ =	swait.ge [sflag:s4], $0x2800  }
0xc5: {  	[sflag:s4] =	ssyncset.done $0x0  }
0xc6: {  	[sflag:s4] =	ssyncadd.s32 $0xFFFFD800  }
0xc7: {  	[tilespmem:s0], [sflag:$0x1] =	stream.indirect.gather [hbm4b:s12+s29], $0x80, s11, s29, $0xb8;
	[tilespmem:$0x19400] =	vst v63  }
0xc8: {  	_ =	swait.ge [sflag:s2], $0x2800  }
0xc9: {  	[sflag:s2] =	ssyncset.done $0x0  }
0xca: {  	[sflag:s2] =	ssyncadd.s32 $0xFFFFD800  }
0xcb: {  	[spmem:s1] =	stream.indirect.scatter.add.f32 [tilespmem:s30], [sflag:$0x2], $0x80, s15, s29, $0xb8;
	[tilespmem:$0x19400] =	vst v63  }
0xcc: {  	_ =	swait.ge [sflag:s4], $0x2800  }
0xcd: {  	[sflag:s4] =	ssyncset.done $0x0  }
0xce: {  	[sflag:s4] =	ssyncadd.s32 $0xFFFFD800  }
0xcf: {  	[tilespmem:s30], [sflag:$0x1] =	stream.indirect.gather [hbm4b:s12+s29], $0x80, s17, s29, $0xb8;
	[tilespmem:$0x19400] =	vst v63  }
0xd0: {  	_ =	swait.ge [sflag:s2], $0x2800  }
0xd1: {  	[sflag:s2] =	ssyncset.done $0x0  }
0xd2: {  	[sflag:s2] =	ssyncadd.s32 $0xFFFFD800  }
0xd3: {  	[spmem:s1] =	stream.indirect.scatter.add.f32 [tilespmem:s0], [sflag:$0x2], $0x80, s18, s29, $0xb8;
	[tilespmem:$0x19400] =	vst v63  }
0xd4: {  	_ =	swait.ge [sflag:s4], $0x2800  }
0xd5: {  	[sflag:s4] =	ssyncset.done $0x0  }
0xd6: {  	[sflag:s4] =	ssyncadd.s32 $0xFFFFD800  }
0xd7: {  	[tilespmem:s0], [sflag:$0x1] =	stream.indirect.gather [hbm4b:s12+s29], $0x80, s19, s29, $0xb8;
	[tilespmem:$0x19400] =	vst v63  }
0xd8: {  	_ =	swait.ge [sflag:s2], $0x2800  }
0xd9: {  	[sflag:s2] =	ssyncset.done $0x0  }
0xda: {  	[sflag:s2] =	ssyncadd.s32 $0xFFFFD800  }
0xdb: {  	[spmem:s1] =	stream.indirect.scatter.add.f32 [tilespmem:s30], [sflag:$0x2], $0x80, s20, s29, $0xb8;
	[tilespmem:$0x19400] =	vst v63  }
0xdc: {  	_ =	swait.ge [sflag:s2], $0x2800  }
0xdd: {  	[sflag:s2] =	ssyncset.done $0x0  }
0xde: {  	[sflag:s2] =	ssyncadd.s32 $0xFFFFD800  }
0xdf: {  	[spmem:s1] =	stream.indirect.scatter.add.f32 [tilespmem:s0], [sflag:$0x2], $0x80, s21, s29, $0xb8;
	[tilespmem:$0x19400] =	vst v63  }
.Ltmp0:
0xe0: {  	_ =	swait.ge [sflag:s4], $0x2800;
	(pc) =	sbr.rel @p0 .LBB2_2-.Ltmp0, $4  }
0xe1: {  	[sflag:s4] =	ssyncset.done $0x0  }
0xe2: {  	[sflag:s4] =	ssyncadd.s32 $0xFFFFD800  }
0xe3: {  	_ =	swait.ge [sflag:s4], $0x2800  }
0xe4: {  	s24 =	smov.u32 s22;
	[sflag:s4] =	ssyncset.done $0x0  }
0xe5: {  	s13 =	sadd.s32 s23, s14;
	[sflag:s4] =	ssyncadd.s32 $0xFFFFD800  }
0xe6: {  	[tilespmem:s3], [sflag:$0x3] =	stream.linear.gather [hbm4b:s13+s3], $0x400, $0x38;
	[tilespmem:$0x19400] =	vst v63  }
0xe7: {  	_ =	swait.ge [sflag:s26], $0x400  }
0xe8: {  	[sflag:s26] =	ssyncset.done $0x0  }
0xe9: {  	s23 =	sadd.s32 s23, s25;
	[sflag:s26] =	ssyncadd.s32 $0xFFFFFC00  }
0xea: {  	[tilespmem:s28], [sflag:$0x3] =	stream.linear.gather [hbm4b:s23+s3], $0x400, $0x38;
	[tilespmem:$0x19400] =	vst v63  }
0xeb: {  	_ =	swait.ge [sflag:s26], $0x400  }
0xec: {  	[sflag:s26] =	ssyncset.done $0x0  }
0xed: {  	[sflag:s26] =	ssyncadd.s32 $0xFFFFFC00  }
0xee: {  	[tilespmem:s30], [sflag:$0x1] =	stream.indirect.gather [hbm4b:s12+s29], $0x80, s3, s29, $0xb8;
	[tilespmem:$0x19400] =	vst v63  }
0xef: {  	_ = 	snop  }
0xf0: {  	[tilespmem:s0], [sflag:$0x1] =	stream.indirect.gather [hbm4b:s12+s29], $0x80, s31, s29, $0xb8;
	[tilespmem:$0x19400] =	vst v63  }
0xf1: {  	_ =	swait.ge [sflag:s2], $0x2800  }
0xf2: {  	[sflag:s2] =	ssyncset.done $0x0  }
0xf3: {  	[sflag:s2] =	ssyncadd.s32 $0xFFFFD800  }
0xf4: {  	[spmem:s1] =	stream.indirect.scatter.add.f32 [tilespmem:s30], [sflag:$0x2], $0x80, s28, s29, $0xb8;
	[tilespmem:$0x19400] =	vst v63  }
0xf5: {  	_ =	swait.ge [sflag:s4], $0x2800  }
0xf6: {  	[sflag:s4] =	ssyncset.done $0x0  }
0xf7: {  	[sflag:s4] =	ssyncadd.s32 $0xFFFFD800  }
0xf8: {  	[tilespmem:s30], [sflag:$0x1] =	stream.indirect.gather [hbm4b:s12+s29], $0x80, s5, s29, $0xb8;
	[tilespmem:$0x19400] =	vst v63  }
0xf9: {  	_ =	swait.ge [sflag:s2], $0x2800  }
0xfa: {  	[sflag:s2] =	ssyncset.done $0x0  }
0xfb: {  	[sflag:s2] =	ssyncadd.s32 $0xFFFFD800  }
0xfc: {  	[spmem:s1] =	stream.indirect.scatter.add.f32 [tilespmem:s0], [sflag:$0x2], $0x80, s6, s29, $0xb8;
	[tilespmem:$0x19400] =	vst v63  }
0xfd: {  	_ =	swait.ge [sflag:s4], $0x2800  }
0xfe: {  	[sflag:s4] =	ssyncset.done $0x0  }
0xff: {  	[sflag:s4] =	ssyncadd.s32 $0xFFFFD800  }
0x100: {  	[tilespmem:s0], [sflag:$0x1] =	stream.indirect.gather [hbm4b:s12+s29], $0x80, s7, s29, $0xb8;
	[tilespmem:$0x19400] =	vst v63  }
0x101: {  	_ =	swait.ge [sflag:s2], $0x2800  }
0x102: {  	[sflag:s2] =	ssyncset.done $0x0  }
0x103: {  	[sflag:s2] =	ssyncadd.s32 $0xFFFFD800  }
0x104: {  	[spmem:s1] =	stream.indirect.scatter.add.f32 [tilespmem:s30], [sflag:$0x2], $0x80, s8, s29, $0xb8;
	[tilespmem:$0x19400] =	vst v63  }
0x105: {  	_ =	swait.ge [sflag:s4], $0x2800  }
0x106: {  	[sflag:s4] =	ssyncset.done $0x0  }
0x107: {  	[sflag:s4] =	ssyncadd.s32 $0xFFFFD800  }
0x108: {  	[tilespmem:s30], [sflag:$0x1] =	stream.indirect.gather [hbm4b:s12+s29], $0x80, s9, s29, $0xb8;
	[tilespmem:$0x19400] =	vst v63  }
0x109: {  	_ =	swait.ge [sflag:s2], $0x2800  }
0x10a: {  	[sflag:s2] =	ssyncset.done $0x0  }
0x10b: {  	[sflag:s2] =	ssyncadd.s32 $0xFFFFD800  }
0x10c: {  	[spmem:s1] =	stream.indirect.scatter.add.f32 [tilespmem:s0], [sflag:$0x2], $0x80, s10, s29, $0xb8;
	[tilespmem:$0x19400] =	vst v63  }
0x10d: {  	_ =	swait.ge [sflag:s4], $0x2800  }
0x10e: {  	[sflag:s4] =	ssyncset.done $0x0  }
0x10f: {  	[sflag:s4] =	ssyncadd.s32 $0xFFFFD800  }
0x110: {  	[tilespmem:s0], [sflag:$0x1] =	stream.indirect.gather [hbm4b:s12+s29], $0x80, s11, s29, $0xb8;
	[tilespmem:$0x19400] =	vst v63  }
0x111: {  	_ =	swait.ge [sflag:s2], $0x2800  }
0x112: {  	[sflag:s2] =	ssyncset.done $0x0  }
0x113: {  	[sflag:s2] =	ssyncadd.s32 $0xFFFFD800  }
0x114: {  	[spmem:s1] =	stream.indirect.scatter.add.f32 [tilespmem:s30], [sflag:$0x2], $0x80, s15, s29, $0xb8;
	[tilespmem:$0x19400] =	vst v63  }
0x115: {  	_ =	swait.ge [sflag:s4], $0x2800  }
0x116: {  	[sflag:s4] =	ssyncset.done $0x0  }
0x117: {  	[sflag:s4] =	ssyncadd.s32 $0xFFFFD800  }
0x118: {  	[tilespmem:s30], [sflag:$0x1] =	stream.indirect.gather [hbm4b:s12+s29], $0x80, s17, s29, $0xb8;
	[tilespmem:$0x19400] =	vst v63  }
0x119: {  	_ =	swait.ge [sflag:s2], $0x2800  }
0x11a: {  	[sflag:s2] =	ssyncset.done $0x0  }
0x11b: {  	[sflag:s2] =	ssyncadd.s32 $0xFFFFD800  }
0x11c: {  	[spmem:s1] =	stream.indirect.scatter.add.f32 [tilespmem:s0], [sflag:$0x2], $0x80, s18, s29, $0xb8;
	[tilespmem:$0x19400] =	vst v63  }
0x11d: {  	_ =	swait.ge [sflag:s4], $0x2800  }
0x11e: {  	[sflag:s4] =	ssyncset.done $0x0  }
0x11f: {  	[sflag:s4] =	ssyncadd.s32 $0xFFFFD800  }
0x120: {  	[tilespmem:s0], [sflag:$0x1] =	stream.indirect.gather [hbm4b:s12+s29], $0x80, s19, s29, $0xb8;
	[tilespmem:$0x19400] =	vst v63  }
0x121: {  	_ =	swait.ge [sflag:s2], $0x2800  }
0x122: {  	[sflag:s2] =	ssyncset.done $0x0  }
0x123: {  	[sflag:s2] =	ssyncadd.s32 $0xFFFFD800  }
0x124: {  	[spmem:s1] =	stream.indirect.scatter.add.f32 [tilespmem:s30], [sflag:$0x2], $0x80, s20, s29, $0xb8;
	[tilespmem:$0x19400] =	vst v63  }
0x125: {  	_ =	swait.ge [sflag:s2], $0x2800  }
0x126: {  	[sflag:s2] =	ssyncset.done $0x0  }
0x127: {  	[sflag:s2] =	ssyncadd.s32 $0xFFFFD800  }
0x128: {  	[spmem:s1] =	stream.indirect.scatter.add.f32 [tilespmem:s0], [sflag:$0x2], $0x80, s21, s29, $0xb8;
	[tilespmem:$0x19400] =	vst v63  }
0x129: {  	_ =	swait.ge [sflag:s4], $0x2800  }
0x12a: {  	[sflag:s4] =	ssyncset.done $0x0  }
0x12b: {  	[sflag:s4] =	ssyncadd.s32 $0xFFFFD800  }
0x12c: {  	_ =	swait.ge [sflag:s4], $0x2800  }
0x12d: {  	[sflag:s4] =	ssyncset.done $0x0  }
0x12e: {  	[sflag:s4] =	ssyncadd.s32 $0xFFFFD800  }
0x12f: {  	[bflag:$0x0] =	sbarrier.arrive $0xFFFF  }
0x130: {  	s24 =	rddreg [dreg:$0x4]  }
0x131: {  	s16 =	rddreg [dreg:$0xe]  }
0x132: {  	s22 =	rddreg [dreg:$0x18]  }
0x133: {  	[hbm:s24], [sflag:s16] =	dma.local [spmem:s22], $0x500  }
0x134: {  	_ =	swait.ge [sflag:s26], $0x500  }
0x135: {  	[sflag:s26] =	ssyncset.done $0x0;
	s23 =	rddreg [dreg:$0x5]  }
0x136: {  	s24 =	rddreg [dreg:$0x19];
	[sflag:s26] =	ssyncadd.s32 $0xFFFFFB00  }
0x137: {  	[hbm:s23], [sflag:s16] =	dma.local [spmem:s24], $0x500  }
0x138: {  	_ =	swait.ge [sflag:s26], $0x500  }
0x139: {  	[sflag:s26] =	ssyncset.done $0x0;
	s23 =	rddreg [dreg:$0x6]  }
0x13a: {  	s24 =	rddreg [dreg:$0x1a];
	[sflag:s26] =	ssyncadd.s32 $0xFFFFFB00  }
0x13b: {  	[hbm:s23], [sflag:s16] =	dma.local [spmem:s24], $0x500  }
0x13c: {  	_ =	swait.ge [sflag:s26], $0x500  }
0x13d: {  	[sflag:s26] =	ssyncset.done $0x0;
	s23 =	rddreg [dreg:$0x7]  }
0x13e: {  	s24 =	rddreg [dreg:$0x1b];
	[sflag:s26] =	ssyncadd.s32 $0xFFFFFB00  }
0x13f: {  	[hbm:s23], [sflag:s16] =	dma.local [spmem:s24], $0x500  }
0x140: {  	_ =	swait.ge [sflag:s26], $0x500  }
0x141: {  	[sflag:s26] =	ssyncset.done $0x0;
	s23 =	rddreg [dreg:$0x8]  }
0x142: {  	s24 =	rddreg [dreg:$0x1c];
	[sflag:s26] =	ssyncadd.s32 $0xFFFFFB00  }
0x143: {  	[hbm:s23], [sflag:s16] =	dma.local [spmem:s24], $0x500  }
0x144: {  	_ =	swait.ge [sflag:s26], $0x500  }
0x145: {  	[sflag:s26] =	ssyncset.done $0x0;
	s23 =	rddreg [dreg:$0x9]  }
0x146: {  	s24 =	rddreg [dreg:$0x1d];
	[sflag:s26] =	ssyncadd.s32 $0xFFFFFB00  }
0x147: {  	[hbm:s23], [sflag:s16] =	dma.local [spmem:s24], $0x500  }
0x148: {  	_ =	swait.ge [sflag:s26], $0x500  }
0x149: {  	[sflag:s26] =	ssyncset.done $0x0;
	s23 =	rddreg [dreg:$0xa]  }
0x14a: {  	s24 =	rddreg [dreg:$0x1e];
	[sflag:s26] =	ssyncadd.s32 $0xFFFFFB00  }
0x14b: {  	[hbm:s23], [sflag:s16] =	dma.local [spmem:s24], $0x500  }
0x14c: {  	_ =	swait.ge [sflag:s26], $0x500  }
0x14d: {  	[sflag:s26] =	ssyncset.done $0x0;
	s23 =	rddreg [dreg:$0xb]  }
0x14e: {  	s24 =	rddreg [dreg:$0x1f];
	[sflag:s26] =	ssyncadd.s32 $0xFFFFFB00  }
0x14f: {  	[hbm:s23], [sflag:s16] =	dma.local [spmem:s24], $0x480  }
0x150: {  	_ =	swait.ge [sflag:s26], $0x480  }
0x151: {  	s23 =	rddreg [dreg:$0x17]  }
0x152: {  	s24 =	rddreg [dreg:$0x16];
	s22 =	sadd.s32 $0x1, s23  }
0x153: {  	p0 =	sne.s32 s22, s24  }
.Ltmp1:
0x154: {  	_ = 	snop;
	(pc) =	sbr.rel @p0 .LBB2_1-.Ltmp1, $3  }
0x155: {  	_ =	sdelay $0x1  }
0x156: {  	[sflag:s26] =	ssyncset.done $0x0  }
0x157: {  	[sflag:s26] =	ssyncadd.s32 $0xFFFFFB80  }
0x158: {  	_ =	sfence.sel $0x180000  }
0x159: {  	[bflag:$0x0] =	sbarrier.arrive $0xFFFF  }
0x15a: {  	_ =	strace $0x90000047  }
0x15b: {  	s0 =	stileid.u32;
	[bflag:$0x2] =	sbarrier.arrive $0xFFFF  }
0x15c: {  	p0 =	sne.s32 s0, $0x0;
	s0 =	rddreg [dreg:$0x3]  }
0x15d: {  	s0 =	sadd.s32 @!p0 $0x100000, s0  }
0x15e: {  	[sflag:s0] =	ssyncadd.tile.s32 @!p0 $0x1;
	_ =	shalt  }
.Lfunc_end2:
_tile_overlayer_lowered:
.L_overlay_start_2:
0x15f: {  	(tag) =	ssettag $0x2  }
0x160: {  	s0 =	rddreg [dreg:$0x0];
	s2 =	stileid.u32  }
0x161: {  	s1 =	rddreg [dreg:$0x1];
	p0 =	sne.s32 s2, $0x0  }
0x162: {  	s3 =	rddreg [dreg:$0x2];
	[bflag:$0x3] =	sbarrier.arrive $0xFFFF;
	s2 =	simm.s32 @!p0 $0x1C03  }
0x163: {  	[timem:s3], [sflag:s2] =	dma.local @!p0 [hbm:s0], s1  }
0x164: {  	s0 =	simm.s32 @!p0 $0x3  }
0x165: {  	_ =	swait.ge @!p0 [sflag:s0], s1  }
0x166: {  	s1 =	ssub.s32 @!p0 $0x0, s1;
	[sflag:s0] =	ssyncset.done @!p0 $0x0  }
0x167: {  	[sflag:s0] =	ssyncadd.s32 @!p0 s1  }
0x168: {  	[bflag:$0x3] =	sbarrier.arrive $0xFFFF  }
0x169: {  	_ =	shalt  }

// kernel: kernel.14.cloned.1.call-start
scs
__scs_entry_jumppad:
0x0: {  	(pc) =	sbr.rel $0x88, $3  }
0x1: {  	(tag) =	ssettag $0x0;
	lr =	simm.s32 $0x1  }
0x2: {  	[smem:$0x3F95] =	sst lr;
	_ =	strace $0xD0000000  }
0x3: {  	_ = 	snop  }
0x4: {  	_ = 	snop  }
0x5: {  	_ = 	snop  }
0x6: {  	_ = 	snop  }
0x7: {  	_ = 	snop  }
__scs_overlays_trampoline_lowered:
0x8: {  	[smem:$0x3FA4] =	sst s0  }
0x9: {  	[smem:$0x3FA5] =	sst s1  }
0xa: {  	[smem:$0x3FA6] =	sst s2  }
0xb: {  	[smem:$0x3FA7] =	sst s3  }
0xc: {  	[smem:$0x3FA8] =	sst s4  }
0xd: {  	[smem:$0x3FA9] =	sst s5  }
0xe: {  	[smem:$0x3FAA] =	sst s6  }
0xf: {  	[smem:$0x3FAB] =	sst s7  }
0x10: {  	[smem:$0x3FAC] =	sst s8  }
0x11: {  	[smem:$0x3FAD] =	sst s9;
	s0 =	simm.s32 @!p0 $0x0  }
0x12: {  	s1 =	sld [smem:$0x3F93];
	s0 =	simm.s32 @p0 $0x1  }
0x13: {  	[smem:$0x3FAE] =	sst s0;
	s0 =	simm.s32 @!p1 $0x0  }
0x14: {  	s2 =	sld [smem:$0x3F92];
	s0 =	simm.s32 @p1 $0x1  }
0x15: {  	[smem:$0x3FAF] =	sst s0;
	s0 =	simm.s32 @!p2 $0x0  }
0x16: {  	s3 =	sld [smem:$0x3FDB];
	s0 =	simm.s32 @p2 $0x1  }
0x17: {  	s4 =	simm.s32 $0x1BF5;
	[smem:$0x3FB1] =	sst s0  }
0x18: {  	s0 =	sld [smem:$0x3F94];
	_ =	swait.ge [sflag:s4], $0x0  }
0x19: {  	s7 =	sld [smem:$0x3F95]  }
0x1a: {  	s8 =	sadd.s32 $0xFFFFE003, lr  }
0x1b: {  	s9 =	sadd.s32 $0xFFFFFEF7, lr;
	s5 =	simm.s32 $0xFFFFFFFF;
	p2 =	slt.u32 s8, $0xFFFFF086  }
0x1c: {  	p1 =	slt.u32 s9, $0xF7A;
	s5 =	simm.s32 @!p2 $0x0  }
0x1d: {  	s5 =	simm.s32 @p1 $0x1;
	p0 =	seq.s32 s7, s2  }
0x1e: {  	s7 =	smul.u32 @!p0 $0xF7A, s2;
	p2 =	seq.s32 @!p0 s5, $0x0  }
0x1f: {  	s9 =	smul.u32 $0xF7A, s1;
	s8 =	simm.s32 @!p0 $0x1BF5;
	p2 =	por !p2, p0  }
0x20: {  	[sflag:s8] =	ssyncset.s32 @!p0 $0xFFFFF086;
	s6 =	sadd.s32 @!p0 s3, s7;
	s7 =	simm.s32 @!p0 $0x108  }
0x21: {  	s3 =	sadd.s32 s3, s9;
	s6 =	sadd.s32 @!p0 $0x88, s6;
	s7 =	simm.s32 @p2 $0x1082  }
0x22: {  	[simem:s7], [sflag:s8] =	dma.local @!p0 [hbm:s6], $0xF7A  }
0x23: {  	s9 =	sor.u32 $0xD0000000, s2;
	s6 =	simm.s32 $0x108;
	_ =	swait.ge @!p0 [sflag:s8], $0x0  }
0x24: {  	s3 =	sadd.s32 $0x88, s3;
	s6 =	simm.s32 @!p1 $0x1082;
	[sflag:s4] =	ssyncset.s32 $0xFFFFF086  }
0x25: {  	[simem:s6], [sflag:s4] =	dma.local [hbm:s3], $0xF7A  }
0x26: {  	[smem:$0x3F95] =	sst s1;
	(tag) =	ssettag s2;
	_ =	strace s9  }
0x27: {  	s1 =	sld [smem:$0x3FA5]  }
0x28: {  	s2 =	sld [smem:$0x3FA6]  }
0x29: {  	s4 =	sld [smem:$0x3FA8]  }
0x2a: {  	p0 =	seq.s32 s5, $0x0;
	s5 =	sld [smem:$0x3FA9]  }
0x2b: {  	s6 =	sld [smem:$0x3FAA]  }
0x2c: {  	s7 =	sld [smem:$0x3FAB]  }
0x2d: {  	s3 =	simm.s32 $0x108;
	s8 =	sld [smem:$0x3FAC]  }
0x2e: {  	s3 =	simm.s32 @!p0 $0x1082;
	s9 =	sld [smem:$0x3FAD]  }
0x2f: {  	lr =	sadd.s32 s0, s3;
	s0 =	sld [smem:$0x3FA4]  }
0x30: {  	s3 =	sld [smem:$0x3FA7]  }
0x31: {  	[smem:$0x3FB0] =	sst s10  }
0x32: {  	s10 =	sld [smem:$0x3FAE];
	_ =	sdelay $0x3  }
0x33: {  	p0 =	seq.s32 s10, $0x1;
	s10 =	sld [smem:$0x3FB0];
	_ =	sdelay $0x3  }
0x34: {  	[smem:$0x3FB0] =	sst s10  }
0x35: {  	s10 =	sld [smem:$0x3FAF];
	_ =	sdelay $0x3  }
0x36: {  	p1 =	seq.s32 s10, $0x1;
	s10 =	sld [smem:$0x3FB0];
	_ =	sdelay $0x3  }
0x37: {  	[smem:$0x3FB0] =	sst s10  }
0x38: {  	s10 =	sld [smem:$0x3FB1]  }
0x39: {  	_ = 	snop;
	(pc) =	sbr.ind lr, $3  }
0x3a: {  	_ = 	snop  }
0x3b: {  	_ = 	snop  }
0x3c: {  	p2 =	seq.s32 s10, $0x1;
	s10 =	sld [smem:$0x3FB0]  }
0x3d: {  	_ =	shalt  }
0x3e: {  	_ =	shalt  }
0x3f: {  	_ =	shalt  }
0x40: {  	_ =	shalt  }
0x41: {  	_ =	shalt  }
0x42: {  	_ =	shalt  }
0x43: {  	_ =	shalt  }
0x44: {  	_ =	shalt  }
0x45: {  	_ =	shalt  }
0x46: {  	_ =	shalt  }
0x47: {  	_ =	shalt  }
0x48: {  	_ =	shalt  }
0x49: {  	_ =	shalt  }
0x4a: {  	_ =	shalt  }
0x4b: {  	_ =	shalt  }
0x4c: {  	_ =	shalt  }
0x4d: {  	_ =	shalt  }
0x4e: {  	_ =	shalt  }
0x4f: {  	_ =	shalt  }
0x50: {  	_ =	shalt  }
0x51: {  	_ =	shalt  }
0x52: {  	_ =	shalt  }
0x53: {  	_ =	shalt  }
0x54: {  	_ =	shalt  }
0x55: {  	_ =	shalt  }
0x56: {  	_ =	shalt  }
0x57: {  	_ =	shalt  }
0x58: {  	_ =	shalt  }
0x59: {  	_ =	shalt  }
0x5a: {  	_ =	shalt  }
0x5b: {  	_ =	shalt  }
0x5c: {  	_ =	shalt  }
0x5d: {  	_ =	shalt  }
0x5e: {  	_ =	shalt  }
0x5f: {  	_ =	shalt  }
0x60: {  	_ =	shalt  }
0x61: {  	_ =	shalt  }
0x62: {  	_ =	shalt  }
0x63: {  	_ =	shalt  }
0x64: {  	_ =	shalt  }
0x65: {  	_ =	shalt  }
0x66: {  	_ =	shalt  }
0x67: {  	_ =	shalt  }
0x68: {  	_ =	shalt  }
0x69: {  	_ =	shalt  }
0x6a: {  	_ =	shalt  }
0x6b: {  	_ =	shalt  }
0x6c: {  	_ =	shalt  }
0x6d: {  	_ =	shalt  }
0x6e: {  	_ =	shalt  }
0x6f: {  	_ =	shalt  }
0x70: {  	_ =	shalt  }
0x71: {  	_ =	shalt  }
0x72: {  	_ =	shalt  }
0x73: {  	_ =	shalt  }
0x74: {  	_ =	shalt  }
0x75: {  	_ =	shalt  }
0x76: {  	_ =	shalt  }
0x77: {  	_ =	shalt  }
0x78: {  	_ =	shalt  }
0x79: {  	_ =	shalt  }
0x7a: {  	_ =	shalt  }
0x7b: {  	_ =	shalt  }
0x7c: {  	_ =	shalt  }
0x7d: {  	_ =	shalt  }
0x7e: {  	_ =	shalt  }
0x7f: {  	_ =	shalt  }
0x80: {  	_ =	shalt  }
0x81: {  	_ =	shalt  }
0x82: {  	_ =	shalt  }
0x83: {  	_ =	shalt  }
0x84: {  	_ =	shalt  }
0x85: {  	_ =	shalt  }
0x86: {  	_ =	shalt  }
0x87: {  	_ =	shalt  }
.Lfunc_end0:
.L_simem_size_0:
called_computation.2_lowered:
.L_overlay_start_0:
0x88: {  	s2 =	sld [smem:$0x3FD9]  }
0x89: {  	s3 =	sld [smem:$0x3FFE];
	_ =	sdelay $0x1  }
0x8a: {  	s1 =	srdreg.scid  }
0x8b: {  	s0 =	sand.u32 $0x1, s1  }
0x8c: {  	s17 =	sshll.u32 s0, $0xA;
	s2 =	sadd.s32 s3, s2  }
0x8d: {  	s2 =	sadd.s32 s2, s17  }
0x8e: {  	[smem:$0x3FBC] =	sst s2  }
0x8f: {  	_ = 	snop  }
0x90: {  	s2 =	sld [smem:$0x3FD0];
	(tm) =	ssettm $0x1  }
0x91: {  	s18 =	sld [smem:$0x3FFB];
	_ =	sdelay $0x3  }
0x92: {  	_ =	strace s18  }
0x93: {  	s3 =	sld [smem:$0x3FFC];
	_ =	sdelay $0x3  }
0x94: {  	_ =	strace s3  }
0x95: {  	s3 =	sld [smem:$0x3FFD];
	_ =	sdelay $0x3  }
0x96: {  	_ =	strace s3  }
0x97: {  	_ =	strace $0x8FFFFFFF  }
0x98: {  	s19 =	sld [smem:$0x3FDB];
	_ =	sdelay $0x1  }
0x99: {  	s4 =	simm.s32 $_scs_section_size  }
0x9a: {  	s5 =	simm.s32 $_size__tile_overlayer_lowered;
	s6 =	simm.s32 $_tile_overlayer_lowered  }
0x9b: {  	s22 =	simm.s32 $0x1BFF;
	s21 =	sshll.u32 s6, $0x1;
	s3 =	sadd.s32 s4, s19  }
0x9c: {  	s7 =	simm.s32 $0x0;
	s20 =	sshll.u32 s5, $0x1;
	s5 =	sadd.s32 s21, s3  }
0x9d: {  	[timem:s7], [sflag:s22] =	dma.local [hbm:s5], s20  }
0x9e: {  	_ =	swait.ge [sflag:s22], s20  }
0x9f: {  	s4 =	ssub.s32 $0x0, s20;
	[sflag:s22] =	ssyncset.done $0x0  }
0xa0: {  	[sflag:s22] =	ssyncadd.s32 s4;
	_ =	sdelay $0x1  }
0xa1: {  	s23 =	simm.s32 $0x1B8B  }
0xa2: {  	_ =	swait.ge [sflag:s23], $0x1  }
0xa3: {  	[sflag:s23] =	ssyncset.done $0x0  }
0xa4: {  	s25 =	simm.s32 $0x1B8E;
	s24 =	sld [smem:$0x3FFE];
	[sflag:s23] =	ssyncadd.s32 $0xFFFFFFFF  }
0xa5: {  	s26 =	simm.s32 $execute0_lowered;
	[smem:$0x3FD2] =	sst s25  }
0xa6: {  	s5 =	sshll.u32 s26, $0x1;
	_ =	strace $0x8000004C;
	[dreg:$0x1] =	wrdreg $0xFFFFFFFF  }
0xa7: {  	s28 =	simm.s32 $_size_execute0_lowered;
	s3 =	sadd.s32 s3, s5;
	[dreg:$0x0] =	wrdreg $0x0  }
0xa8: {  	s5 =	sshll.u32 s28, $0x1;
	[dreg:$0x2] =	wrdreg s3  }
0xa9: {  	[dreg:$0x3] =	wrdreg s5  }
0xaa: {  	[dreg:$0x4] =	wrdreg $0xC0  }
0xab: {  	_ =	task [dreg:s7], $0x5FFFF  }
0xac: {  	[dreg:$0x1] =	wrdreg $0xFFFFFFFF  }
0xad: {  	[dreg:$0x0] =	wrdreg $0x60  }
0xae: {  	[dreg:$0x2] =	wrdreg s24  }
0xaf: {  	[dreg:$0x3] =	wrdreg s2  }
0xb0: {  	[dreg:$0x4] =	wrdreg $0x58000  }
0xb1: {  	[dreg:$0x5] =	wrdreg $0x9  }
0xb2: {  	_ =	task.clear_ibuf [dreg:s7], $0x6FFFF;
	_ =	strace $0x9000004C  }
0xb3: {  	s29 =	simm.s32 $0x9;
	_ =	strace $0x8000004E  }
0xb4: {  	_ =	swait.ge [sflag:s29], $0x1  }
0xb5: {  	[sflag:s29] =	ssyncadd.s32 $0xFFFFFFFF  }
0xb6: {  	_ =	strace $0x9000004E  }
0xb7: {  	_ =	sfence  }
0xb8: {  	s30 =	sld [smem:$0x0];
	_ =	sdelay $0x2  }
0xb9: {  	s31 =	sshll.u32 s1, $0xD;
	s1 =	sshrl.u32 s1, $0x2  }
0xba: {  	s3 =	sand.u32 $0x4000, s31;
	s1 =	sadd.s32 s1, s30  }
0xbb: {  	s0 =	sor.u32 s3, s0;
	s1 =	sshll.u32 s1, $0x11  }
0xbc: {  	s0 =	sor.u32 s1, s0  }
0xbd: {  	s0 =	sadd.s32 $0x8F2B, s0  }
0xbe: {  	[sflag:s0] =	ssyncadd.remote.s32 $0x1  }
0xbf: {  	_ =	sfence.sel $0xFFFF  }
0xc0: {  	[dreg:$0x0] =	wrdreg $0xFFFFFFFF;
	(pc) =	sbr.abs _section_cstart, $3  }
0xc1: {  	[dreg:$0x1] =	wrdreg $0xFFFFFFFF  }
0xc2: {  	_ =	task.clear_ibuf [dreg:s7], $0x2FFFF;
	_ =	strace $0x9FFFFFFF  }
0xc3: {  	(tm) =	ssettm $0x7FFFFFFF  }
tec
execute0_lowered:
.L_overlay_start_1:
0x0: {  	(tag) =	ssettag $0x1  }
0x1: {  	s0 =	rddreg [dreg:$0x0]  }
0x2: {  	s2 =	rddreg [dreg:$0x1]  }
0x3: {  	s1 =	rddreg [dreg:$0x2];
	s3 =	simm.s32 $0x0  }
0x4: {  	s4 =	srdreg.scid;
	s16 =	stileid.u32;
	s28 =	simm.s32 $0x400  }
0x5: {  	s29 =	simm.s32 $0x50;
	s30 =	simm.s32 $0x800;
	s31 =	simm.s32 $0x80  }
0x6: {  	[smem:$0x7FF] =	sst s3;
	s4 =	sand.u32 $0x1, s4;
	s7 =	smul.u32 $0x13C00, s16  }
0x7: {  	s5 =	sshll.u32 s16, $0xC;
	s8 =	sadd.s32 $0x44E00, s0;
	s10 =	smul.u32 $0x4F000, s16  }
0x8: {  	_ =	strace $0x8000004D;
	s6 =	ssub.s32 $0x2, s4;
	s11 =	smul.u32 $0x13C000, s4  }
0x9: {  	s2 =	sadd.s32 s5, s2;
	s5 =	sadd.s32 s5, s0;
	s4 =	sshll.u32 s4, $0xB  }
0xa: {  	s9 =	sshrl.u32 s6, $0x1;
	s15 =	sadd.s32 $0x5000, s7;
	s17 =	sadd.s32 $0x7800, s7  }
0xb: {  	s18 =	sadd.s32 $0xA000, s7;
	s19 =	sadd.s32 $0xC800, s7;
	s20 =	sadd.s32 $0xF000, s7  }
0xc: {  	s10 =	sshrl.u32 s10, $0x2;
	s5 =	sadd.s32 s4, s5;
	s6 =	ssub.s32 s6, s9  }
0xd: {  	s9 =	sadd.s32 $0x2800, s7;
	s12 =	sadd.s32 s7, s11;
	s7 =	sadd.s32 $0x11800, s7  }
0xe: {  	s21 =	sadd.s32 s11, s17;
	s14 =	sadd.s32 s11, s18;
	s24 =	sadd.s32 s11, s19  }
0xf: {  	s25 =	sadd.s32 s11, s20;
	s13 =	sadd.s32 s11, s9;
	s12 =	sshrl.u32 s12, $0x3  }
0x10: {  	s14 =	sshrl.u32 s14, $0x3;
	s13 =	sshrl.u32 s13, $0x3;
	s12 =	sadd.s32 s8, s12  }
0x11: {  	s23 =	sadd.s32 s8, s14;
	s14 =	sadd.s32 s4, s2;
	s2 =	simm.s32 $0x1  }
0x12: {  	s4 =	simm.s32 $0x2;
	[dreg:$0x4] =	wrdreg s12;
	s26 =	sadd.s32 s8, s13  }
0x13: {  	s13 =	sadd.s32 s11, s15;
	[dreg:$0x8] =	wrdreg s23;
	s11 =	sadd.s32 s11, s7  }
0x14: {  	s15 =	sadd.s32 s15, s1;
	s23 =	sadd.s32 s19, s1;
	s19 =	simm.s32 $0x380  }
0x15: {  	[dreg:$0x5] =	wrdreg s26;
	s12 =	sshrl.u32 s13, $0x3;
	s13 =	sshrl.u32 s21, $0x3  }
0x16: {  	s11 =	sshrl.u32 s11, $0x3;
	[dreg:$0x10] =	wrdreg s15;
	s21 =	sadd.s32 s17, s1  }
0x17: {  	[dreg:$0x13] =	wrdreg s23;
	s15 =	simm.s32 $0x600;
	s17 =	simm.s32 $0x300  }
0x18: {  	s12 =	sadd.s32 s8, s12;
	s22 =	sadd.s32 s8, s13;
	[dreg:$0x11] =	wrdreg s21  }
0x19: {  	s13 =	sshrl.u32 s25, $0x3;
	s25 =	sadd.s32 s7, s1;
	[dreg:$0x6] =	wrdreg s12  }
0x1a: {  	s7 =	simm.s32 $0x180;
	s21 =	simm.s32 $0x780;
	[dreg:$0x7] =	wrdreg s22  }
0x1b: {  	s12 =	sshrl.u32 s24, $0x3;
	s26 =	sadd.s32 s8, s13;
	s13 =	sadd.s32 s9, s1  }
0x1c: {  	s22 =	sadd.s32 s18, s1;
	s24 =	sadd.s32 s20, s1;
	[dreg:$0x15] =	wrdreg s25  }
0x1d: {  	s25 =	sadd.s32 $0xD000, s5;
	s5 =	simm.s32 $0x100;
	[dreg:$0xa] =	wrdreg s26  }
0x1e: {  	s9 =	simm.s32 $0x200;
	s18 =	simm.s32 $0x680;
	[dreg:$0xf] =	wrdreg s13  }
0x1f: {  	s20 =	simm.s32 $0x700;
	s12 =	sadd.s32 s8, s12;
	[dreg:$0x12] =	wrdreg s22  }
0x20: {  	s8 =	sadd.s32 s8, s11;
	s11 =	sshll.u32 s16, $0x6;
	[dreg:$0x14] =	wrdreg s24  }
0x21: {  	s26 =	smax.u32 s6, $0x1;
	s6 =	simm.s32 $0x480;
	[dreg:$0x9] =	wrdreg s12  }
0x22: {  	s22 =	simm.s32 $0x0;
	[dreg:$0xb] =	wrdreg s8;
	s12 =	sadd.s32 $0x1D000, s0  }
0x23: {  	s0 =	sadd.s32 $0x44800, s0;
	s16 =	sor.u32 $0x1C03, s11;
	[dreg:$0x16] =	wrdreg s26  }
0x24: {  	s26 =	simm.s32 $0x3;
	s8 =	simm.s32 $0x500;
	[dreg:$0xc] =	wrdreg s0  }
0x25: {  	s11 =	simm.s32 $0x280;
	s0 =	sadd.s32 s10, s1;
	[dreg:$0xe] =	wrdreg s16  }
0x26: {  	s10 =	simm.s32 $0x580;
	[dreg:$0xd] =	wrdreg s0;
	s0 =	simm.s32 $0x3000  }
.LBB2_1:
0x27: {  	[dreg:$0x17] =	wrdreg s22  }
0x28: {  	s13 =	rddreg [dreg:$0xd]  }
0x29: {  	s23 =	sshrl.u32 s13, $0x3;
	s13 =	rddreg [dreg:$0xc]  }
0x2a: {  	[dreg:$0x18] =	wrdreg s23  }
0x2b: {  	[spmem:s23], [sflag:s16] =	dma.local [hbm:s13], $0x500  }
0x2c: {  	_ =	swait.ge [sflag:s26], $0x500  }
0x2d: {  	s24 =	rddreg [dreg:$0xf]  }
0x2e: {  	[sflag:s26] =	ssyncset.done $0x0;
	s22 =	sshrl.u32 s24, $0x3  }
0x2f: {  	[sflag:s26] =	ssyncadd.s32 $0xFFFFFB00;
	[dreg:$0x19] =	wrdreg s22  }
0x30: {  	[spmem:s22], [sflag:s16] =	dma.local [hbm:s13], $0x500  }
0x31: {  	_ =	swait.ge [sflag:s26], $0x500  }
0x32: {  	s23 =	rddreg [dreg:$0x10]  }
0x33: {  	[sflag:s26] =	ssyncset.done $0x0;
	s22 =	sshrl.u32 s23, $0x3  }
0x34: {  	[sflag:s26] =	ssyncadd.s32 $0xFFFFFB00;
	[dreg:$0x1a] =	wrdreg s22  }
0x35: {  	[spmem:s22], [sflag:s16] =	dma.local [hbm:s13], $0x500  }
0x36: {  	_ =	swait.ge [sflag:s26], $0x500  }
0x37: {  	s24 =	rddreg [dreg:$0x11]  }
0x38: {  	[sflag:s26] =	ssyncset.done $0x0;
	s22 =	sshrl.u32 s24, $0x3  }
0x39: {  	[sflag:s26] =	ssyncadd.s32 $0xFFFFFB00;
	[dreg:$0x1b] =	wrdreg s22  }
0x3a: {  	[spmem:s22], [sflag:s16] =	dma.local [hbm:s13], $0x500  }
0x3b: {  	_ =	swait.ge [sflag:s26], $0x500  }
0x3c: {  	s23 =	rddreg [dreg:$0x12]  }
0x3d: {  	[sflag:s26] =	ssyncset.done $0x0;
	s22 =	sshrl.u32 s23, $0x3  }
0x3e: {  	[sflag:s26] =	ssyncadd.s32 $0xFFFFFB00;
	[dreg:$0x1c] =	wrdreg s22  }
0x3f: {  	[spmem:s22], [sflag:s16] =	dma.local [hbm:s13], $0x500  }
0x40: {  	_ =	swait.ge [sflag:s26], $0x500  }
0x41: {  	s24 =	rddreg [dreg:$0x13]  }
0x42: {  	[sflag:s26] =	ssyncset.done $0x0;
	s22 =	sshrl.u32 s24, $0x3  }
0x43: {  	[sflag:s26] =	ssyncadd.s32 $0xFFFFFB00;
	[dreg:$0x1d] =	wrdreg s22  }
0x44: {  	[spmem:s22], [sflag:s16] =	dma.local [hbm:s13], $0x500  }
0x45: {  	_ =	swait.ge [sflag:s26], $0x500  }
0x46: {  	s23 =	rddreg [dreg:$0x14]  }
0x47: {  	[sflag:s26] =	ssyncset.done $0x0;
	s22 =	sshrl.u32 s23, $0x3  }
0x48: {  	[sflag:s26] =	ssyncadd.s32 $0xFFFFFB00;
	[dreg:$0x1e] =	wrdreg s22  }
0x49: {  	[spmem:s22], [sflag:s16] =	dma.local [hbm:s13], $0x500  }
0x4a: {  	_ =	swait.ge [sflag:s26], $0x500  }
0x4b: {  	s24 =	rddreg [dreg:$0x15]  }
0x4c: {  	[sflag:s26] =	ssyncset.done $0x0;
	s22 =	sshrl.u32 s24, $0x3  }
0x4d: {  	[sflag:s26] =	ssyncadd.s32 $0xFFFFFB00;
	[dreg:$0x1f] =	wrdreg s22  }
0x4e: {  	[spmem:s22], [sflag:s16] =	dma.local [hbm:s13], $0x480  }
0x4f: {  	_ =	swait.ge [sflag:s26], $0x480  }
0x50: {  	[sflag:s26] =	ssyncset.done $0x0  }
0x51: {  	[sflag:s26] =	ssyncadd.s32 $0xFFFFFB80  }
0x52: {  	s23 =	sadd.s32 $0x0, s14;
	[bflag:$0x0] =	sbarrier.arrive $0xFFFF  }
0x53: {  	[tilespmem:s3], [sflag:$0x3] =	stream.linear.gather [hbm4b:s23+s3], $0x400, $0x38;
	[tilespmem:$0x19400] =	vst v63  }
0x54: {  	_ =	swait.ge [sflag:s26], $0x400  }
0x55: {  	[sflag:s26] =	ssyncset.done $0x0  }
0x56: {  	s24 =	sadd.s32 $0x0, s25;
	[sflag:s26] =	ssyncadd.s32 $0xFFFFFC00  }
0x57: {  	[tilespmem:s28], [sflag:$0x3] =	stream.linear.gather [hbm4b:s24+s3], $0x400, $0x38;
	[tilespmem:$0x19400] =	vst v63  }
0x58: {  	_ =	swait.ge [sflag:s26], $0x400  }
0x59: {  	[sflag:s26] =	ssyncset.done $0x0  }
0x5a: {  	[sflag:s26] =	ssyncadd.s32 $0xFFFFFC00  }
0x5b: {  	[tilespmem:s30], [sflag:$0x1] =	stream.indirect.gather [hbm4b:s12+s29], $0x80, s3, s29, $0xb8;
	[tilespmem:$0x19400] =	vst v63  }
0x5c: {  	_ = 	snop  }
0x5d: {  	[tilespmem:s0], [sflag:$0x1] =	stream.indirect.gather [hbm4b:s12+s29], $0x80, s31, s29, $0xb8;
	[tilespmem:$0x19400] =	vst v63  }
0x5e: {  	_ =	swait.ge [sflag:s2], $0x2800  }
0x5f: {  	[sflag:s2] =	ssyncset.done $0x0  }
0x60: {  	[sflag:s2] =	ssyncadd.s32 $0xFFFFD800  }
0x61: {  	[spmem:s1] =	stream.indirect.scatter.add.f32 [tilespmem:s30], [sflag:$0x2], $0x80, s28, s29, $0xb8;
	[tilespmem:$0x19400] =	vst v63  }
0x62: {  	_ =	swait.ge [sflag:s4], $0x2800  }
0x63: {  	[sflag:s4] =	ssyncset.done $0x0  }
0x64: {  	[sflag:s4] =	ssyncadd.s32 $0xFFFFD800  }
0x65: {  	[tilespmem:s30], [sflag:$0x1] =	stream.indirect.gather [hbm4b:s12+s29], $0x80, s5, s29, $0xb8;
	[tilespmem:$0x19400] =	vst v63  }
0x66: {  	_ =	swait.ge [sflag:s2], $0x2800  }
0x67: {  	[sflag:s2] =	ssyncset.done $0x0  }
0x68: {  	[sflag:s2] =	ssyncadd.s32 $0xFFFFD800  }
0x69: {  	[spmem:s1] =	stream.indirect.scatter.add.f32 [tilespmem:s0], [sflag:$0x2], $0x80, s6, s29, $0xb8;
	[tilespmem:$0x19400] =	vst v63  }
0x6a: {  	_ =	swait.ge [sflag:s4], $0x2800  }
0x6b: {  	[sflag:s4] =	ssyncset.done $0x0  }
0x6c: {  	[sflag:s4] =	ssyncadd.s32 $0xFFFFD800  }
0x6d: {  	[tilespmem:s0], [sflag:$0x1] =	stream.indirect.gather [hbm4b:s12+s29], $0x80, s7, s29, $0xb8;
	[tilespmem:$0x19400] =	vst v63  }
0x6e: {  	_ =	swait.ge [sflag:s2], $0x2800  }
0x6f: {  	[sflag:s2] =	ssyncset.done $0x0  }
0x70: {  	[sflag:s2] =	ssyncadd.s32 $0xFFFFD800  }
0x71: {  	[spmem:s1] =	stream.indirect.scatter.add.f32 [tilespmem:s30], [sflag:$0x2], $0x80, s8, s29, $0xb8;
	[tilespmem:$0x19400] =	vst v63  }
0x72: {  	_ =	swait.ge [sflag:s4], $0x2800  }
0x73: {  	[sflag:s4] =	ssyncset.done $0x0  }
0x74: {  	[sflag:s4] =	ssyncadd.s32 $0xFFFFD800  }
0x75: {  	[tilespmem:s30], [sflag:$0x1] =	stream.indirect.gather [hbm4b:s12+s29], $0x80, s9, s29, $0xb8;
	[tilespmem:$0x19400] =	vst v63  }
0x76: {  	_ =	swait.ge [sflag:s2], $0x2800  }
0x77: {  	[sflag:s2] =	ssyncset.done $0x0  }
0x78: {  	[sflag:s2] =	ssyncadd.s32 $0xFFFFD800  }
0x79: {  	[spmem:s1] =	stream.indirect.scatter.add.f32 [tilespmem:s0], [sflag:$0x2], $0x80, s10, s29, $0xb8;
	[tilespmem:$0x19400] =	vst v63  }
0x7a: {  	_ =	swait.ge [sflag:s4], $0x2800  }
0x7b: {  	[sflag:s4] =	ssyncset.done $0x0  }
0x7c: {  	[sflag:s4] =	ssyncadd.s32 $0xFFFFD800  }
0x7d: {  	[tilespmem:s0], [sflag:$0x1] =	stream.indirect.gather [hbm4b:s12+s29], $0x80, s11, s29, $0xb8;
	[tilespmem:$0x19400] =	vst v63  }
0x7e: {  	_ =	swait.ge [sflag:s2], $0x2800  }
0x7f: {  	[sflag:s2] =	ssyncset.done $0x0  }
0x80: {  	[sflag:s2] =	ssyncadd.s32 $0xFFFFD800  }
0x81: {  	[spmem:s1] =	stream.indirect.scatter.add.f32 [tilespmem:s30], [sflag:$0x2], $0x80, s15, s29, $0xb8;
	[tilespmem:$0x19400] =	vst v63  }
0x82: {  	_ =	swait.ge [sflag:s4], $0x2800  }
0x83: {  	[sflag:s4] =	ssyncset.done $0x0  }
0x84: {  	[sflag:s4] =	ssyncadd.s32 $0xFFFFD800  }
0x85: {  	[tilespmem:s30], [sflag:$0x1] =	stream.indirect.gather [hbm4b:s12+s29], $0x80, s17, s29, $0xb8;
	[tilespmem:$0x19400] =	vst v63  }
0x86: {  	_ =	swait.ge [sflag:s2], $0x2800  }
0x87: {  	[sflag:s2] =	ssyncset.done $0x0  }
0x88: {  	[sflag:s2] =	ssyncadd.s32 $0xFFFFD800  }
0x89: {  	[spmem:s1] =	stream.indirect.scatter.add.f32 [tilespmem:s0], [sflag:$0x2], $0x80, s18, s29, $0xb8;
	[tilespmem:$0x19400] =	vst v63  }
0x8a: {  	_ =	swait.ge [sflag:s4], $0x2800  }
0x8b: {  	[sflag:s4] =	ssyncset.done $0x0  }
0x8c: {  	[sflag:s4] =	ssyncadd.s32 $0xFFFFD800  }
0x8d: {  	[tilespmem:s0], [sflag:$0x1] =	stream.indirect.gather [hbm4b:s12+s29], $0x80, s19, s29, $0xb8;
	[tilespmem:$0x19400] =	vst v63  }
0x8e: {  	_ =	swait.ge [sflag:s2], $0x2800  }
0x8f: {  	[sflag:s2] =	ssyncset.done $0x0  }
0x90: {  	[sflag:s2] =	ssyncadd.s32 $0xFFFFD800  }
0x91: {  	[spmem:s1] =	stream.indirect.scatter.add.f32 [tilespmem:s30], [sflag:$0x2], $0x80, s20, s29, $0xb8;
	[tilespmem:$0x19400] =	vst v63  }
0x92: {  	_ =	swait.ge [sflag:s2], $0x2800  }
0x93: {  	[sflag:s2] =	ssyncset.done $0x0  }
0x94: {  	[sflag:s2] =	ssyncadd.s32 $0xFFFFD800  }
0x95: {  	[spmem:s1] =	stream.indirect.scatter.add.f32 [tilespmem:s0], [sflag:$0x2], $0x80, s21, s29, $0xb8;
	[tilespmem:$0x19400] =	vst v63  }
0x96: {  	_ =	swait.ge [sflag:s4], $0x2800  }
0x97: {  	[sflag:s4] =	ssyncset.done $0x0  }
0x98: {  	[sflag:s4] =	ssyncadd.s32 $0xFFFFD800  }
0x99: {  	_ =	swait.ge [sflag:s4], $0x2800  }
0x9a: {  	s23 =	simm.s32 $0x80;
	s24 =	simm.s32 $0x100;
	[sflag:s4] =	ssyncset.done $0x0  }
.LBB2_2:
0x9b: {  	s13 =	sadd.s32 s23, s14  }
0x9c: {  	[sflag:s4] =	ssyncadd.s32 $0xFFFFD800;
	s16 =	smov.u32 s24;
	s22 =	sadd.s32 $0x80, s24  }
0x9d: {  	[tilespmem:s3], [sflag:$0x3] =	stream.linear.gather [hbm4b:s13+s3], $0x400, $0x38;
	[tilespmem:$0x19400] =	vst v63  }
0x9e: {  	p0 =	sne.s32 s24, $0x780;
	_ =	swait.ge [sflag:s26], $0x400  }
0x9f: {  	[sflag:s26] =	ssyncset.done $0x0  }
0xa0: {  	s13 =	sadd.s32 s23, s25;
	s23 =	smov.u32 s16;
	[sflag:s26] =	ssyncadd.s32 $0xFFFFFC00  }
0xa1: {  	[tilespmem:s28], [sflag:$0x3] =	stream.linear.gather [hbm4b:s13+s3], $0x400, $0x38;
	[tilespmem:$0x19400] =	vst v63  }
0xa2: {  	_ =	swait.ge [sflag:s26], $0x400  }
0xa3: {  	[sflag:s26] =	ssyncset.done $0x0  }
0xa4: {  	[sflag:s26] =	ssyncadd.s32 $0xFFFFFC00  }
0xa5: {  	[tilespmem:s30], [sflag:$0x1] =	stream.indirect.gather [hbm4b:s12+s29], $0x80, s3, s29, $0xb8;
	[tilespmem:$0x19400] =	vst v63  }
0xa6: {  	_ = 	snop  }
0xa7: {  	[tilespmem:s0], [sflag:$0x1] =	stream.indirect.gather [hbm4b:s12+s29], $0x80, s31, s29, $0xb8;
	[tilespmem:$0x19400] =	vst v63  }
0xa8: {  	_ =	swait.ge [sflag:s2], $0x2800  }
0xa9: {  	[sflag:s2] =	ssyncset.done $0x0  }
0xaa: {  	[sflag:s2] =	ssyncadd.s32 $0xFFFFD800  }
0xab: {  	[spmem:s1] =	stream.indirect.scatter.add.f32 [tilespmem:s30], [sflag:$0x2], $0x80, s28, s29, $0xb8;
	[tilespmem:$0x19400] =	vst v63  }
0xac: {  	_ =	swait.ge [sflag:s4], $0x2800  }
0xad: {  	[sflag:s4] =	ssyncset.done $0x0  }
0xae: {  	[sflag:s4] =	ssyncadd.s32 $0xFFFFD800  }
0xaf: {  	[tilespmem:s30], [sflag:$0x1] =	stream.indirect.gather [hbm4b:s12+s29], $0x80, s5, s29, $0xb8;
	[tilespmem:$0x19400] =	vst v63  }
0xb0: {  	_ =	swait.ge [sflag:s2], $0x2800  }
0xb1: {  	[sflag:s2] =	ssyncset.done $0x0  }
0xb2: {  	[sflag:s2] =	ssyncadd.s32 $0xFFFFD800  }
0xb3: {  	[spmem:s1] =	stream.indirect.scatter.add.f32 [tilespmem:s0], [sflag:$0x2], $0x80, s6, s29, $0xb8;
	[tilespmem:$0x19400] =	vst v63  }
0xb4: {  	_ =	swait.ge [sflag:s4], $0x2800  }
0xb5: {  	[sflag:s4] =	ssyncset.done $0x0  }
0xb6: {  	[sflag:s4] =	ssyncadd.s32 $0xFFFFD800  }
0xb7: {  	[tilespmem:s0], [sflag:$0x1] =	stream.indirect.gather [hbm4b:s12+s29], $0x80, s7, s29, $0xb8;
	[tilespmem:$0x19400] =	vst v63  }
0xb8: {  	_ =	swait.ge [sflag:s2], $0x2800  }
0xb9: {  	[sflag:s2] =	ssyncset.done $0x0  }
0xba: {  	[sflag:s2] =	ssyncadd.s32 $0xFFFFD800  }
0xbb: {  	[spmem:s1] =	stream.indirect.scatter.add.f32 [tilespmem:s30], [sflag:$0x2], $0x80, s8, s29, $0xb8;
	[tilespmem:$0x19400] =	vst v63  }
0xbc: {  	_ =	swait.ge [sflag:s4], $0x2800  }
0xbd: {  	[sflag:s4] =	ssyncset.done $0x0  }
0xbe: {  	[sflag:s4] =	ssyncadd.s32 $0xFFFFD800  }
0xbf: {  	[tilespmem:s30], [sflag:$0x1] =	stream.indirect.gather [hbm4b:s12+s29], $0x80, s9, s29, $0xb8;
	[tilespmem:$0x19400] =	vst v63  }
0xc0: {  	_ =	swait.ge [sflag:s2], $0x2800  }
0xc1: {  	[sflag:s2] =	ssyncset.done $0x0  }
0xc2: {  	[sflag:s2] =	ssyncadd.s32 $0xFFFFD800  }
0xc3: {  	[spmem:s1] =	stream.indirect.scatter.add.f32 [tilespmem:s0], [sflag:$0x2], $0x80, s10, s29, $0xb8;
	[tilespmem:$0x19400] =	vst v63  }
0xc4: {  	_ =	swait.ge [sflag:s4], $0x2800  }
0xc5: {  	[sflag:s4] =	ssyncset.done $0x0  }
0xc6: {  	[sflag:s4] =	ssyncadd.s32 $0xFFFFD800  }
0xc7: {  	[tilespmem:s0], [sflag:$0x1] =	stream.indirect.gather [hbm4b:s12+s29], $0x80, s11, s29, $0xb8;
	[tilespmem:$0x19400] =	vst v63  }
0xc8: {  	_ =	swait.ge [sflag:s2], $0x2800  }
0xc9: {  	[sflag:s2] =	ssyncset.done $0x0  }
0xca: {  	[sflag:s2] =	ssyncadd.s32 $0xFFFFD800  }
0xcb: {  	[spmem:s1] =	stream.indirect.scatter.add.f32 [tilespmem:s30], [sflag:$0x2], $0x80, s15, s29, $0xb8;
	[tilespmem:$0x19400] =	vst v63  }
0xcc: {  	_ =	swait.ge [sflag:s4], $0x2800  }
0xcd: {  	[sflag:s4] =	ssyncset.done $0x0  }
0xce: {  	[sflag:s4] =	ssyncadd.s32 $0xFFFFD800  }
0xcf: {  	[tilespmem:s30], [sflag:$0x1] =	stream.indirect.gather [hbm4b:s12+s29], $0x80, s17, s29, $0xb8;
	[tilespmem:$0x19400] =	vst v63  }
0xd0: {  	_ =	swait.ge [sflag:s2], $0x2800  }
0xd1: {  	[sflag:s2] =	ssyncset.done $0x0  }
0xd2: {  	[sflag:s2] =	ssyncadd.s32 $0xFFFFD800  }
0xd3: {  	[spmem:s1] =	stream.indirect.scatter.add.f32 [tilespmem:s0], [sflag:$0x2], $0x80, s18, s29, $0xb8;
	[tilespmem:$0x19400] =	vst v63  }
0xd4: {  	_ =	swait.ge [sflag:s4], $0x2800  }
0xd5: {  	[sflag:s4] =	ssyncset.done $0x0  }
0xd6: {  	[sflag:s4] =	ssyncadd.s32 $0xFFFFD800  }
0xd7: {  	[tilespmem:s0], [sflag:$0x1] =	stream.indirect.gather [hbm4b:s12+s29], $0x80, s19, s29, $0xb8;
	[tilespmem:$0x19400] =	vst v63  }
0xd8: {  	_ =	swait.ge [sflag:s2], $0x2800  }
0xd9: {  	[sflag:s2] =	ssyncset.done $0x0  }
0xda: {  	[sflag:s2] =	ssyncadd.s32 $0xFFFFD800  }
0xdb: {  	[spmem:s1] =	stream.indirect.scatter.add.f32 [tilespmem:s30], [sflag:$0x2], $0x80, s20, s29, $0xb8;
	[tilespmem:$0x19400] =	vst v63  }
0xdc: {  	_ =	swait.ge [sflag:s2], $0x2800  }
0xdd: {  	[sflag:s2] =	ssyncset.done $0x0  }
0xde: {  	[sflag:s2] =	ssyncadd.s32 $0xFFFFD800  }
0xdf: {  	[spmem:s1] =	stream.indirect.scatter.add.f32 [tilespmem:s0], [sflag:$0x2], $0x80, s21, s29, $0xb8;
	[tilespmem:$0x19400] =	vst v63  }
.Ltmp0:
0xe0: {  	_ =	swait.ge [sflag:s4], $0x2800;
	(pc) =	sbr.rel @p0 .LBB2_2-.Ltmp0, $4  }
0xe1: {  	[sflag:s4] =	ssyncset.done $0x0  }
0xe2: {  	[sflag:s4] =	ssyncadd.s32 $0xFFFFD800  }
0xe3: {  	_ =	swait.ge [sflag:s4], $0x2800  }
0xe4: {  	s24 =	smov.u32 s22;
	[sflag:s4] =	ssyncset.done $0x0  }
0xe5: {  	s13 =	sadd.s32 s23, s14;
	[sflag:s4] =	ssyncadd.s32 $0xFFFFD800  }
0xe6: {  	[tilespmem:s3], [sflag:$0x3] =	stream.linear.gather [hbm4b:s13+s3], $0x400, $0x38;
	[tilespmem:$0x19400] =	vst v63  }
0xe7: {  	_ =	swait.ge [sflag:s26], $0x400  }
0xe8: {  	[sflag:s26] =	ssyncset.done $0x0  }
0xe9: {  	s23 =	sadd.s32 s23, s25;
	[sflag:s26] =	ssyncadd.s32 $0xFFFFFC00  }
0xea: {  	[tilespmem:s28], [sflag:$0x3] =	stream.linear.gather [hbm4b:s23+s3], $0x400, $0x38;
	[tilespmem:$0x19400] =	vst v63  }
0xeb: {  	_ =	swait.ge [sflag:s26], $0x400  }
0xec: {  	[sflag:s26] =	ssyncset.done $0x0  }
0xed: {  	[sflag:s26] =	ssyncadd.s32 $0xFFFFFC00  }
0xee: {  	[tilespmem:s30], [sflag:$0x1] =	stream.indirect.gather [hbm4b:s12+s29], $0x80, s3, s29, $0xb8;
	[tilespmem:$0x19400] =	vst v63  }
0xef: {  	_ = 	snop  }
0xf0: {  	[tilespmem:s0], [sflag:$0x1] =	stream.indirect.gather [hbm4b:s12+s29], $0x80, s31, s29, $0xb8;
	[tilespmem:$0x19400] =	vst v63  }
0xf1: {  	_ =	swait.ge [sflag:s2], $0x2800  }
0xf2: {  	[sflag:s2] =	ssyncset.done $0x0  }
0xf3: {  	[sflag:s2] =	ssyncadd.s32 $0xFFFFD800  }
0xf4: {  	[spmem:s1] =	stream.indirect.scatter.add.f32 [tilespmem:s30], [sflag:$0x2], $0x80, s28, s29, $0xb8;
	[tilespmem:$0x19400] =	vst v63  }
0xf5: {  	_ =	swait.ge [sflag:s4], $0x2800  }
0xf6: {  	[sflag:s4] =	ssyncset.done $0x0  }
0xf7: {  	[sflag:s4] =	ssyncadd.s32 $0xFFFFD800  }
0xf8: {  	[tilespmem:s30], [sflag:$0x1] =	stream.indirect.gather [hbm4b:s12+s29], $0x80, s5, s29, $0xb8;
	[tilespmem:$0x19400] =	vst v63  }
0xf9: {  	_ =	swait.ge [sflag:s2], $0x2800  }
0xfa: {  	[sflag:s2] =	ssyncset.done $0x0  }
0xfb: {  	[sflag:s2] =	ssyncadd.s32 $0xFFFFD800  }
0xfc: {  	[spmem:s1] =	stream.indirect.scatter.add.f32 [tilespmem:s0], [sflag:$0x2], $0x80, s6, s29, $0xb8;
	[tilespmem:$0x19400] =	vst v63  }
0xfd: {  	_ =	swait.ge [sflag:s4], $0x2800  }
0xfe: {  	[sflag:s4] =	ssyncset.done $0x0  }
0xff: {  	[sflag:s4] =	ssyncadd.s32 $0xFFFFD800  }
0x100: {  	[tilespmem:s0], [sflag:$0x1] =	stream.indirect.gather [hbm4b:s12+s29], $0x80, s7, s29, $0xb8;
	[tilespmem:$0x19400] =	vst v63  }
0x101: {  	_ =	swait.ge [sflag:s2], $0x2800  }
0x102: {  	[sflag:s2] =	ssyncset.done $0x0  }
0x103: {  	[sflag:s2] =	ssyncadd.s32 $0xFFFFD800  }
0x104: {  	[spmem:s1] =	stream.indirect.scatter.add.f32 [tilespmem:s30], [sflag:$0x2], $0x80, s8, s29, $0xb8;
	[tilespmem:$0x19400] =	vst v63  }
0x105: {  	_ =	swait.ge [sflag:s4], $0x2800  }
0x106: {  	[sflag:s4] =	ssyncset.done $0x0  }
0x107: {  	[sflag:s4] =	ssyncadd.s32 $0xFFFFD800  }
0x108: {  	[tilespmem:s30], [sflag:$0x1] =	stream.indirect.gather [hbm4b:s12+s29], $0x80, s9, s29, $0xb8;
	[tilespmem:$0x19400] =	vst v63  }
0x109: {  	_ =	swait.ge [sflag:s2], $0x2800  }
0x10a: {  	[sflag:s2] =	ssyncset.done $0x0  }
0x10b: {  	[sflag:s2] =	ssyncadd.s32 $0xFFFFD800  }
0x10c: {  	[spmem:s1] =	stream.indirect.scatter.add.f32 [tilespmem:s0], [sflag:$0x2], $0x80, s10, s29, $0xb8;
	[tilespmem:$0x19400] =	vst v63  }
0x10d: {  	_ =	swait.ge [sflag:s4], $0x2800  }
0x10e: {  	[sflag:s4] =	ssyncset.done $0x0  }
0x10f: {  	[sflag:s4] =	ssyncadd.s32 $0xFFFFD800  }
0x110: {  	[tilespmem:s0], [sflag:$0x1] =	stream.indirect.gather [hbm4b:s12+s29], $0x80, s11, s29, $0xb8;
	[tilespmem:$0x19400] =	vst v63  }
0x111: {  	_ =	swait.ge [sflag:s2], $0x2800  }
0x112: {  	[sflag:s2] =	ssyncset.done $0x0  }
0x113: {  	[sflag:s2] =	ssyncadd.s32 $0xFFFFD800  }
0x114: {  	[spmem:s1] =	stream.indirect.scatter.add.f32 [tilespmem:s30], [sflag:$0x2], $0x80, s15, s29, $0xb8;
	[tilespmem:$0x19400] =	vst v63  }
0x115: {  	_ =	swait.ge [sflag:s4], $0x2800  }
0x116: {  	[sflag:s4] =	ssyncset.done $0x0  }
0x117: {  	[sflag:s4] =	ssyncadd.s32 $0xFFFFD800  }
0x118: {  	[tilespmem:s30], [sflag:$0x1] =	stream.indirect.gather [hbm4b:s12+s29], $0x80, s17, s29, $0xb8;
	[tilespmem:$0x19400] =	vst v63  }
0x119: {  	_ =	swait.ge [sflag:s2], $0x2800  }
0x11a: {  	[sflag:s2] =	ssyncset.done $0x0  }
0x11b: {  	[sflag:s2] =	ssyncadd.s32 $0xFFFFD800  }
0x11c: {  	[spmem:s1] =	stream.indirect.scatter.add.f32 [tilespmem:s0], [sflag:$0x2], $0x80, s18, s29, $0xb8;
	[tilespmem:$0x19400] =	vst v63  }
0x11d: {  	_ =	swait.ge [sflag:s4], $0x2800  }
0x11e: {  	[sflag:s4] =	ssyncset.done $0x0  }
0x11f: {  	[sflag:s4] =	ssyncadd.s32 $0xFFFFD800  }
0x120: {  	[tilespmem:s0], [sflag:$0x1] =	stream.indirect.gather [hbm4b:s12+s29], $0x80, s19, s29, $0xb8;
	[tilespmem:$0x19400] =	vst v63  }
0x121: {  	_ =	swait.ge [sflag:s2], $0x2800  }
0x122: {  	[sflag:s2] =	ssyncset.done $0x0  }
0x123: {  	[sflag:s2] =	ssyncadd.s32 $0xFFFFD800  }
0x124: {  	[spmem:s1] =	stream.indirect.scatter.add.f32 [tilespmem:s30], [sflag:$0x2], $0x80, s20, s29, $0xb8;
	[tilespmem:$0x19400] =	vst v63  }
0x125: {  	_ =	swait.ge [sflag:s2], $0x2800  }
0x126: {  	[sflag:s2] =	ssyncset.done $0x0  }
0x127: {  	[sflag:s2] =	ssyncadd.s32 $0xFFFFD800  }
0x128: {  	[spmem:s1] =	stream.indirect.scatter.add.f32 [tilespmem:s0], [sflag:$0x2], $0x80, s21, s29, $0xb8;
	[tilespmem:$0x19400] =	vst v63  }
0x129: {  	_ =	swait.ge [sflag:s4], $0x2800  }
0x12a: {  	[sflag:s4] =	ssyncset.done $0x0  }
0x12b: {  	[sflag:s4] =	ssyncadd.s32 $0xFFFFD800  }
0x12c: {  	_ =	swait.ge [sflag:s4], $0x2800  }
0x12d: {  	[sflag:s4] =	ssyncset.done $0x0  }
0x12e: {  	[sflag:s4] =	ssyncadd.s32 $0xFFFFD800  }
0x12f: {  	[bflag:$0x0] =	sbarrier.arrive $0xFFFF  }
0x130: {  	s24 =	rddreg [dreg:$0x4]  }
0x131: {  	s16 =	rddreg [dreg:$0xe]  }
0x132: {  	s22 =	rddreg [dreg:$0x18]  }
0x133: {  	[hbm:s24], [sflag:s16] =	dma.local [spmem:s22], $0x500  }
0x134: {  	_ =	swait.ge [sflag:s26], $0x500  }
0x135: {  	[sflag:s26] =	ssyncset.done $0x0;
	s23 =	rddreg [dreg:$0x5]  }
0x136: {  	s24 =	rddreg [dreg:$0x19];
	[sflag:s26] =	ssyncadd.s32 $0xFFFFFB00  }
0x137: {  	[hbm:s23], [sflag:s16] =	dma.local [spmem:s24], $0x500  }
0x138: {  	_ =	swait.ge [sflag:s26], $0x500  }
0x139: {  	[sflag:s26] =	ssyncset.done $0x0;
	s23 =	rddreg [dreg:$0x6]  }
0x13a: {  	s24 =	rddreg [dreg:$0x1a];
	[sflag:s26] =	ssyncadd.s32 $0xFFFFFB00  }
0x13b: {  	[hbm:s23], [sflag:s16] =	dma.local [spmem:s24], $0x500  }
0x13c: {  	_ =	swait.ge [sflag:s26], $0x500  }
0x13d: {  	[sflag:s26] =	ssyncset.done $0x0;
	s23 =	rddreg [dreg:$0x7]  }
0x13e: {  	s24 =	rddreg [dreg:$0x1b];
	[sflag:s26] =	ssyncadd.s32 $0xFFFFFB00  }
0x13f: {  	[hbm:s23], [sflag:s16] =	dma.local [spmem:s24], $0x500  }
0x140: {  	_ =	swait.ge [sflag:s26], $0x500  }
0x141: {  	[sflag:s26] =	ssyncset.done $0x0;
	s23 =	rddreg [dreg:$0x8]  }
0x142: {  	s24 =	rddreg [dreg:$0x1c];
	[sflag:s26] =	ssyncadd.s32 $0xFFFFFB00  }
0x143: {  	[hbm:s23], [sflag:s16] =	dma.local [spmem:s24], $0x500  }
0x144: {  	_ =	swait.ge [sflag:s26], $0x500  }
0x145: {  	[sflag:s26] =	ssyncset.done $0x0;
	s23 =	rddreg [dreg:$0x9]  }
0x146: {  	s24 =	rddreg [dreg:$0x1d];
	[sflag:s26] =	ssyncadd.s32 $0xFFFFFB00  }
0x147: {  	[hbm:s23], [sflag:s16] =	dma.local [spmem:s24], $0x500  }
0x148: {  	_ =	swait.ge [sflag:s26], $0x500  }
0x149: {  	[sflag:s26] =	ssyncset.done $0x0;
	s23 =	rddreg [dreg:$0xa]  }
0x14a: {  	s24 =	rddreg [dreg:$0x1e];
	[sflag:s26] =	ssyncadd.s32 $0xFFFFFB00  }
0x14b: {  	[hbm:s23], [sflag:s16] =	dma.local [spmem:s24], $0x500  }
0x14c: {  	_ =	swait.ge [sflag:s26], $0x500  }
0x14d: {  	[sflag:s26] =	ssyncset.done $0x0;
	s23 =	rddreg [dreg:$0xb]  }
0x14e: {  	s24 =	rddreg [dreg:$0x1f];
	[sflag:s26] =	ssyncadd.s32 $0xFFFFFB00  }
0x14f: {  	[hbm:s23], [sflag:s16] =	dma.local [spmem:s24], $0x480  }
0x150: {  	_ =	swait.ge [sflag:s26], $0x480  }
0x151: {  	s23 =	rddreg [dreg:$0x17]  }
0x152: {  	s24 =	rddreg [dreg:$0x16];
	s22 =	sadd.s32 $0x1, s23  }
0x153: {  	p0 =	sne.s32 s22, s24  }
.Ltmp1:
0x154: {  	_ = 	snop;
	(pc) =	sbr.rel @p0 .LBB2_1-.Ltmp1, $3  }
0x155: {  	_ =	sdelay $0x1  }
0x156: {  	[sflag:s26] =	ssyncset.done $0x0  }
0x157: {  	[sflag:s26] =	ssyncadd.s32 $0xFFFFFB80  }
0x158: {  	_ =	sfence.sel $0x180000  }
0x159: {  	[bflag:$0x0] =	sbarrier.arrive $0xFFFF  }
0x15a: {  	_ =	strace $0x9000004D  }
0x15b: {  	s0 =	stileid.u32;
	[bflag:$0x2] =	sbarrier.arrive $0xFFFF  }
0x15c: {  	p0 =	sne.s32 s0, $0x0;
	s0 =	rddreg [dreg:$0x3]  }
0x15d: {  	s0 =	sadd.s32 @!p0 $0x100000, s0  }
0x15e: {  	[sflag:s0] =	ssyncadd.tile.s32 @!p0 $0x1;
	_ =	shalt  }
.Lfunc_end2:
_tile_overlayer_lowered:
.L_overlay_start_2:
0x15f: {  	(tag) =	ssettag $0x2  }
0x160: {  	s0 =	rddreg [dreg:$0x0];
	s2 =	stileid.u32  }
0x161: {  	s1 =	rddreg [dreg:$0x1];
	p0 =	sne.s32 s2, $0x0  }
0x162: {  	s3 =	rddreg [dreg:$0x2];
	[bflag:$0x3] =	sbarrier.arrive $0xFFFF;
	s2 =	simm.s32 @!p0 $0x1C03  }
0x163: {  	[timem:s3], [sflag:s2] =	dma.local @!p0 [hbm:s0], s1  }
0x164: {  	s0 =	simm.s32 @!p0 $0x3  }
0x165: {  	_ =	swait.ge @!p0 [sflag:s0], s1  }
0x166: {  	s1 =	ssub.s32 @!p0 $0x0, s1;
	[sflag:s0] =	ssyncset.done @!p0 $0x0  }
0x167: {  	[sflag:s0] =	ssyncadd.s32 @!p0 s1  }
0x168: {  	[bflag:$0x3] =	sbarrier.arrive $0xFFFF  }
0x169: {  	_ =	shalt  }

// kernel: kernel.8.cloned.1.call-start
scs
__scs_entry_jumppad:
0x0: {  	(pc) =	sbr.rel $0x88, $3  }
0x1: {  	(tag) =	ssettag $0x0;
	lr =	simm.s32 $0x1  }
0x2: {  	[smem:$0x3F95] =	sst lr;
	_ =	strace $0xD0000000  }
0x3: {  	_ = 	snop  }
0x4: {  	_ = 	snop  }
0x5: {  	_ = 	snop  }
0x6: {  	_ = 	snop  }
0x7: {  	_ = 	snop  }
__scs_overlays_trampoline_lowered:
0x8: {  	[smem:$0x3FA4] =	sst s0  }
0x9: {  	[smem:$0x3FA5] =	sst s1  }
0xa: {  	[smem:$0x3FA6] =	sst s2  }
0xb: {  	[smem:$0x3FA7] =	sst s3  }
0xc: {  	[smem:$0x3FA8] =	sst s4  }
0xd: {  	[smem:$0x3FA9] =	sst s5  }
0xe: {  	[smem:$0x3FAA] =	sst s6  }
0xf: {  	[smem:$0x3FAB] =	sst s7  }
0x10: {  	[smem:$0x3FAC] =	sst s8  }
0x11: {  	[smem:$0x3FAD] =	sst s9;
	s0 =	simm.s32 @!p0 $0x0  }
0x12: {  	s1 =	sld [smem:$0x3F93];
	s0 =	simm.s32 @p0 $0x1  }
0x13: {  	[smem:$0x3FAE] =	sst s0;
	s0 =	simm.s32 @!p1 $0x0  }
0x14: {  	s2 =	sld [smem:$0x3F92];
	s0 =	simm.s32 @p1 $0x1  }
0x15: {  	[smem:$0x3FAF] =	sst s0;
	s0 =	simm.s32 @!p2 $0x0  }
0x16: {  	s3 =	sld [smem:$0x3FDB];
	s0 =	simm.s32 @p2 $0x1  }
0x17: {  	s4 =	simm.s32 $0x1BF5;
	[smem:$0x3FB1] =	sst s0  }
0x18: {  	s0 =	sld [smem:$0x3F94];
	_ =	swait.ge [sflag:s4], $0x0  }
0x19: {  	s7 =	sld [smem:$0x3F95]  }
0x1a: {  	s8 =	sadd.s32 $0xFFFFE003, lr  }
0x1b: {  	s9 =	sadd.s32 $0xFFFFFEF7, lr;
	s5 =	simm.s32 $0xFFFFFFFF;
	p2 =	slt.u32 s8, $0xFFFFF086  }
0x1c: {  	p1 =	slt.u32 s9, $0xF7A;
	s5 =	simm.s32 @!p2 $0x0  }
0x1d: {  	s5 =	simm.s32 @p1 $0x1;
	p0 =	seq.s32 s7, s2  }
0x1e: {  	s7 =	smul.u32 @!p0 $0xF7A, s2;
	p2 =	seq.s32 @!p0 s5, $0x0  }
0x1f: {  	s9 =	smul.u32 $0xF7A, s1;
	s8 =	simm.s32 @!p0 $0x1BF5;
	p2 =	por !p2, p0  }
0x20: {  	[sflag:s8] =	ssyncset.s32 @!p0 $0xFFFFF086;
	s6 =	sadd.s32 @!p0 s3, s7;
	s7 =	simm.s32 @!p0 $0x108  }
0x21: {  	s3 =	sadd.s32 s3, s9;
	s6 =	sadd.s32 @!p0 $0x88, s6;
	s7 =	simm.s32 @p2 $0x1082  }
0x22: {  	[simem:s7], [sflag:s8] =	dma.local @!p0 [hbm:s6], $0xF7A  }
0x23: {  	s9 =	sor.u32 $0xD0000000, s2;
	s6 =	simm.s32 $0x108;
	_ =	swait.ge @!p0 [sflag:s8], $0x0  }
0x24: {  	s3 =	sadd.s32 $0x88, s3;
	s6 =	simm.s32 @!p1 $0x1082;
	[sflag:s4] =	ssyncset.s32 $0xFFFFF086  }
0x25: {  	[simem:s6], [sflag:s4] =	dma.local [hbm:s3], $0xF7A  }
0x26: {  	[smem:$0x3F95] =	sst s1;
	(tag) =	ssettag s2;
	_ =	strace s9  }
0x27: {  	s1 =	sld [smem:$0x3FA5]  }
0x28: {  	s2 =	sld [smem:$0x3FA6]  }
0x29: {  	s4 =	sld [smem:$0x3FA8]  }
0x2a: {  	p0 =	seq.s32 s5, $0x0;
	s5 =	sld [smem:$0x3FA9]  }
0x2b: {  	s6 =	sld [smem:$0x3FAA]  }
0x2c: {  	s7 =	sld [smem:$0x3FAB]  }
0x2d: {  	s3 =	simm.s32 $0x108;
	s8 =	sld [smem:$0x3FAC]  }
0x2e: {  	s3 =	simm.s32 @!p0 $0x1082;
	s9 =	sld [smem:$0x3FAD]  }
0x2f: {  	lr =	sadd.s32 s0, s3;
	s0 =	sld [smem:$0x3FA4]  }
0x30: {  	s3 =	sld [smem:$0x3FA7]  }
0x31: {  	[smem:$0x3FB0] =	sst s10  }
0x32: {  	s10 =	sld [smem:$0x3FAE];
	_ =	sdelay $0x3  }
0x33: {  	p0 =	seq.s32 s10, $0x1;
	s10 =	sld [smem:$0x3FB0];
	_ =	sdelay $0x3  }
0x34: {  	[smem:$0x3FB0] =	sst s10  }
0x35: {  	s10 =	sld [smem:$0x3FAF];
	_ =	sdelay $0x3  }
0x36: {  	p1 =	seq.s32 s10, $0x1;
	s10 =	sld [smem:$0x3FB0];
	_ =	sdelay $0x3  }
0x37: {  	[smem:$0x3FB0] =	sst s10  }
0x38: {  	s10 =	sld [smem:$0x3FB1]  }
0x39: {  	_ = 	snop;
	(pc) =	sbr.ind lr, $3  }
0x3a: {  	_ = 	snop  }
0x3b: {  	_ = 	snop  }
0x3c: {  	p2 =	seq.s32 s10, $0x1;
	s10 =	sld [smem:$0x3FB0]  }
0x3d: {  	_ =	shalt  }
0x3e: {  	_ =	shalt  }
0x3f: {  	_ =	shalt  }
0x40: {  	_ =	shalt  }
0x41: {  	_ =	shalt  }
0x42: {  	_ =	shalt  }
0x43: {  	_ =	shalt  }
0x44: {  	_ =	shalt  }
0x45: {  	_ =	shalt  }
0x46: {  	_ =	shalt  }
0x47: {  	_ =	shalt  }
0x48: {  	_ =	shalt  }
0x49: {  	_ =	shalt  }
0x4a: {  	_ =	shalt  }
0x4b: {  	_ =	shalt  }
0x4c: {  	_ =	shalt  }
0x4d: {  	_ =	shalt  }
0x4e: {  	_ =	shalt  }
0x4f: {  	_ =	shalt  }
0x50: {  	_ =	shalt  }
0x51: {  	_ =	shalt  }
0x52: {  	_ =	shalt  }
0x53: {  	_ =	shalt  }
0x54: {  	_ =	shalt  }
0x55: {  	_ =	shalt  }
0x56: {  	_ =	shalt  }
0x57: {  	_ =	shalt  }
0x58: {  	_ =	shalt  }
0x59: {  	_ =	shalt  }
0x5a: {  	_ =	shalt  }
0x5b: {  	_ =	shalt  }
0x5c: {  	_ =	shalt  }
0x5d: {  	_ =	shalt  }
0x5e: {  	_ =	shalt  }
0x5f: {  	_ =	shalt  }
0x60: {  	_ =	shalt  }
0x61: {  	_ =	shalt  }
0x62: {  	_ =	shalt  }
0x63: {  	_ =	shalt  }
0x64: {  	_ =	shalt  }
0x65: {  	_ =	shalt  }
0x66: {  	_ =	shalt  }
0x67: {  	_ =	shalt  }
0x68: {  	_ =	shalt  }
0x69: {  	_ =	shalt  }
0x6a: {  	_ =	shalt  }
0x6b: {  	_ =	shalt  }
0x6c: {  	_ =	shalt  }
0x6d: {  	_ =	shalt  }
0x6e: {  	_ =	shalt  }
0x6f: {  	_ =	shalt  }
0x70: {  	_ =	shalt  }
0x71: {  	_ =	shalt  }
0x72: {  	_ =	shalt  }
0x73: {  	_ =	shalt  }
0x74: {  	_ =	shalt  }
0x75: {  	_ =	shalt  }
0x76: {  	_ =	shalt  }
0x77: {  	_ =	shalt  }
0x78: {  	_ =	shalt  }
0x79: {  	_ =	shalt  }
0x7a: {  	_ =	shalt  }
0x7b: {  	_ =	shalt  }
0x7c: {  	_ =	shalt  }
0x7d: {  	_ =	shalt  }
0x7e: {  	_ =	shalt  }
0x7f: {  	_ =	shalt  }
0x80: {  	_ =	shalt  }
0x81: {  	_ =	shalt  }
0x82: {  	_ =	shalt  }
0x83: {  	_ =	shalt  }
0x84: {  	_ =	shalt  }
0x85: {  	_ =	shalt  }
0x86: {  	_ =	shalt  }
0x87: {  	_ =	shalt  }
.Lfunc_end0:
.L_simem_size_0:
called_computation_lowered:
.L_overlay_start_0:
0x88: {  	s2 =	sld [smem:$0x3FD9]  }
0x89: {  	s3 =	sld [smem:$0x3FFE];
	_ =	sdelay $0x1  }
0x8a: {  	s1 =	srdreg.scid  }
0x8b: {  	s0 =	sand.u32 $0x1, s1  }
0x8c: {  	s17 =	sshll.u32 s0, $0xA;
	s2 =	sadd.s32 s3, s2  }
0x8d: {  	s2 =	sadd.s32 s2, s17  }
0x8e: {  	[smem:$0x3FBC] =	sst s2  }
0x8f: {  	_ = 	snop  }
0x90: {  	(tm) =	ssettm $0x1  }
0x91: {  	s18 =	sld [smem:$0x3FFB];
	_ =	sdelay $0x3  }
0x92: {  	_ =	strace s18  }
0x93: {  	s2 =	sld [smem:$0x3FFC];
	_ =	sdelay $0x3  }
0x94: {  	_ =	strace s2  }
0x95: {  	s2 =	sld [smem:$0x3FFD];
	_ =	sdelay $0x3  }
0x96: {  	_ =	strace s2  }
0x97: {  	_ =	strace $0x8FFFFFFF  }
0x98: {  	s19 =	sld [smem:$0x3FDB];
	_ =	sdelay $0x1  }
0x99: {  	s20 =	simm.s32 $_scs_section_size  }
0x9a: {  	s4 =	simm.s32 $_size__tile_overlayer_lowered;
	s5 =	simm.s32 $_tile_overlayer_lowered  }
0x9b: {  	s6 =	simm.s32 $0x1BFF;
	s21 =	sshll.u32 s5, $0x1;
	s3 =	sadd.s32 s20, s19  }
0x9c: {  	s22 =	simm.s32 $0x0;
	s4 =	sshll.u32 s4, $0x1;
	s5 =	sadd.s32 s21, s3  }
0x9d: {  	[timem:s22], [sflag:s6] =	dma.local [hbm:s5], s4  }
0x9e: {  	_ =	swait.ge [sflag:s6], s4  }
0x9f: {  	s4 =	ssub.s32 $0x0, s4;
	[sflag:s6] =	ssyncset.done $0x0  }
0xa0: {  	[sflag:s6] =	ssyncadd.s32 s4;
	_ =	sdelay $0x1  }
0xa1: {  	s23 =	simm.s32 $0x1B8B  }
0xa2: {  	_ =	swait.ge [sflag:s23], $0x1  }
0xa3: {  	[sflag:s23] =	ssyncset.done $0x0  }
0xa4: {  	[sflag:s23] =	ssyncadd.s32 $0xFFFFFFFF  }
0xa5: {  	s4 =	sld [smem:$0x0]  }
0xa6: {  	s5 =	sand.u32 $0xFFFFFFFE, s1  }
0xa7: {  	p0 =	sne.s32 s1, s5  }
0xa8: {  	s5 =	sshll.u32 @p0 s5, $0xE  }
0xa9: {  	s5 =	sadd.s32 @p0 $0x11B8D, s5;
	s6 =	sshll.u32 @p0 s4, $0x11  }
0xaa: {  	s5 =	sor.u32 @p0 s6, s5  }
0xab: {  	[sflag:s5] =	ssyncadd.remote.s32 @p0 $0x1;
	_ =	sdelay $0x1  }
0xac: {  	s5 =	simm.s32 @p0 $0x1B8D  }
0xad: {  	_ =	swait.eq @p0 [sflag:s5], $0x1  }
0xae: {  	[sflag:s5] =	ssyncadd.s32 @p0 $0xFFFFFFFF  }
0xaf: {  	s6 =	sshll.u32 @!p0 s1, $0xE  }
0xb0: {  	s6 =	sor.u32 @!p0 $0x4000, s6;
	s5 =	simm.s32 @!p0 $0x1B8D  }
0xb1: {  	s4 =	sshll.u32 @!p0 s4, $0x11;
	s6 =	sadd.s32 @!p0 $0x11B8D, s6;
	_ =	swait.eq @!p0 [sflag:s5], $0x1  }
0xb2: {  	s4 =	sor.u32 @!p0 s4, s6;
	[sflag:s5] =	ssyncadd.s32 @!p0 $0xFFFFFFFF  }
0xb3: {  	s25 =	simm.s32 $0x1B8E;
	s24 =	sld [smem:$0x3FFE];
	[sflag:s4] =	ssyncadd.remote.s32 @!p0 $0x1  }
0xb4: {  	s26 =	simm.s32 $execute0_lowered;
	[smem:$0x3FD2] =	sst s25  }
0xb5: {  	s5 =	sshll.u32 s26, $0x1;
	_ =	strace $0x80000049;
	[dreg:$0x1] =	wrdreg $0xFFFFFFFF  }
0xb6: {  	s28 =	simm.s32 $_size_execute0_lowered;
	s3 =	sadd.s32 s3, s5;
	[dreg:$0x0] =	wrdreg $0x0  }
0xb7: {  	s5 =	sshll.u32 s28, $0x1;
	[dreg:$0x2] =	wrdreg s3  }
0xb8: {  	[dreg:$0x3] =	wrdreg s5  }
0xb9: {  	[dreg:$0x4] =	wrdreg $0xC0  }
0xba: {  	_ =	task [dreg:s22], $0x5FFFF  }
0xbb: {  	[dreg:$0x1] =	wrdreg $0xFFFFFFFF  }
0xbc: {  	[dreg:$0x0] =	wrdreg $0x60  }
0xbd: {  	[dreg:$0x2] =	wrdreg s24  }
0xbe: {  	[dreg:$0x3] =	wrdreg $0x44000  }
0xbf: {  	[dreg:$0x4] =	wrdreg $0x9  }
0xc0: {  	_ =	task.clear_ibuf [dreg:s22], $0x5FFFF;
	_ =	strace $0x90000049  }
0xc1: {  	s29 =	simm.s32 $0x9;
	_ =	strace $0x8000004B  }
0xc2: {  	_ =	swait.ge [sflag:s29], $0x1  }
0xc3: {  	[sflag:s29] =	ssyncadd.s32 $0xFFFFFFFF  }
0xc4: {  	_ =	strace $0x9000004B  }
0xc5: {  	_ =	sfence  }
0xc6: {  	s30 =	sld [smem:$0x0];
	_ =	sdelay $0x2  }
0xc7: {  	s31 =	sshll.u32 s1, $0xD;
	s1 =	sshrl.u32 s1, $0x2  }
0xc8: {  	s4 =	sand.u32 $0x4000, s31;
	s1 =	sadd.s32 s1, s30  }
0xc9: {  	s0 =	sor.u32 s4, s0;
	s1 =	sshll.u32 s1, $0x11  }
0xca: {  	s0 =	sor.u32 s1, s0  }
0xcb: {  	s0 =	sadd.s32 $0x8F2B, s0  }
0xcc: {  	[sflag:s0] =	ssyncadd.remote.s32 $0x1  }
0xcd: {  	_ =	sfence.sel $0xFFFF  }
0xce: {  	[dreg:$0x0] =	wrdreg $0xFFFFFFFF;
	(pc) =	sbr.abs _section_cstart, $3  }
0xcf: {  	[dreg:$0x1] =	wrdreg $0xFFFFFFFF  }
0xd0: {  	_ =	task.clear_ibuf [dreg:s22], $0x2FFFF;
	_ =	strace $0x9FFFFFFF  }
0xd1: {  	(tm) =	ssettm $0x7FFFFFFF  }
tec
execute0_lowered:
.L_overlay_start_1:
0x0: {  	(tag) =	ssettag $0x1  }
0x1: {  	s0 =	srdreg.scid;
	s5 =	rddreg [dreg:$0x0]  }
0x2: {  	s9 =	stileid.u32;
	s2 =	rddreg [dreg:$0x1]  }
0x3: {  	s3 =	simm.s32 $0x0;
	s28 =	simm.s32 $0x100;
	s1 =	smul.u32 $0x5000, s9  }
0x4: {  	s29 =	simm.s32 $0x180;
	s30 =	simm.s32 $0x200;
	s6 =	smul.u32 $0x4F000, s9  }
0x5: {  	s31 =	simm.s32 $0x280;
	s0 =	sand.u32 $0x1, s0;
	s9 =	smul.u32 $0x13C00, s9  }
0x6: {  	[smem:$0x7FF] =	sst s3;
	s7 =	sadd.s32 $0x93E00, s5;
	s4 =	smul.u32 $0x2800, s0  }
0x7: {  	_ =	strace $0x8000004A;
	[dreg:$0x3] =	wrdreg s7;
	s24 =	ssub.s32 $0x2, s0  }
0x8: {  	s0 =	smul.u32 $0x13C000, s0;
	s8 =	sshrl.u32 s24, $0x1;
	s6 =	sshrl.u32 s6, $0x2  }
0x9: {  	s25 =	sadd.s32 $0x2800, s9;
	s26 =	sadd.s32 $0x5000, s9;
	s10 =	sadd.s32 $0x7800, s9  }
0xa: {  	s16 =	sadd.s32 $0xA000, s9;
	s12 =	sadd.s32 $0xC800, s9;
	s18 =	sadd.s32 $0xF000, s9  }
0xb: {  	s1 =	sadd.s32 s4, s1;
	s4 =	sadd.s32 $0x44800, s5;
	s7 =	ssub.s32 s24, s8  }
0xc: {  	s6 =	sadd.s32 s6, s2;
	s11 =	sadd.s32 s25, s2;
	s14 =	sadd.s32 s26, s2  }
0xd: {  	s15 =	sadd.s32 s10, s2;
	s13 =	sadd.s32 s16, s2;
	[dreg:$0x4] =	wrdreg s6  }
0xe: {  	s17 =	sadd.s32 s12, s2;
	s19 =	sadd.s32 s9, s0;
	[dreg:$0x5] =	wrdreg s11  }
0xf: {  	s9 =	sadd.s32 $0x11800, s9;
	s20 =	sadd.s32 s0, s26;
	[dreg:$0x6] =	wrdreg s14  }
0x10: {  	s21 =	sadd.s32 s0, s10;
	s22 =	sadd.s32 s0, s16;
	[dreg:$0x7] =	wrdreg s15  }
0x11: {  	s26 =	sadd.s32 s0, s18;
	s1 =	sshrl.u32 s1, $0x3;
	[dreg:$0x8] =	wrdreg s13  }
0x12: {  	[dreg:$0x9] =	wrdreg s17;
	s14 =	sadd.s32 s18, s2;
	s6 =	sadd.s32 s0, s25  }
0x13: {  	s15 =	sadd.s32 s9, s2;
	s8 =	sshrl.u32 s21, $0x3;
	s10 =	sshrl.u32 s22, $0x3  }
0x14: {  	s25 =	sadd.s32 s0, s12;
	s0 =	sadd.s32 s0, s9;
	s22 =	smax.u32 s7, $0x1  }
0x15: {  	s1 =	sadd.s32 s1, s5;
	s5 =	sadd.s32 $0x94600, s5;
	[dreg:$0xa] =	wrdreg s14  }
0x16: {  	s14 =	sshrl.u32 s19, $0x3;
	s6 =	sshrl.u32 s6, $0x3;
	[dreg:$0xb] =	wrdreg s15  }
0x17: {  	s0 =	sshrl.u32 s0, $0x3;
	s14 =	sadd.s32 s5, s14;
	s6 =	sadd.s32 s5, s6  }
0x18: {  	s23 =	sadd.s32 s5, s8;
	s24 =	sadd.s32 s5, s10;
	[dreg:$0xc] =	wrdreg s14  }
0x19: {  	s8 =	sshrl.u32 s26, $0x3;
	s21 =	sadd.s32 s5, s0;
	[dreg:$0xd] =	wrdreg s6  }
0x1a: {  	s26 =	simm.s32 $0x80;
	s0 =	simm.s32 $0x380;
	[dreg:$0xf] =	wrdreg s23  }
0x1b: {  	s6 =	sshrl.u32 s20, $0x3;
	[dreg:$0x10] =	wrdreg s24;
	s20 =	sadd.s32 s5, s8  }
0x1c: {  	s23 =	sadd.s32 $0x3000, s1;
	s24 =	simm.s32 $0x400;
	s6 =	sadd.s32 s5, s6  }
0x1d: {  	s1 =	simm.s32 $0x300;
	[dreg:$0xe] =	wrdreg s6;
	s6 =	sshrl.u32 s25, $0x3  }
0x1e: {  	s25 =	simm.s32 $0x1;
	s19 =	sadd.s32 s5, s6;
	s5 =	simm.s32 $0x0  }
.LBB2_1:
0x1f: {  	s6 =	rddreg [dreg:$0x3]  }
0x20: {  	[tilespmem:s24], [sflag:$0x1] =	stream.linear.gather [hbm4b:s6+s3], $0x4000, $0x38;
	[tilespmem:$0x18000] =	vst v63  }
0x21: {  	s18 =	stileid.u32;
	_ =	swait.ge [sflag:s25], $0x4000  }
0x22: {  	s6 =	sshll.u32 s18, $0x6;
	[sflag:s25] =	ssyncset.done $0x0;
	s7 =	rddreg [dreg:$0x4]  }
0x23: {  	s6 =	sor.u32 $0x1C01, s6;
	[sflag:s25] =	ssyncadd.s32 $0xFFFFC000;
	s7 =	sshrl.u32 s7, $0x3  }
0x24: {  	[spmem:s7], [sflag:s6] =	dma.local [hbm:s4], $0x500  }
0x25: {  	_ =	swait.ge [sflag:s25], $0x500  }
0x26: {  	[sflag:s25] =	ssyncset.done $0x0;
	s8 =	rddreg [dreg:$0x5]  }
0x27: {  	[sflag:s25] =	ssyncadd.s32 $0xFFFFFB00;
	s8 =	sshrl.u32 s8, $0x3  }
0x28: {  	[spmem:s8], [sflag:s6] =	dma.local [hbm:s4], $0x500  }
0x29: {  	_ =	swait.ge [sflag:s25], $0x500  }
0x2a: {  	[sflag:s25] =	ssyncset.done $0x0;
	s9 =	rddreg [dreg:$0x6]  }
0x2b: {  	[sflag:s25] =	ssyncadd.s32 $0xFFFFFB00;
	s9 =	sshrl.u32 s9, $0x3  }
0x2c: {  	[spmem:s9], [sflag:s6] =	dma.local [hbm:s4], $0x500  }
0x2d: {  	_ =	swait.ge [sflag:s25], $0x500  }
0x2e: {  	[sflag:s25] =	ssyncset.done $0x0;
	s10 =	rddreg [dreg:$0x7]  }
0x2f: {  	[sflag:s25] =	ssyncadd.s32 $0xFFFFFB00;
	s10 =	sshrl.u32 s10, $0x3  }
0x30: {  	[spmem:s10], [sflag:s6] =	dma.local [hbm:s4], $0x500  }
0x31: {  	_ =	swait.ge [sflag:s25], $0x500  }
0x32: {  	[sflag:s25] =	ssyncset.done $0x0;
	s11 =	rddreg [dreg:$0x8]  }
0x33: {  	[sflag:s25] =	ssyncadd.s32 $0xFFFFFB00;
	s11 =	sshrl.u32 s11, $0x3  }
0x34: {  	[spmem:s11], [sflag:s6] =	dma.local [hbm:s4], $0x500  }
0x35: {  	_ =	swait.ge [sflag:s25], $0x500  }
0x36: {  	[sflag:s25] =	ssyncset.done $0x0;
	s12 =	rddreg [dreg:$0x9]  }
0x37: {  	[sflag:s25] =	ssyncadd.s32 $0xFFFFFB00;
	s12 =	sshrl.u32 s12, $0x3  }
0x38: {  	[spmem:s12], [sflag:s6] =	dma.local [hbm:s4], $0x500  }
0x39: {  	_ =	swait.ge [sflag:s25], $0x500  }
0x3a: {  	[sflag:s25] =	ssyncset.done $0x0;
	s13 =	rddreg [dreg:$0xa]  }
0x3b: {  	[sflag:s25] =	ssyncadd.s32 $0xFFFFFB00;
	s13 =	sshrl.u32 s13, $0x3  }
0x3c: {  	[spmem:s13], [sflag:s6] =	dma.local [hbm:s4], $0x500  }
0x3d: {  	_ =	swait.ge [sflag:s25], $0x500  }
0x3e: {  	[sflag:s25] =	ssyncset.done $0x0;
	s14 =	rddreg [dreg:$0xb]  }
0x3f: {  	[sflag:s25] =	ssyncadd.s32 $0xFFFFFB00;
	s14 =	sshrl.u32 s14, $0x3  }
0x40: {  	[spmem:s14], [sflag:s6] =	dma.local [hbm:s4], $0x480  }
0x41: {  	_ =	swait.ge [sflag:s25], $0x480  }
0x42: {  	[sflag:s25] =	ssyncset.done $0x0  }
0x43: {  	[sflag:s25] =	ssyncadd.s32 $0xFFFFFB80  }
0x44: {  	s15 =	sadd.s32 $0x0, s23;
	[bflag:$0x0] =	sbarrier.arrive $0xFFFF  }
0x45: {  	[tilespmem:s3], [sflag:$0x1] =	stream.linear.gather [hbm4b:s15+s3], $0x400, $0x38;
	[tilespmem:$0x18000] =	vst v63  }
0x46: {  	_ =	swait.ge [sflag:s25], $0x400  }
0x47: {  	[sflag:s25] =	ssyncset.done $0x0  }
0x48: {  	[sflag:s25] =	ssyncadd.s32 $0xFFFFFC00  }
0x49: {  	[spmem:s2] =	stream.indirect.scatter.add.f32 [tilespmem:s24], [sflag:$0x1], $0x80, s3, s26, $0xb8;
	[tilespmem:$0x18000] =	vst v63  }
0x4a: {  	_ =	swait.ge [sflag:s25], $0x4000  }
0x4b: {  	[sflag:s25] =	ssyncset.done $0x0  }
0x4c: {  	[sflag:s25] =	ssyncadd.s32 $0xFFFFC000  }
0x4d: {  	[spmem:s2] =	stream.indirect.scatter.add.f32 [tilespmem:s24], [sflag:$0x1], $0x80, s26, s26, $0xb8;
	[tilespmem:$0x18000] =	vst v63  }
0x4e: {  	_ =	swait.ge [sflag:s25], $0x4000  }
0x4f: {  	[sflag:s25] =	ssyncset.done $0x0  }
0x50: {  	[sflag:s25] =	ssyncadd.s32 $0xFFFFC000  }
0x51: {  	[spmem:s2] =	stream.indirect.scatter.add.f32 [tilespmem:s24], [sflag:$0x1], $0x80, s28, s26, $0xb8;
	[tilespmem:$0x18000] =	vst v63  }
0x52: {  	_ =	swait.ge [sflag:s25], $0x4000  }
0x53: {  	[sflag:s25] =	ssyncset.done $0x0  }
0x54: {  	[sflag:s25] =	ssyncadd.s32 $0xFFFFC000  }
0x55: {  	[spmem:s2] =	stream.indirect.scatter.add.f32 [tilespmem:s24], [sflag:$0x1], $0x80, s29, s26, $0xb8;
	[tilespmem:$0x18000] =	vst v63  }
0x56: {  	_ =	swait.ge [sflag:s25], $0x4000  }
0x57: {  	[sflag:s25] =	ssyncset.done $0x0  }
0x58: {  	[sflag:s25] =	ssyncadd.s32 $0xFFFFC000  }
0x59: {  	[spmem:s2] =	stream.indirect.scatter.add.f32 [tilespmem:s24], [sflag:$0x1], $0x80, s30, s26, $0xb8;
	[tilespmem:$0x18000] =	vst v63  }
0x5a: {  	_ =	swait.ge [sflag:s25], $0x4000  }
0x5b: {  	[sflag:s25] =	ssyncset.done $0x0  }
0x5c: {  	[sflag:s25] =	ssyncadd.s32 $0xFFFFC000  }
0x5d: {  	[spmem:s2] =	stream.indirect.scatter.add.f32 [tilespmem:s24], [sflag:$0x1], $0x80, s31, s26, $0xb8;
	[tilespmem:$0x18000] =	vst v63  }
0x5e: {  	_ =	swait.ge [sflag:s25], $0x4000  }
0x5f: {  	[sflag:s25] =	ssyncset.done $0x0  }
0x60: {  	[sflag:s25] =	ssyncadd.s32 $0xFFFFC000  }
0x61: {  	[spmem:s2] =	stream.indirect.scatter.add.f32 [tilespmem:s24], [sflag:$0x1], $0x80, s1, s26, $0xb8;
	[tilespmem:$0x18000] =	vst v63  }
0x62: {  	_ =	swait.ge [sflag:s25], $0x4000  }
0x63: {  	[sflag:s25] =	ssyncset.done $0x0  }
0x64: {  	[sflag:s25] =	ssyncadd.s32 $0xFFFFC000  }
0x65: {  	[spmem:s2] =	stream.indirect.scatter.add.f32 [tilespmem:s24], [sflag:$0x1], $0x80, s0, s26, $0xb8;
	[tilespmem:$0x18000] =	vst v63  }
0x66: {  	_ =	swait.ge [sflag:s25], $0x4000  }
0x67: {  	s16 =	simm.s32 $0x100;
	s15 =	simm.s32 $0x80;
	[sflag:s25] =	ssyncset.done $0x0  }
.LBB2_2:
0x68: {  	s18 =	sadd.s32 s15, s23  }
0x69: {  	[sflag:s25] =	ssyncadd.s32 $0xFFFFC000;
	s15 =	smov.u32 s16;
	s17 =	sadd.s32 $0x80, s16  }
0x6a: {  	[tilespmem:s3], [sflag:$0x1] =	stream.linear.gather [hbm4b:s18+s3], $0x400, $0x38;
	[tilespmem:$0x18000] =	vst v63  }
0x6b: {  	p0 =	sne.s32 s16, $0x480;
	_ =	swait.ge [sflag:s25], $0x400  }
0x6c: {  	[sflag:s25] =	ssyncset.done $0x0  }
0x6d: {  	[sflag:s25] =	ssyncadd.s32 $0xFFFFFC00  }
0x6e: {  	[spmem:s2] =	stream.indirect.scatter.add.f32 [tilespmem:s24], [sflag:$0x1], $0x80, s3, s26, $0xb8;
	[tilespmem:$0x18000] =	vst v63  }
0x6f: {  	_ =	swait.ge [sflag:s25], $0x4000  }
0x70: {  	[sflag:s25] =	ssyncset.done $0x0  }
0x71: {  	[sflag:s25] =	ssyncadd.s32 $0xFFFFC000  }
0x72: {  	[spmem:s2] =	stream.indirect.scatter.add.f32 [tilespmem:s24], [sflag:$0x1], $0x80, s26, s26, $0xb8;
	[tilespmem:$0x18000] =	vst v63  }
0x73: {  	_ =	swait.ge [sflag:s25], $0x4000  }
0x74: {  	[sflag:s25] =	ssyncset.done $0x0  }
0x75: {  	[sflag:s25] =	ssyncadd.s32 $0xFFFFC000  }
0x76: {  	[spmem:s2] =	stream.indirect.scatter.add.f32 [tilespmem:s24], [sflag:$0x1], $0x80, s28, s26, $0xb8;
	[tilespmem:$0x18000] =	vst v63  }
0x77: {  	_ =	swait.ge [sflag:s25], $0x4000  }
0x78: {  	[sflag:s25] =	ssyncset.done $0x0  }
0x79: {  	[sflag:s25] =	ssyncadd.s32 $0xFFFFC000  }
0x7a: {  	[spmem:s2] =	stream.indirect.scatter.add.f32 [tilespmem:s24], [sflag:$0x1], $0x80, s29, s26, $0xb8;
	[tilespmem:$0x18000] =	vst v63  }
0x7b: {  	_ =	swait.ge [sflag:s25], $0x4000  }
0x7c: {  	[sflag:s25] =	ssyncset.done $0x0  }
0x7d: {  	[sflag:s25] =	ssyncadd.s32 $0xFFFFC000  }
0x7e: {  	[spmem:s2] =	stream.indirect.scatter.add.f32 [tilespmem:s24], [sflag:$0x1], $0x80, s30, s26, $0xb8;
	[tilespmem:$0x18000] =	vst v63  }
0x7f: {  	_ =	swait.ge [sflag:s25], $0x4000  }
0x80: {  	[sflag:s25] =	ssyncset.done $0x0  }
0x81: {  	[sflag:s25] =	ssyncadd.s32 $0xFFFFC000  }
0x82: {  	[spmem:s2] =	stream.indirect.scatter.add.f32 [tilespmem:s24], [sflag:$0x1], $0x80, s31, s26, $0xb8;
	[tilespmem:$0x18000] =	vst v63  }
0x83: {  	_ =	swait.ge [sflag:s25], $0x4000  }
0x84: {  	[sflag:s25] =	ssyncset.done $0x0  }
0x85: {  	[sflag:s25] =	ssyncadd.s32 $0xFFFFC000  }
0x86: {  	[spmem:s2] =	stream.indirect.scatter.add.f32 [tilespmem:s24], [sflag:$0x1], $0x80, s1, s26, $0xb8;
	[tilespmem:$0x18000] =	vst v63  }
0x87: {  	_ =	swait.ge [sflag:s25], $0x4000  }
.Ltmp0:
0x88: {  	[sflag:s25] =	ssyncset.done $0x0;
	(pc) =	sbr.rel @p0 .LBB2_2-.Ltmp0, $4  }
0x89: {  	[sflag:s25] =	ssyncadd.s32 $0xFFFFC000  }
0x8a: {  	[spmem:s2] =	stream.indirect.scatter.add.f32 [tilespmem:s24], [sflag:$0x1], $0x80, s0, s26, $0xb8;
	[tilespmem:$0x18000] =	vst v63  }
0x8b: {  	_ =	swait.ge [sflag:s25], $0x4000  }
0x8c: {  	s16 =	smov.u32 s17;
	[sflag:s25] =	ssyncset.done $0x0  }
0x8d: {  	s15 =	sadd.s32 s15, s23;
	[sflag:s25] =	ssyncadd.s32 $0xFFFFC000  }
0x8e: {  	[tilespmem:s3], [sflag:$0x1] =	stream.linear.gather [hbm4b:s15+s3], $0x400, $0x38;
	[tilespmem:$0x18000] =	vst v63  }
0x8f: {  	_ =	swait.ge [sflag:s25], $0x400  }
0x90: {  	[sflag:s25] =	ssyncset.done $0x0  }
0x91: {  	[sflag:s25] =	ssyncadd.s32 $0xFFFFFC00  }
0x92: {  	[spmem:s2] =	stream.indirect.scatter.add.f32 [tilespmem:s24], [sflag:$0x1], $0x80, s3, s26, $0xb8;
	[tilespmem:$0x18000] =	vst v63  }
0x93: {  	_ =	swait.ge [sflag:s25], $0x4000  }
0x94: {  	[sflag:s25] =	ssyncset.done $0x0  }
0x95: {  	[sflag:s25] =	ssyncadd.s32 $0xFFFFC000  }
0x96: {  	[spmem:s2] =	stream.indirect.scatter.add.f32 [tilespmem:s24], [sflag:$0x1], $0x80, s26, s26, $0xb8;
	[tilespmem:$0x18000] =	vst v63  }
0x97: {  	_ =	swait.ge [sflag:s25], $0x4000  }
0x98: {  	[sflag:s25] =	ssyncset.done $0x0  }
0x99: {  	[sflag:s25] =	ssyncadd.s32 $0xFFFFC000  }
0x9a: {  	[spmem:s2] =	stream.indirect.scatter.add.f32 [tilespmem:s24], [sflag:$0x1], $0x80, s28, s26, $0xb8;
	[tilespmem:$0x18000] =	vst v63  }
0x9b: {  	_ =	swait.ge [sflag:s25], $0x4000  }
0x9c: {  	[sflag:s25] =	ssyncset.done $0x0  }
0x9d: {  	[sflag:s25] =	ssyncadd.s32 $0xFFFFC000  }
0x9e: {  	[spmem:s2] =	stream.indirect.scatter.add.f32 [tilespmem:s24], [sflag:$0x1], $0x80, s29, s26, $0xb8;
	[tilespmem:$0x18000] =	vst v63  }
0x9f: {  	_ =	swait.ge [sflag:s25], $0x4000  }
0xa0: {  	[sflag:s25] =	ssyncset.done $0x0  }
0xa1: {  	[sflag:s25] =	ssyncadd.s32 $0xFFFFC000  }
0xa2: {  	[spmem:s2] =	stream.indirect.scatter.add.f32 [tilespmem:s24], [sflag:$0x1], $0x80, s30, s26, $0xb8;
	[tilespmem:$0x18000] =	vst v63  }
0xa3: {  	_ =	swait.ge [sflag:s25], $0x4000  }
0xa4: {  	[sflag:s25] =	ssyncset.done $0x0  }
0xa5: {  	[sflag:s25] =	ssyncadd.s32 $0xFFFFC000  }
0xa6: {  	[spmem:s2] =	stream.indirect.scatter.add.f32 [tilespmem:s24], [sflag:$0x1], $0x80, s31, s26, $0xb8;
	[tilespmem:$0x18000] =	vst v63  }
0xa7: {  	_ =	swait.ge [sflag:s25], $0x4000  }
0xa8: {  	[sflag:s25] =	ssyncset.done $0x0  }
0xa9: {  	[sflag:s25] =	ssyncadd.s32 $0xFFFFC000  }
0xaa: {  	[spmem:s2] =	stream.indirect.scatter.add.f32 [tilespmem:s24], [sflag:$0x1], $0x80, s1, s26, $0xb8;
	[tilespmem:$0x18000] =	vst v63  }
0xab: {  	_ =	swait.ge [sflag:s25], $0x4000  }
0xac: {  	[sflag:s25] =	ssyncset.done $0x0  }
0xad: {  	[sflag:s25] =	ssyncadd.s32 $0xFFFFC000  }
0xae: {  	[spmem:s2] =	stream.indirect.scatter.add.f32 [tilespmem:s24], [sflag:$0x1], $0x80, s0, s26, $0xb8;
	[tilespmem:$0x18000] =	vst v63  }
0xaf: {  	_ =	swait.ge [sflag:s25], $0x4000  }
0xb0: {  	[sflag:s25] =	ssyncset.done $0x0  }
0xb1: {  	[sflag:s25] =	ssyncadd.s32 $0xFFFFC000  }
0xb2: {  	[bflag:$0x0] =	sbarrier.arrive $0xFFFF  }
0xb3: {  	s18 =	rddreg [dreg:$0xc]  }
0xb4: {  	[hbm:s18], [sflag:s6] =	dma.local [spmem:s7], $0x500  }
0xb5: {  	_ =	swait.ge [sflag:s25], $0x500  }
0xb6: {  	[sflag:s25] =	ssyncset.done $0x0  }
0xb7: {  	s15 =	rddreg [dreg:$0xd];
	[sflag:s25] =	ssyncadd.s32 $0xFFFFFB00  }
0xb8: {  	[hbm:s15], [sflag:s6] =	dma.local [spmem:s8], $0x500  }
0xb9: {  	_ =	swait.ge [sflag:s25], $0x500  }
0xba: {  	[sflag:s25] =	ssyncset.done $0x0  }
0xbb: {  	s16 =	rddreg [dreg:$0xe];
	[sflag:s25] =	ssyncadd.s32 $0xFFFFFB00  }
0xbc: {  	[hbm:s16], [sflag:s6] =	dma.local [spmem:s9], $0x500  }
0xbd: {  	_ =	swait.ge [sflag:s25], $0x500  }
0xbe: {  	[sflag:s25] =	ssyncset.done $0x0  }
0xbf: {  	s17 =	rddreg [dreg:$0xf];
	[sflag:s25] =	ssyncadd.s32 $0xFFFFFB00  }
0xc0: {  	[hbm:s17], [sflag:s6] =	dma.local [spmem:s10], $0x500  }
0xc1: {  	_ =	swait.ge [sflag:s25], $0x500  }
0xc2: {  	[sflag:s25] =	ssyncset.done $0x0  }
0xc3: {  	s18 =	rddreg [dreg:$0x10];
	[sflag:s25] =	ssyncadd.s32 $0xFFFFFB00  }
0xc4: {  	[hbm:s18], [sflag:s6] =	dma.local [spmem:s11], $0x500  }
0xc5: {  	_ =	swait.ge [sflag:s25], $0x500  }
0xc6: {  	[sflag:s25] =	ssyncset.done $0x0  }
0xc7: {  	[sflag:s25] =	ssyncadd.s32 $0xFFFFFB00  }
0xc8: {  	[hbm:s19], [sflag:s6] =	dma.local [spmem:s12], $0x500  }
0xc9: {  	_ =	swait.ge [sflag:s25], $0x500  }
0xca: {  	[sflag:s25] =	ssyncset.done $0x0  }
0xcb: {  	[sflag:s25] =	ssyncadd.s32 $0xFFFFFB00  }
0xcc: {  	[hbm:s20], [sflag:s6] =	dma.local [spmem:s13], $0x500  }
0xcd: {  	s5 =	sadd.s32 $0x1, s5;
	_ =	swait.ge [sflag:s25], $0x500  }
0xce: {  	p0 =	sne.s32 s5, s22;
	[sflag:s25] =	ssyncset.done $0x0  }
.Ltmp1:
0xcf: {  	[sflag:s25] =	ssyncadd.s32 $0xFFFFFB00;
	(pc) =	sbr.rel @p0 .LBB2_1-.Ltmp1, $4  }
0xd0: {  	[hbm:s21], [sflag:s6] =	dma.local [spmem:s14], $0x480  }
0xd1: {  	_ =	swait.ge [sflag:s25], $0x480  }
0xd2: {  	[sflag:s25] =	ssyncset.done $0x0  }
0xd3: {  	[sflag:s25] =	ssyncadd.s32 $0xFFFFFB80  }
0xd4: {  	_ =	sfence.sel $0x180000  }
0xd5: {  	[bflag:$0x0] =	sbarrier.arrive $0xFFFF  }
0xd6: {  	_ =	strace $0x9000004A  }
0xd7: {  	s0 =	stileid.u32;
	[bflag:$0x2] =	sbarrier.arrive $0xFFFF  }
0xd8: {  	p0 =	sne.s32 s0, $0x0;
	s0 =	rddreg [dreg:$0x2]  }
0xd9: {  	s0 =	sadd.s32 @!p0 $0x100000, s0  }
0xda: {  	[sflag:s0] =	ssyncadd.tile.s32 @!p0 $0x1;
	_ =	shalt  }
.Lfunc_end2:
_tile_overlayer_lowered:
.L_overlay_start_2:
0xdb: {  	(tag) =	ssettag $0x2  }
0xdc: {  	s0 =	rddreg [dreg:$0x0];
	s2 =	stileid.u32  }
0xdd: {  	s1 =	rddreg [dreg:$0x1];
	p0 =	sne.s32 s2, $0x0  }
0xde: {  	s3 =	rddreg [dreg:$0x2];
	[bflag:$0x3] =	sbarrier.arrive $0xFFFF;
	s2 =	simm.s32 @!p0 $0x1C01  }
0xdf: {  	[timem:s3], [sflag:s2] =	dma.local @!p0 [hbm:s0], s1  }
0xe0: {  	s0 =	simm.s32 @!p0 $0x1  }
0xe1: {  	_ =	swait.ge @!p0 [sflag:s0], s1  }
0xe2: {  	s1 =	ssub.s32 @!p0 $0x0, s1;
	[sflag:s0] =	ssyncset.done @!p0 $0x0  }
0xe3: {  	[sflag:s0] =	ssyncadd.s32 @!p0 s1  }
0xe4: {  	[bflag:$0x3] =	sbarrier.arrive $0xFFFF  }
0xe5: {  	_ =	shalt  }

</sc_bundles>
